<compile_context>
chip_gen: v7x
topology: tpu7x:2x2x1
jax: 0.10.2.dev20260603
libtpu: 0.0.44.dev20260713+nightly
codegen_flags: <defaults>
</compile_context>

<pallas_src>
import functools

import jax
import jax.numpy as jnp
from jax import lax
from jax.experimental import pallas as pl
from jax.experimental.pallas import tpu as pltpu
from jax.experimental.pallas import tpu_sc as plsc

_M = 16384
_NIDS = 512
_D = 64
_HW = 128
_HF = 96
_BM = 8192
_NSUB = 16
_RPT = _M // _NSUB
_CH = 128
_NCH = _RPT // _CH
_ZR = _NIDS // _NSUB


def _expand_body(htT_r, infoT_r, futT_r, w1a_r, w2_r, b2_r, y0_r, y1_r):
    htT = htT_r[...]
    infoT = infoT_r[...]
    futT = futT_r[...]
    ones = jnp.full((1, _BM), 1.0, jnp.float32)
    xTa = jnp.concatenate([htT, infoT, ones], axis=0)
    h = lax.dot_general(w1a_r[...], xTa, (((1,), (0,)), ((), ())),
                        preferred_element_type=jnp.float32)
    h = jnp.maximum(h, 0.0)
    s64 = lax.dot_general(w2_r[...], h, (((1,), (0,)), ((), ())),
                          preferred_element_type=jnp.float32)
    e64 = jnp.exp(s64 + b2_r[0])
    sub = lax.broadcasted_iota(jnp.int32, (16, _BM), 0)
    etail = jnp.where(sub == 0, e64[0:16, :], 0.0)
    zpad = jnp.zeros((16, _BM), jnp.float32)
    y0T = jnp.concatenate([htT * e64, infoT[0:32, :] * e64[0:32, :],
                           etail, zpad], axis=0)
    y1T = jnp.concatenate([infoT[32:64, :] * e64[0:32, :], futT * e64,
                           etail, zpad], axis=0)
    y0_r[...] = y0T.T
    y1_r[...] = y1T.T


def _tc_expand(htT, infoT, futT, w1a, w2, b2):
    grid = _M // _BM
    return pl.pallas_call(
        _expand_body,
        grid=(grid,),
        in_specs=[
            pl.BlockSpec((_D, _BM), lambda i: (0, i)),
            pl.BlockSpec((_D, _BM), lambda i: (0, i)),
            pl.BlockSpec((_D, _BM), lambda i: (0, i)),
            pl.BlockSpec((16, 129), lambda i: (0, 0)),
            pl.BlockSpec((64, 16), lambda i: (0, 0)),
            pl.BlockSpec(memory_space=pltpu.SMEM),
        ],
        out_specs=[
            pl.BlockSpec((_BM, _HW), lambda i: (i, 0)),
            pl.BlockSpec((_BM, _HW), lambda i: (i, 0)),
        ],
        out_shape=[
            jax.ShapeDtypeStruct((_M, _HW), jnp.float32),
            jax.ShapeDtypeStruct((_M, _HW), jnp.float32),
        ],
    )(htT, infoT, futT, w1a, w2, b2)


def _iota16():
    return lax.broadcasted_iota(jnp.int32, (16,), 0)


def _sc_body(y0_hbm, y1_hbm, ids_hbm, out_hbm,
             idx0, idx1, idx2, idx3, idx4, idx5, idx6, idx7,
             buf_a, buf_b, buf_c, buf_d, gbuf, obuf, sbuf, srcbuf, cvbuf,
             cbuf, tgt_v, srcidx_v, acc_sh, srcsh, cnts_sh, isem, ysem, ssem):
    c = lax.axis_index("c")
    s = lax.axis_index("s")
    idx_refs = (idx0, idx1, idx2, idx3, idx4, idx5, idx6, idx7)
    bufs = (buf_a, buf_b, buf_c, buf_d)

    icopies = [
        pltpu.make_async_copy(ids_hbm.at[pl.ds(s * _RPT + cc * _CH, _CH)],
                              idx_refs[cc], isem)
        for cc in range(_NCH)
    ]
    for cp in icopies:
        cp.start()

    zero = jnp.zeros((16,), jnp.float32)

    def zrow(i, carry):
        for j in range(_HW // 16):
            buf_a[i, pl.ds(j * 16, 16)] = zero
        return carry

    lax.fori_loop(0, _ZR, zrow, 0)
    pltpu.sync_copy(buf_a.at[pl.ds(0, _ZR)], acc_sh.at[pl.ds(s * _ZR, _ZR)])
    for cp in icopies:
        cp.wait()
    plsc.subcore_barrier()

    def scatter_half(y_hbm):
        nbuf = len(bufs)

        def in_copy(cc):
            return pltpu.make_async_copy(
                y_hbm.at[pl.ds(s * _RPT + cc * _CH, _CH)], bufs[cc % nbuf], ysem)

        def sc_copy(cc):
            return pltpu.async_copy(bufs[cc % nbuf], acc_sh.at[idx_refs[cc]],
                                    ssem, add=True)

        in_copy(0).start()
        in_copy(1).start()
        scs = {}
        for cc in range(_NCH):
            in_copy(cc).wait()
            if cc >= 2:
                scs.pop(cc - 2).wait()
            if cc + 2 < _NCH:
                in_copy(cc + 2).start()
            scs[cc] = sc_copy(cc)
        for cc in sorted(scs):
            scs.pop(cc).wait()

    @pl.when(c == 0)
    def _():
        scatter_half(y0_hbm)

    @pl.when(c == 1)
    def _():
        scatter_half(y1_hbm)

    plsc.subcore_barrier()

    pltpu.sync_copy(acc_sh.at[pl.ds(s * _ZR, _ZR)], gbuf)
    it16 = _iota16()
    den0 = plsc.load_gather(gbuf, [it16, jnp.full((16,), _HF, jnp.int32)])
    den1 = plsc.load_gather(gbuf, [it16 + 16, jnp.full((16,), _HF, jnp.int32)])
    p0 = (den0 > 0.0).astype(jnp.int32)
    p1 = (den1 > 0.0).astype(jnp.int32)
    cnt = jnp.sum(p0, axis=0) + jnp.sum(p1, axis=0)
    fp0 = jnp.min(jnp.where(p0 > 0, s * _ZR + it16, _M), axis=0)
    fp1 = jnp.min(jnp.where(p1 > 0, s * _ZR + 16 + it16, _M), axis=0)
    fp = jnp.minimum(fp0, fp1)
    cbuf[...] = jnp.where(it16 == 0, cnt, jnp.where(it16 == 1, fp, 0)).astype(jnp.int32)
    plsc.subcore_barrier()
    pltpu.sync_copy(cbuf, cnts_sh.at[pl.ds(s * 16, 16)])
    plsc.subcore_barrier()

    pltpu.sync_copy(cnts_sh, cvbuf)
    counts = plsc.load_gather(cvbuf, [it16 * 16])
    fps = plsc.load_gather(cvbuf, [it16 * 16 + 1])
    off = jnp.sum(jnp.where(it16 < s, counts, 0), axis=0)
    nuniq = jnp.sum(counts, axis=0)
    minsrc = jnp.min(fps, axis=0)
    cum0 = plsc.cumsum(p0)
    sum0 = jnp.sum(p0, axis=0)
    rank0 = off + cum0 - p0
    rank1 = off + sum0 + plsc.cumsum(p1) - p1
    q0 = 1 - p0
    q1 = 1 - p1
    aoff = s * _ZR - off
    arank0 = aoff + plsc.cumsum(q0) - q0
    arank1 = aoff + (16 - sum0) + plsc.cumsum(q1) - q1
    tgt0 = jnp.where(p0 > 0, rank0, nuniq + arank0)
    tgt1 = jnp.where(p1 > 0, rank1, nuniq + arank1)
    tgt_v[pl.ds(0, 16)] = tgt0
    tgt_v[pl.ds(16, 16)] = tgt1
    z16 = jnp.zeros((16,), jnp.int32)
    plsc.store_scatter(srcbuf, [it16, z16], s * _ZR + it16)
    plsc.store_scatter(srcbuf, [it16 + 16, z16], s * _ZR + 16 + it16)
    plsc.subcore_barrier()
    pltpu.sync_copy(srcbuf, srcsh.at[tgt_v])
    plsc.subcore_barrier()

    pltpu.sync_copy(srcsh.at[pl.ds(s * _ZR, _ZR)], sbuf)
    z16 = jnp.zeros((16,), jnp.int32)
    src0 = plsc.load_gather(sbuf, [it16, z16])
    src1 = plsc.load_gather(sbuf, [it16 + 16, z16])
    n0 = s * _ZR + it16
    n1 = n0 + 16
    srcidx_v[pl.ds(0, 16)] = jnp.where(n0 < nuniq, src0, minsrc)
    srcidx_v[pl.ds(16, 16)] = jnp.where(n1 < nuniq, src1, minsrc)
    plsc.subcore_barrier()
    pltpu.sync_copy(acc_sh.at[srcidx_v], gbuf)
    dg0 = plsc.load_gather(gbuf, [it16, jnp.full((16,), _HF, jnp.int32)])
    dg1 = plsc.load_gather(gbuf, [it16 + 16, jnp.full((16,), _HF, jnp.int32)])
    rec0 = 1.0 / dg0
    rec1 = 1.0 / dg1
    for r in range(_ZR):
        rec = rec0 if r < 16 else rec1
        sc = jnp.sum(jnp.where(it16 == (r % 16), rec, 0.0), axis=0)
        for j in range(_HF // 16):
            obuf[r, pl.ds(j * 16, 16)] = gbuf[r, pl.ds(j * 16, 16)] * sc

    pltpu.sync_copy(obuf, out_hbm.at[pl.ds(s * _ZR, _ZR), pl.ds(c * _HF, _HF)])


def _sc_pool(y0, y1, ids):
    mesh = plsc.VectorSubcoreMesh(core_axis_name="c", subcore_axis_name="s")
    f = functools.partial(
        pl.kernel,
        out_type=jax.ShapeDtypeStruct((_NIDS, 2 * _HF), jnp.float32),
        mesh=mesh,
        scratch_types=[
            pltpu.VMEM((_CH,), jnp.int32),
            pltpu.VMEM((_CH,), jnp.int32),
            pltpu.VMEM((_CH,), jnp.int32),
            pltpu.VMEM((_CH,), jnp.int32),
            pltpu.VMEM((_CH,), jnp.int32),
            pltpu.VMEM((_CH,), jnp.int32),
            pltpu.VMEM((_CH,), jnp.int32),
            pltpu.VMEM((_CH,), jnp.int32),
            pltpu.VMEM((_CH, _HW), jnp.float32),
            pltpu.VMEM((_CH, _HW), jnp.float32),
            pltpu.VMEM((_CH, _HW), jnp.float32),
            pltpu.VMEM((_CH, _HW), jnp.float32),
            pltpu.VMEM((_ZR, _HW), jnp.float32),
            pltpu.VMEM((_ZR, _HF), jnp.float32),
            pltpu.VMEM((_ZR, 8), jnp.int32),
            pltpu.VMEM((_ZR, 8), jnp.int32),
            pltpu.VMEM((_NSUB * 16,), jnp.int32),
            pltpu.VMEM((16,), jnp.int32),
            pltpu.VMEM((_ZR,), jnp.int32),
            pltpu.VMEM((_ZR,), jnp.int32),
            pltpu.VMEM_SHARED((_NIDS, _HW), jnp.float32),
            pltpu.VMEM_SHARED((_NIDS, 8), jnp.int32),
            pltpu.VMEM_SHARED((_NSUB * 16,), jnp.int32),
            pltpu.SemaphoreType.DMA,
            pltpu.SemaphoreType.DMA,
            pltpu.SemaphoreType.DMA,
        ],
        compiler_params=pltpu.CompilerParams(use_tc_tiling_on_sc=False,
                                             needs_layout_passes=False),
    )(_sc_body)
    return f(y0, y1, ids)


def kernel(lane_ht, lane_info_enc, lane_future_enc, same_obstacle_mask, W1, b1, W2, b2):
    ids = same_obstacle_mask.astype(jnp.int32).reshape(_M)
    w1a = jnp.concatenate([W1, b1.reshape(16, 1)], axis=1)
    w2p = jnp.broadcast_to(W2.reshape(1, 16), (64, 16))
    y0, y1 = _tc_expand(lane_ht.T, lane_info_enc.T, lane_future_enc.T, w1a, w2p, b2)
    return _sc_pool(y0, y1, ids)

# --- scband reference (transcript-rebuilt; emitter-appended) ---
"""Pipeline reference for scband-get-aggregated-lane-enc-25675314495809 (READ-ONLY COPY).

The authoritative reference and input builder live on the scoring server;
editing this copy changes nothing except your own understanding.
"""

import jax, jax.numpy as jnp
import numpy as np

SOFT_ARGMAX_DEGREE = 1.0

def setup_inputs(seed: int = 0) -> dict:
    key = jax.random.key(seed)
    ks = jax.random.split(key, 8)
    M = 16384
    N = 512
    lane_ht = jax.random.normal(ks[0], (M, 64), dtype=jnp.float32)
    lane_info_enc = jax.random.normal(ks[1], (M, 64), dtype=jnp.float32)
    lane_future_enc = jax.random.normal(ks[2], (M, 64), dtype=jnp.float32)
    same_obstacle_mask = jnp.sort(jax.random.randint(ks[3], (M, 1), 0, N, dtype=jnp.int64), axis=0)
    # lane_scoring_mlp: Linear(128->16), ReLU, Linear(16->1)
    W1 = jax.random.normal(ks[4], (16, 128), dtype=jnp.float32) * (1.0 / np.sqrt(128.0))
    b1 = jnp.zeros((16,), dtype=jnp.float32)
    W2 = jax.random.normal(ks[5], (1, 16), dtype=jnp.float32) * (1.0 / np.sqrt(16.0))
    b2 = jnp.zeros((1,), dtype=jnp.float32)
    return {"lane_ht": lane_ht, "lane_info_enc": lane_info_enc, "lane_future_enc": lane_future_enc,
            "same_obstacle_mask": same_obstacle_mask, "W1": W1, "b1": b1, "W2": W2, "b2": b2}


def reference(lane_ht, lane_info_enc, lane_future_enc, same_obstacle_mask, W1, b1, W2, b2):
    M = lane_ht.shape[0]
    uniq = jnp.unique(same_obstacle_mask, size=512)
    N = uniq.shape[0]
    same_rep = jnp.broadcast_to(same_obstacle_mask.reshape(M, 1), (M, N)).astype(jnp.float32)
    id_mask = jnp.broadcast_to(uniq.reshape(1, N), (M, N)).astype(jnp.float32)
    special_mask = (id_mask == same_rep).astype(jnp.float32)
    # lane scoring MLP
    x = jnp.concatenate((lane_ht, lane_info_enc), axis=1)
    h = jax.nn.relu(x @ W1.T + b1)
    lane_score = (h @ W2.T + b2).reshape(M, 1) * SOFT_ARGMAX_DEGREE
    lane_score = jnp.broadcast_to(lane_score, (M, N)) * special_mask
    anti_special_mask = -1.0 * (special_mask - 1.0)
    lane_score_min = jnp.min(lane_score, axis=0).reshape(1, N)
    lane_score = lane_score + lane_score_min * anti_special_mask
    lane_score_max = jnp.max(lane_score, axis=0).reshape(1, N)
    lane_score = (lane_score - lane_score_max) * special_mask
    lane_score_numerator = jnp.exp(lane_score) * special_mask
    lane_score_denominator = jnp.sum(lane_score_numerator, axis=0).reshape(1, N)
    lane_prob = lane_score_numerator / lane_score_denominator * special_mask
    lane_total_enc = jnp.concatenate((lane_ht, lane_info_enc, lane_future_enc), axis=1)
    # sum_m lane_total_enc[m, d] * lane_prob[m, n] -> [N, D] (same math as M x N x D broadcast + sum over M)
    lane_aggr_enc = jnp.einsum('mn,md->nd', lane_prob, lane_total_enc)
    return lane_aggr_enc

if __name__ == "__main__":
    import jax
    _d = setup_inputs()
    print(jax.jit(kernel)(*tuple(_d.values())))

</pallas_src>

<mosaic_0001>
#map = affine_map<(d0, d1) -> (0, 0)>
#map1 = affine_map<(d0, d1) -> (0)>
module attributes {stable_mosaic.version = 14 : i64} {
  func.func @_sc_body(%arg0: i32, %arg1: i32, %arg2: memref<16384x128xf32, #tpu.memory_space<hbm>>, %arg3: memref<16384x128xf32, #tpu.memory_space<hbm>>, %arg4: memref<16384xi32, #tpu.memory_space<hbm>>, %arg5: memref<512x192xf32, #tpu.memory_space<hbm>>, %arg6: memref<128xi32, #tpu.memory_space<vmem>>, %arg7: memref<128xi32, #tpu.memory_space<vmem>>, %arg8: memref<128xi32, #tpu.memory_space<vmem>>, %arg9: memref<128xi32, #tpu.memory_space<vmem>>, %arg10: memref<128xi32, #tpu.memory_space<vmem>>, %arg11: memref<128xi32, #tpu.memory_space<vmem>>, %arg12: memref<128xi32, #tpu.memory_space<vmem>>, %arg13: memref<128xi32, #tpu.memory_space<vmem>>, %arg14: memref<128x128xf32, #tpu.memory_space<vmem>>, %arg15: memref<128x128xf32, #tpu.memory_space<vmem>>, %arg16: memref<128x128xf32, #tpu.memory_space<vmem>>, %arg17: memref<128x128xf32, #tpu.memory_space<vmem>>, %arg18: memref<32x128xf32, #tpu.memory_space<vmem>>, %arg19: memref<32x96xf32, #tpu.memory_space<vmem>>, %arg20: memref<32x8xi32, #tpu.memory_space<vmem>>, %arg21: memref<32x8xi32, #tpu.memory_space<vmem>>, %arg22: memref<256xi32, #tpu.memory_space<vmem>>, %arg23: memref<16xi32, #tpu.memory_space<vmem>>, %arg24: memref<32xi32, #tpu.memory_space<vmem>>, %arg25: memref<32xi32, #tpu.memory_space<vmem>>, %arg26: memref<512x128xf32, #tpu.memory_space<vmem_shared>>, %arg27: memref<512x8xi32, #tpu.memory_space<vmem_shared>>, %arg28: memref<256xi32, #tpu.memory_space<vmem_shared>>, %arg29: memref<!tpu.dma_semaphore, #tpu.memory_space<semaphore_mem>>, %arg30: memref<!tpu.dma_semaphore, #tpu.memory_space<semaphore_mem>>, %arg31: memref<!tpu.dma_semaphore, #tpu.memory_space<semaphore_mem>>) attributes {dimension_semantics = [#tpu.dimension_semantics<core_parallel>, #tpu.dimension_semantics<subcore_parallel>], iteration_bounds = array<i64: 2, 16>, scalar_prefetch = 0 : i64, scratch_operands = 26 : i64, tpu.core_type = #tpu.core_type<sc_vector_subcore>, window_params = [{transform_indices = #map}, {transform_indices = #map}, {transform_indices = #map1}, {transform_indices = #map}]} {
    %mul3A = arith.constant 1024 : i32
    %mul3A_0 = arith.muli %arg1, %mul3A : i32
    %add3A = arith.constant 0 : i32
    %add3A_1 = arith.addi %mul3A_0, %add3A : i32
    %mul3A_2 = arith.constant 1024 : i32
    %mul3A_3 = arith.muli %arg1, %mul3A_2 : i32
    %add3A_4 = arith.constant 128 : i32
    %add3A_5 = arith.addi %mul3A_3, %add3A_4 : i32
    %mul3A_6 = arith.constant 1024 : i32
    %mul3A_7 = arith.muli %arg1, %mul3A_6 : i32
    %add3A_8 = arith.constant 256 : i32
    %add3A_9 = arith.addi %mul3A_7, %add3A_8 : i32
    %mul3A_10 = arith.constant 1024 : i32
    %mul3A_11 = arith.muli %arg1, %mul3A_10 : i32
    %add3A_12 = arith.constant 384 : i32
    %add3A_13 = arith.addi %mul3A_11, %add3A_12 : i32
    %mul3A_14 = arith.constant 1024 : i32
    %mul3A_15 = arith.muli %arg1, %mul3A_14 : i32
    %add3A_16 = arith.constant 512 : i32
    %add3A_17 = arith.addi %mul3A_15, %add3A_16 : i32
    %mul3A_18 = arith.constant 1024 : i32
    %mul3A_19 = arith.muli %arg1, %mul3A_18 : i32
    %add3A_20 = arith.constant 640 : i32
    %add3A_21 = arith.addi %mul3A_19, %add3A_20 : i32
    %mul3A_22 = arith.constant 1024 : i32
    %mul3A_23 = arith.muli %arg1, %mul3A_22 : i32
    %add3A_24 = arith.constant 768 : i32
    %add3A_25 = arith.addi %mul3A_23, %add3A_24 : i32
    %mul3A_26 = arith.constant 1024 : i32
    %mul3A_27 = arith.muli %arg1, %mul3A_26 : i32
    %add3A_28 = arith.constant 896 : i32
    %add3A_29 = arith.addi %mul3A_27, %add3A_28 : i32
    %dma_start3A = tpu.memref_slice %arg4[%add3A_1] : memref<16384xi32, #tpu.memory_space<hbm>> -> memref<128xi32, #tpu.memory_space<hbm>>
    %dma_start3A_30 = tpu.memref_slice %arg4[%add3A_1] : memref<16384xi32, #tpu.memory_space<hbm>> -> memref<128xi32, #tpu.memory_space<hbm>>
    tpu.enqueue_dma source(%dma_start3A_30 : memref<128xi32, #tpu.memory_space<hbm>>) target(%arg6 : memref<128xi32, #tpu.memory_space<vmem>>) target_semaphore(%arg29 : memref<!tpu.dma_semaphore, #tpu.memory_space<semaphore_mem>>)
    %dma_start3A_31 = tpu.memref_slice %arg4[%add3A_5] : memref<16384xi32, #tpu.memory_space<hbm>> -> memref<128xi32, #tpu.memory_space<hbm>>
    %dma_start3A_32 = tpu.memref_slice %arg4[%add3A_5] : memref<16384xi32, #tpu.memory_space<hbm>> -> memref<128xi32, #tpu.memory_space<hbm>>
    tpu.enqueue_dma source(%dma_start3A_32 : memref<128xi32, #tpu.memory_space<hbm>>) target(%arg7 : memref<128xi32, #tpu.memory_space<vmem>>) target_semaphore(%arg29 : memref<!tpu.dma_semaphore, #tpu.memory_space<semaphore_mem>>)
    %dma_start3A_33 = tpu.memref_slice %arg4[%add3A_9] : memref<16384xi32, #tpu.memory_space<hbm>> -> memref<128xi32, #tpu.memory_space<hbm>>
    %dma_start3A_34 = tpu.memref_slice %arg4[%add3A_9] : memref<16384xi32, #tpu.memory_space<hbm>> -> memref<128xi32, #tpu.memory_space<hbm>>
    tpu.enqueue_dma source(%dma_start3A_34 : memref<128xi32, #tpu.memory_space<hbm>>) target(%arg8 : memref<128xi32, #tpu.memory_space<vmem>>) target_semaphore(%arg29 : memref<!tpu.dma_semaphore, #tpu.memory_space<semaphore_mem>>)
    %dma_start3A_35 = tpu.memref_slice %arg4[%add3A_13] : memref<16384xi32, #tpu.memory_space<hbm>> -> memref<128xi32, #tpu.memory_space<hbm>>
    %dma_start3A_36 = tpu.memref_slice %arg4[%add3A_13] : memref<16384xi32, #tpu.memory_space<hbm>> -> memref<128xi32, #tpu.memory_space<hbm>>
    tpu.enqueue_dma source(%dma_start3A_36 : memref<128xi32, #tpu.memory_space<hbm>>) target(%arg9 : memref<128xi32, #tpu.memory_space<vmem>>) target_semaphore(%arg29 : memref<!tpu.dma_semaphore, #tpu.memory_space<semaphore_mem>>)
    %dma_start3A_37 = tpu.memref_slice %arg4[%add3A_17] : memref<16384xi32, #tpu.memory_space<hbm>> -> memref<128xi32, #tpu.memory_space<hbm>>
    %dma_start3A_38 = tpu.memref_slice %arg4[%add3A_17] : memref<16384xi32, #tpu.memory_space<hbm>> -> memref<128xi32, #tpu.memory_space<hbm>>
    tpu.enqueue_dma source(%dma_start3A_38 : memref<128xi32, #tpu.memory_space<hbm>>) target(%arg10 : memref<128xi32, #tpu.memory_space<vmem>>) target_semaphore(%arg29 : memref<!tpu.dma_semaphore, #tpu.memory_space<semaphore_mem>>)
    %dma_start3A_39 = tpu.memref_slice %arg4[%add3A_21] : memref<16384xi32, #tpu.memory_space<hbm>> -> memref<128xi32, #tpu.memory_space<hbm>>
    %dma_start3A_40 = tpu.memref_slice %arg4[%add3A_21] : memref<16384xi32, #tpu.memory_space<hbm>> -> memref<128xi32, #tpu.memory_space<hbm>>
    tpu.enqueue_dma source(%dma_start3A_40 : memref<128xi32, #tpu.memory_space<hbm>>) target(%arg11 : memref<128xi32, #tpu.memory_space<vmem>>) target_semaphore(%arg29 : memref<!tpu.dma_semaphore, #tpu.memory_space<semaphore_mem>>)
    %dma_start3A_41 = tpu.memref_slice %arg4[%add3A_25] : memref<16384xi32, #tpu.memory_space<hbm>> -> memref<128xi32, #tpu.memory_space<hbm>>
    %dma_start3A_42 = tpu.memref_slice %arg4[%add3A_25] : memref<16384xi32, #tpu.memory_space<hbm>> -> memref<128xi32, #tpu.memory_space<hbm>>
    tpu.enqueue_dma source(%dma_start3A_42 : memref<128xi32, #tpu.memory_space<hbm>>) target(%arg12 : memref<128xi32, #tpu.memory_space<vmem>>) target_semaphore(%arg29 : memref<!tpu.dma_semaphore, #tpu.memory_space<semaphore_mem>>)
    %dma_start3A_43 = tpu.memref_slice %arg4[%add3A_29] : memref<16384xi32, #tpu.memory_space<hbm>> -> memref<128xi32, #tpu.memory_space<hbm>>
    %dma_start3A_44 = tpu.memref_slice %arg4[%add3A_29] : memref<16384xi32, #tpu.memory_space<hbm>> -> memref<128xi32, #tpu.memory_space<hbm>>
    tpu.enqueue_dma source(%dma_start3A_44 : memref<128xi32, #tpu.memory_space<hbm>>) target(%arg13 : memref<128xi32, #tpu.memory_space<vmem>>) target_semaphore(%arg29 : memref<!tpu.dma_semaphore, #tpu.memory_space<semaphore_mem>>)
    %broadcast_in_dim3A = arith.constant 0.000000e+00 : f32
    %broadcast_in_dim3A_45 = vector.broadcast %broadcast_in_dim3A : f32 to vector<16xf32>
    %scan3A = arith.constant 0 : i32
    %scan3A_46 = arith.constant 0 : i32
    %scan3A_47 = arith.constant 32 : i32
    %scan3A_48 = arith.addi %scan3A_46, %scan3A_47 : i32
    %scan3A_49 = arith.constant 1 : i32
    scf.for %scan3A_2542 = %scan3A_46 to %scan3A_48 step %scan3A_49  : i32 {
      %swap3A_2543 = arith.index_cast %scan3A_2542 : i32 to index
      %swap3A_2544 = arith.constant 0 : index
      %swap3A_2545 = tpu.vector_load %arg14[%swap3A_2543, %swap3A_2544] {strides = array<i32>} : memref<128x128xf32, #tpu.memory_space<vmem>>, vector<16xf32>,
      tpu.vector_store %arg14[%swap3A_2543, %swap3A_2544], %broadcast_in_dim3A_45 {strides = array<i32>} : memref<128x128xf32, #tpu.memory_space<vmem>>, vector<16xf32>,
      %swap3A_2546 = arith.index_cast %scan3A_2542 : i32 to index
      %swap3A_2547 = arith.constant 16 : index
      %swap3A_2548 = tpu.vector_load %arg14[%swap3A_2546, %swap3A_2547] {strides = array<i32>} : memref<128x128xf32, #tpu.memory_space<vmem>>, vector<16xf32>,
      tpu.vector_store %arg14[%swap3A_2546, %swap3A_2547], %broadcast_in_dim3A_45 {strides = array<i32>} : memref<128x128xf32, #tpu.memory_space<vmem>>, vector<16xf32>,
      %swap3A_2549 = arith.index_cast %scan3A_2542 : i32 to index
      %swap3A_2550 = arith.constant 32 : index
      %swap3A_2551 = tpu.vector_load %arg14[%swap3A_2549, %swap3A_2550] {strides = array<i32>} : memref<128x128xf32, #tpu.memory_space<vmem>>, vector<16xf32>,
      tpu.vector_store %arg14[%swap3A_2549, %swap3A_2550], %broadcast_in_dim3A_45 {strides = array<i32>} : memref<128x128xf32, #tpu.memory_space<vmem>>, vector<16xf32>,
      %swap3A_2552 = arith.index_cast %scan3A_2542 : i32 to index
      %swap3A_2553 = arith.constant 48 : index
      %swap3A_2554 = tpu.vector_load %arg14[%swap3A_2552, %swap3A_2553] {strides = array<i32>} : memref<128x128xf32, #tpu.memory_space<vmem>>, vector<16xf32>,
      tpu.vector_store %arg14[%swap3A_2552, %swap3A_2553], %broadcast_in_dim3A_45 {strides = array<i32>} : memref<128x128xf32, #tpu.memory_space<vmem>>, vector<16xf32>,
      %swap3A_2555 = arith.index_cast %scan3A_2542 : i32 to index
      %swap3A_2556 = arith.constant 64 : index
      %swap3A_2557 = tpu.vector_load %arg14[%swap3A_2555, %swap3A_2556] {strides = array<i32>} : memref<128x128xf32, #tpu.memory_space<vmem>>, vector<16xf32>,
      tpu.vector_store %arg14[%swap3A_2555, %swap3A_2556], %broadcast_in_dim3A_45 {strides = array<i32>} : memref<128x128xf32, #tpu.memory_space<vmem>>, vector<16xf32>,
      %swap3A_2558 = arith.index_cast %scan3A_2542 : i32 to index
      %swap3A_2559 = arith.constant 80 : index
      %swap3A_2560 = tpu.vector_load %arg14[%swap3A_2558, %swap3A_2559] {strides = array<i32>} : memref<128x128xf32, #tpu.memory_space<vmem>>, vector<16xf32>,
      tpu.vector_store %arg14[%swap3A_2558, %swap3A_2559], %broadcast_in_dim3A_45 {strides = array<i32>} : memref<128x128xf32, #tpu.memory_space<vmem>>, vector<16xf32>,
      %swap3A_2561 = arith.index_cast %scan3A_2542 : i32 to index
      %swap3A_2562 = arith.constant 96 : index
      %swap3A_2563 = tpu.vector_load %arg14[%swap3A_2561, %swap3A_2562] {strides = array<i32>} : memref<128x128xf32, #tpu.memory_space<vmem>>, vector<16xf32>,
      tpu.vector_store %arg14[%swap3A_2561, %swap3A_2562], %broadcast_in_dim3A_45 {strides = array<i32>} : memref<128x128xf32, #tpu.memory_space<vmem>>, vector<16xf32>,
      %swap3A_2564 = arith.index_cast %scan3A_2542 : i32 to index
      %swap3A_2565 = arith.constant 112 : index
      %swap3A_2566 = tpu.vector_load %arg14[%swap3A_2564, %swap3A_2565] {strides = array<i32>} : memref<128x128xf32, #tpu.memory_space<vmem>>, vector<16xf32>,
      tpu.vector_store %arg14[%swap3A_2564, %swap3A_2565], %broadcast_in_dim3A_45 {strides = array<i32>} : memref<128x128xf32, #tpu.memory_space<vmem>>, vector<16xf32>,
    }
    %scan3A_50 = arith.constant 32 : i32
    %mul3A_51 = arith.constant 32 : i32
    %mul3A_52 = arith.muli %arg1, %mul3A_51 : i32
    "tpu.region"() ({
      %run_scoped3A = tpu.sem_alloc : memref<!tpu.dma_semaphore, #tpu.memory_space<semaphore_mem>>
      %dma_start3A_2542 = arith.constant 0 : i32
      %dma_start3A_2543 = arith.constant 0 : i32
      %dma_start3A_2544 = tpu.memref_slice %arg14[%dma_start3A_2542, %dma_start3A_2543] : memref<128x128xf32, #tpu.memory_space<vmem>> -> memref<32x128xf32, #tpu.memory_space<vmem>>
      %dma_start3A_2545 = arith.constant 0 : i32
      %dma_start3A_2546 = tpu.memref_slice %arg26[%mul3A_52, %dma_start3A_2545] : memref<512x128xf32, #tpu.memory_space<vmem_shared>> -> memref<32x128xf32, #tpu.memory_space<vmem_shared>>
      %dma_start3A_2547 = arith.constant 0 : i32
      %dma_start3A_2548 = tpu.memref_slice %arg26[%mul3A_52, %dma_start3A_2547] : memref<512x128xf32, #tpu.memory_space<vmem_shared>> -> memref<32x128xf32, #tpu.memory_space<vmem_shared>>
      %dma_start3A_2549 = arith.constant 0 : i32
      %dma_start3A_2550 = arith.constant 0 : i32
      %dma_start3A_2551 = tpu.memref_slice %arg14[%dma_start3A_2549, %dma_start3A_2550] : memref<128x128xf32, #tpu.memory_space<vmem>> -> memref<32x128xf32, #tpu.memory_space<vmem>>
      tpu.enqueue_dma source(%dma_start3A_2551 : memref<32x128xf32, #tpu.memory_space<vmem>>) target(%dma_start3A_2548 : memref<32x128xf32, #tpu.memory_space<vmem_shared>>) target_semaphore(%run_scoped3A : memref<!tpu.dma_semaphore, #tpu.memory_space<semaphore_mem>>)
      %dma_wait3A_2552 = arith.constant 0 : i32
      %dma_wait3A_2553 = arith.constant 0 : i32
      %dma_wait3A_2554 = tpu.memref_slice %arg14[%dma_wait3A_2552, %dma_wait3A_2553] : memref<128x128xf32, #tpu.memory_space<vmem>> -> memref<32x128xf32, #tpu.memory_space<vmem>>
      %dma_wait3A_2555 = arith.constant 0 : i32
      %dma_wait3A_2556 = tpu.memref_slice %arg26[%mul3A_52, %dma_wait3A_2555] : memref<512x128xf32, #tpu.memory_space<vmem_shared>> -> memref<32x128xf32, #tpu.memory_space<vmem_shared>>
      %dma_wait3A_2557 = arith.constant 0 : i32
      %dma_wait3A_2558 = tpu.memref_slice %arg26[%mul3A_52, %dma_wait3A_2557] : memref<512x128xf32, #tpu.memory_space<vmem_shared>> -> memref<32x128xf32, #tpu.memory_space<vmem_shared>>
      %dma_wait3A_2559 = arith.constant 0 : i32
      %dma_wait3A_2560 = arith.constant 0 : i32
      %dma_wait3A_2561 = tpu.memref_slice %arg14[%dma_wait3A_2559, %dma_wait3A_2560] : memref<128x128xf32, #tpu.memory_space<vmem>> -> memref<32x128xf32, #tpu.memory_space<vmem>>
      tpu.wait_dma2 semaphore(%run_scoped3A : memref<!tpu.dma_semaphore, #tpu.memory_space<semaphore_mem>>) src(%dma_wait3A_2561 : memref<32x128xf32, #tpu.memory_space<vmem>>) dst(%dma_wait3A_2558 : memref<32x128xf32, #tpu.memory_space<vmem_shared>>)
      tpu.yield
    }) : () -> ()
    %dma_wait3A = tpu.memref_slice %arg4[%add3A_1] : memref<16384xi32, #tpu.memory_space<hbm>> -> memref<128xi32, #tpu.memory_space<hbm>>
    %dma_wait3A_53 = tpu.memref_slice %arg4[%add3A_1] : memref<16384xi32, #tpu.memory_space<hbm>> -> memref<128xi32, #tpu.memory_space<hbm>>
    tpu.wait_dma2 semaphore(%arg29 : memref<!tpu.dma_semaphore, #tpu.memory_space<semaphore_mem>>) src(%dma_wait3A_53 : memref<128xi32, #tpu.memory_space<hbm>>) dst(%arg6 : memref<128xi32, #tpu.memory_space<vmem>>)
    %dma_wait3A_54 = tpu.memref_slice %arg4[%add3A_5] : memref<16384xi32, #tpu.memory_space<hbm>> -> memref<128xi32, #tpu.memory_space<hbm>>
    %dma_wait3A_55 = tpu.memref_slice %arg4[%add3A_5] : memref<16384xi32, #tpu.memory_space<hbm>> -> memref<128xi32, #tpu.memory_space<hbm>>
    tpu.wait_dma2 semaphore(%arg29 : memref<!tpu.dma_semaphore, #tpu.memory_space<semaphore_mem>>) src(%dma_wait3A_55 : memref<128xi32, #tpu.memory_space<hbm>>) dst(%arg7 : memref<128xi32, #tpu.memory_space<vmem>>)
    %dma_wait3A_56 = tpu.memref_slice %arg4[%add3A_9] : memref<16384xi32, #tpu.memory_space<hbm>> -> memref<128xi32, #tpu.memory_space<hbm>>
    %dma_wait3A_57 = tpu.memref_slice %arg4[%add3A_9] : memref<16384xi32, #tpu.memory_space<hbm>> -> memref<128xi32, #tpu.memory_space<hbm>>
    tpu.wait_dma2 semaphore(%arg29 : memref<!tpu.dma_semaphore, #tpu.memory_space<semaphore_mem>>) src(%dma_wait3A_57 : memref<128xi32, #tpu.memory_space<hbm>>) dst(%arg8 : memref<128xi32, #tpu.memory_space<vmem>>)
    %dma_wait3A_58 = tpu.memref_slice %arg4[%add3A_13] : memref<16384xi32, #tpu.memory_space<hbm>> -> memref<128xi32, #tpu.memory_space<hbm>>
    %dma_wait3A_59 = tpu.memref_slice %arg4[%add3A_13] : memref<16384xi32, #tpu.memory_space<hbm>> -> memref<128xi32, #tpu.memory_space<hbm>>
    tpu.wait_dma2 semaphore(%arg29 : memref<!tpu.dma_semaphore, #tpu.memory_space<semaphore_mem>>) src(%dma_wait3A_59 : memref<128xi32, #tpu.memory_space<hbm>>) dst(%arg9 : memref<128xi32, #tpu.memory_space<vmem>>)
    %dma_wait3A_60 = tpu.memref_slice %arg4[%add3A_17] : memref<16384xi32, #tpu.memory_space<hbm>> -> memref<128xi32, #tpu.memory_space<hbm>>
    %dma_wait3A_61 = tpu.memref_slice %arg4[%add3A_17] : memref<16384xi32, #tpu.memory_space<hbm>> -> memref<128xi32, #tpu.memory_space<hbm>>
    tpu.wait_dma2 semaphore(%arg29 : memref<!tpu.dma_semaphore, #tpu.memory_space<semaphore_mem>>) src(%dma_wait3A_61 : memref<128xi32, #tpu.memory_space<hbm>>) dst(%arg10 : memref<128xi32, #tpu.memory_space<vmem>>)
    %dma_wait3A_62 = tpu.memref_slice %arg4[%add3A_21] : memref<16384xi32, #tpu.memory_space<hbm>> -> memref<128xi32, #tpu.memory_space<hbm>>
    %dma_wait3A_63 = tpu.memref_slice %arg4[%add3A_21] : memref<16384xi32, #tpu.memory_space<hbm>> -> memref<128xi32, #tpu.memory_space<hbm>>
    tpu.wait_dma2 semaphore(%arg29 : memref<!tpu.dma_semaphore, #tpu.memory_space<semaphore_mem>>) src(%dma_wait3A_63 : memref<128xi32, #tpu.memory_space<hbm>>) dst(%arg11 : memref<128xi32, #tpu.memory_space<vmem>>)
    %dma_wait3A_64 = tpu.memref_slice %arg4[%add3A_25] : memref<16384xi32, #tpu.memory_space<hbm>> -> memref<128xi32, #tpu.memory_space<hbm>>
    %dma_wait3A_65 = tpu.memref_slice %arg4[%add3A_25] : memref<16384xi32, #tpu.memory_space<hbm>> -> memref<128xi32, #tpu.memory_space<hbm>>
    tpu.wait_dma2 semaphore(%arg29 : memref<!tpu.dma_semaphore, #tpu.memory_space<semaphore_mem>>) src(%dma_wait3A_65 : memref<128xi32, #tpu.memory_space<hbm>>) dst(%arg12 : memref<128xi32, #tpu.memory_space<vmem>>)
    %dma_wait3A_66 = tpu.memref_slice %arg4[%add3A_29] : memref<16384xi32, #tpu.memory_space<hbm>> -> memref<128xi32, #tpu.memory_space<hbm>>
    %dma_wait3A_67 = tpu.memref_slice %arg4[%add3A_29] : memref<16384xi32, #tpu.memory_space<hbm>> -> memref<128xi32, #tpu.memory_space<hbm>>
    tpu.wait_dma2 semaphore(%arg29 : memref<!tpu.dma_semaphore, #tpu.memory_space<semaphore_mem>>) src(%dma_wait3A_67 : memref<128xi32, #tpu.memory_space<hbm>>) dst(%arg13 : memref<128xi32, #tpu.memory_space<vmem>>)
    %barrier3A = arith.constant 0 : index
    tpu.barrier barrier_id(%barrier3A)
    %eq3A = arith.constant 0 : i32
    %eq3A_68 = arith.cmpi eq, %arg0, %eq3A : i32
    %convert_element_type3A = arith.extui %eq3A_68 : i1 to i32
    %cond3A = arith.constant 0 : i32
    %cond3A_69 = arith.cmpi ne, %convert_element_type3A, %cond3A : i32
    scf.if %cond3A_69 {
      %mul3A_2542 = arith.constant 1024 : i32
      %mul3A_2543 = arith.muli %arg1, %mul3A_2542 : i32
      %add3A_2544 = arith.constant 0 : i32
      %add3A_2545 = arith.addi %mul3A_2543, %add3A_2544 : i32
      %dma_start3A_2546 = arith.constant 0 : i32
      %dma_start3A_2547 = tpu.memref_slice %arg2[%add3A_2545, %dma_start3A_2546] : memref<16384x128xf32, #tpu.memory_space<hbm>> -> memref<128x128xf32, #tpu.memory_space<hbm>>
      %dma_start3A_2548 = arith.constant 0 : i32
      %dma_start3A_2549 = tpu.memref_slice %arg2[%add3A_2545, %dma_start3A_2548] : memref<16384x128xf32, #tpu.memory_space<hbm>> -> memref<128x128xf32, #tpu.memory_space<hbm>>
      tpu.enqueue_dma source(%dma_start3A_2549 : memref<128x128xf32, #tpu.memory_space<hbm>>) target(%arg14 : memref<128x128xf32, #tpu.memory_space<vmem>>) target_semaphore(%arg30 : memref<!tpu.dma_semaphore, #tpu.memory_space<semaphore_mem>>)
      %mul3A_2550 = arith.constant 1024 : i32
      %mul3A_2551 = arith.muli %arg1, %mul3A_2550 : i32
      %add3A_2552 = arith.constant 128 : i32
      %add3A_2553 = arith.addi %mul3A_2551, %add3A_2552 : i32
      %dma_start3A_2554 = arith.constant 0 : i32
      %dma_start3A_2555 = tpu.memref_slice %arg2[%add3A_2553, %dma_start3A_2554] : memref<16384x128xf32, #tpu.memory_space<hbm>> -> memref<128x128xf32, #tpu.memory_space<hbm>>
      %dma_start3A_2556 = arith.constant 0 : i32
      %dma_start3A_2557 = tpu.memref_slice %arg2[%add3A_2553, %dma_start3A_2556] : memref<16384x128xf32, #tpu.memory_space<hbm>> -> memref<128x128xf32, #tpu.memory_space<hbm>>
      tpu.enqueue_dma source(%dma_start3A_2557 : memref<128x128xf32, #tpu.memory_space<hbm>>) target(%arg15 : memref<128x128xf32, #tpu.memory_space<vmem>>) target_semaphore(%arg30 : memref<!tpu.dma_semaphore, #tpu.memory_space<semaphore_mem>>)
      %mul3A_2558 = arith.constant 1024 : i32
      %mul3A_2559 = arith.muli %arg1, %mul3A_2558 : i32
      %add3A_2560 = arith.constant 0 : i32
      %add3A_2561 = arith.addi %mul3A_2559, %add3A_2560 : i32
      %dma_wait3A_2562 = arith.constant 0 : i32
      %dma_wait3A_2563 = tpu.memref_slice %arg2[%add3A_2561, %dma_wait3A_2562] : memref<16384x128xf32, #tpu.memory_space<hbm>> -> memref<128x128xf32, #tpu.memory_space<hbm>>
      %dma_wait3A_2564 = arith.constant 0 : i32
      %dma_wait3A_2565 = tpu.memref_slice %arg2[%add3A_2561, %dma_wait3A_2564] : memref<16384x128xf32, #tpu.memory_space<hbm>> -> memref<128x128xf32, #tpu.memory_space<hbm>>
      tpu.wait_dma2 semaphore(%arg30 : memref<!tpu.dma_semaphore, #tpu.memory_space<semaphore_mem>>) src(%dma_wait3A_2565 : memref<128x128xf32, #tpu.memory_space<hbm>>) dst(%arg14 : memref<128x128xf32, #tpu.memory_space<vmem>>)
      %mul3A_2566 = arith.constant 1024 : i32
      %mul3A_2567 = arith.muli %arg1, %mul3A_2566 : i32
      %add3A_2568 = arith.constant 256 : i32
      %add3A_2569 = arith.addi %mul3A_2567, %add3A_2568 : i32
      %dma_start3A_2570 = arith.constant 0 : i32
      %dma_start3A_2571 = tpu.memref_slice %arg2[%add3A_2569, %dma_start3A_2570] : memref<16384x128xf32, #tpu.memory_space<hbm>> -> memref<128x128xf32, #tpu.memory_space<hbm>>
      %dma_start3A_2572 = arith.constant 0 : i32
      %dma_start3A_2573 = tpu.memref_slice %arg2[%add3A_2569, %dma_start3A_2572] : memref<16384x128xf32, #tpu.memory_space<hbm>> -> memref<128x128xf32, #tpu.memory_space<hbm>>
      tpu.enqueue_dma source(%dma_start3A_2573 : memref<128x128xf32, #tpu.memory_space<hbm>>) target(%arg16 : memref<128x128xf32, #tpu.memory_space<vmem>>) target_semaphore(%arg30 : memref<!tpu.dma_semaphore, #tpu.memory_space<semaphore_mem>>)
      %dma_start3A_2574 = arith.constant 0 : i32
      %dma_start3A_2575 = arith.constant 0 : i32
      %dma_start3A_2576 = tpu.memref_slice %arg26[%dma_start3A_2574, %dma_start3A_2575] : memref<512x128xf32, #tpu.memory_space<vmem_shared>> -> memref<512x128xf32, #tpu.memory_space<vmem_shared>>
      tpu.enqueue_indirect_dma source(%arg14 : memref<128x128xf32, #tpu.memory_space<vmem>>) target(%dma_start3A_2576 : memref<512x128xf32, #tpu.memory_space<vmem_shared>>) offsets(%arg6 : memref<128xi32, #tpu.memory_space<vmem>>) semaphore(%arg31 : memref<!tpu.dma_semaphore, #tpu.memory_space<semaphore_mem>>) {add = true}
      %mul3A_2577 = arith.constant 1024 : i32
      %mul3A_2578 = arith.muli %arg1, %mul3A_2577 : i32
      %add3A_2579 = arith.constant 128 : i32
      %add3A_2580 = arith.addi %mul3A_2578, %add3A_2579 : i32
      %dma_wait3A_2581 = arith.constant 0 : i32
      %dma_wait3A_2582 = tpu.memref_slice %arg2[%add3A_2580, %dma_wait3A_2581] : memref<16384x128xf32, #tpu.memory_space<hbm>> -> memref<128x128xf32, #tpu.memory_space<hbm>>
      %dma_wait3A_2583 = arith.constant 0 : i32
      %dma_wait3A_2584 = tpu.memref_slice %arg2[%add3A_2580, %dma_wait3A_2583] : memref<16384x128xf32, #tpu.memory_space<hbm>> -> memref<128x128xf32, #tpu.memory_space<hbm>>
      tpu.wait_dma2 semaphore(%arg30 : memref<!tpu.dma_semaphore, #tpu.memory_space<semaphore_mem>>) src(%dma_wait3A_2584 : memref<128x128xf32, #tpu.memory_space<hbm>>) dst(%arg15 : memref<128x128xf32, #tpu.memory_space<vmem>>)
      %mul3A_2585 = arith.constant 1024 : i32
      %mul3A_2586 = arith.muli %arg1, %mul3A_2585 : i32
      %add3A_2587 = arith.constant 384 : i32
      %add3A_2588 = arith.addi %mul3A_2586, %add3A_2587 : i32
      %dma_start3A_2589 = arith.constant 0 : i32
      %dma_start3A_2590 = tpu.memref_slice %arg2[%add3A_2588, %dma_start3A_2589] : memref<16384x128xf32, #tpu.memory_space<hbm>> -> memref<128x128xf32, #tpu.memory_space<hbm>>
      %dma_start3A_2591 = arith.constant 0 : i32
      %dma_start3A_2592 = tpu.memref_slice %arg2[%add3A_2588, %dma_start3A_2591] : memref<16384x128xf32, #tpu.memory_space<hbm>> -> memref<128x128xf32, #tpu.memory_space<hbm>>
      tpu.enqueue_dma source(%dma_start3A_2592 : memref<128x128xf32, #tpu.memory_space<hbm>>) target(%arg17 : memref<128x128xf32, #tpu.memory_space<vmem>>) target_semaphore(%arg30 : memref<!tpu.dma_semaphore, #tpu.memory_space<semaphore_mem>>)
      %dma_start3A_2593 = arith.constant 0 : i32
      %dma_start3A_2594 = arith.constant 0 : i32
      %dma_start3A_2595 = tpu.memref_slice %arg26[%dma_start3A_2593, %dma_start3A_2594] : memref<512x128xf32, #tpu.memory_space<vmem_shared>> -> memref<512x128xf32, #tpu.memory_space<vmem_shared>>
      tpu.enqueue_indirect_dma source(%arg15 : memref<128x128xf32, #tpu.memory_space<vmem>>) target(%dma_start3A_2595 : memref<512x128xf32, #tpu.memory_space<vmem_shared>>) offsets(%arg7 : memref<128xi32, #tpu.memory_space<vmem>>) semaphore(%arg31 : memref<!tpu.dma_semaphore, #tpu.memory_space<semaphore_mem>>) {add = true}
      %mul3A_2596 = arith.constant 1024 : i32
      %mul3A_2597 = arith.muli %arg1, %mul3A_2596 : i32
      %add3A_2598 = arith.constant 256 : i32
      %add3A_2599 = arith.addi %mul3A_2597, %add3A_2598 : i32
      %dma_wait3A_2600 = arith.constant 0 : i32
      %dma_wait3A_2601 = tpu.memref_slice %arg2[%add3A_2599, %dma_wait3A_2600] : memref<16384x128xf32, #tpu.memory_space<hbm>> -> memref<128x128xf32, #tpu.memory_space<hbm>>
      %dma_wait3A_2602 = arith.constant 0 : i32
      %dma_wait3A_2603 = tpu.memref_slice %arg2[%add3A_2599, %dma_wait3A_2602] : memref<16384x128xf32, #tpu.memory_space<hbm>> -> memref<128x128xf32, #tpu.memory_space<hbm>>
      tpu.wait_dma2 semaphore(%arg30 : memref<!tpu.dma_semaphore, #tpu.memory_space<semaphore_mem>>) src(%dma_wait3A_2603 : memref<128x128xf32, #tpu.memory_space<hbm>>) dst(%arg16 : memref<128x128xf32, #tpu.memory_space<vmem>>)
      %dma_wait3A_2604 = arith.constant 0 : i32
      %dma_wait3A_2605 = arith.constant 0 : i32
      %dma_wait3A_2606 = tpu.memref_slice %arg26[%dma_wait3A_2604, %dma_wait3A_2605] : memref<512x128xf32, #tpu.memory_space<vmem_shared>> -> memref<512x128xf32, #tpu.memory_space<vmem_shared>>
      tpu.wait_indirect_dma semaphore(%arg31 : memref<!tpu.dma_semaphore, #tpu.memory_space<semaphore_mem>>) src(%arg14 : memref<128x128xf32, #tpu.memory_space<vmem>>) dst(%dma_wait3A_2606 : memref<512x128xf32, #tpu.memory_space<vmem_shared>>)
      %mul3A_2607 = arith.constant 1024 : i32
      %mul3A_2608 = arith.muli %arg1, %mul3A_2607 : i32
      %add3A_2609 = arith.constant 512 : i32
      %add3A_2610 = arith.addi %mul3A_2608, %add3A_2609 : i32
      %dma_start3A_2611 = arith.constant 0 : i32
      %dma_start3A_2612 = tpu.memref_slice %arg2[%add3A_2610, %dma_start3A_2611] : memref<16384x128xf32, #tpu.memory_space<hbm>> -> memref<128x128xf32, #tpu.memory_space<hbm>>
      %dma_start3A_2613 = arith.constant 0 : i32
      %dma_start3A_2614 = tpu.memref_slice %arg2[%add3A_2610, %dma_start3A_2613] : memref<16384x128xf32, #tpu.memory_space<hbm>> -> memref<128x128xf32, #tpu.memory_space<hbm>>
      tpu.enqueue_dma source(%dma_start3A_2614 : memref<128x128xf32, #tpu.memory_space<hbm>>) target(%arg14 : memref<128x128xf32, #tpu.memory_space<vmem>>) target_semaphore(%arg30 : memref<!tpu.dma_semaphore, #tpu.memory_space<semaphore_mem>>)
      %dma_start3A_2615 = arith.constant 0 : i32
      %dma_start3A_2616 = arith.constant 0 : i32
      %dma_start3A_2617 = tpu.memref_slice %arg26[%dma_start3A_2615, %dma_start3A_2616] : memref<512x128xf32, #tpu.memory_space<vmem_shared>> -> memref<512x128xf32, #tpu.memory_space<vmem_shared>>
      tpu.enqueue_indirect_dma source(%arg16 : memref<128x128xf32, #tpu.memory_space<vmem>>) target(%dma_start3A_2617 : memref<512x128xf32, #tpu.memory_space<vmem_shared>>) offsets(%arg8 : memref<128xi32, #tpu.memory_space<vmem>>) semaphore(%arg31 : memref<!tpu.dma_semaphore, #tpu.memory_space<semaphore_mem>>) {add = true}
      %mul3A_2618 = arith.constant 1024 : i32
      %mul3A_2619 = arith.muli %arg1, %mul3A_2618 : i32
      %add3A_2620 = arith.constant 384 : i32
      %add3A_2621 = arith.addi %mul3A_2619, %add3A_2620 : i32
      %dma_wait3A_2622 = arith.constant 0 : i32
      %dma_wait3A_2623 = tpu.memref_slice %arg2[%add3A_2621, %dma_wait3A_2622] : memref<16384x128xf32, #tpu.memory_space<hbm>> -> memref<128x128xf32, #tpu.memory_space<hbm>>
      %dma_wait3A_2624 = arith.constant 0 : i32
      %dma_wait3A_2625 = tpu.memref_slice %arg2[%add3A_2621, %dma_wait3A_2624] : memref<16384x128xf32, #tpu.memory_space<hbm>> -> memref<128x128xf32, #tpu.memory_space<hbm>>
      tpu.wait_dma2 semaphore(%arg30 : memref<!tpu.dma_semaphore, #tpu.memory_space<semaphore_mem>>) src(%dma_wait3A_2625 : memref<128x128xf32, #tpu.memory_space<hbm>>) dst(%arg17 : memref<128x128xf32, #tpu.memory_space<vmem>>)
      %dma_wait3A_2626 = arith.constant 0 : i32
      %dma_wait3A_2627 = arith.constant 0 : i32
      %dma_wait3A_2628 = tpu.memref_slice %arg26[%dma_wait3A_2626, %dma_wait3A_2627] : memref<512x128xf32, #tpu.memory_space<vmem_shared>> -> memref<512x128xf32, #tpu.memory_space<vmem_shared>>
      tpu.wait_indirect_dma semaphore(%arg31 : memref<!tpu.dma_semaphore, #tpu.memory_space<semaphore_mem>>) src(%arg15 : memref<128x128xf32, #tpu.memory_space<vmem>>) dst(%dma_wait3A_2628 : memref<512x128xf32, #tpu.memory_space<vmem_shared>>)
      %mul3A_2629 = arith.constant 1024 : i32
      %mul3A_2630 = arith.muli %arg1, %mul3A_2629 : i32
      %add3A_2631 = arith.constant 640 : i32
      %add3A_2632 = arith.addi %mul3A_2630, %add3A_2631 : i32
      %dma_start3A_2633 = arith.constant 0 : i32
      %dma_start3A_2634 = tpu.memref_slice %arg2[%add3A_2632, %dma_start3A_2633] : memref<16384x128xf32, #tpu.memory_space<hbm>> -> memref<128x128xf32, #tpu.memory_space<hbm>>
      %dma_start3A_2635 = arith.constant 0 : i32
      %dma_start3A_2636 = tpu.memref_slice %arg2[%add3A_2632, %dma_start3A_2635] : memref<16384x128xf32, #tpu.memory_space<hbm>> -> memref<128x128xf32, #tpu.memory_space<hbm>>
      tpu.enqueue_dma source(%dma_start3A_2636 : memref<128x128xf32, #tpu.memory_space<hbm>>) target(%arg15 : memref<128x128xf32, #tpu.memory_space<vmem>>) target_semaphore(%arg30 : memref<!tpu.dma_semaphore, #tpu.memory_space<semaphore_mem>>)
      %dma_start3A_2637 = arith.constant 0 : i32
      %dma_start3A_2638 = arith.constant 0 : i32
      %dma_start3A_2639 = tpu.memref_slice %arg26[%dma_start3A_2637, %dma_start3A_2638] : memref<512x128xf32, #tpu.memory_space<vmem_shared>> -> memref<512x128xf32, #tpu.memory_space<vmem_shared>>
      tpu.enqueue_indirect_dma source(%arg17 : memref<128x128xf32, #tpu.memory_space<vmem>>) target(%dma_start3A_2639 : memref<512x128xf32, #tpu.memory_space<vmem_shared>>) offsets(%arg9 : memref<128xi32, #tpu.memory_space<vmem>>) semaphore(%arg31 : memref<!tpu.dma_semaphore, #tpu.memory_space<semaphore_mem>>) {add = true}
      %mul3A_2640 = arith.constant 1024 : i32
      %mul3A_2641 = arith.muli %arg1, %mul3A_2640 : i32
      %add3A_2642 = arith.constant 512 : i32
      %add3A_2643 = arith.addi %mul3A_2641, %add3A_2642 : i32
      %dma_wait3A_2644 = arith.constant 0 : i32
      %dma_wait3A_2645 = tpu.memref_slice %arg2[%add3A_2643, %dma_wait3A_2644] : memref<16384x128xf32, #tpu.memory_space<hbm>> -> memref<128x128xf32, #tpu.memory_space<hbm>>
      %dma_wait3A_2646 = arith.constant 0 : i32
      %dma_wait3A_2647 = tpu.memref_slice %arg2[%add3A_2643, %dma_wait3A_2646] : memref<16384x128xf32, #tpu.memory_space<hbm>> -> memref<128x128xf32, #tpu.memory_space<hbm>>
      tpu.wait_dma2 semaphore(%arg30 : memref<!tpu.dma_semaphore, #tpu.memory_space<semaphore_mem>>) src(%dma_wait3A_2647 : memref<128x128xf32, #tpu.memory_space<hbm>>) dst(%arg14 : memref<128x128xf32, #tpu.memory_space<vmem>>)
      %dma_wait3A_2648 = arith.constant 0 : i32
      %dma_wait3A_2649 = arith.constant 0 : i32
      %dma_wait3A_2650 = tpu.memref_slice %arg26[%dma_wait3A_2648, %dma_wait3A_2649] : memref<512x128xf32, #tpu.memory_space<vmem_shared>> -> memref<512x128xf32, #tpu.memory_space<vmem_shared>>
      tpu.wait_indirect_dma semaphore(%arg31 : memref<!tpu.dma_semaphore, #tpu.memory_space<semaphore_mem>>) src(%arg16 : memref<128x128xf32, #tpu.memory_space<vmem>>) dst(%dma_wait3A_2650 : memref<512x128xf32, #tpu.memory_space<vmem_shared>>)
      %mul3A_2651 = arith.constant 1024 : i32
      %mul3A_2652 = arith.muli %arg1, %mul3A_2651 : i32
      %add3A_2653 = arith.constant 768 : i32
      %add3A_2654 = arith.addi %mul3A_2652, %add3A_2653 : i32
      %dma_start3A_2655 = arith.constant 0 : i32
      %dma_start3A_2656 = tpu.memref_slice %arg2[%add3A_2654, %dma_start3A_2655] : memref<16384x128xf32, #tpu.memory_space<hbm>> -> memref<128x128xf32, #tpu.memory_space<hbm>>
      %dma_start3A_2657 = arith.constant 0 : i32
      %dma_start3A_2658 = tpu.memref_slice %arg2[%add3A_2654, %dma_start3A_2657] : memref<16384x128xf32, #tpu.memory_space<hbm>> -> memref<128x128xf32, #tpu.memory_space<hbm>>
      tpu.enqueue_dma source(%dma_start3A_2658 : memref<128x128xf32, #tpu.memory_space<hbm>>) target(%arg16 : memref<128x128xf32, #tpu.memory_space<vmem>>) target_semaphore(%arg30 : memref<!tpu.dma_semaphore, #tpu.memory_space<semaphore_mem>>)
      %dma_start3A_2659 = arith.constant 0 : i32
      %dma_start3A_2660 = arith.constant 0 : i32
      %dma_start3A_2661 = tpu.memref_slice %arg26[%dma_start3A_2659, %dma_start3A_2660] : memref<512x128xf32, #tpu.memory_space<vmem_shared>> -> memref<512x128xf32, #tpu.memory_space<vmem_shared>>
      tpu.enqueue_indirect_dma source(%arg14 : memref<128x128xf32, #tpu.memory_space<vmem>>) target(%dma_start3A_2661 : memref<512x128xf32, #tpu.memory_space<vmem_shared>>) offsets(%arg10 : memref<128xi32, #tpu.memory_space<vmem>>) semaphore(%arg31 : memref<!tpu.dma_semaphore, #tpu.memory_space<semaphore_mem>>) {add = true}
      %mul3A_2662 = arith.constant 1024 : i32
      %mul3A_2663 = arith.muli %arg1, %mul3A_2662 : i32
      %add3A_2664 = arith.constant 640 : i32
      %add3A_2665 = arith.addi %mul3A_2663, %add3A_2664 : i32
      %dma_wait3A_2666 = arith.constant 0 : i32
      %dma_wait3A_2667 = tpu.memref_slice %arg2[%add3A_2665, %dma_wait3A_2666] : memref<16384x128xf32, #tpu.memory_space<hbm>> -> memref<128x128xf32, #tpu.memory_space<hbm>>
      %dma_wait3A_2668 = arith.constant 0 : i32
      %dma_wait3A_2669 = tpu.memref_slice %arg2[%add3A_2665, %dma_wait3A_2668] : memref<16384x128xf32, #tpu.memory_space<hbm>> -> memref<128x128xf32, #tpu.memory_space<hbm>>
      tpu.wait_dma2 semaphore(%arg30 : memref<!tpu.dma_semaphore, #tpu.memory_space<semaphore_mem>>) src(%dma_wait3A_2669 : memref<128x128xf32, #tpu.memory_space<hbm>>) dst(%arg15 : memref<128x128xf32, #tpu.memory_space<vmem>>)
      %dma_wait3A_2670 = arith.constant 0 : i32
      %dma_wait3A_2671 = arith.constant 0 : i32
      %dma_wait3A_2672 = tpu.memref_slice %arg26[%dma_wait3A_2670, %dma_wait3A_2671] : memref<512x128xf32, #tpu.memory_space<vmem_shared>> -> memref<512x128xf32, #tpu.memory_space<vmem_shared>>
      tpu.wait_indirect_dma semaphore(%arg31 : memref<!tpu.dma_semaphore, #tpu.memory_space<semaphore_mem>>) src(%arg17 : memref<128x128xf32, #tpu.memory_space<vmem>>) dst(%dma_wait3A_2672 : memref<512x128xf32, #tpu.memory_space<vmem_shared>>)
      %mul3A_2673 = arith.constant 1024 : i32
      %mul3A_2674 = arith.muli %arg1, %mul3A_2673 : i32
      %add3A_2675 = arith.constant 896 : i32
      %add3A_2676 = arith.addi %mul3A_2674, %add3A_2675 : i32
      %dma_start3A_2677 = arith.constant 0 : i32
      %dma_start3A_2678 = tpu.memref_slice %arg2[%add3A_2676, %dma_start3A_2677] : memref<16384x128xf32, #tpu.memory_space<hbm>> -> memref<128x128xf32, #tpu.memory_space<hbm>>
      %dma_start3A_2679 = arith.constant 0 : i32
      %dma_start3A_2680 = tpu.memref_slice %arg2[%add3A_2676, %dma_start3A_2679] : memref<16384x128xf32, #tpu.memory_space<hbm>> -> memref<128x128xf32, #tpu.memory_space<hbm>>
      tpu.enqueue_dma source(%dma_start3A_2680 : memref<128x128xf32, #tpu.memory_space<hbm>>) target(%arg17 : memref<128x128xf32, #tpu.memory_space<vmem>>) target_semaphore(%arg30 : memref<!tpu.dma_semaphore, #tpu.memory_space<semaphore_mem>>)
      %dma_start3A_2681 = arith.constant 0 : i32
      %dma_start3A_2682 = arith.constant 0 : i32
      %dma_start3A_2683 = tpu.memref_slice %arg26[%dma_start3A_2681, %dma_start3A_2682] : memref<512x128xf32, #tpu.memory_space<vmem_shared>> -> memref<512x128xf32, #tpu.memory_space<vmem_shared>>
      tpu.enqueue_indirect_dma source(%arg15 : memref<128x128xf32, #tpu.memory_space<vmem>>) target(%dma_start3A_2683 : memref<512x128xf32, #tpu.memory_space<vmem_shared>>) offsets(%arg11 : memref<128xi32, #tpu.memory_space<vmem>>) semaphore(%arg31 : memref<!tpu.dma_semaphore, #tpu.memory_space<semaphore_mem>>) {add = true}
      %mul3A_2684 = arith.constant 1024 : i32
      %mul3A_2685 = arith.muli %arg1, %mul3A_2684 : i32
      %add3A_2686 = arith.constant 768 : i32
      %add3A_2687 = arith.addi %mul3A_2685, %add3A_2686 : i32
      %dma_wait3A_2688 = arith.constant 0 : i32
      %dma_wait3A_2689 = tpu.memref_slice %arg2[%add3A_2687, %dma_wait3A_2688] : memref<16384x128xf32, #tpu.memory_space<hbm>> -> memref<128x128xf32, #tpu.memory_space<hbm>>
      %dma_wait3A_2690 = arith.constant 0 : i32
      %dma_wait3A_2691 = tpu.memref_slice %arg2[%add3A_2687, %dma_wait3A_2690] : memref<16384x128xf32, #tpu.memory_space<hbm>> -> memref<128x128xf32, #tpu.memory_space<hbm>>
      tpu.wait_dma2 semaphore(%arg30 : memref<!tpu.dma_semaphore, #tpu.memory_space<semaphore_mem>>) src(%dma_wait3A_2691 : memref<128x128xf32, #tpu.memory_space<hbm>>) dst(%arg16 : memref<128x128xf32, #tpu.memory_space<vmem>>)
      %dma_wait3A_2692 = arith.constant 0 : i32
      %dma_wait3A_2693 = arith.constant 0 : i32
      %dma_wait3A_2694 = tpu.memref_slice %arg26[%dma_wait3A_2692, %dma_wait3A_2693] : memref<512x128xf32, #tpu.memory_space<vmem_shared>> -> memref<512x128xf32, #tpu.memory_space<vmem_shared>>
      tpu.wait_indirect_dma semaphore(%arg31 : memref<!tpu.dma_semaphore, #tpu.memory_space<semaphore_mem>>) src(%arg14 : memref<128x128xf32, #tpu.memory_space<vmem>>) dst(%dma_wait3A_2694 : memref<512x128xf32, #tpu.memory_space<vmem_shared>>)
      %dma_start3A_2695 = arith.constant 0 : i32
      %dma_start3A_2696 = arith.constant 0 : i32
      %dma_start3A_2697 = tpu.memref_slice %arg26[%dma_start3A_2695, %dma_start3A_2696] : memref<512x128xf32, #tpu.memory_space<vmem_shared>> -> memref<512x128xf32, #tpu.memory_space<vmem_shared>>
      tpu.enqueue_indirect_dma source(%arg16 : memref<128x128xf32, #tpu.memory_space<vmem>>) target(%dma_start3A_2697 : memref<512x128xf32, #tpu.memory_space<vmem_shared>>) offsets(%arg12 : memref<128xi32, #tpu.memory_space<vmem>>) semaphore(%arg31 : memref<!tpu.dma_semaphore, #tpu.memory_space<semaphore_mem>>) {add = true}
      %mul3A_2698 = arith.constant 1024 : i32
      %mul3A_2699 = arith.muli %arg1, %mul3A_2698 : i32
      %add3A_2700 = arith.constant 896 : i32
      %add3A_2701 = arith.addi %mul3A_2699, %add3A_2700 : i32
      %dma_wait3A_2702 = arith.constant 0 : i32
      %dma_wait3A_2703 = tpu.memref_slice %arg2[%add3A_2701, %dma_wait3A_2702] : memref<16384x128xf32, #tpu.memory_space<hbm>> -> memref<128x128xf32, #tpu.memory_space<hbm>>
      %dma_wait3A_2704 = arith.constant 0 : i32
      %dma_wait3A_2705 = tpu.memref_slice %arg2[%add3A_2701, %dma_wait3A_2704] : memref<16384x128xf32, #tpu.memory_space<hbm>> -> memref<128x128xf32, #tpu.memory_space<hbm>>
      tpu.wait_dma2 semaphore(%arg30 : memref<!tpu.dma_semaphore, #tpu.memory_space<semaphore_mem>>) src(%dma_wait3A_2705 : memref<128x128xf32, #tpu.memory_space<hbm>>) dst(%arg17 : memref<128x128xf32, #tpu.memory_space<vmem>>)
      %dma_wait3A_2706 = arith.constant 0 : i32
      %dma_wait3A_2707 = arith.constant 0 : i32
      %dma_wait3A_2708 = tpu.memref_slice %arg26[%dma_wait3A_2706, %dma_wait3A_2707] : memref<512x128xf32, #tpu.memory_space<vmem_shared>> -> memref<512x128xf32, #tpu.memory_space<vmem_shared>>
      tpu.wait_indirect_dma semaphore(%arg31 : memref<!tpu.dma_semaphore, #tpu.memory_space<semaphore_mem>>) src(%arg15 : memref<128x128xf32, #tpu.memory_space<vmem>>) dst(%dma_wait3A_2708 : memref<512x128xf32, #tpu.memory_space<vmem_shared>>)
      %dma_start3A_2709 = arith.constant 0 : i32
      %dma_start3A_2710 = arith.constant 0 : i32
      %dma_start3A_2711 = tpu.memref_slice %arg26[%dma_start3A_2709, %dma_start3A_2710] : memref<512x128xf32, #tpu.memory_space<vmem_shared>> -> memref<512x128xf32, #tpu.memory_space<vmem_shared>>
      tpu.enqueue_indirect_dma source(%arg17 : memref<128x128xf32, #tpu.memory_space<vmem>>) target(%dma_start3A_2711 : memref<512x128xf32, #tpu.memory_space<vmem_shared>>) offsets(%arg13 : memref<128xi32, #tpu.memory_space<vmem>>) semaphore(%arg31 : memref<!tpu.dma_semaphore, #tpu.memory_space<semaphore_mem>>) {add = true}
      %dma_wait3A_2712 = arith.constant 0 : i32
      %dma_wait3A_2713 = arith.constant 0 : i32
      %dma_wait3A_2714 = tpu.memref_slice %arg26[%dma_wait3A_2712, %dma_wait3A_2713] : memref<512x128xf32, #tpu.memory_space<vmem_shared>> -> memref<512x128xf32, #tpu.memory_space<vmem_shared>>
      tpu.wait_indirect_dma semaphore(%arg31 : memref<!tpu.dma_semaphore, #tpu.memory_space<semaphore_mem>>) src(%arg16 : memref<128x128xf32, #tpu.memory_space<vmem>>) dst(%dma_wait3A_2714 : memref<512x128xf32, #tpu.memory_space<vmem_shared>>)
      %dma_wait3A_2715 = arith.constant 0 : i32
      %dma_wait3A_2716 = arith.constant 0 : i32
      %dma_wait3A_2717 = tpu.memref_slice %arg26[%dma_wait3A_2715, %dma_wait3A_2716] : memref<512x128xf32, #tpu.memory_space<vmem_shared>> -> memref<512x128xf32, #tpu.memory_space<vmem_shared>>
      tpu.wait_indirect_dma semaphore(%arg31 : memref<!tpu.dma_semaphore, #tpu.memory_space<semaphore_mem>>) src(%arg17 : memref<128x128xf32, #tpu.memory_space<vmem>>) dst(%dma_wait3A_2717 : memref<512x128xf32, #tpu.memory_space<vmem_shared>>)
    } else {
    }
    %eq3A_70 = arith.constant 1 : i32
    %eq3A_71 = arith.cmpi eq, %arg0, %eq3A_70 : i32
    %convert_element_type3A_72 = arith.extui %eq3A_71 : i1 to i32
    %cond3A_73 = arith.constant 0 : i32
    %cond3A_74 = arith.cmpi ne, %convert_element_type3A_72, %cond3A_73 : i32
    scf.if %cond3A_74 {
      %mul3A_2542 = arith.constant 1024 : i32
      %mul3A_2543 = arith.muli %arg1, %mul3A_2542 : i32
      %add3A_2544 = arith.constant 0 : i32
      %add3A_2545 = arith.addi %mul3A_2543, %add3A_2544 : i32
      %dma_start3A_2546 = arith.constant 0 : i32
      %dma_start3A_2547 = tpu.memref_slice %arg3[%add3A_2545, %dma_start3A_2546] : memref<16384x128xf32, #tpu.memory_space<hbm>> -> memref<128x128xf32, #tpu.memory_space<hbm>>
      %dma_start3A_2548 = arith.constant 0 : i32
      %dma_start3A_2549 = tpu.memref_slice %arg3[%add3A_2545, %dma_start3A_2548] : memref<16384x128xf32, #tpu.memory_space<hbm>> -> memref<128x128xf32, #tpu.memory_space<hbm>>
      tpu.enqueue_dma source(%dma_start3A_2549 : memref<128x128xf32, #tpu.memory_space<hbm>>) target(%arg14 : memref<128x128xf32, #tpu.memory_space<vmem>>) target_semaphore(%arg30 : memref<!tpu.dma_semaphore, #tpu.memory_space<semaphore_mem>>)
      %mul3A_2550 = arith.constant 1024 : i32
      %mul3A_2551 = arith.muli %arg1, %mul3A_2550 : i32
      %add3A_2552 = arith.constant 128 : i32
      %add3A_2553 = arith.addi %mul3A_2551, %add3A_2552 : i32
      %dma_start3A_2554 = arith.constant 0 : i32
      %dma_start3A_2555 = tpu.memref_slice %arg3[%add3A_2553, %dma_start3A_2554] : memref<16384x128xf32, #tpu.memory_space<hbm>> -> memref<128x128xf32, #tpu.memory_space<hbm>>
      %dma_start3A_2556 = arith.constant 0 : i32
      %dma_start3A_2557 = tpu.memref_slice %arg3[%add3A_2553, %dma_start3A_2556] : memref<16384x128xf32, #tpu.memory_space<hbm>> -> memref<128x128xf32, #tpu.memory_space<hbm>>
      tpu.enqueue_dma source(%dma_start3A_2557 : memref<128x128xf32, #tpu.memory_space<hbm>>) target(%arg15 : memref<128x128xf32, #tpu.memory_space<vmem>>) target_semaphore(%arg30 : memref<!tpu.dma_semaphore, #tpu.memory_space<semaphore_mem>>)
      %mul3A_2558 = arith.constant 1024 : i32
      %mul3A_2559 = arith.muli %arg1, %mul3A_2558 : i32
      %add3A_2560 = arith.constant 0 : i32
      %add3A_2561 = arith.addi %mul3A_2559, %add3A_2560 : i32
      %dma_wait3A_2562 = arith.constant 0 : i32
      %dma_wait3A_2563 = tpu.memref_slice %arg3[%add3A_2561, %dma_wait3A_2562] : memref<16384x128xf32, #tpu.memory_space<hbm>> -> memref<128x128xf32, #tpu.memory_space<hbm>>
      %dma_wait3A_2564 = arith.constant 0 : i32
      %dma_wait3A_2565 = tpu.memref_slice %arg3[%add3A_2561, %dma_wait3A_2564] : memref<16384x128xf32, #tpu.memory_space<hbm>> -> memref<128x128xf32, #tpu.memory_space<hbm>>
      tpu.wait_dma2 semaphore(%arg30 : memref<!tpu.dma_semaphore, #tpu.memory_space<semaphore_mem>>) src(%dma_wait3A_2565 : memref<128x128xf32, #tpu.memory_space<hbm>>) dst(%arg14 : memref<128x128xf32, #tpu.memory_space<vmem>>)
      %mul3A_2566 = arith.constant 1024 : i32
      %mul3A_2567 = arith.muli %arg1, %mul3A_2566 : i32
      %add3A_2568 = arith.constant 256 : i32
      %add3A_2569 = arith.addi %mul3A_2567, %add3A_2568 : i32
      %dma_start3A_2570 = arith.constant 0 : i32
      %dma_start3A_2571 = tpu.memref_slice %arg3[%add3A_2569, %dma_start3A_2570] : memref<16384x128xf32, #tpu.memory_space<hbm>> -> memref<128x128xf32, #tpu.memory_space<hbm>>
      %dma_start3A_2572 = arith.constant 0 : i32
      %dma_start3A_2573 = tpu.memref_slice %arg3[%add3A_2569, %dma_start3A_2572] : memref<16384x128xf32, #tpu.memory_space<hbm>> -> memref<128x128xf32, #tpu.memory_space<hbm>>
      tpu.enqueue_dma source(%dma_start3A_2573 : memref<128x128xf32, #tpu.memory_space<hbm>>) target(%arg16 : memref<128x128xf32, #tpu.memory_space<vmem>>) target_semaphore(%arg30 : memref<!tpu.dma_semaphore, #tpu.memory_space<semaphore_mem>>)
      %dma_start3A_2574 = arith.constant 0 : i32
      %dma_start3A_2575 = arith.constant 0 : i32
      %dma_start3A_2576 = tpu.memref_slice %arg26[%dma_start3A_2574, %dma_start3A_2575] : memref<512x128xf32, #tpu.memory_space<vmem_shared>> -> memref<512x128xf32, #tpu.memory_space<vmem_shared>>
      tpu.enqueue_indirect_dma source(%arg14 : memref<128x128xf32, #tpu.memory_space<vmem>>) target(%dma_start3A_2576 : memref<512x128xf32, #tpu.memory_space<vmem_shared>>) offsets(%arg6 : memref<128xi32, #tpu.memory_space<vmem>>) semaphore(%arg31 : memref<!tpu.dma_semaphore, #tpu.memory_space<semaphore_mem>>) {add = true}
      %mul3A_2577 = arith.constant 1024 : i32
      %mul3A_2578 = arith.muli %arg1, %mul3A_2577 : i32
      %add3A_2579 = arith.constant 128 : i32
      %add3A_2580 = arith.addi %mul3A_2578, %add3A_2579 : i32
      %dma_wait3A_2581 = arith.constant 0 : i32
      %dma_wait3A_2582 = tpu.memref_slice %arg3[%add3A_2580, %dma_wait3A_2581] : memref<16384x128xf32, #tpu.memory_space<hbm>> -> memref<128x128xf32, #tpu.memory_space<hbm>>
      %dma_wait3A_2583 = arith.constant 0 : i32
      %dma_wait3A_2584 = tpu.memref_slice %arg3[%add3A_2580, %dma_wait3A_2583] : memref<16384x128xf32, #tpu.memory_space<hbm>> -> memref<128x128xf32, #tpu.memory_space<hbm>>
      tpu.wait_dma2 semaphore(%arg30 : memref<!tpu.dma_semaphore, #tpu.memory_space<semaphore_mem>>) src(%dma_wait3A_2584 : memref<128x128xf32, #tpu.memory_space<hbm>>) dst(%arg15 : memref<128x128xf32, #tpu.memory_space<vmem>>)
      %mul3A_2585 = arith.constant 1024 : i32
      %mul3A_2586 = arith.muli %arg1, %mul3A_2585 : i32
      %add3A_2587 = arith.constant 384 : i32
      %add3A_2588 = arith.addi %mul3A_2586, %add3A_2587 : i32
      %dma_start3A_2589 = arith.constant 0 : i32
      %dma_start3A_2590 = tpu.memref_slice %arg3[%add3A_2588, %dma_start3A_2589] : memref<16384x128xf32, #tpu.memory_space<hbm>> -> memref<128x128xf32, #tpu.memory_space<hbm>>
      %dma_start3A_2591 = arith.constant 0 : i32
      %dma_start3A_2592 = tpu.memref_slice %arg3[%add3A_2588, %dma_start3A_2591] : memref<16384x128xf32, #tpu.memory_space<hbm>> -> memref<128x128xf32, #tpu.memory_space<hbm>>
      tpu.enqueue_dma source(%dma_start3A_2592 : memref<128x128xf32, #tpu.memory_space<hbm>>) target(%arg17 : memref<128x128xf32, #tpu.memory_space<vmem>>) target_semaphore(%arg30 : memref<!tpu.dma_semaphore, #tpu.memory_space<semaphore_mem>>)
      %dma_start3A_2593 = arith.constant 0 : i32
      %dma_start3A_2594 = arith.constant 0 : i32
      %dma_start3A_2595 = tpu.memref_slice %arg26[%dma_start3A_2593, %dma_start3A_2594] : memref<512x128xf32, #tpu.memory_space<vmem_shared>> -> memref<512x128xf32, #tpu.memory_space<vmem_shared>>
      tpu.enqueue_indirect_dma source(%arg15 : memref<128x128xf32, #tpu.memory_space<vmem>>) target(%dma_start3A_2595 : memref<512x128xf32, #tpu.memory_space<vmem_shared>>) offsets(%arg7 : memref<128xi32, #tpu.memory_space<vmem>>) semaphore(%arg31 : memref<!tpu.dma_semaphore, #tpu.memory_space<semaphore_mem>>) {add = true}
      %mul3A_2596 = arith.constant 1024 : i32
      %mul3A_2597 = arith.muli %arg1, %mul3A_2596 : i32
      %add3A_2598 = arith.constant 256 : i32
      %add3A_2599 = arith.addi %mul3A_2597, %add3A_2598 : i32
      %dma_wait3A_2600 = arith.constant 0 : i32
      %dma_wait3A_2601 = tpu.memref_slice %arg3[%add3A_2599, %dma_wait3A_2600] : memref<16384x128xf32, #tpu.memory_space<hbm>> -> memref<128x128xf32, #tpu.memory_space<hbm>>
      %dma_wait3A_2602 = arith.constant 0 : i32
      %dma_wait3A_2603 = tpu.memref_slice %arg3[%add3A_2599, %dma_wait3A_2602] : memref<16384x128xf32, #tpu.memory_space<hbm>> -> memref<128x128xf32, #tpu.memory_space<hbm>>
      tpu.wait_dma2 semaphore(%arg30 : memref<!tpu.dma_semaphore, #tpu.memory_space<semaphore_mem>>) src(%dma_wait3A_2603 : memref<128x128xf32, #tpu.memory_space<hbm>>) dst(%arg16 : memref<128x128xf32, #tpu.memory_space<vmem>>)
      %dma_wait3A_2604 = arith.constant 0 : i32
      %dma_wait3A_2605 = arith.constant 0 : i32
      %dma_wait3A_2606 = tpu.memref_slice %arg26[%dma_wait3A_2604, %dma_wait3A_2605] : memref<512x128xf32, #tpu.memory_space<vmem_shared>> -> memref<512x128xf32, #tpu.memory_space<vmem_shared>>
      tpu.wait_indirect_dma semaphore(%arg31 : memref<!tpu.dma_semaphore, #tpu.memory_space<semaphore_mem>>) src(%arg14 : memref<128x128xf32, #tpu.memory_space<vmem>>) dst(%dma_wait3A_2606 : memref<512x128xf32, #tpu.memory_space<vmem_shared>>)
      %mul3A_2607 = arith.constant 1024 : i32
      %mul3A_2608 = arith.muli %arg1, %mul3A_2607 : i32
      %add3A_2609 = arith.constant 512 : i32
      %add3A_2610 = arith.addi %mul3A_2608, %add3A_2609 : i32
      %dma_start3A_2611 = arith.constant 0 : i32
      %dma_start3A_2612 = tpu.memref_slice %arg3[%add3A_2610, %dma_start3A_2611] : memref<16384x128xf32, #tpu.memory_space<hbm>> -> memref<128x128xf32, #tpu.memory_space<hbm>>
      %dma_start3A_2613 = arith.constant 0 : i32
      %dma_start3A_2614 = tpu.memref_slice %arg3[%add3A_2610, %dma_start3A_2613] : memref<16384x128xf32, #tpu.memory_space<hbm>> -> memref<128x128xf32, #tpu.memory_space<hbm>>
      tpu.enqueue_dma source(%dma_start3A_2614 : memref<128x128xf32, #tpu.memory_space<hbm>>) target(%arg14 : memref<128x128xf32, #tpu.memory_space<vmem>>) target_semaphore(%arg30 : memref<!tpu.dma_semaphore, #tpu.memory_space<semaphore_mem>>)
      %dma_start3A_2615 = arith.constant 0 : i32
      %dma_start3A_2616 = arith.constant 0 : i32
      %dma_start3A_2617 = tpu.memref_slice %arg26[%dma_start3A_2615, %dma_start3A_2616] : memref<512x128xf32, #tpu.memory_space<vmem_shared>> -> memref<512x128xf32, #tpu.memory_space<vmem_shared>>
      tpu.enqueue_indirect_dma source(%arg16 : memref<128x128xf32, #tpu.memory_space<vmem>>) target(%dma_start3A_2617 : memref<512x128xf32, #tpu.memory_space<vmem_shared>>) offsets(%arg8 : memref<128xi32, #tpu.memory_space<vmem>>) semaphore(%arg31 : memref<!tpu.dma_semaphore, #tpu.memory_space<semaphore_mem>>) {add = true}
      %mul3A_2618 = arith.constant 1024 : i32
      %mul3A_2619 = arith.muli %arg1, %mul3A_2618 : i32
      %add3A_2620 = arith.constant 384 : i32
      %add3A_2621 = arith.addi %mul3A_2619, %add3A_2620 : i32
      %dma_wait3A_2622 = arith.constant 0 : i32
      %dma_wait3A_2623 = tpu.memref_slice %arg3[%add3A_2621, %dma_wait3A_2622] : memref<16384x128xf32, #tpu.memory_space<hbm>> -> memref<128x128xf32, #tpu.memory_space<hbm>>
      %dma_wait3A_2624 = arith.constant 0 : i32
      %dma_wait3A_2625 = tpu.memref_slice %arg3[%add3A_2621, %dma_wait3A_2624] : memref<16384x128xf32, #tpu.memory_space<hbm>> -> memref<128x128xf32, #tpu.memory_space<hbm>>
      tpu.wait_dma2 semaphore(%arg30 : memref<!tpu.dma_semaphore, #tpu.memory_space<semaphore_mem>>) src(%dma_wait3A_2625 : memref<128x128xf32, #tpu.memory_space<hbm>>) dst(%arg17 : memref<128x128xf32, #tpu.memory_space<vmem>>)
      %dma_wait3A_2626 = arith.constant 0 : i32
      %dma_wait3A_2627 = arith.constant 0 : i32
      %dma_wait3A_2628 = tpu.memref_slice %arg26[%dma_wait3A_2626, %dma_wait3A_2627] : memref<512x128xf32, #tpu.memory_space<vmem_shared>> -> memref<512x128xf32, #tpu.memory_space<vmem_shared>>
      tpu.wait_indirect_dma semaphore(%arg31 : memref<!tpu.dma_semaphore, #tpu.memory_space<semaphore_mem>>) src(%arg15 : memref<128x128xf32, #tpu.memory_space<vmem>>) dst(%dma_wait3A_2628 : memref<512x128xf32, #tpu.memory_space<vmem_shared>>)
      %mul3A_2629 = arith.constant 1024 : i32
      %mul3A_2630 = arith.muli %arg1, %mul3A_2629 : i32
      %add3A_2631 = arith.constant 640 : i32
      %add3A_2632 = arith.addi %mul3A_2630, %add3A_2631 : i32
      %dma_start3A_2633 = arith.constant 0 : i32
      %dma_start3A_2634 = tpu.memref_slice %arg3[%add3A_2632, %dma_start3A_2633] : memref<16384x128xf32, #tpu.memory_space<hbm>> -> memref<128x128xf32, #tpu.memory_space<hbm>>
      %dma_start3A_2635 = arith.constant 0 : i32
      %dma_start3A_2636 = tpu.memref_slice %arg3[%add3A_2632, %dma_start3A_2635] : memref<16384x128xf32, #tpu.memory_space<hbm>> -> memref<128x128xf32, #tpu.memory_space<hbm>>
      tpu.enqueue_dma source(%dma_start3A_2636 : memref<128x128xf32, #tpu.memory_space<hbm>>) target(%arg15 : memref<128x128xf32, #tpu.memory_space<vmem>>) target_semaphore(%arg30 : memref<!tpu.dma_semaphore, #tpu.memory_space<semaphore_mem>>)
      %dma_start3A_2637 = arith.constant 0 : i32
      %dma_start3A_2638 = arith.constant 0 : i32
      %dma_start3A_2639 = tpu.memref_slice %arg26[%dma_start3A_2637, %dma_start3A_2638] : memref<512x128xf32, #tpu.memory_space<vmem_shared>> -> memref<512x128xf32, #tpu.memory_space<vmem_shared>>
      tpu.enqueue_indirect_dma source(%arg17 : memref<128x128xf32, #tpu.memory_space<vmem>>) target(%dma_start3A_2639 : memref<512x128xf32, #tpu.memory_space<vmem_shared>>) offsets(%arg9 : memref<128xi32, #tpu.memory_space<vmem>>) semaphore(%arg31 : memref<!tpu.dma_semaphore, #tpu.memory_space<semaphore_mem>>) {add = true}
      %mul3A_2640 = arith.constant 1024 : i32
      %mul3A_2641 = arith.muli %arg1, %mul3A_2640 : i32
      %add3A_2642 = arith.constant 512 : i32
      %add3A_2643 = arith.addi %mul3A_2641, %add3A_2642 : i32
      %dma_wait3A_2644 = arith.constant 0 : i32
      %dma_wait3A_2645 = tpu.memref_slice %arg3[%add3A_2643, %dma_wait3A_2644] : memref<16384x128xf32, #tpu.memory_space<hbm>> -> memref<128x128xf32, #tpu.memory_space<hbm>>
      %dma_wait3A_2646 = arith.constant 0 : i32
      %dma_wait3A_2647 = tpu.memref_slice %arg3[%add3A_2643, %dma_wait3A_2646] : memref<16384x128xf32, #tpu.memory_space<hbm>> -> memref<128x128xf32, #tpu.memory_space<hbm>>
      tpu.wait_dma2 semaphore(%arg30 : memref<!tpu.dma_semaphore, #tpu.memory_space<semaphore_mem>>) src(%dma_wait3A_2647 : memref<128x128xf32, #tpu.memory_space<hbm>>) dst(%arg14 : memref<128x128xf32, #tpu.memory_space<vmem>>)
      %dma_wait3A_2648 = arith.constant 0 : i32
      %dma_wait3A_2649 = arith.constant 0 : i32
      %dma_wait3A_2650 = tpu.memref_slice %arg26[%dma_wait3A_2648, %dma_wait3A_2649] : memref<512x128xf32, #tpu.memory_space<vmem_shared>> -> memref<512x128xf32, #tpu.memory_space<vmem_shared>>
      tpu.wait_indirect_dma semaphore(%arg31 : memref<!tpu.dma_semaphore, #tpu.memory_space<semaphore_mem>>) src(%arg16 : memref<128x128xf32, #tpu.memory_space<vmem>>) dst(%dma_wait3A_2650 : memref<512x128xf32, #tpu.memory_space<vmem_shared>>)
      %mul3A_2651 = arith.constant 1024 : i32
      %mul3A_2652 = arith.muli %arg1, %mul3A_2651 : i32
      %add3A_2653 = arith.constant 768 : i32
      %add3A_2654 = arith.addi %mul3A_2652, %add3A_2653 : i32
      %dma_start3A_2655 = arith.constant 0 : i32
      %dma_start3A_2656 = tpu.memref_slice %arg3[%add3A_2654, %dma_start3A_2655] : memref<16384x128xf32, #tpu.memory_space<hbm>> -> memref<128x128xf32, #tpu.memory_space<hbm>>
      %dma_start3A_2657 = arith.constant 0 : i32
      %dma_start3A_2658 = tpu.memref_slice %arg3[%add3A_2654, %dma_start3A_2657] : memref<16384x128xf32, #tpu.memory_space<hbm>> -> memref<128x128xf32, #tpu.memory_space<hbm>>
      tpu.enqueue_dma source(%dma_start3A_2658 : memref<128x128xf32, #tpu.memory_space<hbm>>) target(%arg16 : memref<128x128xf32, #tpu.memory_space<vmem>>) target_semaphore(%arg30 : memref<!tpu.dma_semaphore, #tpu.memory_space<semaphore_mem>>)
      %dma_start3A_2659 = arith.constant 0 : i32
      %dma_start3A_2660 = arith.constant 0 : i32
      %dma_start3A_2661 = tpu.memref_slice %arg26[%dma_start3A_2659, %dma_start3A_2660] : memref<512x128xf32, #tpu.memory_space<vmem_shared>> -> memref<512x128xf32, #tpu.memory_space<vmem_shared>>
      tpu.enqueue_indirect_dma source(%arg14 : memref<128x128xf32, #tpu.memory_space<vmem>>) target(%dma_start3A_2661 : memref<512x128xf32, #tpu.memory_space<vmem_shared>>) offsets(%arg10 : memref<128xi32, #tpu.memory_space<vmem>>) semaphore(%arg31 : memref<!tpu.dma_semaphore, #tpu.memory_space<semaphore_mem>>) {add = true}
      %mul3A_2662 = arith.constant 1024 : i32
      %mul3A_2663 = arith.muli %arg1, %mul3A_2662 : i32
      %add3A_2664 = arith.constant 640 : i32
      %add3A_2665 = arith.addi %mul3A_2663, %add3A_2664 : i32
      %dma_wait3A_2666 = arith.constant 0 : i32
      %dma_wait3A_2667 = tpu.memref_slice %arg3[%add3A_2665, %dma_wait3A_2666] : memref<16384x128xf32, #tpu.memory_space<hbm>> -> memref<128x128xf32, #tpu.memory_space<hbm>>
      %dma_wait3A_2668 = arith.constant 0 : i32
      %dma_wait3A_2669 = tpu.memref_slice %arg3[%add3A_2665, %dma_wait3A_2668] : memref<16384x128xf32, #tpu.memory_space<hbm>> -> memref<128x128xf32, #tpu.memory_space<hbm>>
      tpu.wait_dma2 semaphore(%arg30 : memref<!tpu.dma_semaphore, #tpu.memory_space<semaphore_mem>>) src(%dma_wait3A_2669 : memref<128x128xf32, #tpu.memory_space<hbm>>) dst(%arg15 : memref<128x128xf32, #tpu.memory_space<vmem>>)
      %dma_wait3A_2670 = arith.constant 0 : i32
      %dma_wait3A_2671 = arith.constant 0 : i32
      %dma_wait3A_2672 = tpu.memref_slice %arg26[%dma_wait3A_2670, %dma_wait3A_2671] : memref<512x128xf32, #tpu.memory_space<vmem_shared>> -> memref<512x128xf32, #tpu.memory_space<vmem_shared>>
      tpu.wait_indirect_dma semaphore(%arg31 : memref<!tpu.dma_semaphore, #tpu.memory_space<semaphore_mem>>) src(%arg17 : memref<128x128xf32, #tpu.memory_space<vmem>>) dst(%dma_wait3A_2672 : memref<512x128xf32, #tpu.memory_space<vmem_shared>>)
      %mul3A_2673 = arith.constant 1024 : i32
      %mul3A_2674 = arith.muli %arg1, %mul3A_2673 : i32
      %add3A_2675 = arith.constant 896 : i32
      %add3A_2676 = arith.addi %mul3A_2674, %add3A_2675 : i32
      %dma_start3A_2677 = arith.constant 0 : i32
      %dma_start3A_2678 = tpu.memref_slice %arg3[%add3A_2676, %dma_start3A_2677] : memref<16384x128xf32, #tpu.memory_space<hbm>> -> memref<128x128xf32, #tpu.memory_space<hbm>>
      %dma_start3A_2679 = arith.constant 0 : i32
      %dma_start3A_2680 = tpu.memref_slice %arg3[%add3A_2676, %dma_start3A_2679] : memref<16384x128xf32, #tpu.memory_space<hbm>> -> memref<128x128xf32, #tpu.memory_space<hbm>>
      tpu.enqueue_dma source(%dma_start3A_2680 : memref<128x128xf32, #tpu.memory_space<hbm>>) target(%arg17 : memref<128x128xf32, #tpu.memory_space<vmem>>) target_semaphore(%arg30 : memref<!tpu.dma_semaphore, #tpu.memory_space<semaphore_mem>>)
      %dma_start3A_2681 = arith.constant 0 : i32
      %dma_start3A_2682 = arith.constant 0 : i32
      %dma_start3A_2683 = tpu.memref_slice %arg26[%dma_start3A_2681, %dma_start3A_2682] : memref<512x128xf32, #tpu.memory_space<vmem_shared>> -> memref<512x128xf32, #tpu.memory_space<vmem_shared>>
      tpu.enqueue_indirect_dma source(%arg15 : memref<128x128xf32, #tpu.memory_space<vmem>>) target(%dma_start3A_2683 : memref<512x128xf32, #tpu.memory_space<vmem_shared>>) offsets(%arg11 : memref<128xi32, #tpu.memory_space<vmem>>) semaphore(%arg31 : memref<!tpu.dma_semaphore, #tpu.memory_space<semaphore_mem>>) {add = true}
      %mul3A_2684 = arith.constant 1024 : i32
      %mul3A_2685 = arith.muli %arg1, %mul3A_2684 : i32
      %add3A_2686 = arith.constant 768 : i32
      %add3A_2687 = arith.addi %mul3A_2685, %add3A_2686 : i32
      %dma_wait3A_2688 = arith.constant 0 : i32
      %dma_wait3A_2689 = tpu.memref_slice %arg3[%add3A_2687, %dma_wait3A_2688] : memref<16384x128xf32, #tpu.memory_space<hbm>> -> memref<128x128xf32, #tpu.memory_space<hbm>>
      %dma_wait3A_2690 = arith.constant 0 : i32
      %dma_wait3A_2691 = tpu.memref_slice %arg3[%add3A_2687, %dma_wait3A_2690] : memref<16384x128xf32, #tpu.memory_space<hbm>> -> memref<128x128xf32, #tpu.memory_space<hbm>>
      tpu.wait_dma2 semaphore(%arg30 : memref<!tpu.dma_semaphore, #tpu.memory_space<semaphore_mem>>) src(%dma_wait3A_2691 : memref<128x128xf32, #tpu.memory_space<hbm>>) dst(%arg16 : memref<128x128xf32, #tpu.memory_space<vmem>>)
      %dma_wait3A_2692 = arith.constant 0 : i32
      %dma_wait3A_2693 = arith.constant 0 : i32
      %dma_wait3A_2694 = tpu.memref_slice %arg26[%dma_wait3A_2692, %dma_wait3A_2693] : memref<512x128xf32, #tpu.memory_space<vmem_shared>> -> memref<512x128xf32, #tpu.memory_space<vmem_shared>>
      tpu.wait_indirect_dma semaphore(%arg31 : memref<!tpu.dma_semaphore, #tpu.memory_space<semaphore_mem>>) src(%arg14 : memref<128x128xf32, #tpu.memory_space<vmem>>) dst(%dma_wait3A_2694 : memref<512x128xf32, #tpu.memory_space<vmem_shared>>)
      %dma_start3A_2695 = arith.constant 0 : i32
      %dma_start3A_2696 = arith.constant 0 : i32
      %dma_start3A_2697 = tpu.memref_slice %arg26[%dma_start3A_2695, %dma_start3A_2696] : memref<512x128xf32, #tpu.memory_space<vmem_shared>> -> memref<512x128xf32, #tpu.memory_space<vmem_shared>>
      tpu.enqueue_indirect_dma source(%arg16 : memref<128x128xf32, #tpu.memory_space<vmem>>) target(%dma_start3A_2697 : memref<512x128xf32, #tpu.memory_space<vmem_shared>>) offsets(%arg12 : memref<128xi32, #tpu.memory_space<vmem>>) semaphore(%arg31 : memref<!tpu.dma_semaphore, #tpu.memory_space<semaphore_mem>>) {add = true}
      %mul3A_2698 = arith.constant 1024 : i32
      %mul3A_2699 = arith.muli %arg1, %mul3A_2698 : i32
      %add3A_2700 = arith.constant 896 : i32
      %add3A_2701 = arith.addi %mul3A_2699, %add3A_2700 : i32
      %dma_wait3A_2702 = arith.constant 0 : i32
      %dma_wait3A_2703 = tpu.memref_slice %arg3[%add3A_2701, %dma_wait3A_2702] : memref<16384x128xf32, #tpu.memory_space<hbm>> -> memref<128x128xf32, #tpu.memory_space<hbm>>
      %dma_wait3A_2704 = arith.constant 0 : i32
      %dma_wait3A_2705 = tpu.memref_slice %arg3[%add3A_2701, %dma_wait3A_2704] : memref<16384x128xf32, #tpu.memory_space<hbm>> -> memref<128x128xf32, #tpu.memory_space<hbm>>
      tpu.wait_dma2 semaphore(%arg30 : memref<!tpu.dma_semaphore, #tpu.memory_space<semaphore_mem>>) src(%dma_wait3A_2705 : memref<128x128xf32, #tpu.memory_space<hbm>>) dst(%arg17 : memref<128x128xf32, #tpu.memory_space<vmem>>)
      %dma_wait3A_2706 = arith.constant 0 : i32
      %dma_wait3A_2707 = arith.constant 0 : i32
      %dma_wait3A_2708 = tpu.memref_slice %arg26[%dma_wait3A_2706, %dma_wait3A_2707] : memref<512x128xf32, #tpu.memory_space<vmem_shared>> -> memref<512x128xf32, #tpu.memory_space<vmem_shared>>
      tpu.wait_indirect_dma semaphore(%arg31 : memref<!tpu.dma_semaphore, #tpu.memory_space<semaphore_mem>>) src(%arg15 : memref<128x128xf32, #tpu.memory_space<vmem>>) dst(%dma_wait3A_2708 : memref<512x128xf32, #tpu.memory_space<vmem_shared>>)
      %dma_start3A_2709 = arith.constant 0 : i32
      %dma_start3A_2710 = arith.constant 0 : i32
      %dma_start3A_2711 = tpu.memref_slice %arg26[%dma_start3A_2709, %dma_start3A_2710] : memref<512x128xf32, #tpu.memory_space<vmem_shared>> -> memref<512x128xf32, #tpu.memory_space<vmem_shared>>
      tpu.enqueue_indirect_dma source(%arg17 : memref<128x128xf32, #tpu.memory_space<vmem>>) target(%dma_start3A_2711 : memref<512x128xf32, #tpu.memory_space<vmem_shared>>) offsets(%arg13 : memref<128xi32, #tpu.memory_space<vmem>>) semaphore(%arg31 : memref<!tpu.dma_semaphore, #tpu.memory_space<semaphore_mem>>) {add = true}
      %dma_wait3A_2712 = arith.constant 0 : i32
      %dma_wait3A_2713 = arith.constant 0 : i32
      %dma_wait3A_2714 = tpu.memref_slice %arg26[%dma_wait3A_2712, %dma_wait3A_2713] : memref<512x128xf32, #tpu.memory_space<vmem_shared>> -> memref<512x128xf32, #tpu.memory_space<vmem_shared>>
      tpu.wait_indirect_dma semaphore(%arg31 : memref<!tpu.dma_semaphore, #tpu.memory_space<semaphore_mem>>) src(%arg16 : memref<128x128xf32, #tpu.memory_space<vmem>>) dst(%dma_wait3A_2714 : memref<512x128xf32, #tpu.memory_space<vmem_shared>>)
      %dma_wait3A_2715 = arith.constant 0 : i32
      %dma_wait3A_2716 = arith.constant 0 : i32
      %dma_wait3A_2717 = tpu.memref_slice %arg26[%dma_wait3A_2715, %dma_wait3A_2716] : memref<512x128xf32, #tpu.memory_space<vmem_shared>> -> memref<512x128xf32, #tpu.memory_space<vmem_shared>>
      tpu.wait_indirect_dma semaphore(%arg31 : memref<!tpu.dma_semaphore, #tpu.memory_space<semaphore_mem>>) src(%arg17 : memref<128x128xf32, #tpu.memory_space<vmem>>) dst(%dma_wait3A_2717 : memref<512x128xf32, #tpu.memory_space<vmem_shared>>)
    } else {
    }
    %barrier3A_75 = arith.constant 0 : index
    tpu.barrier barrier_id(%barrier3A_75)
    %mul3A_76 = arith.constant 32 : i32
    %mul3A_77 = arith.muli %arg1, %mul3A_76 : i32
    "tpu.region"() ({
      %run_scoped3A = tpu.sem_alloc : memref<!tpu.dma_semaphore, #tpu.memory_space<semaphore_mem>>
      %dma_start3A_2542 = arith.constant 0 : i32
      %dma_start3A_2543 = tpu.memref_slice %arg26[%mul3A_77, %dma_start3A_2542] : memref<512x128xf32, #tpu.memory_space<vmem_shared>> -> memref<32x128xf32, #tpu.memory_space<vmem_shared>>
      %dma_start3A_2544 = arith.constant 0 : i32
      %dma_start3A_2545 = tpu.memref_slice %arg26[%mul3A_77, %dma_start3A_2544] : memref<512x128xf32, #tpu.memory_space<vmem_shared>> -> memref<32x128xf32, #tpu.memory_space<vmem_shared>>
      tpu.enqueue_dma source(%dma_start3A_2545 : memref<32x128xf32, #tpu.memory_space<vmem_shared>>) target(%arg18 : memref<32x128xf32, #tpu.memory_space<vmem>>) target_semaphore(%run_scoped3A : memref<!tpu.dma_semaphore, #tpu.memory_space<semaphore_mem>>)
      %dma_wait3A_2546 = arith.constant 0 : i32
      %dma_wait3A_2547 = tpu.memref_slice %arg26[%mul3A_77, %dma_wait3A_2546] : memref<512x128xf32, #tpu.memory_space<vmem_shared>> -> memref<32x128xf32, #tpu.memory_space<vmem_shared>>
      %dma_wait3A_2548 = arith.constant 0 : i32
      %dma_wait3A_2549 = tpu.memref_slice %arg26[%mul3A_77, %dma_wait3A_2548] : memref<512x128xf32, #tpu.memory_space<vmem_shared>> -> memref<32x128xf32, #tpu.memory_space<vmem_shared>>
      tpu.wait_dma2 semaphore(%run_scoped3A : memref<!tpu.dma_semaphore, #tpu.memory_space<semaphore_mem>>) src(%dma_wait3A_2549 : memref<32x128xf32, #tpu.memory_space<vmem_shared>>) dst(%arg18 : memref<32x128xf32, #tpu.memory_space<vmem>>)
      tpu.yield
    }) : () -> ()
    %iota3A = tpu.iota {dimensions = array<i32: 0>} : vector<16xi32>
    %broadcast_in_dim3A_78 = arith.constant 96 : i32
    %broadcast_in_dim3A_79 = vector.broadcast %broadcast_in_dim3A_78 : i32 to vector<16xi32>
    %gather3A = tpu.vector_load_idx %arg18[%iota3A, %broadcast_in_dim3A_79] : memref<32x128xf32, #tpu.memory_space<vmem>>[vector<16xi32>, vector<16xi32>], vector<16xf32>,
    %add3A_80 = arith.constant 16 : i32
    %add3A_81 = vector.broadcast %add3A_80 : i32 to vector<16xi32>
    %add3A_82 = arith.addi %iota3A, %add3A_81 : vector<16xi32>
    %broadcast_in_dim3A_83 = arith.constant 96 : i32
    %broadcast_in_dim3A_84 = vector.broadcast %broadcast_in_dim3A_83 : i32 to vector<16xi32>
    %gather3A_85 = tpu.vector_load_idx %arg18[%add3A_82, %broadcast_in_dim3A_84] : memref<32x128xf32, #tpu.memory_space<vmem>>[vector<16xi32>, vector<16xi32>], vector<16xf32>,
    %gt3A = arith.constant 0.000000e+00 : f32
    %gt3A_86 = vector.broadcast %gt3A : f32 to vector<16xf32>
    %gt3A_87 = arith.cmpf ogt, %gather3A, %gt3A_86 : vector<16xf32>
    %convert_element_type3A_88 = arith.extui %gt3A_87 : vector<16xi1> to vector<16xi32>
    %gt3A_89 = arith.constant 0.000000e+00 : f32
    %gt3A_90 = vector.broadcast %gt3A_89 : f32 to vector<16xf32>
    %gt3A_91 = arith.cmpf ogt, %gather3A_85, %gt3A_90 : vector<16xf32>
    %convert_element_type3A_92 = arith.extui %gt3A_91 : vector<16xi1> to vector<16xi32>
    %reduce_sum3A = arith.constant true
    %reduce_sum3A_93 = vector.broadcast %reduce_sum3A : i1 to vector<16xi1>
    %reduce_sum3A_94 = tpu.scan <sum>, %convert_element_type3A_88 masked %reduce_sum3A_93 : vector<16xi32>, vector<16xi1> -> vector<16xi32>
    %reduce_sum3A_95 = vector.extract %reduce_sum3A_94[15] : i32 from vector<16xi32>
    %reduce_sum3A_96 = arith.constant true
    %reduce_sum3A_97 = vector.broadcast %reduce_sum3A_96 : i1 to vector<16xi1>
    %reduce_sum3A_98 = tpu.scan <sum>, %convert_element_type3A_92 masked %reduce_sum3A_97 : vector<16xi32>, vector<16xi1> -> vector<16xi32>
    %reduce_sum3A_99 = vector.extract %reduce_sum3A_98[15] : i32 from vector<16xi32>
    %add3A_100 = arith.addi %reduce_sum3A_95, %reduce_sum3A_99 : i32
    %gt3A_101 = arith.constant 0 : i32
    %gt3A_102 = vector.broadcast %gt3A_101 : i32 to vector<16xi32>
    %gt3A_103 = arith.cmpi sgt, %convert_element_type3A_88, %gt3A_102 : vector<16xi32>
    %mul3A_104 = arith.constant 32 : i32
    %mul3A_105 = arith.muli %arg1, %mul3A_104 : i32
    %add3A_106 = vector.broadcast %mul3A_105 : i32 to vector<16xi32>
    %add3A_107 = arith.addi %add3A_106, %iota3A : vector<16xi32>
    %jit3A = arith.constant 16384 : i32
    %broadcast_in_dim3A_108 = vector.broadcast %jit3A : i32 to vector<16xi32>
    %select_n3A = arith.select %gt3A_103, %add3A_107, %broadcast_in_dim3A_108 : vector<16xi1>, vector<16xi32>
    %reduce_min3A = arith.constant true
    %reduce_min3A_109 = vector.broadcast %reduce_min3A : i1 to vector<16xi1>
    %reduce_min3A_110 = arith.constant -2147483648 : i32
    %reduce_min3A_111 = vector.broadcast %reduce_min3A_110 : i32 to vector<16xi32>
    %reduce_min3A_112 = arith.xori %select_n3A, %reduce_min3A_111 : vector<16xi32>
    %reduce_min3A_113 = tpu.scan <min>, %reduce_min3A_112 masked %reduce_min3A_109 : vector<16xi32>, vector<16xi1> -> vector<16xi32>
    %reduce_min3A_114 = arith.xori %reduce_min3A_113, %reduce_min3A_111 : vector<16xi32>
    %reduce_min3A_115 = vector.extract %reduce_min3A_114[15] : i32 from vector<16xi32>
    %gt3A_116 = arith.constant 0 : i32
    %gt3A_117 = vector.broadcast %gt3A_116 : i32 to vector<16xi32>
    %gt3A_118 = arith.cmpi sgt, %convert_element_type3A_92, %gt3A_117 : vector<16xi32>
    %mul3A_119 = arith.constant 32 : i32
    %mul3A_120 = arith.muli %arg1, %mul3A_119 : i32
    %add3A_121 = arith.constant 16 : i32
    %add3A_122 = arith.addi %mul3A_120, %add3A_121 : i32
    %add3A_123 = vector.broadcast %add3A_122 : i32 to vector<16xi32>
    %add3A_124 = arith.addi %add3A_123, %iota3A : vector<16xi32>
    %jit3A_125 = arith.constant 16384 : i32
    %broadcast_in_dim3A_126 = vector.broadcast %jit3A_125 : i32 to vector<16xi32>
    %select_n3A_127 = arith.select %gt3A_118, %add3A_124, %broadcast_in_dim3A_126 : vector<16xi1>, vector<16xi32>
    %reduce_min3A_128 = arith.constant true
    %reduce_min3A_129 = vector.broadcast %reduce_min3A_128 : i1 to vector<16xi1>
    %reduce_min3A_130 = arith.constant -2147483648 : i32
    %reduce_min3A_131 = vector.broadcast %reduce_min3A_130 : i32 to vector<16xi32>
    %reduce_min3A_132 = arith.xori %select_n3A_127, %reduce_min3A_131 : vector<16xi32>
    %reduce_min3A_133 = tpu.scan <min>, %reduce_min3A_132 masked %reduce_min3A_129 : vector<16xi32>, vector<16xi1> -> vector<16xi32>
    %reduce_min3A_134 = arith.xori %reduce_min3A_133, %reduce_min3A_131 : vector<16xi32>
    %reduce_min3A_135 = vector.extract %reduce_min3A_134[15] : i32 from vector<16xi32>
    %min3A = arith.minsi %reduce_min3A_115, %reduce_min3A_135 : i32
    %eq3A_136 = arith.constant 0 : i32
    %eq3A_137 = vector.broadcast %eq3A_136 : i32 to vector<16xi32>
    %eq3A_138 = arith.cmpi eq, %iota3A, %eq3A_137 : vector<16xi32>
    %eq3A_139 = arith.constant 1 : i32
    %eq3A_140 = vector.broadcast %eq3A_139 : i32 to vector<16xi32>
    %eq3A_141 = arith.cmpi eq, %iota3A, %eq3A_140 : vector<16xi32>
    %jit3A_142 = arith.constant 0 : i32
    %broadcast_in_dim3A_143 = vector.broadcast %min3A : i32 to vector<16xi32>
    %broadcast_in_dim3A_144 = vector.broadcast %jit3A_142 : i32 to vector<16xi32>
    %select_n3A_145 = arith.select %eq3A_141, %broadcast_in_dim3A_143, %broadcast_in_dim3A_144 : vector<16xi1>, vector<16xi32>
    %broadcast_in_dim3A_146 = vector.broadcast %add3A_100 : i32 to vector<16xi32>
    %select_n3A_147 = arith.select %eq3A_138, %broadcast_in_dim3A_146, %select_n3A_145 : vector<16xi1>, vector<16xi32>
    %swap3A = arith.constant 0 : index
    %swap3A_148 = tpu.vector_load %arg23[%swap3A] {strides = array<i32>} : memref<16xi32, #tpu.memory_space<vmem>>, vector<16xi32>,
    tpu.vector_store %arg23[%swap3A], %select_n3A_147 {strides = array<i32>} : memref<16xi32, #tpu.memory_space<vmem>>, vector<16xi32>,
    %barrier3A_149 = arith.constant 0 : index
    tpu.barrier barrier_id(%barrier3A_149)
    %mul3A_150 = arith.constant 16 : i32
    %mul3A_151 = arith.muli %arg1, %mul3A_150 : i32
    "tpu.region"() ({
      %run_scoped3A = tpu.sem_alloc : memref<!tpu.dma_semaphore, #tpu.memory_space<semaphore_mem>>
      %dma_start3A_2542 = tpu.memref_slice %arg28[%mul3A_151] : memref<256xi32, #tpu.memory_space<vmem_shared>> -> memref<16xi32, #tpu.memory_space<vmem_shared>>
      %dma_start3A_2543 = tpu.memref_slice %arg28[%mul3A_151] : memref<256xi32, #tpu.memory_space<vmem_shared>> -> memref<16xi32, #tpu.memory_space<vmem_shared>>
      tpu.enqueue_dma source(%arg23 : memref<16xi32, #tpu.memory_space<vmem>>) target(%dma_start3A_2543 : memref<16xi32, #tpu.memory_space<vmem_shared>>) target_semaphore(%run_scoped3A : memref<!tpu.dma_semaphore, #tpu.memory_space<semaphore_mem>>)
      %dma_wait3A_2544 = tpu.memref_slice %arg28[%mul3A_151] : memref<256xi32, #tpu.memory_space<vmem_shared>> -> memref<16xi32, #tpu.memory_space<vmem_shared>>
      %dma_wait3A_2545 = tpu.memref_slice %arg28[%mul3A_151] : memref<256xi32, #tpu.memory_space<vmem_shared>> -> memref<16xi32, #tpu.memory_space<vmem_shared>>
      tpu.wait_dma2 semaphore(%run_scoped3A : memref<!tpu.dma_semaphore, #tpu.memory_space<semaphore_mem>>) src(%arg23 : memref<16xi32, #tpu.memory_space<vmem>>) dst(%dma_wait3A_2545 : memref<16xi32, #tpu.memory_space<vmem_shared>>)
      tpu.yield
    }) : () -> ()
    %barrier3A_152 = arith.constant 0 : index
    tpu.barrier barrier_id(%barrier3A_152)
    "tpu.region"() ({
      %run_scoped3A = tpu.sem_alloc : memref<!tpu.dma_semaphore, #tpu.memory_space<semaphore_mem>>
      tpu.enqueue_dma source(%arg28 : memref<256xi32, #tpu.memory_space<vmem_shared>>) target(%arg22 : memref<256xi32, #tpu.memory_space<vmem>>) target_semaphore(%run_scoped3A : memref<!tpu.dma_semaphore, #tpu.memory_space<semaphore_mem>>)
      tpu.wait_dma2 semaphore(%run_scoped3A : memref<!tpu.dma_semaphore, #tpu.memory_space<semaphore_mem>>) src(%arg28 : memref<256xi32, #tpu.memory_space<vmem_shared>>) dst(%arg22 : memref<256xi32, #tpu.memory_space<vmem>>)
      tpu.yield
    }) : () -> ()
    %mul3A_153 = arith.constant 16 : i32
    %mul3A_154 = vector.broadcast %mul3A_153 : i32 to vector<16xi32>
    %mul3A_155 = arith.muli %iota3A, %mul3A_154 : vector<16xi32>
    %gather3A_156 = tpu.vector_load_idx %arg22[%mul3A_155] : memref<256xi32, #tpu.memory_space<vmem>>[vector<16xi32>], vector<16xi32>,
    %mul3A_157 = arith.constant 16 : i32
    %mul3A_158 = vector.broadcast %mul3A_157 : i32 to vector<16xi32>
    %mul3A_159 = arith.muli %iota3A, %mul3A_158 : vector<16xi32>
    %add3A_160 = arith.constant 1 : i32
    %add3A_161 = vector.broadcast %add3A_160 : i32 to vector<16xi32>
    %add3A_162 = arith.addi %mul3A_159, %add3A_161 : vector<16xi32>
    %gather3A_163 = tpu.vector_load_idx %arg22[%add3A_162] : memref<256xi32, #tpu.memory_space<vmem>>[vector<16xi32>], vector<16xi32>,
    %lt3A = vector.broadcast %arg1 : i32 to vector<16xi32>
    %lt3A_164 = arith.cmpi slt, %iota3A, %lt3A : vector<16xi32>
    %jit3A_165 = arith.constant 0 : i32
    %broadcast_in_dim3A_166 = vector.broadcast %jit3A_165 : i32 to vector<16xi32>
    %select_n3A_167 = arith.select %lt3A_164, %gather3A_156, %broadcast_in_dim3A_166 : vector<16xi1>, vector<16xi32>
    %reduce_sum3A_168 = arith.constant true
    %reduce_sum3A_169 = vector.broadcast %reduce_sum3A_168 : i1 to vector<16xi1>
    %reduce_sum3A_170 = tpu.scan <sum>, %select_n3A_167 masked %reduce_sum3A_169 : vector<16xi32>, vector<16xi1> -> vector<16xi32>
    %reduce_sum3A_171 = vector.extract %reduce_sum3A_170[15] : i32 from vector<16xi32>
    %reduce_sum3A_172 = arith.constant true
    %reduce_sum3A_173 = vector.broadcast %reduce_sum3A_172 : i1 to vector<16xi1>
    %reduce_sum3A_174 = tpu.scan <sum>, %gather3A_156 masked %reduce_sum3A_173 : vector<16xi32>, vector<16xi1> -> vector<16xi32>
    %reduce_sum3A_175 = vector.extract %reduce_sum3A_174[15] : i32 from vector<16xi32>
    %reduce_min3A_176 = arith.constant true
    %reduce_min3A_177 = vector.broadcast %reduce_min3A_176 : i1 to vector<16xi1>
    %reduce_min3A_178 = arith.constant -2147483648 : i32
    %reduce_min3A_179 = vector.broadcast %reduce_min3A_178 : i32 to vector<16xi32>
    %reduce_min3A_180 = arith.xori %gather3A_163, %reduce_min3A_179 : vector<16xi32>
    %reduce_min3A_181 = tpu.scan <min>, %reduce_min3A_180 masked %reduce_min3A_177 : vector<16xi32>, vector<16xi1> -> vector<16xi32>
    %reduce_min3A_182 = arith.xori %reduce_min3A_181, %reduce_min3A_179 : vector<16xi32>
    %reduce_min3A_183 = vector.extract %reduce_min3A_182[15] : i32 from vector<16xi32>
    %broadcast_in_dim3A_184 = arith.constant true
    %broadcast_in_dim3A_185 = vector.broadcast %broadcast_in_dim3A_184 : i1 to vector<16xi1>
    %masked_cumsum3A = tpu.scan <sum>, %convert_element_type3A_88 masked %broadcast_in_dim3A_185 : vector<16xi32>, vector<16xi1> -> vector<16xi32>
    %reduce_sum3A_186 = arith.constant true
    %reduce_sum3A_187 = vector.broadcast %reduce_sum3A_186 : i1 to vector<16xi1>
    %reduce_sum3A_188 = tpu.scan <sum>, %convert_element_type3A_88 masked %reduce_sum3A_187 : vector<16xi32>, vector<16xi1> -> vector<16xi32>
    %reduce_sum3A_189 = vector.extract %reduce_sum3A_188[15] : i32 from vector<16xi32>
    %add3A_190 = vector.broadcast %reduce_sum3A_171 : i32 to vector<16xi32>
    %add3A_191 = arith.addi %add3A_190, %masked_cumsum3A : vector<16xi32>
    %sub3A = arith.subi %add3A_191, %convert_element_type3A_88 : vector<16xi32>
    %add3A_192 = arith.addi %reduce_sum3A_171, %reduce_sum3A_189 : i32
    %broadcast_in_dim3A_193 = arith.constant true
    %broadcast_in_dim3A_194 = vector.broadcast %broadcast_in_dim3A_193 : i1 to vector<16xi1>
    %masked_cumsum3A_195 = tpu.scan <sum>, %convert_element_type3A_92 masked %broadcast_in_dim3A_194 : vector<16xi32>, vector<16xi1> -> vector<16xi32>
    %add3A_196 = vector.broadcast %add3A_192 : i32 to vector<16xi32>
    %add3A_197 = arith.addi %add3A_196, %masked_cumsum3A_195 : vector<16xi32>
    %sub3A_198 = arith.subi %add3A_197, %convert_element_type3A_92 : vector<16xi32>
    %sub3A_199 = arith.constant 1 : i32
    %sub3A_200 = vector.broadcast %sub3A_199 : i32 to vector<16xi32>
    %sub3A_201 = arith.subi %sub3A_200, %convert_element_type3A_88 : vector<16xi32>
    %sub3A_202 = arith.constant 1 : i32
    %sub3A_203 = vector.broadcast %sub3A_202 : i32 to vector<16xi32>
    %sub3A_204 = arith.subi %sub3A_203, %convert_element_type3A_92 : vector<16xi32>
    %mul3A_205 = arith.constant 32 : i32
    %mul3A_206 = arith.muli %arg1, %mul3A_205 : i32
    %sub3A_207 = arith.subi %mul3A_206, %reduce_sum3A_171 : i32
    %broadcast_in_dim3A_208 = arith.constant true
    %broadcast_in_dim3A_209 = vector.broadcast %broadcast_in_dim3A_208 : i1 to vector<16xi1>
    %masked_cumsum3A_210 = tpu.scan <sum>, %sub3A_201 masked %broadcast_in_dim3A_209 : vector<16xi32>, vector<16xi1> -> vector<16xi32>
    %add3A_211 = vector.broadcast %sub3A_207 : i32 to vector<16xi32>
    %add3A_212 = arith.addi %add3A_211, %masked_cumsum3A_210 : vector<16xi32>
    %sub3A_213 = arith.subi %add3A_212, %sub3A_201 : vector<16xi32>
    %sub3A_214 = arith.constant 16 : i32
    %sub3A_215 = arith.subi %sub3A_214, %reduce_sum3A_189 : i32
    %add3A_216 = arith.addi %sub3A_207, %sub3A_215 : i32
    %broadcast_in_dim3A_217 = arith.constant true
    %broadcast_in_dim3A_218 = vector.broadcast %broadcast_in_dim3A_217 : i1 to vector<16xi1>
    %masked_cumsum3A_219 = tpu.scan <sum>, %sub3A_204 masked %broadcast_in_dim3A_218 : vector<16xi32>, vector<16xi1> -> vector<16xi32>
    %add3A_220 = vector.broadcast %add3A_216 : i32 to vector<16xi32>
    %add3A_221 = arith.addi %add3A_220, %masked_cumsum3A_219 : vector<16xi32>
    %sub3A_222 = arith.subi %add3A_221, %sub3A_204 : vector<16xi32>
    %gt3A_223 = arith.constant 0 : i32
    %gt3A_224 = vector.broadcast %gt3A_223 : i32 to vector<16xi32>
    %gt3A_225 = arith.cmpi sgt, %convert_element_type3A_88, %gt3A_224 : vector<16xi32>
    %add3A_226 = vector.broadcast %reduce_sum3A_175 : i32 to vector<16xi32>
    %add3A_227 = arith.addi %add3A_226, %sub3A_213 : vector<16xi32>
    %select_n3A_228 = arith.select %gt3A_225, %sub3A, %add3A_227 : vector<16xi1>, vector<16xi32>
    %gt3A_229 = arith.constant 0 : i32
    %gt3A_230 = vector.broadcast %gt3A_229 : i32 to vector<16xi32>
    %gt3A_231 = arith.cmpi sgt, %convert_element_type3A_92, %gt3A_230 : vector<16xi32>
    %add3A_232 = vector.broadcast %reduce_sum3A_175 : i32 to vector<16xi32>
    %add3A_233 = arith.addi %add3A_232, %sub3A_222 : vector<16xi32>
    %select_n3A_234 = arith.select %gt3A_231, %sub3A_198, %add3A_233 : vector<16xi1>, vector<16xi32>
    %swap3A_235 = arith.constant 0 : index
    %swap3A_236 = tpu.vector_load %arg24[%swap3A_235] {strides = array<i32>} : memref<32xi32, #tpu.memory_space<vmem>>, vector<16xi32>,
    tpu.vector_store %arg24[%swap3A_235], %select_n3A_228 {strides = array<i32>} : memref<32xi32, #tpu.memory_space<vmem>>, vector<16xi32>,
    %swap3A_237 = arith.constant 16 : index
    %swap3A_238 = tpu.vector_load %arg24[%swap3A_237] {strides = array<i32>} : memref<32xi32, #tpu.memory_space<vmem>>, vector<16xi32>,
    tpu.vector_store %arg24[%swap3A_237], %select_n3A_234 {strides = array<i32>} : memref<32xi32, #tpu.memory_space<vmem>>, vector<16xi32>,
    %broadcast_in_dim3A_239 = arith.constant 0 : i32
    %broadcast_in_dim3A_240 = vector.broadcast %broadcast_in_dim3A_239 : i32 to vector<16xi32>
    %mul3A_241 = arith.constant 32 : i32
    %mul3A_242 = arith.muli %arg1, %mul3A_241 : i32
    %add3A_243 = vector.broadcast %mul3A_242 : i32 to vector<16xi32>
    %add3A_244 = arith.addi %add3A_243, %iota3A : vector<16xi32>
    tpu.vector_store_idx %arg21[%iota3A, %broadcast_in_dim3A_240], %add3A_244 : memref<32x8xi32, #tpu.memory_space<vmem>>[vector<16xi32>, vector<16xi32>], vector<16xi32>,
    %add3A_245 = arith.constant 16 : i32
    %add3A_246 = vector.broadcast %add3A_245 : i32 to vector<16xi32>
    %add3A_247 = arith.addi %iota3A, %add3A_246 : vector<16xi32>
    %mul3A_248 = arith.constant 32 : i32
    %mul3A_249 = arith.muli %arg1, %mul3A_248 : i32
    %add3A_250 = arith.constant 16 : i32
    %add3A_251 = arith.addi %mul3A_249, %add3A_250 : i32
    %add3A_252 = vector.broadcast %add3A_251 : i32 to vector<16xi32>
    %add3A_253 = arith.addi %add3A_252, %iota3A : vector<16xi32>
    tpu.vector_store_idx %arg21[%add3A_247, %broadcast_in_dim3A_240], %add3A_253 : memref<32x8xi32, #tpu.memory_space<vmem>>[vector<16xi32>, vector<16xi32>], vector<16xi32>,
    %barrier3A_254 = arith.constant 0 : index
    tpu.barrier barrier_id(%barrier3A_254)
    "tpu.region"() ({
      %run_scoped3A = tpu.sem_alloc : memref<!tpu.dma_semaphore, #tpu.memory_space<semaphore_mem>>
      %dma_start3A_2542 = arith.constant 0 : i32
      %dma_start3A_2543 = arith.constant 0 : i32
      %dma_start3A_2544 = tpu.memref_slice %arg27[%dma_start3A_2542, %dma_start3A_2543] : memref<512x8xi32, #tpu.memory_space<vmem_shared>> -> memref<512x8xi32, #tpu.memory_space<vmem_shared>>
      tpu.enqueue_indirect_dma source(%arg21 : memref<32x8xi32, #tpu.memory_space<vmem>>) target(%dma_start3A_2544 : memref<512x8xi32, #tpu.memory_space<vmem_shared>>) offsets(%arg24 : memref<32xi32, #tpu.memory_space<vmem>>) semaphore(%run_scoped3A : memref<!tpu.dma_semaphore, #tpu.memory_space<semaphore_mem>>)
      %dma_wait3A_2545 = arith.constant 0 : i32
      %dma_wait3A_2546 = arith.constant 0 : i32
      %dma_wait3A_2547 = tpu.memref_slice %arg27[%dma_wait3A_2545, %dma_wait3A_2546] : memref<512x8xi32, #tpu.memory_space<vmem_shared>> -> memref<512x8xi32, #tpu.memory_space<vmem_shared>>
      tpu.wait_indirect_dma semaphore(%run_scoped3A : memref<!tpu.dma_semaphore, #tpu.memory_space<semaphore_mem>>) src(%arg21 : memref<32x8xi32, #tpu.memory_space<vmem>>) dst(%dma_wait3A_2547 : memref<512x8xi32, #tpu.memory_space<vmem_shared>>)
      tpu.yield
    }) : () -> ()
    %barrier3A_255 = arith.constant 0 : index
    tpu.barrier barrier_id(%barrier3A_255)
    %mul3A_256 = arith.constant 32 : i32
    %mul3A_257 = arith.muli %arg1, %mul3A_256 : i32
    "tpu.region"() ({
      %run_scoped3A = tpu.sem_alloc : memref<!tpu.dma_semaphore, #tpu.memory_space<semaphore_mem>>
      %dma_start3A_2542 = arith.constant 0 : i32
      %dma_start3A_2543 = tpu.memref_slice %arg27[%mul3A_257, %dma_start3A_2542] : memref<512x8xi32, #tpu.memory_space<vmem_shared>> -> memref<32x8xi32, #tpu.memory_space<vmem_shared>>
      %dma_start3A_2544 = arith.constant 0 : i32
      %dma_start3A_2545 = tpu.memref_slice %arg27[%mul3A_257, %dma_start3A_2544] : memref<512x8xi32, #tpu.memory_space<vmem_shared>> -> memref<32x8xi32, #tpu.memory_space<vmem_shared>>
      tpu.enqueue_dma source(%dma_start3A_2545 : memref<32x8xi32, #tpu.memory_space<vmem_shared>>) target(%arg20 : memref<32x8xi32, #tpu.memory_space<vmem>>) target_semaphore(%run_scoped3A : memref<!tpu.dma_semaphore, #tpu.memory_space<semaphore_mem>>)
      %dma_wait3A_2546 = arith.constant 0 : i32
      %dma_wait3A_2547 = tpu.memref_slice %arg27[%mul3A_257, %dma_wait3A_2546] : memref<512x8xi32, #tpu.memory_space<vmem_shared>> -> memref<32x8xi32, #tpu.memory_space<vmem_shared>>
      %dma_wait3A_2548 = arith.constant 0 : i32
      %dma_wait3A_2549 = tpu.memref_slice %arg27[%mul3A_257, %dma_wait3A_2548] : memref<512x8xi32, #tpu.memory_space<vmem_shared>> -> memref<32x8xi32, #tpu.memory_space<vmem_shared>>
      tpu.wait_dma2 semaphore(%run_scoped3A : memref<!tpu.dma_semaphore, #tpu.memory_space<semaphore_mem>>) src(%dma_wait3A_2549 : memref<32x8xi32, #tpu.memory_space<vmem_shared>>) dst(%arg20 : memref<32x8xi32, #tpu.memory_space<vmem>>)
      tpu.yield
    }) : () -> ()
    %broadcast_in_dim3A_258 = arith.constant 0 : i32
    %broadcast_in_dim3A_259 = vector.broadcast %broadcast_in_dim3A_258 : i32 to vector<16xi32>
    %gather3A_260 = tpu.vector_load_idx %arg20[%iota3A, %broadcast_in_dim3A_259] : memref<32x8xi32, #tpu.memory_space<vmem>>[vector<16xi32>, vector<16xi32>], vector<16xi32>,
    %add3A_261 = arith.constant 16 : i32
    %add3A_262 = vector.broadcast %add3A_261 : i32 to vector<16xi32>
    %add3A_263 = arith.addi %iota3A, %add3A_262 : vector<16xi32>
    %gather3A_264 = tpu.vector_load_idx %arg20[%add3A_263, %broadcast_in_dim3A_259] : memref<32x8xi32, #tpu.memory_space<vmem>>[vector<16xi32>, vector<16xi32>], vector<16xi32>,
    %mul3A_265 = arith.constant 32 : i32
    %mul3A_266 = arith.muli %arg1, %mul3A_265 : i32
    %add3A_267 = vector.broadcast %mul3A_266 : i32 to vector<16xi32>
    %add3A_268 = arith.addi %add3A_267, %iota3A : vector<16xi32>
    %add3A_269 = arith.constant 16 : i32
    %add3A_270 = vector.broadcast %add3A_269 : i32 to vector<16xi32>
    %add3A_271 = arith.addi %add3A_268, %add3A_270 : vector<16xi32>
    %lt3A_272 = vector.broadcast %reduce_sum3A_175 : i32 to vector<16xi32>
    %lt3A_273 = arith.cmpi slt, %add3A_268, %lt3A_272 : vector<16xi32>
    %broadcast_in_dim3A_274 = vector.broadcast %reduce_min3A_183 : i32 to vector<16xi32>
    %select_n3A_275 = arith.select %lt3A_273, %gather3A_260, %broadcast_in_dim3A_274 : vector<16xi1>, vector<16xi32>
    %swap3A_276 = arith.constant 0 : index
    %swap3A_277 = tpu.vector_load %arg25[%swap3A_276] {strides = array<i32>} : memref<32xi32, #tpu.memory_space<vmem>>, vector<16xi32>,
    tpu.vector_store %arg25[%swap3A_276], %select_n3A_275 {strides = array<i32>} : memref<32xi32, #tpu.memory_space<vmem>>, vector<16xi32>,
    %lt3A_278 = vector.broadcast %reduce_sum3A_175 : i32 to vector<16xi32>
    %lt3A_279 = arith.cmpi slt, %add3A_271, %lt3A_278 : vector<16xi32>
    %broadcast_in_dim3A_280 = vector.broadcast %reduce_min3A_183 : i32 to vector<16xi32>
    %select_n3A_281 = arith.select %lt3A_279, %gather3A_264, %broadcast_in_dim3A_280 : vector<16xi1>, vector<16xi32>
    %swap3A_282 = arith.constant 16 : index
    %swap3A_283 = tpu.vector_load %arg25[%swap3A_282] {strides = array<i32>} : memref<32xi32, #tpu.memory_space<vmem>>, vector<16xi32>,
    tpu.vector_store %arg25[%swap3A_282], %select_n3A_281 {strides = array<i32>} : memref<32xi32, #tpu.memory_space<vmem>>, vector<16xi32>,
    %barrier3A_284 = arith.constant 0 : index
    tpu.barrier barrier_id(%barrier3A_284)
    "tpu.region"() ({
      %run_scoped3A = tpu.sem_alloc : memref<!tpu.dma_semaphore, #tpu.memory_space<semaphore_mem>>
      %dma_start3A_2542 = arith.constant 0 : i32
      %dma_start3A_2543 = arith.constant 0 : i32
      %dma_start3A_2544 = tpu.memref_slice %arg26[%dma_start3A_2542, %dma_start3A_2543] : memref<512x128xf32, #tpu.memory_space<vmem_shared>> -> memref<512x128xf32, #tpu.memory_space<vmem_shared>>
      tpu.enqueue_indirect_dma source(%dma_start3A_2544 : memref<512x128xf32, #tpu.memory_space<vmem_shared>>) target(%arg18 : memref<32x128xf32, #tpu.memory_space<vmem>>) offsets(%arg25 : memref<32xi32, #tpu.memory_space<vmem>>) semaphore(%run_scoped3A : memref<!tpu.dma_semaphore, #tpu.memory_space<semaphore_mem>>)
      %dma_wait3A_2545 = arith.constant 0 : i32
      %dma_wait3A_2546 = arith.constant 0 : i32
      %dma_wait3A_2547 = tpu.memref_slice %arg26[%dma_wait3A_2545, %dma_wait3A_2546] : memref<512x128xf32, #tpu.memory_space<vmem_shared>> -> memref<512x128xf32, #tpu.memory_space<vmem_shared>>
      tpu.wait_indirect_dma semaphore(%run_scoped3A : memref<!tpu.dma_semaphore, #tpu.memory_space<semaphore_mem>>) src(%dma_wait3A_2547 : memref<512x128xf32, #tpu.memory_space<vmem_shared>>) dst(%arg18 : memref<32x128xf32, #tpu.memory_space<vmem>>)
      tpu.yield
    }) : () -> ()
    %broadcast_in_dim3A_285 = arith.constant 96 : i32
    %broadcast_in_dim3A_286 = vector.broadcast %broadcast_in_dim3A_285 : i32 to vector<16xi32>
    %gather3A_287 = tpu.vector_load_idx %arg18[%iota3A, %broadcast_in_dim3A_286] : memref<32x128xf32, #tpu.memory_space<vmem>>[vector<16xi32>, vector<16xi32>], vector<16xf32>,
    %add3A_288 = arith.constant 16 : i32
    %add3A_289 = vector.broadcast %add3A_288 : i32 to vector<16xi32>
    %add3A_290 = arith.addi %iota3A, %add3A_289 : vector<16xi32>
    %broadcast_in_dim3A_291 = arith.constant 96 : i32
    %broadcast_in_dim3A_292 = vector.broadcast %broadcast_in_dim3A_291 : i32 to vector<16xi32>
    %gather3A_293 = tpu.vector_load_idx %arg18[%add3A_290, %broadcast_in_dim3A_292] : memref<32x128xf32, #tpu.memory_space<vmem>>[vector<16xi32>, vector<16xi32>], vector<16xf32>,
    %div3A = arith.constant 1.000000e+00 : f32
    %div3A_294 = vector.broadcast %div3A : f32 to vector<16xf32>
    %div3A_295 = arith.divf %div3A_294, %gather3A_287 : vector<16xf32>
    %div3A_296 = arith.constant 1.000000e+00 : f32
    %div3A_297 = vector.broadcast %div3A_296 : f32 to vector<16xf32>
    %div3A_298 = arith.divf %div3A_297, %gather3A_293 : vector<16xf32>
    %eq3A_299 = arith.constant 0 : i32
    %eq3A_300 = vector.broadcast %eq3A_299 : i32 to vector<16xi32>
    %eq3A_301 = arith.cmpi eq, %iota3A, %eq3A_300 : vector<16xi32>
    %jit3A_302 = arith.constant 0.000000e+00 : f32
    %broadcast_in_dim3A_303 = vector.broadcast %jit3A_302 : f32 to vector<16xf32>
    %select_n3A_304 = arith.select %eq3A_301, %div3A_295, %broadcast_in_dim3A_303 : vector<16xi1>, vector<16xf32>
    %reduce_sum3A_305 = arith.constant true
    %reduce_sum3A_306 = vector.broadcast %reduce_sum3A_305 : i1 to vector<16xi1>
    %reduce_sum3A_307 = tpu.scan <sum>, %select_n3A_304 masked %reduce_sum3A_306 : vector<16xf32>, vector<16xi1> -> vector<16xf32>
    %reduce_sum3A_308 = vector.extract %reduce_sum3A_307[15] : f32 from vector<16xf32>
    %get3A = arith.constant 0 : i32
    %get3A_309 = arith.index_cast %get3A : i32 to index
    %get3A_310 = arith.constant 0 : index
    %get3A_311 = tpu.vector_load %arg18[%get3A_309, %get3A_310] {strides = array<i32>} : memref<32x128xf32, #tpu.memory_space<vmem>>, vector<16xf32>,
    %mul3A_312 = vector.broadcast %reduce_sum3A_308 : f32 to vector<16xf32>
    %mul3A_313 = arith.mulf %get3A_311, %mul3A_312 : vector<16xf32>
    %swap3A_314 = arith.constant 0 : i32
    %swap3A_315 = arith.index_cast %swap3A_314 : i32 to index
    %swap3A_316 = arith.constant 0 : index
    %swap3A_317 = tpu.vector_load %arg19[%swap3A_315, %swap3A_316] {strides = array<i32>} : memref<32x96xf32, #tpu.memory_space<vmem>>, vector<16xf32>,
    tpu.vector_store %arg19[%swap3A_315, %swap3A_316], %mul3A_313 {strides = array<i32>} : memref<32x96xf32, #tpu.memory_space<vmem>>, vector<16xf32>,
    %get3A_318 = arith.constant 0 : i32
    %get3A_319 = arith.index_cast %get3A_318 : i32 to index
    %get3A_320 = arith.constant 16 : index
    %get3A_321 = tpu.vector_load %arg18[%get3A_319, %get3A_320] {strides = array<i32>} : memref<32x128xf32, #tpu.memory_space<vmem>>, vector<16xf32>,
    %mul3A_322 = vector.broadcast %reduce_sum3A_308 : f32 to vector<16xf32>
    %mul3A_323 = arith.mulf %get3A_321, %mul3A_322 : vector<16xf32>
    %swap3A_324 = arith.constant 0 : i32
    %swap3A_325 = arith.index_cast %swap3A_324 : i32 to index
    %swap3A_326 = arith.constant 16 : index
    %swap3A_327 = tpu.vector_load %arg19[%swap3A_325, %swap3A_326] {strides = array<i32>} : memref<32x96xf32, #tpu.memory_space<vmem>>, vector<16xf32>,
    tpu.vector_store %arg19[%swap3A_325, %swap3A_326], %mul3A_323 {strides = array<i32>} : memref<32x96xf32, #tpu.memory_space<vmem>>, vector<16xf32>,
    %get3A_328 = arith.constant 0 : i32
    %get3A_329 = arith.index_cast %get3A_328 : i32 to index
    %get3A_330 = arith.constant 32 : index
    %get3A_331 = tpu.vector_load %arg18[%get3A_329, %get3A_330] {strides = array<i32>} : memref<32x128xf32, #tpu.memory_space<vmem>>, vector<16xf32>,
    %mul3A_332 = vector.broadcast %reduce_sum3A_308 : f32 to vector<16xf32>
    %mul3A_333 = arith.mulf %get3A_331, %mul3A_332 : vector<16xf32>
    %swap3A_334 = arith.constant 0 : i32
    %swap3A_335 = arith.index_cast %swap3A_334 : i32 to index
    %swap3A_336 = arith.constant 32 : index
    %swap3A_337 = tpu.vector_load %arg19[%swap3A_335, %swap3A_336] {strides = array<i32>} : memref<32x96xf32, #tpu.memory_space<vmem>>, vector<16xf32>,
    tpu.vector_store %arg19[%swap3A_335, %swap3A_336], %mul3A_333 {strides = array<i32>} : memref<32x96xf32, #tpu.memory_space<vmem>>, vector<16xf32>,
    %get3A_338 = arith.constant 0 : i32
    %get3A_339 = arith.index_cast %get3A_338 : i32 to index
    %get3A_340 = arith.constant 48 : index
    %get3A_341 = tpu.vector_load %arg18[%get3A_339, %get3A_340] {strides = array<i32>} : memref<32x128xf32, #tpu.memory_space<vmem>>, vector<16xf32>,
    %mul3A_342 = vector.broadcast %reduce_sum3A_308 : f32 to vector<16xf32>
    %mul3A_343 = arith.mulf %get3A_341, %mul3A_342 : vector<16xf32>
    %swap3A_344 = arith.constant 0 : i32
    %swap3A_345 = arith.index_cast %swap3A_344 : i32 to index
    %swap3A_346 = arith.constant 48 : index
    %swap3A_347 = tpu.vector_load %arg19[%swap3A_345, %swap3A_346] {strides = array<i32>} : memref<32x96xf32, #tpu.memory_space<vmem>>, vector<16xf32>,
    tpu.vector_store %arg19[%swap3A_345, %swap3A_346], %mul3A_343 {strides = array<i32>} : memref<32x96xf32, #tpu.memory_space<vmem>>, vector<16xf32>,
    %get3A_348 = arith.constant 0 : i32
    %get3A_349 = arith.index_cast %get3A_348 : i32 to index
    %get3A_350 = arith.constant 64 : index
    %get3A_351 = tpu.vector_load %arg18[%get3A_349, %get3A_350] {strides = array<i32>} : memref<32x128xf32, #tpu.memory_space<vmem>>, vector<16xf32>,
    %mul3A_352 = vector.broadcast %reduce_sum3A_308 : f32 to vector<16xf32>
    %mul3A_353 = arith.mulf %get3A_351, %mul3A_352 : vector<16xf32>
    %swap3A_354 = arith.constant 0 : i32
    %swap3A_355 = arith.index_cast %swap3A_354 : i32 to index
    %swap3A_356 = arith.constant 64 : index
    %swap3A_357 = tpu.vector_load %arg19[%swap3A_355, %swap3A_356] {strides = array<i32>} : memref<32x96xf32, #tpu.memory_space<vmem>>, vector<16xf32>,
    tpu.vector_store %arg19[%swap3A_355, %swap3A_356], %mul3A_353 {strides = array<i32>} : memref<32x96xf32, #tpu.memory_space<vmem>>, vector<16xf32>,
    %get3A_358 = arith.constant 0 : i32
    %get3A_359 = arith.index_cast %get3A_358 : i32 to index
    %get3A_360 = arith.constant 80 : index
    %get3A_361 = tpu.vector_load %arg18[%get3A_359, %get3A_360] {strides = array<i32>} : memref<32x128xf32, #tpu.memory_space<vmem>>, vector<16xf32>,
    %mul3A_362 = vector.broadcast %reduce_sum3A_308 : f32 to vector<16xf32>
    %mul3A_363 = arith.mulf %get3A_361, %mul3A_362 : vector<16xf32>
    %swap3A_364 = arith.constant 0 : i32
    %swap3A_365 = arith.index_cast %swap3A_364 : i32 to index
    %swap3A_366 = arith.constant 80 : index
    %swap3A_367 = tpu.vector_load %arg19[%swap3A_365, %swap3A_366] {strides = array<i32>} : memref<32x96xf32, #tpu.memory_space<vmem>>, vector<16xf32>,
    tpu.vector_store %arg19[%swap3A_365, %swap3A_366], %mul3A_363 {strides = array<i32>} : memref<32x96xf32, #tpu.memory_space<vmem>>, vector<16xf32>,
    %eq3A_368 = arith.constant 1 : i32
    %eq3A_369 = vector.broadcast %eq3A_368 : i32 to vector<16xi32>
    %eq3A_370 = arith.cmpi eq, %iota3A, %eq3A_369 : vector<16xi32>
    %jit3A_371 = arith.constant 0.000000e+00 : f32
    %broadcast_in_dim3A_372 = vector.broadcast %jit3A_371 : f32 to vector<16xf32>
    %select_n3A_373 = arith.select %eq3A_370, %div3A_295, %broadcast_in_dim3A_372 : vector<16xi1>, vector<16xf32>
    %reduce_sum3A_374 = arith.constant true
    %reduce_sum3A_375 = vector.broadcast %reduce_sum3A_374 : i1 to vector<16xi1>
    %reduce_sum3A_376 = tpu.scan <sum>, %select_n3A_373 masked %reduce_sum3A_375 : vector<16xf32>, vector<16xi1> -> vector<16xf32>
    %reduce_sum3A_377 = vector.extract %reduce_sum3A_376[15] : f32 from vector<16xf32>
    %get3A_378 = arith.constant 1 : i32
    %get3A_379 = arith.index_cast %get3A_378 : i32 to index
    %get3A_380 = arith.constant 0 : index
    %get3A_381 = tpu.vector_load %arg18[%get3A_379, %get3A_380] {strides = array<i32>} : memref<32x128xf32, #tpu.memory_space<vmem>>, vector<16xf32>,
    %mul3A_382 = vector.broadcast %reduce_sum3A_377 : f32 to vector<16xf32>
    %mul3A_383 = arith.mulf %get3A_381, %mul3A_382 : vector<16xf32>
    %swap3A_384 = arith.constant 1 : i32
    %swap3A_385 = arith.index_cast %swap3A_384 : i32 to index
    %swap3A_386 = arith.constant 0 : index
    %swap3A_387 = tpu.vector_load %arg19[%swap3A_385, %swap3A_386] {strides = array<i32>} : memref<32x96xf32, #tpu.memory_space<vmem>>, vector<16xf32>,
    tpu.vector_store %arg19[%swap3A_385, %swap3A_386], %mul3A_383 {strides = array<i32>} : memref<32x96xf32, #tpu.memory_space<vmem>>, vector<16xf32>,
    %get3A_388 = arith.constant 1 : i32
    %get3A_389 = arith.index_cast %get3A_388 : i32 to index
    %get3A_390 = arith.constant 16 : index
    %get3A_391 = tpu.vector_load %arg18[%get3A_389, %get3A_390] {strides = array<i32>} : memref<32x128xf32, #tpu.memory_space<vmem>>, vector<16xf32>,
    %mul3A_392 = vector.broadcast %reduce_sum3A_377 : f32 to vector<16xf32>
    %mul3A_393 = arith.mulf %get3A_391, %mul3A_392 : vector<16xf32>
    %swap3A_394 = arith.constant 1 : i32
    %swap3A_395 = arith.index_cast %swap3A_394 : i32 to index
    %swap3A_396 = arith.constant 16 : index
    %swap3A_397 = tpu.vector_load %arg19[%swap3A_395, %swap3A_396] {strides = array<i32>} : memref<32x96xf32, #tpu.memory_space<vmem>>, vector<16xf32>,
    tpu.vector_store %arg19[%swap3A_395, %swap3A_396], %mul3A_393 {strides = array<i32>} : memref<32x96xf32, #tpu.memory_space<vmem>>, vector<16xf32>,
    %get3A_398 = arith.constant 1 : i32
    %get3A_399 = arith.index_cast %get3A_398 : i32 to index
    %get3A_400 = arith.constant 32 : index
    %get3A_401 = tpu.vector_load %arg18[%get3A_399, %get3A_400] {strides = array<i32>} : memref<32x128xf32, #tpu.memory_space<vmem>>, vector<16xf32>,
    %mul3A_402 = vector.broadcast %reduce_sum3A_377 : f32 to vector<16xf32>
    %mul3A_403 = arith.mulf %get3A_401, %mul3A_402 : vector<16xf32>
    %swap3A_404 = arith.constant 1 : i32
    %swap3A_405 = arith.index_cast %swap3A_404 : i32 to index
    %swap3A_406 = arith.constant 32 : index
    %swap3A_407 = tpu.vector_load %arg19[%swap3A_405, %swap3A_406] {strides = array<i32>} : memref<32x96xf32, #tpu.memory_space<vmem>>, vector<16xf32>,
    tpu.vector_store %arg19[%swap3A_405, %swap3A_406], %mul3A_403 {strides = array<i32>} : memref<32x96xf32, #tpu.memory_space<vmem>>, vector<16xf32>,
    %get3A_408 = arith.constant 1 : i32
    %get3A_409 = arith.index_cast %get3A_408 : i32 to index
    %get3A_410 = arith.constant 48 : index
    %get3A_411 = tpu.vector_load %arg18[%get3A_409, %get3A_410] {strides = array<i32>} : memref<32x128xf32, #tpu.memory_space<vmem>>, vector<16xf32>,
    %mul3A_412 = vector.broadcast %reduce_sum3A_377 : f32 to vector<16xf32>
    %mul3A_413 = arith.mulf %get3A_411, %mul3A_412 : vector<16xf32>
    %swap3A_414 = arith.constant 1 : i32
    %swap3A_415 = arith.index_cast %swap3A_414 : i32 to index
    %swap3A_416 = arith.constant 48 : index
    %swap3A_417 = tpu.vector_load %arg19[%swap3A_415, %swap3A_416] {strides = array<i32>} : memref<32x96xf32, #tpu.memory_space<vmem>>, vector<16xf32>,
    tpu.vector_store %arg19[%swap3A_415, %swap3A_416], %mul3A_413 {strides = array<i32>} : memref<32x96xf32, #tpu.memory_space<vmem>>, vector<16xf32>,
    %get3A_418 = arith.constant 1 : i32
    %get3A_419 = arith.index_cast %get3A_418 : i32 to index
    %get3A_420 = arith.constant 64 : index
    %get3A_421 = tpu.vector_load %arg18[%get3A_419, %get3A_420] {strides = array<i32>} : memref<32x128xf32, #tpu.memory_space<vmem>>, vector<16xf32>,
    %mul3A_422 = vector.broadcast %reduce_sum3A_377 : f32 to vector<16xf32>
    %mul3A_423 = arith.mulf %get3A_421, %mul3A_422 : vector<16xf32>
    %swap3A_424 = arith.constant 1 : i32
    %swap3A_425 = arith.index_cast %swap3A_424 : i32 to index
    %swap3A_426 = arith.constant 64 : index
    %swap3A_427 = tpu.vector_load %arg19[%swap3A_425, %swap3A_426] {strides = array<i32>} : memref<32x96xf32, #tpu.memory_space<vmem>>, vector<16xf32>,
    tpu.vector_store %arg19[%swap3A_425, %swap3A_426], %mul3A_423 {strides = array<i32>} : memref<32x96xf32, #tpu.memory_space<vmem>>, vector<16xf32>,
    %get3A_428 = arith.constant 1 : i32
    %get3A_429 = arith.index_cast %get3A_428 : i32 to index
    %get3A_430 = arith.constant 80 : index
    %get3A_431 = tpu.vector_load %arg18[%get3A_429, %get3A_430] {strides = array<i32>} : memref<32x128xf32, #tpu.memory_space<vmem>>, vector<16xf32>,
    %mul3A_432 = vector.broadcast %reduce_sum3A_377 : f32 to vector<16xf32>
    %mul3A_433 = arith.mulf %get3A_431, %mul3A_432 : vector<16xf32>
    %swap3A_434 = arith.constant 1 : i32
    %swap3A_435 = arith.index_cast %swap3A_434 : i32 to index
    %swap3A_436 = arith.constant 80 : index
    %swap3A_437 = tpu.vector_load %arg19[%swap3A_435, %swap3A_436] {strides = array<i32>} : memref<32x96xf32, #tpu.memory_space<vmem>>, vector<16xf32>,
    tpu.vector_store %arg19[%swap3A_435, %swap3A_436], %mul3A_433 {strides = array<i32>} : memref<32x96xf32, #tpu.memory_space<vmem>>, vector<16xf32>,
    %eq3A_438 = arith.constant 2 : i32
    %eq3A_439 = vector.broadcast %eq3A_438 : i32 to vector<16xi32>
    %eq3A_440 = arith.cmpi eq, %iota3A, %eq3A_439 : vector<16xi32>
    %jit3A_441 = arith.constant 0.000000e+00 : f32
    %broadcast_in_dim3A_442 = vector.broadcast %jit3A_441 : f32 to vector<16xf32>
    %select_n3A_443 = arith.select %eq3A_440, %div3A_295, %broadcast_in_dim3A_442 : vector<16xi1>, vector<16xf32>
    %reduce_sum3A_444 = arith.constant true
    %reduce_sum3A_445 = vector.broadcast %reduce_sum3A_444 : i1 to vector<16xi1>
    %reduce_sum3A_446 = tpu.scan <sum>, %select_n3A_443 masked %reduce_sum3A_445 : vector<16xf32>, vector<16xi1> -> vector<16xf32>
    %reduce_sum3A_447 = vector.extract %reduce_sum3A_446[15] : f32 from vector<16xf32>
    %get3A_448 = arith.constant 2 : i32
    %get3A_449 = arith.index_cast %get3A_448 : i32 to index
    %get3A_450 = arith.constant 0 : index
    %get3A_451 = tpu.vector_load %arg18[%get3A_449, %get3A_450] {strides = array<i32>} : memref<32x128xf32, #tpu.memory_space<vmem>>, vector<16xf32>,
    %mul3A_452 = vector.broadcast %reduce_sum3A_447 : f32 to vector<16xf32>
    %mul3A_453 = arith.mulf %get3A_451, %mul3A_452 : vector<16xf32>
    %swap3A_454 = arith.constant 2 : i32
    %swap3A_455 = arith.index_cast %swap3A_454 : i32 to index
    %swap3A_456 = arith.constant 0 : index
    %swap3A_457 = tpu.vector_load %arg19[%swap3A_455, %swap3A_456] {strides = array<i32>} : memref<32x96xf32, #tpu.memory_space<vmem>>, vector<16xf32>,
    tpu.vector_store %arg19[%swap3A_455, %swap3A_456], %mul3A_453 {strides = array<i32>} : memref<32x96xf32, #tpu.memory_space<vmem>>, vector<16xf32>,
    %get3A_458 = arith.constant 2 : i32
    %get3A_459 = arith.index_cast %get3A_458 : i32 to index
    %get3A_460 = arith.constant 16 : index
    %get3A_461 = tpu.vector_load %arg18[%get3A_459, %get3A_460] {strides = array<i32>} : memref<32x128xf32, #tpu.memory_space<vmem>>, vector<16xf32>,
    %mul3A_462 = vector.broadcast %reduce_sum3A_447 : f32 to vector<16xf32>
    %mul3A_463 = arith.mulf %get3A_461, %mul3A_462 : vector<16xf32>
    %swap3A_464 = arith.constant 2 : i32
    %swap3A_465 = arith.index_cast %swap3A_464 : i32 to index
    %swap3A_466 = arith.constant 16 : index
    %swap3A_467 = tpu.vector_load %arg19[%swap3A_465, %swap3A_466] {strides = array<i32>} : memref<32x96xf32, #tpu.memory_space<vmem>>, vector<16xf32>,
    tpu.vector_store %arg19[%swap3A_465, %swap3A_466], %mul3A_463 {strides = array<i32>} : memref<32x96xf32, #tpu.memory_space<vmem>>, vector<16xf32>,
    %get3A_468 = arith.constant 2 : i32
    %get3A_469 = arith.index_cast %get3A_468 : i32 to index
    %get3A_470 = arith.constant 32 : index
    %get3A_471 = tpu.vector_load %arg18[%get3A_469, %get3A_470] {strides = array<i32>} : memref<32x128xf32, #tpu.memory_space<vmem>>, vector<16xf32>,
    %mul3A_472 = vector.broadcast %reduce_sum3A_447 : f32 to vector<16xf32>
    %mul3A_473 = arith.mulf %get3A_471, %mul3A_472 : vector<16xf32>
    %swap3A_474 = arith.constant 2 : i32
    %swap3A_475 = arith.index_cast %swap3A_474 : i32 to index
    %swap3A_476 = arith.constant 32 : index
    %swap3A_477 = tpu.vector_load %arg19[%swap3A_475, %swap3A_476] {strides = array<i32>} : memref<32x96xf32, #tpu.memory_space<vmem>>, vector<16xf32>,
    tpu.vector_store %arg19[%swap3A_475, %swap3A_476], %mul3A_473 {strides = array<i32>} : memref<32x96xf32, #tpu.memory_space<vmem>>, vector<16xf32>,
    %get3A_478 = arith.constant 2 : i32
    %get3A_479 = arith.index_cast %get3A_478 : i32 to index
    %get3A_480 = arith.constant 48 : index
    %get3A_481 = tpu.vector_load %arg18[%get3A_479, %get3A_480] {strides = array<i32>} : memref<32x128xf32, #tpu.memory_space<vmem>>, vector<16xf32>,
    %mul3A_482 = vector.broadcast %reduce_sum3A_447 : f32 to vector<16xf32>
    %mul3A_483 = arith.mulf %get3A_481, %mul3A_482 : vector<16xf32>
    %swap3A_484 = arith.constant 2 : i32
    %swap3A_485 = arith.index_cast %swap3A_484 : i32 to index
    %swap3A_486 = arith.constant 48 : index
    %swap3A_487 = tpu.vector_load %arg19[%swap3A_485, %swap3A_486] {strides = array<i32>} : memref<32x96xf32, #tpu.memory_space<vmem>>, vector<16xf32>,
    tpu.vector_store %arg19[%swap3A_485, %swap3A_486], %mul3A_483 {strides = array<i32>} : memref<32x96xf32, #tpu.memory_space<vmem>>, vector<16xf32>,
    %get3A_488 = arith.constant 2 : i32
    %get3A_489 = arith.index_cast %get3A_488 : i32 to index
    %get3A_490 = arith.constant 64 : index
    %get3A_491 = tpu.vector_load %arg18[%get3A_489, %get3A_490] {strides = array<i32>} : memref<32x128xf32, #tpu.memory_space<vmem>>, vector<16xf32>,
    %mul3A_492 = vector.broadcast %reduce_sum3A_447 : f32 to vector<16xf32>
    %mul3A_493 = arith.mulf %get3A_491, %mul3A_492 : vector<16xf32>
    %swap3A_494 = arith.constant 2 : i32
    %swap3A_495 = arith.index_cast %swap3A_494 : i32 to index
    %swap3A_496 = arith.constant 64 : index
    %swap3A_497 = tpu.vector_load %arg19[%swap3A_495, %swap3A_496] {strides = array<i32>} : memref<32x96xf32, #tpu.memory_space<vmem>>, vector<16xf32>,
    tpu.vector_store %arg19[%swap3A_495, %swap3A_496], %mul3A_493 {strides = array<i32>} : memref<32x96xf32, #tpu.memory_space<vmem>>, vector<16xf32>,
    %get3A_498 = arith.constant 2 : i32
    %get3A_499 = arith.index_cast %get3A_498 : i32 to index
    %get3A_500 = arith.constant 80 : index
    %get3A_501 = tpu.vector_load %arg18[%get3A_499, %get3A_500] {strides = array<i32>} : memref<32x128xf32, #tpu.memory_space<vmem>>, vector<16xf32>,
    %mul3A_502 = vector.broadcast %reduce_sum3A_447 : f32 to vector<16xf32>
    %mul3A_503 = arith.mulf %get3A_501, %mul3A_502 : vector<16xf32>
    %swap3A_504 = arith.constant 2 : i32
    %swap3A_505 = arith.index_cast %swap3A_504 : i32 to index
    %swap3A_506 = arith.constant 80 : index
    %swap3A_507 = tpu.vector_load %arg19[%swap3A_505, %swap3A_506] {strides = array<i32>} : memref<32x96xf32, #tpu.memory_space<vmem>>, vector<16xf32>,
    tpu.vector_store %arg19[%swap3A_505, %swap3A_506], %mul3A_503 {strides = array<i32>} : memref<32x96xf32, #tpu.memory_space<vmem>>, vector<16xf32>,
    %eq3A_508 = arith.constant 3 : i32
    %eq3A_509 = vector.broadcast %eq3A_508 : i32 to vector<16xi32>
    %eq3A_510 = arith.cmpi eq, %iota3A, %eq3A_509 : vector<16xi32>
    %jit3A_511 = arith.constant 0.000000e+00 : f32
    %broadcast_in_dim3A_512 = vector.broadcast %jit3A_511 : f32 to vector<16xf32>
    %select_n3A_513 = arith.select %eq3A_510, %div3A_295, %broadcast_in_dim3A_512 : vector<16xi1>, vector<16xf32>
    %reduce_sum3A_514 = arith.constant true
    %reduce_sum3A_515 = vector.broadcast %reduce_sum3A_514 : i1 to vector<16xi1>
    %reduce_sum3A_516 = tpu.scan <sum>, %select_n3A_513 masked %reduce_sum3A_515 : vector<16xf32>, vector<16xi1> -> vector<16xf32>
    %reduce_sum3A_517 = vector.extract %reduce_sum3A_516[15] : f32 from vector<16xf32>
    %get3A_518 = arith.constant 3 : i32
    %get3A_519 = arith.index_cast %get3A_518 : i32 to index
    %get3A_520 = arith.constant 0 : index
    %get3A_521 = tpu.vector_load %arg18[%get3A_519, %get3A_520] {strides = array<i32>} : memref<32x128xf32, #tpu.memory_space<vmem>>, vector<16xf32>,
    %mul3A_522 = vector.broadcast %reduce_sum3A_517 : f32 to vector<16xf32>
    %mul3A_523 = arith.mulf %get3A_521, %mul3A_522 : vector<16xf32>
    %swap3A_524 = arith.constant 3 : i32
    %swap3A_525 = arith.index_cast %swap3A_524 : i32 to index
    %swap3A_526 = arith.constant 0 : index
    %swap3A_527 = tpu.vector_load %arg19[%swap3A_525, %swap3A_526] {strides = array<i32>} : memref<32x96xf32, #tpu.memory_space<vmem>>, vector<16xf32>,
    tpu.vector_store %arg19[%swap3A_525, %swap3A_526], %mul3A_523 {strides = array<i32>} : memref<32x96xf32, #tpu.memory_space<vmem>>, vector<16xf32>,
    %get3A_528 = arith.constant 3 : i32
    %get3A_529 = arith.index_cast %get3A_528 : i32 to index
    %get3A_530 = arith.constant 16 : index
    %get3A_531 = tpu.vector_load %arg18[%get3A_529, %get3A_530] {strides = array<i32>} : memref<32x128xf32, #tpu.memory_space<vmem>>, vector<16xf32>,
    %mul3A_532 = vector.broadcast %reduce_sum3A_517 : f32 to vector<16xf32>
    %mul3A_533 = arith.mulf %get3A_531, %mul3A_532 : vector<16xf32>
    %swap3A_534 = arith.constant 3 : i32
    %swap3A_535 = arith.index_cast %swap3A_534 : i32 to index
    %swap3A_536 = arith.constant 16 : index
    %swap3A_537 = tpu.vector_load %arg19[%swap3A_535, %swap3A_536] {strides = array<i32>} : memref<32x96xf32, #tpu.memory_space<vmem>>, vector<16xf32>,
    tpu.vector_store %arg19[%swap3A_535, %swap3A_536], %mul3A_533 {strides = array<i32>} : memref<32x96xf32, #tpu.memory_space<vmem>>, vector<16xf32>,
    %get3A_538 = arith.constant 3 : i32
    %get3A_539 = arith.index_cast %get3A_538 : i32 to index
    %get3A_540 = arith.constant 32 : index
    %get3A_541 = tpu.vector_load %arg18[%get3A_539, %get3A_540] {strides = array<i32>} : memref<32x128xf32, #tpu.memory_space<vmem>>, vector<16xf32>,
    %mul3A_542 = vector.broadcast %reduce_sum3A_517 : f32 to vector<16xf32>
    %mul3A_543 = arith.mulf %get3A_541, %mul3A_542 : vector<16xf32>
    %swap3A_544 = arith.constant 3 : i32
    %swap3A_545 = arith.index_cast %swap3A_544 : i32 to index
    %swap3A_546 = arith.constant 32 : index
    %swap3A_547 = tpu.vector_load %arg19[%swap3A_545, %swap3A_546] {strides = array<i32>} : memref<32x96xf32, #tpu.memory_space<vmem>>, vector<16xf32>,
    tpu.vector_store %arg19[%swap3A_545, %swap3A_546], %mul3A_543 {strides = array<i32>} : memref<32x96xf32, #tpu.memory_space<vmem>>, vector<16xf32>,
    %get3A_548 = arith.constant 3 : i32
    %get3A_549 = arith.index_cast %get3A_548 : i32 to index
    %get3A_550 = arith.constant 48 : index
    %get3A_551 = tpu.vector_load %arg18[%get3A_549, %get3A_550] {strides = array<i32>} : memref<32x128xf32, #tpu.memory_space<vmem>>, vector<16xf32>,
    %mul3A_552 = vector.broadcast %reduce_sum3A_517 : f32 to vector<16xf32>
    %mul3A_553 = arith.mulf %get3A_551, %mul3A_552 : vector<16xf32>
    %swap3A_554 = arith.constant 3 : i32
    %swap3A_555 = arith.index_cast %swap3A_554 : i32 to index
    %swap3A_556 = arith.constant 48 : index
    %swap3A_557 = tpu.vector_load %arg19[%swap3A_555, %swap3A_556] {strides = array<i32>} : memref<32x96xf32, #tpu.memory_space<vmem>>, vector<16xf32>,
    tpu.vector_store %arg19[%swap3A_555, %swap3A_556], %mul3A_553 {strides = array<i32>} : memref<32x96xf32, #tpu.memory_space<vmem>>, vector<16xf32>,
    %get3A_558 = arith.constant 3 : i32
    %get3A_559 = arith.index_cast %get3A_558 : i32 to index
    %get3A_560 = arith.constant 64 : index
    %get3A_561 = tpu.vector_load %arg18[%get3A_559, %get3A_560] {strides = array<i32>} : memref<32x128xf32, #tpu.memory_space<vmem>>, vector<16xf32>,
    %mul3A_562 = vector.broadcast %reduce_sum3A_517 : f32 to vector<16xf32>
    %mul3A_563 = arith.mulf %get3A_561, %mul3A_562 : vector<16xf32>
    %swap3A_564 = arith.constant 3 : i32
    %swap3A_565 = arith.index_cast %swap3A_564 : i32 to index
    %swap3A_566 = arith.constant 64 : index
    %swap3A_567 = tpu.vector_load %arg19[%swap3A_565, %swap3A_566] {strides = array<i32>} : memref<32x96xf32, #tpu.memory_space<vmem>>, vector<16xf32>,
    tpu.vector_store %arg19[%swap3A_565, %swap3A_566], %mul3A_563 {strides = array<i32>} : memref<32x96xf32, #tpu.memory_space<vmem>>, vector<16xf32>,
    %get3A_568 = arith.constant 3 : i32
    %get3A_569 = arith.index_cast %get3A_568 : i32 to index
    %get3A_570 = arith.constant 80 : index
    %get3A_571 = tpu.vector_load %arg18[%get3A_569, %get3A_570] {strides = array<i32>} : memref<32x128xf32, #tpu.memory_space<vmem>>, vector<16xf32>,
    %mul3A_572 = vector.broadcast %reduce_sum3A_517 : f32 to vector<16xf32>
    %mul3A_573 = arith.mulf %get3A_571, %mul3A_572 : vector<16xf32>
    %swap3A_574 = arith.constant 3 : i32
    %swap3A_575 = arith.index_cast %swap3A_574 : i32 to index
    %swap3A_576 = arith.constant 80 : index
    %swap3A_577 = tpu.vector_load %arg19[%swap3A_575, %swap3A_576] {strides = array<i32>} : memref<32x96xf32, #tpu.memory_space<vmem>>, vector<16xf32>,
    tpu.vector_store %arg19[%swap3A_575, %swap3A_576], %mul3A_573 {strides = array<i32>} : memref<32x96xf32, #tpu.memory_space<vmem>>, vector<16xf32>,
    %eq3A_578 = arith.constant 4 : i32
    %eq3A_579 = vector.broadcast %eq3A_578 : i32 to vector<16xi32>
    %eq3A_580 = arith.cmpi eq, %iota3A, %eq3A_579 : vector<16xi32>
    %jit3A_581 = arith.constant 0.000000e+00 : f32
    %broadcast_in_dim3A_582 = vector.broadcast %jit3A_581 : f32 to vector<16xf32>
    %select_n3A_583 = arith.select %eq3A_580, %div3A_295, %broadcast_in_dim3A_582 : vector<16xi1>, vector<16xf32>
    %reduce_sum3A_584 = arith.constant true
    %reduce_sum3A_585 = vector.broadcast %reduce_sum3A_584 : i1 to vector<16xi1>
    %reduce_sum3A_586 = tpu.scan <sum>, %select_n3A_583 masked %reduce_sum3A_585 : vector<16xf32>, vector<16xi1> -> vector<16xf32>
    %reduce_sum3A_587 = vector.extract %reduce_sum3A_586[15] : f32 from vector<16xf32>
    %get3A_588 = arith.constant 4 : i32
    %get3A_589 = arith.index_cast %get3A_588 : i32 to index
    %get3A_590 = arith.constant 0 : index
    %get3A_591 = tpu.vector_load %arg18[%get3A_589, %get3A_590] {strides = array<i32>} : memref<32x128xf32, #tpu.memory_space<vmem>>, vector<16xf32>,
    %mul3A_592 = vector.broadcast %reduce_sum3A_587 : f32 to vector<16xf32>
    %mul3A_593 = arith.mulf %get3A_591, %mul3A_592 : vector<16xf32>
    %swap3A_594 = arith.constant 4 : i32
    %swap3A_595 = arith.index_cast %swap3A_594 : i32 to index
    %swap3A_596 = arith.constant 0 : index
    %swap3A_597 = tpu.vector_load %arg19[%swap3A_595, %swap3A_596] {strides = array<i32>} : memref<32x96xf32, #tpu.memory_space<vmem>>, vector<16xf32>,
    tpu.vector_store %arg19[%swap3A_595, %swap3A_596], %mul3A_593 {strides = array<i32>} : memref<32x96xf32, #tpu.memory_space<vmem>>, vector<16xf32>,
    %get3A_598 = arith.constant 4 : i32
    %get3A_599 = arith.index_cast %get3A_598 : i32 to index
    %get3A_600 = arith.constant 16 : index
    %get3A_601 = tpu.vector_load %arg18[%get3A_599, %get3A_600] {strides = array<i32>} : memref<32x128xf32, #tpu.memory_space<vmem>>, vector<16xf32>,
    %mul3A_602 = vector.broadcast %reduce_sum3A_587 : f32 to vector<16xf32>
    %mul3A_603 = arith.mulf %get3A_601, %mul3A_602 : vector<16xf32>
    %swap3A_604 = arith.constant 4 : i32
    %swap3A_605 = arith.index_cast %swap3A_604 : i32 to index
    %swap3A_606 = arith.constant 16 : index
    %swap3A_607 = tpu.vector_load %arg19[%swap3A_605, %swap3A_606] {strides = array<i32>} : memref<32x96xf32, #tpu.memory_space<vmem>>, vector<16xf32>,
    tpu.vector_store %arg19[%swap3A_605, %swap3A_606], %mul3A_603 {strides = array<i32>} : memref<32x96xf32, #tpu.memory_space<vmem>>, vector<16xf32>,
    %get3A_608 = arith.constant 4 : i32
    %get3A_609 = arith.index_cast %get3A_608 : i32 to index
    %get3A_610 = arith.constant 32 : index
    %get3A_611 = tpu.vector_load %arg18[%get3A_609, %get3A_610] {strides = array<i32>} : memref<32x128xf32, #tpu.memory_space<vmem>>, vector<16xf32>,
    %mul3A_612 = vector.broadcast %reduce_sum3A_587 : f32 to vector<16xf32>
    %mul3A_613 = arith.mulf %get3A_611, %mul3A_612 : vector<16xf32>
    %swap3A_614 = arith.constant 4 : i32
    %swap3A_615 = arith.index_cast %swap3A_614 : i32 to index
    %swap3A_616 = arith.constant 32 : index
    %swap3A_617 = tpu.vector_load %arg19[%swap3A_615, %swap3A_616] {strides = array<i32>} : memref<32x96xf32, #tpu.memory_space<vmem>>, vector<16xf32>,
    tpu.vector_store %arg19[%swap3A_615, %swap3A_616], %mul3A_613 {strides = array<i32>} : memref<32x96xf32, #tpu.memory_space<vmem>>, vector<16xf32>,
    %get3A_618 = arith.constant 4 : i32
    %get3A_619 = arith.index_cast %get3A_618 : i32 to index
    %get3A_620 = arith.constant 48 : index
    %get3A_621 = tpu.vector_load %arg18[%get3A_619, %get3A_620] {strides = array<i32>} : memref<32x128xf32, #tpu.memory_space<vmem>>, vector<16xf32>,
    %mul3A_622 = vector.broadcast %reduce_sum3A_587 : f32 to vector<16xf32>
    %mul3A_623 = arith.mulf %get3A_621, %mul3A_622 : vector<16xf32>
    %swap3A_624 = arith.constant 4 : i32
    %swap3A_625 = arith.index_cast %swap3A_624 : i32 to index
    %swap3A_626 = arith.constant 48 : index
    %swap3A_627 = tpu.vector_load %arg19[%swap3A_625, %swap3A_626] {strides = array<i32>} : memref<32x96xf32, #tpu.memory_space<vmem>>, vector<16xf32>,
    tpu.vector_store %arg19[%swap3A_625, %swap3A_626], %mul3A_623 {strides = array<i32>} : memref<32x96xf32, #tpu.memory_space<vmem>>, vector<16xf32>,
    %get3A_628 = arith.constant 4 : i32
    %get3A_629 = arith.index_cast %get3A_628 : i32 to index
    %get3A_630 = arith.constant 64 : index
    %get3A_631 = tpu.vector_load %arg18[%get3A_629, %get3A_630] {strides = array<i32>} : memref<32x128xf32, #tpu.memory_space<vmem>>, vector<16xf32>,
    %mul3A_632 = vector.broadcast %reduce_sum3A_587 : f32 to vector<16xf32>
    %mul3A_633 = arith.mulf %get3A_631, %mul3A_632 : vector<16xf32>
    %swap3A_634 = arith.constant 4 : i32
    %swap3A_635 = arith.index_cast %swap3A_634 : i32 to index
    %swap3A_636 = arith.constant 64 : index
    %swap3A_637 = tpu.vector_load %arg19[%swap3A_635, %swap3A_636] {strides = array<i32>} : memref<32x96xf32, #tpu.memory_space<vmem>>, vector<16xf32>,
    tpu.vector_store %arg19[%swap3A_635, %swap3A_636], %mul3A_633 {strides = array<i32>} : memref<32x96xf32, #tpu.memory_space<vmem>>, vector<16xf32>,
    %get3A_638 = arith.constant 4 : i32
    %get3A_639 = arith.index_cast %get3A_638 : i32 to index
    %get3A_640 = arith.constant 80 : index
    %get3A_641 = tpu.vector_load %arg18[%get3A_639, %get3A_640] {strides = array<i32>} : memref<32x128xf32, #tpu.memory_space<vmem>>, vector<16xf32>,
    %mul3A_642 = vector.broadcast %reduce_sum3A_587 : f32 to vector<16xf32>
    %mul3A_643 = arith.mulf %get3A_641, %mul3A_642 : vector<16xf32>
    %swap3A_644 = arith.constant 4 : i32
    %swap3A_645 = arith.index_cast %swap3A_644 : i32 to index
    %swap3A_646 = arith.constant 80 : index
    %swap3A_647 = tpu.vector_load %arg19[%swap3A_645, %swap3A_646] {strides = array<i32>} : memref<32x96xf32, #tpu.memory_space<vmem>>, vector<16xf32>,
    tpu.vector_store %arg19[%swap3A_645, %swap3A_646], %mul3A_643 {strides = array<i32>} : memref<32x96xf32, #tpu.memory_space<vmem>>, vector<16xf32>,
    %eq3A_648 = arith.constant 5 : i32
    %eq3A_649 = vector.broadcast %eq3A_648 : i32 to vector<16xi32>
    %eq3A_650 = arith.cmpi eq, %iota3A, %eq3A_649 : vector<16xi32>
    %jit3A_651 = arith.constant 0.000000e+00 : f32
    %broadcast_in_dim3A_652 = vector.broadcast %jit3A_651 : f32 to vector<16xf32>
    %select_n3A_653 = arith.select %eq3A_650, %div3A_295, %broadcast_in_dim3A_652 : vector<16xi1>, vector<16xf32>
    %reduce_sum3A_654 = arith.constant true
    %reduce_sum3A_655 = vector.broadcast %reduce_sum3A_654 : i1 to vector<16xi1>
    %reduce_sum3A_656 = tpu.scan <sum>, %select_n3A_653 masked %reduce_sum3A_655 : vector<16xf32>, vector<16xi1> -> vector<16xf32>
    %reduce_sum3A_657 = vector.extract %reduce_sum3A_656[15] : f32 from vector<16xf32>
    %get3A_658 = arith.constant 5 : i32
    %get3A_659 = arith.index_cast %get3A_658 : i32 to index
    %get3A_660 = arith.constant 0 : index
    %get3A_661 = tpu.vector_load %arg18[%get3A_659, %get3A_660] {strides = array<i32>} : memref<32x128xf32, #tpu.memory_space<vmem>>, vector<16xf32>,
    %mul3A_662 = vector.broadcast %reduce_sum3A_657 : f32 to vector<16xf32>
    %mul3A_663 = arith.mulf %get3A_661, %mul3A_662 : vector<16xf32>
    %swap3A_664 = arith.constant 5 : i32
    %swap3A_665 = arith.index_cast %swap3A_664 : i32 to index
    %swap3A_666 = arith.constant 0 : index
    %swap3A_667 = tpu.vector_load %arg19[%swap3A_665, %swap3A_666] {strides = array<i32>} : memref<32x96xf32, #tpu.memory_space<vmem>>, vector<16xf32>,
    tpu.vector_store %arg19[%swap3A_665, %swap3A_666], %mul3A_663 {strides = array<i32>} : memref<32x96xf32, #tpu.memory_space<vmem>>, vector<16xf32>,
    %get3A_668 = arith.constant 5 : i32
    %get3A_669 = arith.index_cast %get3A_668 : i32 to index
    %get3A_670 = arith.constant 16 : index
    %get3A_671 = tpu.vector_load %arg18[%get3A_669, %get3A_670] {strides = array<i32>} : memref<32x128xf32, #tpu.memory_space<vmem>>, vector<16xf32>,
    %mul3A_672 = vector.broadcast %reduce_sum3A_657 : f32 to vector<16xf32>
    %mul3A_673 = arith.mulf %get3A_671, %mul3A_672 : vector<16xf32>
    %swap3A_674 = arith.constant 5 : i32
    %swap3A_675 = arith.index_cast %swap3A_674 : i32 to index
    %swap3A_676 = arith.constant 16 : index
    %swap3A_677 = tpu.vector_load %arg19[%swap3A_675, %swap3A_676] {strides = array<i32>} : memref<32x96xf32, #tpu.memory_space<vmem>>, vector<16xf32>,
    tpu.vector_store %arg19[%swap3A_675, %swap3A_676], %mul3A_673 {strides = array<i32>} : memref<32x96xf32, #tpu.memory_space<vmem>>, vector<16xf32>,
    %get3A_678 = arith.constant 5 : i32
    %get3A_679 = arith.index_cast %get3A_678 : i32 to index
    %get3A_680 = arith.constant 32 : index
    %get3A_681 = tpu.vector_load %arg18[%get3A_679, %get3A_680] {strides = array<i32>} : memref<32x128xf32, #tpu.memory_space<vmem>>, vector<16xf32>,
    %mul3A_682 = vector.broadcast %reduce_sum3A_657 : f32 to vector<16xf32>
    %mul3A_683 = arith.mulf %get3A_681, %mul3A_682 : vector<16xf32>
    %swap3A_684 = arith.constant 5 : i32
    %swap3A_685 = arith.index_cast %swap3A_684 : i32 to index
    %swap3A_686 = arith.constant 32 : index
    %swap3A_687 = tpu.vector_load %arg19[%swap3A_685, %swap3A_686] {strides = array<i32>} : memref<32x96xf32, #tpu.memory_space<vmem>>, vector<16xf32>,
    tpu.vector_store %arg19[%swap3A_685, %swap3A_686], %mul3A_683 {strides = array<i32>} : memref<32x96xf32, #tpu.memory_space<vmem>>, vector<16xf32>,
    %get3A_688 = arith.constant 5 : i32
    %get3A_689 = arith.index_cast %get3A_688 : i32 to index
    %get3A_690 = arith.constant 48 : index
    %get3A_691 = tpu.vector_load %arg18[%get3A_689, %get3A_690] {strides = array<i32>} : memref<32x128xf32, #tpu.memory_space<vmem>>, vector<16xf32>,
    %mul3A_692 = vector.broadcast %reduce_sum3A_657 : f32 to vector<16xf32>
    %mul3A_693 = arith.mulf %get3A_691, %mul3A_692 : vector<16xf32>
    %swap3A_694 = arith.constant 5 : i32
    %swap3A_695 = arith.index_cast %swap3A_694 : i32 to index
    %swap3A_696 = arith.constant 48 : index
    %swap3A_697 = tpu.vector_load %arg19[%swap3A_695, %swap3A_696] {strides = array<i32>} : memref<32x96xf32, #tpu.memory_space<vmem>>, vector<16xf32>,
    tpu.vector_store %arg19[%swap3A_695, %swap3A_696], %mul3A_693 {strides = array<i32>} : memref<32x96xf32, #tpu.memory_space<vmem>>, vector<16xf32>,
    %get3A_698 = arith.constant 5 : i32
    %get3A_699 = arith.index_cast %get3A_698 : i32 to index
    %get3A_700 = arith.constant 64 : index
    %get3A_701 = tpu.vector_load %arg18[%get3A_699, %get3A_700] {strides = array<i32>} : memref<32x128xf32, #tpu.memory_space<vmem>>, vector<16xf32>,
    %mul3A_702 = vector.broadcast %reduce_sum3A_657 : f32 to vector<16xf32>
    %mul3A_703 = arith.mulf %get3A_701, %mul3A_702 : vector<16xf32>
    %swap3A_704 = arith.constant 5 : i32
    %swap3A_705 = arith.index_cast %swap3A_704 : i32 to index
    %swap3A_706 = arith.constant 64 : index
    %swap3A_707 = tpu.vector_load %arg19[%swap3A_705, %swap3A_706] {strides = array<i32>} : memref<32x96xf32, #tpu.memory_space<vmem>>, vector<16xf32>,
    tpu.vector_store %arg19[%swap3A_705, %swap3A_706], %mul3A_703 {strides = array<i32>} : memref<32x96xf32, #tpu.memory_space<vmem>>, vector<16xf32>,
    %get3A_708 = arith.constant 5 : i32
    %get3A_709 = arith.index_cast %get3A_708 : i32 to index
    %get3A_710 = arith.constant 80 : index
    %get3A_711 = tpu.vector_load %arg18[%get3A_709, %get3A_710] {strides = array<i32>} : memref<32x128xf32, #tpu.memory_space<vmem>>, vector<16xf32>,
    %mul3A_712 = vector.broadcast %reduce_sum3A_657 : f32 to vector<16xf32>
    %mul3A_713 = arith.mulf %get3A_711, %mul3A_712 : vector<16xf32>
    %swap3A_714 = arith.constant 5 : i32
    %swap3A_715 = arith.index_cast %swap3A_714 : i32 to index
    %swap3A_716 = arith.constant 80 : index
    %swap3A_717 = tpu.vector_load %arg19[%swap3A_715, %swap3A_716] {strides = array<i32>} : memref<32x96xf32, #tpu.memory_space<vmem>>, vector<16xf32>,
    tpu.vector_store %arg19[%swap3A_715, %swap3A_716], %mul3A_713 {strides = array<i32>} : memref<32x96xf32, #tpu.memory_space<vmem>>, vector<16xf32>,
    %eq3A_718 = arith.constant 6 : i32
    %eq3A_719 = vector.broadcast %eq3A_718 : i32 to vector<16xi32>
    %eq3A_720 = arith.cmpi eq, %iota3A, %eq3A_719 : vector<16xi32>
    %jit3A_721 = arith.constant 0.000000e+00 : f32
    %broadcast_in_dim3A_722 = vector.broadcast %jit3A_721 : f32 to vector<16xf32>
    %select_n3A_723 = arith.select %eq3A_720, %div3A_295, %broadcast_in_dim3A_722 : vector<16xi1>, vector<16xf32>
    %reduce_sum3A_724 = arith.constant true
    %reduce_sum3A_725 = vector.broadcast %reduce_sum3A_724 : i1 to vector<16xi1>
    %reduce_sum3A_726 = tpu.scan <sum>, %select_n3A_723 masked %reduce_sum3A_725 : vector<16xf32>, vector<16xi1> -> vector<16xf32>
    %reduce_sum3A_727 = vector.extract %reduce_sum3A_726[15] : f32 from vector<16xf32>
    %get3A_728 = arith.constant 6 : i32
    %get3A_729 = arith.index_cast %get3A_728 : i32 to index
    %get3A_730 = arith.constant 0 : index
    %get3A_731 = tpu.vector_load %arg18[%get3A_729, %get3A_730] {strides = array<i32>} : memref<32x128xf32, #tpu.memory_space<vmem>>, vector<16xf32>,
    %mul3A_732 = vector.broadcast %reduce_sum3A_727 : f32 to vector<16xf32>
    %mul3A_733 = arith.mulf %get3A_731, %mul3A_732 : vector<16xf32>
    %swap3A_734 = arith.constant 6 : i32
    %swap3A_735 = arith.index_cast %swap3A_734 : i32 to index
    %swap3A_736 = arith.constant 0 : index
    %swap3A_737 = tpu.vector_load %arg19[%swap3A_735, %swap3A_736] {strides = array<i32>} : memref<32x96xf32, #tpu.memory_space<vmem>>, vector<16xf32>,
    tpu.vector_store %arg19[%swap3A_735, %swap3A_736], %mul3A_733 {strides = array<i32>} : memref<32x96xf32, #tpu.memory_space<vmem>>, vector<16xf32>,
    %get3A_738 = arith.constant 6 : i32
    %get3A_739 = arith.index_cast %get3A_738 : i32 to index
    %get3A_740 = arith.constant 16 : index
    %get3A_741 = tpu.vector_load %arg18[%get3A_739, %get3A_740] {strides = array<i32>} : memref<32x128xf32, #tpu.memory_space<vmem>>, vector<16xf32>,
    %mul3A_742 = vector.broadcast %reduce_sum3A_727 : f32 to vector<16xf32>
    %mul3A_743 = arith.mulf %get3A_741, %mul3A_742 : vector<16xf32>
    %swap3A_744 = arith.constant 6 : i32
    %swap3A_745 = arith.index_cast %swap3A_744 : i32 to index
    %swap3A_746 = arith.constant 16 : index
    %swap3A_747 = tpu.vector_load %arg19[%swap3A_745, %swap3A_746] {strides = array<i32>} : memref<32x96xf32, #tpu.memory_space<vmem>>, vector<16xf32>,
    tpu.vector_store %arg19[%swap3A_745, %swap3A_746], %mul3A_743 {strides = array<i32>} : memref<32x96xf32, #tpu.memory_space<vmem>>, vector<16xf32>,
    %get3A_748 = arith.constant 6 : i32
    %get3A_749 = arith.index_cast %get3A_748 : i32 to index
    %get3A_750 = arith.constant 32 : index
    %get3A_751 = tpu.vector_load %arg18[%get3A_749, %get3A_750] {strides = array<i32>} : memref<32x128xf32, #tpu.memory_space<vmem>>, vector<16xf32>,
    %mul3A_752 = vector.broadcast %reduce_sum3A_727 : f32 to vector<16xf32>
    %mul3A_753 = arith.mulf %get3A_751, %mul3A_752 : vector<16xf32>
    %swap3A_754 = arith.constant 6 : i32
    %swap3A_755 = arith.index_cast %swap3A_754 : i32 to index
    %swap3A_756 = arith.constant 32 : index
    %swap3A_757 = tpu.vector_load %arg19[%swap3A_755, %swap3A_756] {strides = array<i32>} : memref<32x96xf32, #tpu.memory_space<vmem>>, vector<16xf32>,
    tpu.vector_store %arg19[%swap3A_755, %swap3A_756], %mul3A_753 {strides = array<i32>} : memref<32x96xf32, #tpu.memory_space<vmem>>, vector<16xf32>,
    %get3A_758 = arith.constant 6 : i32
    %get3A_759 = arith.index_cast %get3A_758 : i32 to index
    %get3A_760 = arith.constant 48 : index
    %get3A_761 = tpu.vector_load %arg18[%get3A_759, %get3A_760] {strides = array<i32>} : memref<32x128xf32, #tpu.memory_space<vmem>>, vector<16xf32>,
    %mul3A_762 = vector.broadcast %reduce_sum3A_727 : f32 to vector<16xf32>
    %mul3A_763 = arith.mulf %get3A_761, %mul3A_762 : vector<16xf32>
    %swap3A_764 = arith.constant 6 : i32
    %swap3A_765 = arith.index_cast %swap3A_764 : i32 to index
    %swap3A_766 = arith.constant 48 : index
    %swap3A_767 = tpu.vector_load %arg19[%swap3A_765, %swap3A_766] {strides = array<i32>} : memref<32x96xf32, #tpu.memory_space<vmem>>, vector<16xf32>,
    tpu.vector_store %arg19[%swap3A_765, %swap3A_766], %mul3A_763 {strides = array<i32>} : memref<32x96xf32, #tpu.memory_space<vmem>>, vector<16xf32>,
    %get3A_768 = arith.constant 6 : i32
    %get3A_769 = arith.index_cast %get3A_768 : i32 to index
    %get3A_770 = arith.constant 64 : index
    %get3A_771 = tpu.vector_load %arg18[%get3A_769, %get3A_770] {strides = array<i32>} : memref<32x128xf32, #tpu.memory_space<vmem>>, vector<16xf32>,
    %mul3A_772 = vector.broadcast %reduce_sum3A_727 : f32 to vector<16xf32>
    %mul3A_773 = arith.mulf %get3A_771, %mul3A_772 : vector<16xf32>
    %swap3A_774 = arith.constant 6 : i32
    %swap3A_775 = arith.index_cast %swap3A_774 : i32 to index
    %swap3A_776 = arith.constant 64 : index
    %swap3A_777 = tpu.vector_load %arg19[%swap3A_775, %swap3A_776] {strides = array<i32>} : memref<32x96xf32, #tpu.memory_space<vmem>>, vector<16xf32>,
    tpu.vector_store %arg19[%swap3A_775, %swap3A_776], %mul3A_773 {strides = array<i32>} : memref<32x96xf32, #tpu.memory_space<vmem>>, vector<16xf32>,
    %get3A_778 = arith.constant 6 : i32
    %get3A_779 = arith.index_cast %get3A_778 : i32 to index
    %get3A_780 = arith.constant 80 : index
    %get3A_781 = tpu.vector_load %arg18[%get3A_779, %get3A_780] {strides = array<i32>} : memref<32x128xf32, #tpu.memory_space<vmem>>, vector<16xf32>,
    %mul3A_782 = vector.broadcast %reduce_sum3A_727 : f32 to vector<16xf32>
    %mul3A_783 = arith.mulf %get3A_781, %mul3A_782 : vector<16xf32>
    %swap3A_784 = arith.constant 6 : i32
    %swap3A_785 = arith.index_cast %swap3A_784 : i32 to index
    %swap3A_786 = arith.constant 80 : index
    %swap3A_787 = tpu.vector_load %arg19[%swap3A_785, %swap3A_786] {strides = array<i32>} : memref<32x96xf32, #tpu.memory_space<vmem>>, vector<16xf32>,
    tpu.vector_store %arg19[%swap3A_785, %swap3A_786], %mul3A_783 {strides = array<i32>} : memref<32x96xf32, #tpu.memory_space<vmem>>, vector<16xf32>,
    %eq3A_788 = arith.constant 7 : i32
    %eq3A_789 = vector.broadcast %eq3A_788 : i32 to vector<16xi32>
    %eq3A_790 = arith.cmpi eq, %iota3A, %eq3A_789 : vector<16xi32>
    %jit3A_791 = arith.constant 0.000000e+00 : f32
    %broadcast_in_dim3A_792 = vector.broadcast %jit3A_791 : f32 to vector<16xf32>
    %select_n3A_793 = arith.select %eq3A_790, %div3A_295, %broadcast_in_dim3A_792 : vector<16xi1>, vector<16xf32>
    %reduce_sum3A_794 = arith.constant true
    %reduce_sum3A_795 = vector.broadcast %reduce_sum3A_794 : i1 to vector<16xi1>
    %reduce_sum3A_796 = tpu.scan <sum>, %select_n3A_793 masked %reduce_sum3A_795 : vector<16xf32>, vector<16xi1> -> vector<16xf32>
    %reduce_sum3A_797 = vector.extract %reduce_sum3A_796[15] : f32 from vector<16xf32>
    %get3A_798 = arith.constant 7 : i32
    %get3A_799 = arith.index_cast %get3A_798 : i32 to index
    %get3A_800 = arith.constant 0 : index
    %get3A_801 = tpu.vector_load %arg18[%get3A_799, %get3A_800] {strides = array<i32>} : memref<32x128xf32, #tpu.memory_space<vmem>>, vector<16xf32>,
    %mul3A_802 = vector.broadcast %reduce_sum3A_797 : f32 to vector<16xf32>
    %mul3A_803 = arith.mulf %get3A_801, %mul3A_802 : vector<16xf32>
    %swap3A_804 = arith.constant 7 : i32
    %swap3A_805 = arith.index_cast %swap3A_804 : i32 to index
    %swap3A_806 = arith.constant 0 : index
    %swap3A_807 = tpu.vector_load %arg19[%swap3A_805, %swap3A_806] {strides = array<i32>} : memref<32x96xf32, #tpu.memory_space<vmem>>, vector<16xf32>,
    tpu.vector_store %arg19[%swap3A_805, %swap3A_806], %mul3A_803 {strides = array<i32>} : memref<32x96xf32, #tpu.memory_space<vmem>>, vector<16xf32>,
    %get3A_808 = arith.constant 7 : i32
    %get3A_809 = arith.index_cast %get3A_808 : i32 to index
    %get3A_810 = arith.constant 16 : index
    %get3A_811 = tpu.vector_load %arg18[%get3A_809, %get3A_810] {strides = array<i32>} : memref<32x128xf32, #tpu.memory_space<vmem>>, vector<16xf32>,
    %mul3A_812 = vector.broadcast %reduce_sum3A_797 : f32 to vector<16xf32>
    %mul3A_813 = arith.mulf %get3A_811, %mul3A_812 : vector<16xf32>
    %swap3A_814 = arith.constant 7 : i32
    %swap3A_815 = arith.index_cast %swap3A_814 : i32 to index
    %swap3A_816 = arith.constant 16 : index
    %swap3A_817 = tpu.vector_load %arg19[%swap3A_815, %swap3A_816] {strides = array<i32>} : memref<32x96xf32, #tpu.memory_space<vmem>>, vector<16xf32>,
    tpu.vector_store %arg19[%swap3A_815, %swap3A_816], %mul3A_813 {strides = array<i32>} : memref<32x96xf32, #tpu.memory_space<vmem>>, vector<16xf32>,
    %get3A_818 = arith.constant 7 : i32
    %get3A_819 = arith.index_cast %get3A_818 : i32 to index
    %get3A_820 = arith.constant 32 : index
    %get3A_821 = tpu.vector_load %arg18[%get3A_819, %get3A_820] {strides = array<i32>} : memref<32x128xf32, #tpu.memory_space<vmem>>, vector<16xf32>,
    %mul3A_822 = vector.broadcast %reduce_sum3A_797 : f32 to vector<16xf32>
    %mul3A_823 = arith.mulf %get3A_821, %mul3A_822 : vector<16xf32>
    %swap3A_824 = arith.constant 7 : i32
    %swap3A_825 = arith.index_cast %swap3A_824 : i32 to index
    %swap3A_826 = arith.constant 32 : index
    %swap3A_827 = tpu.vector_load %arg19[%swap3A_825, %swap3A_826] {strides = array<i32>} : memref<32x96xf32, #tpu.memory_space<vmem>>, vector<16xf32>,
    tpu.vector_store %arg19[%swap3A_825, %swap3A_826], %mul3A_823 {strides = array<i32>} : memref<32x96xf32, #tpu.memory_space<vmem>>, vector<16xf32>,
    %get3A_828 = arith.constant 7 : i32
    %get3A_829 = arith.index_cast %get3A_828 : i32 to index
    %get3A_830 = arith.constant 48 : index
    %get3A_831 = tpu.vector_load %arg18[%get3A_829, %get3A_830] {strides = array<i32>} : memref<32x128xf32, #tpu.memory_space<vmem>>, vector<16xf32>,
    %mul3A_832 = vector.broadcast %reduce_sum3A_797 : f32 to vector<16xf32>
    %mul3A_833 = arith.mulf %get3A_831, %mul3A_832 : vector<16xf32>
    %swap3A_834 = arith.constant 7 : i32
    %swap3A_835 = arith.index_cast %swap3A_834 : i32 to index
    %swap3A_836 = arith.constant 48 : index
    %swap3A_837 = tpu.vector_load %arg19[%swap3A_835, %swap3A_836] {strides = array<i32>} : memref<32x96xf32, #tpu.memory_space<vmem>>, vector<16xf32>,
    tpu.vector_store %arg19[%swap3A_835, %swap3A_836], %mul3A_833 {strides = array<i32>} : memref<32x96xf32, #tpu.memory_space<vmem>>, vector<16xf32>,
    %get3A_838 = arith.constant 7 : i32
    %get3A_839 = arith.index_cast %get3A_838 : i32 to index
    %get3A_840 = arith.constant 64 : index
    %get3A_841 = tpu.vector_load %arg18[%get3A_839, %get3A_840] {strides = array<i32>} : memref<32x128xf32, #tpu.memory_space<vmem>>, vector<16xf32>,
    %mul3A_842 = vector.broadcast %reduce_sum3A_797 : f32 to vector<16xf32>
    %mul3A_843 = arith.mulf %get3A_841, %mul3A_842 : vector<16xf32>
    %swap3A_844 = arith.constant 7 : i32
    %swap3A_845 = arith.index_cast %swap3A_844 : i32 to index
    %swap3A_846 = arith.constant 64 : index
    %swap3A_847 = tpu.vector_load %arg19[%swap3A_845, %swap3A_846] {strides = array<i32>} : memref<32x96xf32, #tpu.memory_space<vmem>>, vector<16xf32>,
    tpu.vector_store %arg19[%swap3A_845, %swap3A_846], %mul3A_843 {strides = array<i32>} : memref<32x96xf32, #tpu.memory_space<vmem>>, vector<16xf32>,
    %get3A_848 = arith.constant 7 : i32
    %get3A_849 = arith.index_cast %get3A_848 : i32 to index
    %get3A_850 = arith.constant 80 : index
    %get3A_851 = tpu.vector_load %arg18[%get3A_849, %get3A_850] {strides = array<i32>} : memref<32x128xf32, #tpu.memory_space<vmem>>, vector<16xf32>,
    %mul3A_852 = vector.broadcast %reduce_sum3A_797 : f32 to vector<16xf32>
    %mul3A_853 = arith.mulf %get3A_851, %mul3A_852 : vector<16xf32>
    %swap3A_854 = arith.constant 7 : i32
    %swap3A_855 = arith.index_cast %swap3A_854 : i32 to index
    %swap3A_856 = arith.constant 80 : index
    %swap3A_857 = tpu.vector_load %arg19[%swap3A_855, %swap3A_856] {strides = array<i32>} : memref<32x96xf32, #tpu.memory_space<vmem>>, vector<16xf32>,
    tpu.vector_store %arg19[%swap3A_855, %swap3A_856], %mul3A_853 {strides = array<i32>} : memref<32x96xf32, #tpu.memory_space<vmem>>, vector<16xf32>,
    %eq3A_858 = arith.constant 8 : i32
    %eq3A_859 = vector.broadcast %eq3A_858 : i32 to vector<16xi32>
    %eq3A_860 = arith.cmpi eq, %iota3A, %eq3A_859 : vector<16xi32>
    %jit3A_861 = arith.constant 0.000000e+00 : f32
    %broadcast_in_dim3A_862 = vector.broadcast %jit3A_861 : f32 to vector<16xf32>
    %select_n3A_863 = arith.select %eq3A_860, %div3A_295, %broadcast_in_dim3A_862 : vector<16xi1>, vector<16xf32>
    %reduce_sum3A_864 = arith.constant true
    %reduce_sum3A_865 = vector.broadcast %reduce_sum3A_864 : i1 to vector<16xi1>
    %reduce_sum3A_866 = tpu.scan <sum>, %select_n3A_863 masked %reduce_sum3A_865 : vector<16xf32>, vector<16xi1> -> vector<16xf32>
    %reduce_sum3A_867 = vector.extract %reduce_sum3A_866[15] : f32 from vector<16xf32>
    %get3A_868 = arith.constant 8 : i32
    %get3A_869 = arith.index_cast %get3A_868 : i32 to index
    %get3A_870 = arith.constant 0 : index
    %get3A_871 = tpu.vector_load %arg18[%get3A_869, %get3A_870] {strides = array<i32>} : memref<32x128xf32, #tpu.memory_space<vmem>>, vector<16xf32>,
    %mul3A_872 = vector.broadcast %reduce_sum3A_867 : f32 to vector<16xf32>
    %mul3A_873 = arith.mulf %get3A_871, %mul3A_872 : vector<16xf32>
    %swap3A_874 = arith.constant 8 : i32
    %swap3A_875 = arith.index_cast %swap3A_874 : i32 to index
    %swap3A_876 = arith.constant 0 : index
    %swap3A_877 = tpu.vector_load %arg19[%swap3A_875, %swap3A_876] {strides = array<i32>} : memref<32x96xf32, #tpu.memory_space<vmem>>, vector<16xf32>,
    tpu.vector_store %arg19[%swap3A_875, %swap3A_876], %mul3A_873 {strides = array<i32>} : memref<32x96xf32, #tpu.memory_space<vmem>>, vector<16xf32>,
    %get3A_878 = arith.constant 8 : i32
    %get3A_879 = arith.index_cast %get3A_878 : i32 to index
    %get3A_880 = arith.constant 16 : index
    %get3A_881 = tpu.vector_load %arg18[%get3A_879, %get3A_880] {strides = array<i32>} : memref<32x128xf32, #tpu.memory_space<vmem>>, vector<16xf32>,
    %mul3A_882 = vector.broadcast %reduce_sum3A_867 : f32 to vector<16xf32>
    %mul3A_883 = arith.mulf %get3A_881, %mul3A_882 : vector<16xf32>
    %swap3A_884 = arith.constant 8 : i32
    %swap3A_885 = arith.index_cast %swap3A_884 : i32 to index
    %swap3A_886 = arith.constant 16 : index
    %swap3A_887 = tpu.vector_load %arg19[%swap3A_885, %swap3A_886] {strides = array<i32>} : memref<32x96xf32, #tpu.memory_space<vmem>>, vector<16xf32>,
    tpu.vector_store %arg19[%swap3A_885, %swap3A_886], %mul3A_883 {strides = array<i32>} : memref<32x96xf32, #tpu.memory_space<vmem>>, vector<16xf32>,
    %get3A_888 = arith.constant 8 : i32
    %get3A_889 = arith.index_cast %get3A_888 : i32 to index
    %get3A_890 = arith.constant 32 : index
    %get3A_891 = tpu.vector_load %arg18[%get3A_889, %get3A_890] {strides = array<i32>} : memref<32x128xf32, #tpu.memory_space<vmem>>, vector<16xf32>,
    %mul3A_892 = vector.broadcast %reduce_sum3A_867 : f32 to vector<16xf32>
    %mul3A_893 = arith.mulf %get3A_891, %mul3A_892 : vector<16xf32>
    %swap3A_894 = arith.constant 8 : i32
    %swap3A_895 = arith.index_cast %swap3A_894 : i32 to index
    %swap3A_896 = arith.constant 32 : index
    %swap3A_897 = tpu.vector_load %arg19[%swap3A_895, %swap3A_896] {strides = array<i32>} : memref<32x96xf32, #tpu.memory_space<vmem>>, vector<16xf32>,
    tpu.vector_store %arg19[%swap3A_895, %swap3A_896], %mul3A_893 {strides = array<i32>} : memref<32x96xf32, #tpu.memory_space<vmem>>, vector<16xf32>,
    %get3A_898 = arith.constant 8 : i32
    %get3A_899 = arith.index_cast %get3A_898 : i32 to index
    %get3A_900 = arith.constant 48 : index
    %get3A_901 = tpu.vector_load %arg18[%get3A_899, %get3A_900] {strides = array<i32>} : memref<32x128xf32, #tpu.memory_space<vmem>>, vector<16xf32>,
    %mul3A_902 = vector.broadcast %reduce_sum3A_867 : f32 to vector<16xf32>
    %mul3A_903 = arith.mulf %get3A_901, %mul3A_902 : vector<16xf32>
    %swap3A_904 = arith.constant 8 : i32
    %swap3A_905 = arith.index_cast %swap3A_904 : i32 to index
    %swap3A_906 = arith.constant 48 : index
    %swap3A_907 = tpu.vector_load %arg19[%swap3A_905, %swap3A_906] {strides = array<i32>} : memref<32x96xf32, #tpu.memory_space<vmem>>, vector<16xf32>,
    tpu.vector_store %arg19[%swap3A_905, %swap3A_906], %mul3A_903 {strides = array<i32>} : memref<32x96xf32, #tpu.memory_space<vmem>>, vector<16xf32>,
    %get3A_908 = arith.constant 8 : i32
    %get3A_909 = arith.index_cast %get3A_908 : i32 to index
    %get3A_910 = arith.constant 64 : index
    %get3A_911 = tpu.vector_load %arg18[%get3A_909, %get3A_910] {strides = array<i32>} : memref<32x128xf32, #tpu.memory_space<vmem>>, vector<16xf32>,
    %mul3A_912 = vector.broadcast %reduce_sum3A_867 : f32 to vector<16xf32>
    %mul3A_913 = arith.mulf %get3A_911, %mul3A_912 : vector<16xf32>
    %swap3A_914 = arith.constant 8 : i32
    %swap3A_915 = arith.index_cast %swap3A_914 : i32 to index
    %swap3A_916 = arith.constant 64 : index
    %swap3A_917 = tpu.vector_load %arg19[%swap3A_915, %swap3A_916] {strides = array<i32>} : memref<32x96xf32, #tpu.memory_space<vmem>>, vector<16xf32>,
    tpu.vector_store %arg19[%swap3A_915, %swap3A_916], %mul3A_913 {strides = array<i32>} : memref<32x96xf32, #tpu.memory_space<vmem>>, vector<16xf32>,
    %get3A_918 = arith.constant 8 : i32
    %get3A_919 = arith.index_cast %get3A_918 : i32 to index
    %get3A_920 = arith.constant 80 : index
    %get3A_921 = tpu.vector_load %arg18[%get3A_919, %get3A_920] {strides = array<i32>} : memref<32x128xf32, #tpu.memory_space<vmem>>, vector<16xf32>,
    %mul3A_922 = vector.broadcast %reduce_sum3A_867 : f32 to vector<16xf32>
    %mul3A_923 = arith.mulf %get3A_921, %mul3A_922 : vector<16xf32>
    %swap3A_924 = arith.constant 8 : i32
    %swap3A_925 = arith.index_cast %swap3A_924 : i32 to index
    %swap3A_926 = arith.constant 80 : index
    %swap3A_927 = tpu.vector_load %arg19[%swap3A_925, %swap3A_926] {strides = array<i32>} : memref<32x96xf32, #tpu.memory_space<vmem>>, vector<16xf32>,
    tpu.vector_store %arg19[%swap3A_925, %swap3A_926], %mul3A_923 {strides = array<i32>} : memref<32x96xf32, #tpu.memory_space<vmem>>, vector<16xf32>,
    %eq3A_928 = arith.constant 9 : i32
    %eq3A_929 = vector.broadcast %eq3A_928 : i32 to vector<16xi32>
    %eq3A_930 = arith.cmpi eq, %iota3A, %eq3A_929 : vector<16xi32>
    %jit3A_931 = arith.constant 0.000000e+00 : f32
    %broadcast_in_dim3A_932 = vector.broadcast %jit3A_931 : f32 to vector<16xf32>
    %select_n3A_933 = arith.select %eq3A_930, %div3A_295, %broadcast_in_dim3A_932 : vector<16xi1>, vector<16xf32>
    %reduce_sum3A_934 = arith.constant true
    %reduce_sum3A_935 = vector.broadcast %reduce_sum3A_934 : i1 to vector<16xi1>
    %reduce_sum3A_936 = tpu.scan <sum>, %select_n3A_933 masked %reduce_sum3A_935 : vector<16xf32>, vector<16xi1> -> vector<16xf32>
    %reduce_sum3A_937 = vector.extract %reduce_sum3A_936[15] : f32 from vector<16xf32>
    %get3A_938 = arith.constant 9 : i32
    %get3A_939 = arith.index_cast %get3A_938 : i32 to index
    %get3A_940 = arith.constant 0 : index
    %get3A_941 = tpu.vector_load %arg18[%get3A_939, %get3A_940] {strides = array<i32>} : memref<32x128xf32, #tpu.memory_space<vmem>>, vector<16xf32>,
    %mul3A_942 = vector.broadcast %reduce_sum3A_937 : f32 to vector<16xf32>
    %mul3A_943 = arith.mulf %get3A_941, %mul3A_942 : vector<16xf32>
    %swap3A_944 = arith.constant 9 : i32
    %swap3A_945 = arith.index_cast %swap3A_944 : i32 to index
    %swap3A_946 = arith.constant 0 : index
    %swap3A_947 = tpu.vector_load %arg19[%swap3A_945, %swap3A_946] {strides = array<i32>} : memref<32x96xf32, #tpu.memory_space<vmem>>, vector<16xf32>,
    tpu.vector_store %arg19[%swap3A_945, %swap3A_946], %mul3A_943 {strides = array<i32>} : memref<32x96xf32, #tpu.memory_space<vmem>>, vector<16xf32>,
    %get3A_948 = arith.constant 9 : i32
    %get3A_949 = arith.index_cast %get3A_948 : i32 to index
    %get3A_950 = arith.constant 16 : index
    %get3A_951 = tpu.vector_load %arg18[%get3A_949, %get3A_950] {strides = array<i32>} : memref<32x128xf32, #tpu.memory_space<vmem>>, vector<16xf32>,
    %mul3A_952 = vector.broadcast %reduce_sum3A_937 : f32 to vector<16xf32>
    %mul3A_953 = arith.mulf %get3A_951, %mul3A_952 : vector<16xf32>
    %swap3A_954 = arith.constant 9 : i32
    %swap3A_955 = arith.index_cast %swap3A_954 : i32 to index
    %swap3A_956 = arith.constant 16 : index
    %swap3A_957 = tpu.vector_load %arg19[%swap3A_955, %swap3A_956] {strides = array<i32>} : memref<32x96xf32, #tpu.memory_space<vmem>>, vector<16xf32>,
    tpu.vector_store %arg19[%swap3A_955, %swap3A_956], %mul3A_953 {strides = array<i32>} : memref<32x96xf32, #tpu.memory_space<vmem>>, vector<16xf32>,
    %get3A_958 = arith.constant 9 : i32
    %get3A_959 = arith.index_cast %get3A_958 : i32 to index
    %get3A_960 = arith.constant 32 : index
    %get3A_961 = tpu.vector_load %arg18[%get3A_959, %get3A_960] {strides = array<i32>} : memref<32x128xf32, #tpu.memory_space<vmem>>, vector<16xf32>,
    %mul3A_962 = vector.broadcast %reduce_sum3A_937 : f32 to vector<16xf32>
    %mul3A_963 = arith.mulf %get3A_961, %mul3A_962 : vector<16xf32>
    %swap3A_964 = arith.constant 9 : i32
    %swap3A_965 = arith.index_cast %swap3A_964 : i32 to index
    %swap3A_966 = arith.constant 32 : index
    %swap3A_967 = tpu.vector_load %arg19[%swap3A_965, %swap3A_966] {strides = array<i32>} : memref<32x96xf32, #tpu.memory_space<vmem>>, vector<16xf32>,
    tpu.vector_store %arg19[%swap3A_965, %swap3A_966], %mul3A_963 {strides = array<i32>} : memref<32x96xf32, #tpu.memory_space<vmem>>, vector<16xf32>,
    %get3A_968 = arith.constant 9 : i32
    %get3A_969 = arith.index_cast %get3A_968 : i32 to index
    %get3A_970 = arith.constant 48 : index
    %get3A_971 = tpu.vector_load %arg18[%get3A_969, %get3A_970] {strides = array<i32>} : memref<32x128xf32, #tpu.memory_space<vmem>>, vector<16xf32>,
    %mul3A_972 = vector.broadcast %reduce_sum3A_937 : f32 to vector<16xf32>
    %mul3A_973 = arith.mulf %get3A_971, %mul3A_972 : vector<16xf32>
    %swap3A_974 = arith.constant 9 : i32
    %swap3A_975 = arith.index_cast %swap3A_974 : i32 to index
    %swap3A_976 = arith.constant 48 : index
    %swap3A_977 = tpu.vector_load %arg19[%swap3A_975, %swap3A_976] {strides = array<i32>} : memref<32x96xf32, #tpu.memory_space<vmem>>, vector<16xf32>,
    tpu.vector_store %arg19[%swap3A_975, %swap3A_976], %mul3A_973 {strides = array<i32>} : memref<32x96xf32, #tpu.memory_space<vmem>>, vector<16xf32>,
    %get3A_978 = arith.constant 9 : i32
    %get3A_979 = arith.index_cast %get3A_978 : i32 to index
    %get3A_980 = arith.constant 64 : index
    %get3A_981 = tpu.vector_load %arg18[%get3A_979, %get3A_980] {strides = array<i32>} : memref<32x128xf32, #tpu.memory_space<vmem>>, vector<16xf32>,
    %mul3A_982 = vector.broadcast %reduce_sum3A_937 : f32 to vector<16xf32>
    %mul3A_983 = arith.mulf %get3A_981, %mul3A_982 : vector<16xf32>
    %swap3A_984 = arith.constant 9 : i32
    %swap3A_985 = arith.index_cast %swap3A_984 : i32 to index
    %swap3A_986 = arith.constant 64 : index
    %swap3A_987 = tpu.vector_load %arg19[%swap3A_985, %swap3A_986] {strides = array<i32>} : memref<32x96xf32, #tpu.memory_space<vmem>>, vector<16xf32>,
    tpu.vector_store %arg19[%swap3A_985, %swap3A_986], %mul3A_983 {strides = array<i32>} : memref<32x96xf32, #tpu.memory_space<vmem>>, vector<16xf32>,
    %get3A_988 = arith.constant 9 : i32
    %get3A_989 = arith.index_cast %get3A_988 : i32 to index
    %get3A_990 = arith.constant 80 : index
    %get3A_991 = tpu.vector_load %arg18[%get3A_989, %get3A_990] {strides = array<i32>} : memref<32x128xf32, #tpu.memory_space<vmem>>, vector<16xf32>,
    %mul3A_992 = vector.broadcast %reduce_sum3A_937 : f32 to vector<16xf32>
    %mul3A_993 = arith.mulf %get3A_991, %mul3A_992 : vector<16xf32>
    %swap3A_994 = arith.constant 9 : i32
    %swap3A_995 = arith.index_cast %swap3A_994 : i32 to index
    %swap3A_996 = arith.constant 80 : index
    %swap3A_997 = tpu.vector_load %arg19[%swap3A_995, %swap3A_996] {strides = array<i32>} : memref<32x96xf32, #tpu.memory_space<vmem>>, vector<16xf32>,
    tpu.vector_store %arg19[%swap3A_995, %swap3A_996], %mul3A_993 {strides = array<i32>} : memref<32x96xf32, #tpu.memory_space<vmem>>, vector<16xf32>,
    %eq3A_998 = arith.constant 10 : i32
    %eq3A_999 = vector.broadcast %eq3A_998 : i32 to vector<16xi32>
    %eq3A_1000 = arith.cmpi eq, %iota3A, %eq3A_999 : vector<16xi32>
    %jit3A_1001 = arith.constant 0.000000e+00 : f32
    %broadcast_in_dim3A_1002 = vector.broadcast %jit3A_1001 : f32 to vector<16xf32>
    %select_n3A_1003 = arith.select %eq3A_1000, %div3A_295, %broadcast_in_dim3A_1002 : vector<16xi1>, vector<16xf32>
    %reduce_sum3A_1004 = arith.constant true
    %reduce_sum3A_1005 = vector.broadcast %reduce_sum3A_1004 : i1 to vector<16xi1>
    %reduce_sum3A_1006 = tpu.scan <sum>, %select_n3A_1003 masked %reduce_sum3A_1005 : vector<16xf32>, vector<16xi1> -> vector<16xf32>
    %reduce_sum3A_1007 = vector.extract %reduce_sum3A_1006[15] : f32 from vector<16xf32>
    %get3A_1008 = arith.constant 10 : i32
    %get3A_1009 = arith.index_cast %get3A_1008 : i32 to index
    %get3A_1010 = arith.constant 0 : index
    %get3A_1011 = tpu.vector_load %arg18[%get3A_1009, %get3A_1010] {strides = array<i32>} : memref<32x128xf32, #tpu.memory_space<vmem>>, vector<16xf32>,
    %mul3A_1012 = vector.broadcast %reduce_sum3A_1007 : f32 to vector<16xf32>
    %mul3A_1013 = arith.mulf %get3A_1011, %mul3A_1012 : vector<16xf32>
    %swap3A_1014 = arith.constant 10 : i32
    %swap3A_1015 = arith.index_cast %swap3A_1014 : i32 to index
    %swap3A_1016 = arith.constant 0 : index
    %swap3A_1017 = tpu.vector_load %arg19[%swap3A_1015, %swap3A_1016] {strides = array<i32>} : memref<32x96xf32, #tpu.memory_space<vmem>>, vector<16xf32>,
    tpu.vector_store %arg19[%swap3A_1015, %swap3A_1016], %mul3A_1013 {strides = array<i32>} : memref<32x96xf32, #tpu.memory_space<vmem>>, vector<16xf32>,
    %get3A_1018 = arith.constant 10 : i32
    %get3A_1019 = arith.index_cast %get3A_1018 : i32 to index
    %get3A_1020 = arith.constant 16 : index
    %get3A_1021 = tpu.vector_load %arg18[%get3A_1019, %get3A_1020] {strides = array<i32>} : memref<32x128xf32, #tpu.memory_space<vmem>>, vector<16xf32>,
    %mul3A_1022 = vector.broadcast %reduce_sum3A_1007 : f32 to vector<16xf32>
    %mul3A_1023 = arith.mulf %get3A_1021, %mul3A_1022 : vector<16xf32>
    %swap3A_1024 = arith.constant 10 : i32
    %swap3A_1025 = arith.index_cast %swap3A_1024 : i32 to index
    %swap3A_1026 = arith.constant 16 : index
    %swap3A_1027 = tpu.vector_load %arg19[%swap3A_1025, %swap3A_1026] {strides = array<i32>} : memref<32x96xf32, #tpu.memory_space<vmem>>, vector<16xf32>,
    tpu.vector_store %arg19[%swap3A_1025, %swap3A_1026], %mul3A_1023 {strides = array<i32>} : memref<32x96xf32, #tpu.memory_space<vmem>>, vector<16xf32>,
    %get3A_1028 = arith.constant 10 : i32
    %get3A_1029 = arith.index_cast %get3A_1028 : i32 to index
    %get3A_1030 = arith.constant 32 : index
    %get3A_1031 = tpu.vector_load %arg18[%get3A_1029, %get3A_1030] {strides = array<i32>} : memref<32x128xf32, #tpu.memory_space<vmem>>, vector<16xf32>,
    %mul3A_1032 = vector.broadcast %reduce_sum3A_1007 : f32 to vector<16xf32>
    %mul3A_1033 = arith.mulf %get3A_1031, %mul3A_1032 : vector<16xf32>
    %swap3A_1034 = arith.constant 10 : i32
    %swap3A_1035 = arith.index_cast %swap3A_1034 : i32 to index
    %swap3A_1036 = arith.constant 32 : index
    %swap3A_1037 = tpu.vector_load %arg19[%swap3A_1035, %swap3A_1036] {strides = array<i32>} : memref<32x96xf32, #tpu.memory_space<vmem>>, vector<16xf32>,
    tpu.vector_store %arg19[%swap3A_1035, %swap3A_1036], %mul3A_1033 {strides = array<i32>} : memref<32x96xf32, #tpu.memory_space<vmem>>, vector<16xf32>,
    %get3A_1038 = arith.constant 10 : i32
    %get3A_1039 = arith.index_cast %get3A_1038 : i32 to index
    %get3A_1040 = arith.constant 48 : index
    %get3A_1041 = tpu.vector_load %arg18[%get3A_1039, %get3A_1040] {strides = array<i32>} : memref<32x128xf32, #tpu.memory_space<vmem>>, vector<16xf32>,
    %mul3A_1042 = vector.broadcast %reduce_sum3A_1007 : f32 to vector<16xf32>
    %mul3A_1043 = arith.mulf %get3A_1041, %mul3A_1042 : vector<16xf32>
    %swap3A_1044 = arith.constant 10 : i32
    %swap3A_1045 = arith.index_cast %swap3A_1044 : i32 to index
    %swap3A_1046 = arith.constant 48 : index
    %swap3A_1047 = tpu.vector_load %arg19[%swap3A_1045, %swap3A_1046] {strides = array<i32>} : memref<32x96xf32, #tpu.memory_space<vmem>>, vector<16xf32>,
    tpu.vector_store %arg19[%swap3A_1045, %swap3A_1046], %mul3A_1043 {strides = array<i32>} : memref<32x96xf32, #tpu.memory_space<vmem>>, vector<16xf32>,
    %get3A_1048 = arith.constant 10 : i32
    %get3A_1049 = arith.index_cast %get3A_1048 : i32 to index
    %get3A_1050 = arith.constant 64 : index
    %get3A_1051 = tpu.vector_load %arg18[%get3A_1049, %get3A_1050] {strides = array<i32>} : memref<32x128xf32, #tpu.memory_space<vmem>>, vector<16xf32>,
    %mul3A_1052 = vector.broadcast %reduce_sum3A_1007 : f32 to vector<16xf32>
    %mul3A_1053 = arith.mulf %get3A_1051, %mul3A_1052 : vector<16xf32>
    %swap3A_1054 = arith.constant 10 : i32
    %swap3A_1055 = arith.index_cast %swap3A_1054 : i32 to index
    %swap3A_1056 = arith.constant 64 : index
    %swap3A_1057 = tpu.vector_load %arg19[%swap3A_1055, %swap3A_1056] {strides = array<i32>} : memref<32x96xf32, #tpu.memory_space<vmem>>, vector<16xf32>,
    tpu.vector_store %arg19[%swap3A_1055, %swap3A_1056], %mul3A_1053 {strides = array<i32>} : memref<32x96xf32, #tpu.memory_space<vmem>>, vector<16xf32>,
    %get3A_1058 = arith.constant 10 : i32
    %get3A_1059 = arith.index_cast %get3A_1058 : i32 to index
    %get3A_1060 = arith.constant 80 : index
    %get3A_1061 = tpu.vector_load %arg18[%get3A_1059, %get3A_1060] {strides = array<i32>} : memref<32x128xf32, #tpu.memory_space<vmem>>, vector<16xf32>,
    %mul3A_1062 = vector.broadcast %reduce_sum3A_1007 : f32 to vector<16xf32>
    %mul3A_1063 = arith.mulf %get3A_1061, %mul3A_1062 : vector<16xf32>
    %swap3A_1064 = arith.constant 10 : i32
    %swap3A_1065 = arith.index_cast %swap3A_1064 : i32 to index
    %swap3A_1066 = arith.constant 80 : index
    %swap3A_1067 = tpu.vector_load %arg19[%swap3A_1065, %swap3A_1066] {strides = array<i32>} : memref<32x96xf32, #tpu.memory_space<vmem>>, vector<16xf32>,
    tpu.vector_store %arg19[%swap3A_1065, %swap3A_1066], %mul3A_1063 {strides = array<i32>} : memref<32x96xf32, #tpu.memory_space<vmem>>, vector<16xf32>,
    %eq3A_1068 = arith.constant 11 : i32
    %eq3A_1069 = vector.broadcast %eq3A_1068 : i32 to vector<16xi32>
    %eq3A_1070 = arith.cmpi eq, %iota3A, %eq3A_1069 : vector<16xi32>
    %jit3A_1071 = arith.constant 0.000000e+00 : f32
    %broadcast_in_dim3A_1072 = vector.broadcast %jit3A_1071 : f32 to vector<16xf32>
    %select_n3A_1073 = arith.select %eq3A_1070, %div3A_295, %broadcast_in_dim3A_1072 : vector<16xi1>, vector<16xf32>
    %reduce_sum3A_1074 = arith.constant true
    %reduce_sum3A_1075 = vector.broadcast %reduce_sum3A_1074 : i1 to vector<16xi1>
    %reduce_sum3A_1076 = tpu.scan <sum>, %select_n3A_1073 masked %reduce_sum3A_1075 : vector<16xf32>, vector<16xi1> -> vector<16xf32>
    %reduce_sum3A_1077 = vector.extract %reduce_sum3A_1076[15] : f32 from vector<16xf32>
    %get3A_1078 = arith.constant 11 : i32
    %get3A_1079 = arith.index_cast %get3A_1078 : i32 to index
    %get3A_1080 = arith.constant 0 : index
    %get3A_1081 = tpu.vector_load %arg18[%get3A_1079, %get3A_1080] {strides = array<i32>} : memref<32x128xf32, #tpu.memory_space<vmem>>, vector<16xf32>,
    %mul3A_1082 = vector.broadcast %reduce_sum3A_1077 : f32 to vector<16xf32>
    %mul3A_1083 = arith.mulf %get3A_1081, %mul3A_1082 : vector<16xf32>
    %swap3A_1084 = arith.constant 11 : i32
    %swap3A_1085 = arith.index_cast %swap3A_1084 : i32 to index
    %swap3A_1086 = arith.constant 0 : index
    %swap3A_1087 = tpu.vector_load %arg19[%swap3A_1085, %swap3A_1086] {strides = array<i32>} : memref<32x96xf32, #tpu.memory_space<vmem>>, vector<16xf32>,
    tpu.vector_store %arg19[%swap3A_1085, %swap3A_1086], %mul3A_1083 {strides = array<i32>} : memref<32x96xf32, #tpu.memory_space<vmem>>, vector<16xf32>,
    %get3A_1088 = arith.constant 11 : i32
    %get3A_1089 = arith.index_cast %get3A_1088 : i32 to index
    %get3A_1090 = arith.constant 16 : index
    %get3A_1091 = tpu.vector_load %arg18[%get3A_1089, %get3A_1090] {strides = array<i32>} : memref<32x128xf32, #tpu.memory_space<vmem>>, vector<16xf32>,
    %mul3A_1092 = vector.broadcast %reduce_sum3A_1077 : f32 to vector<16xf32>
    %mul3A_1093 = arith.mulf %get3A_1091, %mul3A_1092 : vector<16xf32>
    %swap3A_1094 = arith.constant 11 : i32
    %swap3A_1095 = arith.index_cast %swap3A_1094 : i32 to index
    %swap3A_1096 = arith.constant 16 : index
    %swap3A_1097 = tpu.vector_load %arg19[%swap3A_1095, %swap3A_1096] {strides = array<i32>} : memref<32x96xf32, #tpu.memory_space<vmem>>, vector<16xf32>,
    tpu.vector_store %arg19[%swap3A_1095, %swap3A_1096], %mul3A_1093 {strides = array<i32>} : memref<32x96xf32, #tpu.memory_space<vmem>>, vector<16xf32>,
    %get3A_1098 = arith.constant 11 : i32
    %get3A_1099 = arith.index_cast %get3A_1098 : i32 to index
    %get3A_1100 = arith.constant 32 : index
    %get3A_1101 = tpu.vector_load %arg18[%get3A_1099, %get3A_1100] {strides = array<i32>} : memref<32x128xf32, #tpu.memory_space<vmem>>, vector<16xf32>,
    %mul3A_1102 = vector.broadcast %reduce_sum3A_1077 : f32 to vector<16xf32>
    %mul3A_1103 = arith.mulf %get3A_1101, %mul3A_1102 : vector<16xf32>
    %swap3A_1104 = arith.constant 11 : i32
    %swap3A_1105 = arith.index_cast %swap3A_1104 : i32 to index
    %swap3A_1106 = arith.constant 32 : index
    %swap3A_1107 = tpu.vector_load %arg19[%swap3A_1105, %swap3A_1106] {strides = array<i32>} : memref<32x96xf32, #tpu.memory_space<vmem>>, vector<16xf32>,
    tpu.vector_store %arg19[%swap3A_1105, %swap3A_1106], %mul3A_1103 {strides = array<i32>} : memref<32x96xf32, #tpu.memory_space<vmem>>, vector<16xf32>,
    %get3A_1108 = arith.constant 11 : i32
    %get3A_1109 = arith.index_cast %get3A_1108 : i32 to index
    %get3A_1110 = arith.constant 48 : index
    %get3A_1111 = tpu.vector_load %arg18[%get3A_1109, %get3A_1110] {strides = array<i32>} : memref<32x128xf32, #tpu.memory_space<vmem>>, vector<16xf32>,
    %mul3A_1112 = vector.broadcast %reduce_sum3A_1077 : f32 to vector<16xf32>
    %mul3A_1113 = arith.mulf %get3A_1111, %mul3A_1112 : vector<16xf32>
    %swap3A_1114 = arith.constant 11 : i32
    %swap3A_1115 = arith.index_cast %swap3A_1114 : i32 to index
    %swap3A_1116 = arith.constant 48 : index
    %swap3A_1117 = tpu.vector_load %arg19[%swap3A_1115, %swap3A_1116] {strides = array<i32>} : memref<32x96xf32, #tpu.memory_space<vmem>>, vector<16xf32>,
    tpu.vector_store %arg19[%swap3A_1115, %swap3A_1116], %mul3A_1113 {strides = array<i32>} : memref<32x96xf32, #tpu.memory_space<vmem>>, vector<16xf32>,
    %get3A_1118 = arith.constant 11 : i32
    %get3A_1119 = arith.index_cast %get3A_1118 : i32 to index
    %get3A_1120 = arith.constant 64 : index
    %get3A_1121 = tpu.vector_load %arg18[%get3A_1119, %get3A_1120] {strides = array<i32>} : memref<32x128xf32, #tpu.memory_space<vmem>>, vector<16xf32>,
    %mul3A_1122 = vector.broadcast %reduce_sum3A_1077 : f32 to vector<16xf32>
    %mul3A_1123 = arith.mulf %get3A_1121, %mul3A_1122 : vector<16xf32>
    %swap3A_1124 = arith.constant 11 : i32
    %swap3A_1125 = arith.index_cast %swap3A_1124 : i32 to index
    %swap3A_1126 = arith.constant 64 : index
    %swap3A_1127 = tpu.vector_load %arg19[%swap3A_1125, %swap3A_1126] {strides = array<i32>} : memref<32x96xf32, #tpu.memory_space<vmem>>, vector<16xf32>,
    tpu.vector_store %arg19[%swap3A_1125, %swap3A_1126], %mul3A_1123 {strides = array<i32>} : memref<32x96xf32, #tpu.memory_space<vmem>>, vector<16xf32>,
    %get3A_1128 = arith.constant 11 : i32
    %get3A_1129 = arith.index_cast %get3A_1128 : i32 to index
    %get3A_1130 = arith.constant 80 : index
    %get3A_1131 = tpu.vector_load %arg18[%get3A_1129, %get3A_1130] {strides = array<i32>} : memref<32x128xf32, #tpu.memory_space<vmem>>, vector<16xf32>,
    %mul3A_1132 = vector.broadcast %reduce_sum3A_1077 : f32 to vector<16xf32>
    %mul3A_1133 = arith.mulf %get3A_1131, %mul3A_1132 : vector<16xf32>
    %swap3A_1134 = arith.constant 11 : i32
    %swap3A_1135 = arith.index_cast %swap3A_1134 : i32 to index
    %swap3A_1136 = arith.constant 80 : index
    %swap3A_1137 = tpu.vector_load %arg19[%swap3A_1135, %swap3A_1136] {strides = array<i32>} : memref<32x96xf32, #tpu.memory_space<vmem>>, vector<16xf32>,
    tpu.vector_store %arg19[%swap3A_1135, %swap3A_1136], %mul3A_1133 {strides = array<i32>} : memref<32x96xf32, #tpu.memory_space<vmem>>, vector<16xf32>,
    %eq3A_1138 = arith.constant 12 : i32
    %eq3A_1139 = vector.broadcast %eq3A_1138 : i32 to vector<16xi32>
    %eq3A_1140 = arith.cmpi eq, %iota3A, %eq3A_1139 : vector<16xi32>
    %jit3A_1141 = arith.constant 0.000000e+00 : f32
    %broadcast_in_dim3A_1142 = vector.broadcast %jit3A_1141 : f32 to vector<16xf32>
    %select_n3A_1143 = arith.select %eq3A_1140, %div3A_295, %broadcast_in_dim3A_1142 : vector<16xi1>, vector<16xf32>
    %reduce_sum3A_1144 = arith.constant true
    %reduce_sum3A_1145 = vector.broadcast %reduce_sum3A_1144 : i1 to vector<16xi1>
    %reduce_sum3A_1146 = tpu.scan <sum>, %select_n3A_1143 masked %reduce_sum3A_1145 : vector<16xf32>, vector<16xi1> -> vector<16xf32>
    %reduce_sum3A_1147 = vector.extract %reduce_sum3A_1146[15] : f32 from vector<16xf32>
    %get3A_1148 = arith.constant 12 : i32
    %get3A_1149 = arith.index_cast %get3A_1148 : i32 to index
    %get3A_1150 = arith.constant 0 : index
    %get3A_1151 = tpu.vector_load %arg18[%get3A_1149, %get3A_1150] {strides = array<i32>} : memref<32x128xf32, #tpu.memory_space<vmem>>, vector<16xf32>,
    %mul3A_1152 = vector.broadcast %reduce_sum3A_1147 : f32 to vector<16xf32>
    %mul3A_1153 = arith.mulf %get3A_1151, %mul3A_1152 : vector<16xf32>
    %swap3A_1154 = arith.constant 12 : i32
    %swap3A_1155 = arith.index_cast %swap3A_1154 : i32 to index
    %swap3A_1156 = arith.constant 0 : index
    %swap3A_1157 = tpu.vector_load %arg19[%swap3A_1155, %swap3A_1156] {strides = array<i32>} : memref<32x96xf32, #tpu.memory_space<vmem>>, vector<16xf32>,
    tpu.vector_store %arg19[%swap3A_1155, %swap3A_1156], %mul3A_1153 {strides = array<i32>} : memref<32x96xf32, #tpu.memory_space<vmem>>, vector<16xf32>,
    %get3A_1158 = arith.constant 12 : i32
    %get3A_1159 = arith.index_cast %get3A_1158 : i32 to index
    %get3A_1160 = arith.constant 16 : index
    %get3A_1161 = tpu.vector_load %arg18[%get3A_1159, %get3A_1160] {strides = array<i32>} : memref<32x128xf32, #tpu.memory_space<vmem>>, vector<16xf32>,
    %mul3A_1162 = vector.broadcast %reduce_sum3A_1147 : f32 to vector<16xf32>
    %mul3A_1163 = arith.mulf %get3A_1161, %mul3A_1162 : vector<16xf32>
    %swap3A_1164 = arith.constant 12 : i32
    %swap3A_1165 = arith.index_cast %swap3A_1164 : i32 to index
    %swap3A_1166 = arith.constant 16 : index
    %swap3A_1167 = tpu.vector_load %arg19[%swap3A_1165, %swap3A_1166] {strides = array<i32>} : memref<32x96xf32, #tpu.memory_space<vmem>>, vector<16xf32>,
    tpu.vector_store %arg19[%swap3A_1165, %swap3A_1166], %mul3A_1163 {strides = array<i32>} : memref<32x96xf32, #tpu.memory_space<vmem>>, vector<16xf32>,
    %get3A_1168 = arith.constant 12 : i32
    %get3A_1169 = arith.index_cast %get3A_1168 : i32 to index
    %get3A_1170 = arith.constant 32 : index
    %get3A_1171 = tpu.vector_load %arg18[%get3A_1169, %get3A_1170] {strides = array<i32>} : memref<32x128xf32, #tpu.memory_space<vmem>>, vector<16xf32>,
    %mul3A_1172 = vector.broadcast %reduce_sum3A_1147 : f32 to vector<16xf32>
    %mul3A_1173 = arith.mulf %get3A_1171, %mul3A_1172 : vector<16xf32>
    %swap3A_1174 = arith.constant 12 : i32
    %swap3A_1175 = arith.index_cast %swap3A_1174 : i32 to index
    %swap3A_1176 = arith.constant 32 : index
    %swap3A_1177 = tpu.vector_load %arg19[%swap3A_1175, %swap3A_1176] {strides = array<i32>} : memref<32x96xf32, #tpu.memory_space<vmem>>, vector<16xf32>,
    tpu.vector_store %arg19[%swap3A_1175, %swap3A_1176], %mul3A_1173 {strides = array<i32>} : memref<32x96xf32, #tpu.memory_space<vmem>>, vector<16xf32>,
    %get3A_1178 = arith.constant 12 : i32
    %get3A_1179 = arith.index_cast %get3A_1178 : i32 to index
    %get3A_1180 = arith.constant 48 : index
    %get3A_1181 = tpu.vector_load %arg18[%get3A_1179, %get3A_1180] {strides = array<i32>} : memref<32x128xf32, #tpu.memory_space<vmem>>, vector<16xf32>,
    %mul3A_1182 = vector.broadcast %reduce_sum3A_1147 : f32 to vector<16xf32>
    %mul3A_1183 = arith.mulf %get3A_1181, %mul3A_1182 : vector<16xf32>
    %swap3A_1184 = arith.constant 12 : i32
    %swap3A_1185 = arith.index_cast %swap3A_1184 : i32 to index
    %swap3A_1186 = arith.constant 48 : index
    %swap3A_1187 = tpu.vector_load %arg19[%swap3A_1185, %swap3A_1186] {strides = array<i32>} : memref<32x96xf32, #tpu.memory_space<vmem>>, vector<16xf32>,
    tpu.vector_store %arg19[%swap3A_1185, %swap3A_1186], %mul3A_1183 {strides = array<i32>} : memref<32x96xf32, #tpu.memory_space<vmem>>, vector<16xf32>,
    %get3A_1188 = arith.constant 12 : i32
    %get3A_1189 = arith.index_cast %get3A_1188 : i32 to index
    %get3A_1190 = arith.constant 64 : index
    %get3A_1191 = tpu.vector_load %arg18[%get3A_1189, %get3A_1190] {strides = array<i32>} : memref<32x128xf32, #tpu.memory_space<vmem>>, vector<16xf32>,
    %mul3A_1192 = vector.broadcast %reduce_sum3A_1147 : f32 to vector<16xf32>
    %mul3A_1193 = arith.mulf %get3A_1191, %mul3A_1192 : vector<16xf32>
    %swap3A_1194 = arith.constant 12 : i32
    %swap3A_1195 = arith.index_cast %swap3A_1194 : i32 to index
    %swap3A_1196 = arith.constant 64 : index
    %swap3A_1197 = tpu.vector_load %arg19[%swap3A_1195, %swap3A_1196] {strides = array<i32>} : memref<32x96xf32, #tpu.memory_space<vmem>>, vector<16xf32>,
    tpu.vector_store %arg19[%swap3A_1195, %swap3A_1196], %mul3A_1193 {strides = array<i32>} : memref<32x96xf32, #tpu.memory_space<vmem>>, vector<16xf32>,
    %get3A_1198 = arith.constant 12 : i32
    %get3A_1199 = arith.index_cast %get3A_1198 : i32 to index
    %get3A_1200 = arith.constant 80 : index
    %get3A_1201 = tpu.vector_load %arg18[%get3A_1199, %get3A_1200] {strides = array<i32>} : memref<32x128xf32, #tpu.memory_space<vmem>>, vector<16xf32>,
    %mul3A_1202 = vector.broadcast %reduce_sum3A_1147 : f32 to vector<16xf32>
    %mul3A_1203 = arith.mulf %get3A_1201, %mul3A_1202 : vector<16xf32>
    %swap3A_1204 = arith.constant 12 : i32
    %swap3A_1205 = arith.index_cast %swap3A_1204 : i32 to index
    %swap3A_1206 = arith.constant 80 : index
    %swap3A_1207 = tpu.vector_load %arg19[%swap3A_1205, %swap3A_1206] {strides = array<i32>} : memref<32x96xf32, #tpu.memory_space<vmem>>, vector<16xf32>,
    tpu.vector_store %arg19[%swap3A_1205, %swap3A_1206], %mul3A_1203 {strides = array<i32>} : memref<32x96xf32, #tpu.memory_space<vmem>>, vector<16xf32>,
    %eq3A_1208 = arith.constant 13 : i32
    %eq3A_1209 = vector.broadcast %eq3A_1208 : i32 to vector<16xi32>
    %eq3A_1210 = arith.cmpi eq, %iota3A, %eq3A_1209 : vector<16xi32>
    %jit3A_1211 = arith.constant 0.000000e+00 : f32
    %broadcast_in_dim3A_1212 = vector.broadcast %jit3A_1211 : f32 to vector<16xf32>
    %select_n3A_1213 = arith.select %eq3A_1210, %div3A_295, %broadcast_in_dim3A_1212 : vector<16xi1>, vector<16xf32>
    %reduce_sum3A_1214 = arith.constant true
    %reduce_sum3A_1215 = vector.broadcast %reduce_sum3A_1214 : i1 to vector<16xi1>
    %reduce_sum3A_1216 = tpu.scan <sum>, %select_n3A_1213 masked %reduce_sum3A_1215 : vector<16xf32>, vector<16xi1> -> vector<16xf32>
    %reduce_sum3A_1217 = vector.extract %reduce_sum3A_1216[15] : f32 from vector<16xf32>
    %get3A_1218 = arith.constant 13 : i32
    %get3A_1219 = arith.index_cast %get3A_1218 : i32 to index
    %get3A_1220 = arith.constant 0 : index
    %get3A_1221 = tpu.vector_load %arg18[%get3A_1219, %get3A_1220] {strides = array<i32>} : memref<32x128xf32, #tpu.memory_space<vmem>>, vector<16xf32>,
    %mul3A_1222 = vector.broadcast %reduce_sum3A_1217 : f32 to vector<16xf32>
    %mul3A_1223 = arith.mulf %get3A_1221, %mul3A_1222 : vector<16xf32>
    %swap3A_1224 = arith.constant 13 : i32
    %swap3A_1225 = arith.index_cast %swap3A_1224 : i32 to index
    %swap3A_1226 = arith.constant 0 : index
    %swap3A_1227 = tpu.vector_load %arg19[%swap3A_1225, %swap3A_1226] {strides = array<i32>} : memref<32x96xf32, #tpu.memory_space<vmem>>, vector<16xf32>,
    tpu.vector_store %arg19[%swap3A_1225, %swap3A_1226], %mul3A_1223 {strides = array<i32>} : memref<32x96xf32, #tpu.memory_space<vmem>>, vector<16xf32>,
    %get3A_1228 = arith.constant 13 : i32
    %get3A_1229 = arith.index_cast %get3A_1228 : i32 to index
    %get3A_1230 = arith.constant 16 : index
    %get3A_1231 = tpu.vector_load %arg18[%get3A_1229, %get3A_1230] {strides = array<i32>} : memref<32x128xf32, #tpu.memory_space<vmem>>, vector<16xf32>,
    %mul3A_1232 = vector.broadcast %reduce_sum3A_1217 : f32 to vector<16xf32>
    %mul3A_1233 = arith.mulf %get3A_1231, %mul3A_1232 : vector<16xf32>
    %swap3A_1234 = arith.constant 13 : i32
    %swap3A_1235 = arith.index_cast %swap3A_1234 : i32 to index
    %swap3A_1236 = arith.constant 16 : index
    %swap3A_1237 = tpu.vector_load %arg19[%swap3A_1235, %swap3A_1236] {strides = array<i32>} : memref<32x96xf32, #tpu.memory_space<vmem>>, vector<16xf32>,
    tpu.vector_store %arg19[%swap3A_1235, %swap3A_1236], %mul3A_1233 {strides = array<i32>} : memref<32x96xf32, #tpu.memory_space<vmem>>, vector<16xf32>,
    %get3A_1238 = arith.constant 13 : i32
    %get3A_1239 = arith.index_cast %get3A_1238 : i32 to index
    %get3A_1240 = arith.constant 32 : index
    %get3A_1241 = tpu.vector_load %arg18[%get3A_1239, %get3A_1240] {strides = array<i32>} : memref<32x128xf32, #tpu.memory_space<vmem>>, vector<16xf32>,
    %mul3A_1242 = vector.broadcast %reduce_sum3A_1217 : f32 to vector<16xf32>
    %mul3A_1243 = arith.mulf %get3A_1241, %mul3A_1242 : vector<16xf32>
    %swap3A_1244 = arith.constant 13 : i32
    %swap3A_1245 = arith.index_cast %swap3A_1244 : i32 to index
    %swap3A_1246 = arith.constant 32 : index
    %swap3A_1247 = tpu.vector_load %arg19[%swap3A_1245, %swap3A_1246] {strides = array<i32>} : memref<32x96xf32, #tpu.memory_space<vmem>>, vector<16xf32>,
    tpu.vector_store %arg19[%swap3A_1245, %swap3A_1246], %mul3A_1243 {strides = array<i32>} : memref<32x96xf32, #tpu.memory_space<vmem>>, vector<16xf32>,
    %get3A_1248 = arith.constant 13 : i32
    %get3A_1249 = arith.index_cast %get3A_1248 : i32 to index
    %get3A_1250 = arith.constant 48 : index
    %get3A_1251 = tpu.vector_load %arg18[%get3A_1249, %get3A_1250] {strides = array<i32>} : memref<32x128xf32, #tpu.memory_space<vmem>>, vector<16xf32>,
    %mul3A_1252 = vector.broadcast %reduce_sum3A_1217 : f32 to vector<16xf32>
    %mul3A_1253 = arith.mulf %get3A_1251, %mul3A_1252 : vector<16xf32>
    %swap3A_1254 = arith.constant 13 : i32
    %swap3A_1255 = arith.index_cast %swap3A_1254 : i32 to index
    %swap3A_1256 = arith.constant 48 : index
    %swap3A_1257 = tpu.vector_load %arg19[%swap3A_1255, %swap3A_1256] {strides = array<i32>} : memref<32x96xf32, #tpu.memory_space<vmem>>, vector<16xf32>,
    tpu.vector_store %arg19[%swap3A_1255, %swap3A_1256], %mul3A_1253 {strides = array<i32>} : memref<32x96xf32, #tpu.memory_space<vmem>>, vector<16xf32>,
    %get3A_1258 = arith.constant 13 : i32
    %get3A_1259 = arith.index_cast %get3A_1258 : i32 to index
    %get3A_1260 = arith.constant 64 : index
    %get3A_1261 = tpu.vector_load %arg18[%get3A_1259, %get3A_1260] {strides = array<i32>} : memref<32x128xf32, #tpu.memory_space<vmem>>, vector<16xf32>,
    %mul3A_1262 = vector.broadcast %reduce_sum3A_1217 : f32 to vector<16xf32>
    %mul3A_1263 = arith.mulf %get3A_1261, %mul3A_1262 : vector<16xf32>
    %swap3A_1264 = arith.constant 13 : i32
    %swap3A_1265 = arith.index_cast %swap3A_1264 : i32 to index
    %swap3A_1266 = arith.constant 64 : index
    %swap3A_1267 = tpu.vector_load %arg19[%swap3A_1265, %swap3A_1266] {strides = array<i32>} : memref<32x96xf32, #tpu.memory_space<vmem>>, vector<16xf32>,
    tpu.vector_store %arg19[%swap3A_1265, %swap3A_1266], %mul3A_1263 {strides = array<i32>} : memref<32x96xf32, #tpu.memory_space<vmem>>, vector<16xf32>,
    %get3A_1268 = arith.constant 13 : i32
    %get3A_1269 = arith.index_cast %get3A_1268 : i32 to index
    %get3A_1270 = arith.constant 80 : index
    %get3A_1271 = tpu.vector_load %arg18[%get3A_1269, %get3A_1270] {strides = array<i32>} : memref<32x128xf32, #tpu.memory_space<vmem>>, vector<16xf32>,
    %mul3A_1272 = vector.broadcast %reduce_sum3A_1217 : f32 to vector<16xf32>
    %mul3A_1273 = arith.mulf %get3A_1271, %mul3A_1272 : vector<16xf32>
    %swap3A_1274 = arith.constant 13 : i32
    %swap3A_1275 = arith.index_cast %swap3A_1274 : i32 to index
    %swap3A_1276 = arith.constant 80 : index
    %swap3A_1277 = tpu.vector_load %arg19[%swap3A_1275, %swap3A_1276] {strides = array<i32>} : memref<32x96xf32, #tpu.memory_space<vmem>>, vector<16xf32>,
    tpu.vector_store %arg19[%swap3A_1275, %swap3A_1276], %mul3A_1273 {strides = array<i32>} : memref<32x96xf32, #tpu.memory_space<vmem>>, vector<16xf32>,
    %eq3A_1278 = arith.constant 14 : i32
    %eq3A_1279 = vector.broadcast %eq3A_1278 : i32 to vector<16xi32>
    %eq3A_1280 = arith.cmpi eq, %iota3A, %eq3A_1279 : vector<16xi32>
    %jit3A_1281 = arith.constant 0.000000e+00 : f32
    %broadcast_in_dim3A_1282 = vector.broadcast %jit3A_1281 : f32 to vector<16xf32>
    %select_n3A_1283 = arith.select %eq3A_1280, %div3A_295, %broadcast_in_dim3A_1282 : vector<16xi1>, vector<16xf32>
    %reduce_sum3A_1284 = arith.constant true
    %reduce_sum3A_1285 = vector.broadcast %reduce_sum3A_1284 : i1 to vector<16xi1>
    %reduce_sum3A_1286 = tpu.scan <sum>, %select_n3A_1283 masked %reduce_sum3A_1285 : vector<16xf32>, vector<16xi1> -> vector<16xf32>
    %reduce_sum3A_1287 = vector.extract %reduce_sum3A_1286[15] : f32 from vector<16xf32>
    %get3A_1288 = arith.constant 14 : i32
    %get3A_1289 = arith.index_cast %get3A_1288 : i32 to index
    %get3A_1290 = arith.constant 0 : index
    %get3A_1291 = tpu.vector_load %arg18[%get3A_1289, %get3A_1290] {strides = array<i32>} : memref<32x128xf32, #tpu.memory_space<vmem>>, vector<16xf32>,
    %mul3A_1292 = vector.broadcast %reduce_sum3A_1287 : f32 to vector<16xf32>
    %mul3A_1293 = arith.mulf %get3A_1291, %mul3A_1292 : vector<16xf32>
    %swap3A_1294 = arith.constant 14 : i32
    %swap3A_1295 = arith.index_cast %swap3A_1294 : i32 to index
    %swap3A_1296 = arith.constant 0 : index
    %swap3A_1297 = tpu.vector_load %arg19[%swap3A_1295, %swap3A_1296] {strides = array<i32>} : memref<32x96xf32, #tpu.memory_space<vmem>>, vector<16xf32>,
    tpu.vector_store %arg19[%swap3A_1295, %swap3A_1296], %mul3A_1293 {strides = array<i32>} : memref<32x96xf32, #tpu.memory_space<vmem>>, vector<16xf32>,
    %get3A_1298 = arith.constant 14 : i32
    %get3A_1299 = arith.index_cast %get3A_1298 : i32 to index
    %get3A_1300 = arith.constant 16 : index
    %get3A_1301 = tpu.vector_load %arg18[%get3A_1299, %get3A_1300] {strides = array<i32>} : memref<32x128xf32, #tpu.memory_space<vmem>>, vector<16xf32>,
    %mul3A_1302 = vector.broadcast %reduce_sum3A_1287 : f32 to vector<16xf32>
    %mul3A_1303 = arith.mulf %get3A_1301, %mul3A_1302 : vector<16xf32>
    %swap3A_1304 = arith.constant 14 : i32
    %swap3A_1305 = arith.index_cast %swap3A_1304 : i32 to index
    %swap3A_1306 = arith.constant 16 : index
    %swap3A_1307 = tpu.vector_load %arg19[%swap3A_1305, %swap3A_1306] {strides = array<i32>} : memref<32x96xf32, #tpu.memory_space<vmem>>, vector<16xf32>,
    tpu.vector_store %arg19[%swap3A_1305, %swap3A_1306], %mul3A_1303 {strides = array<i32>} : memref<32x96xf32, #tpu.memory_space<vmem>>, vector<16xf32>,
    %get3A_1308 = arith.constant 14 : i32
    %get3A_1309 = arith.index_cast %get3A_1308 : i32 to index
    %get3A_1310 = arith.constant 32 : index
    %get3A_1311 = tpu.vector_load %arg18[%get3A_1309, %get3A_1310] {strides = array<i32>} : memref<32x128xf32, #tpu.memory_space<vmem>>, vector<16xf32>,
    %mul3A_1312 = vector.broadcast %reduce_sum3A_1287 : f32 to vector<16xf32>
    %mul3A_1313 = arith.mulf %get3A_1311, %mul3A_1312 : vector<16xf32>
    %swap3A_1314 = arith.constant 14 : i32
    %swap3A_1315 = arith.index_cast %swap3A_1314 : i32 to index
    %swap3A_1316 = arith.constant 32 : index
    %swap3A_1317 = tpu.vector_load %arg19[%swap3A_1315, %swap3A_1316] {strides = array<i32>} : memref<32x96xf32, #tpu.memory_space<vmem>>, vector<16xf32>,
    tpu.vector_store %arg19[%swap3A_1315, %swap3A_1316], %mul3A_1313 {strides = array<i32>} : memref<32x96xf32, #tpu.memory_space<vmem>>, vector<16xf32>,
    %get3A_1318 = arith.constant 14 : i32
    %get3A_1319 = arith.index_cast %get3A_1318 : i32 to index
    %get3A_1320 = arith.constant 48 : index
    %get3A_1321 = tpu.vector_load %arg18[%get3A_1319, %get3A_1320] {strides = array<i32>} : memref<32x128xf32, #tpu.memory_space<vmem>>, vector<16xf32>,
    %mul3A_1322 = vector.broadcast %reduce_sum3A_1287 : f32 to vector<16xf32>
    %mul3A_1323 = arith.mulf %get3A_1321, %mul3A_1322 : vector<16xf32>
    %swap3A_1324 = arith.constant 14 : i32
    %swap3A_1325 = arith.index_cast %swap3A_1324 : i32 to index
    %swap3A_1326 = arith.constant 48 : index
    %swap3A_1327 = tpu.vector_load %arg19[%swap3A_1325, %swap3A_1326] {strides = array<i32>} : memref<32x96xf32, #tpu.memory_space<vmem>>, vector<16xf32>,
    tpu.vector_store %arg19[%swap3A_1325, %swap3A_1326], %mul3A_1323 {strides = array<i32>} : memref<32x96xf32, #tpu.memory_space<vmem>>, vector<16xf32>,
    %get3A_1328 = arith.constant 14 : i32
    %get3A_1329 = arith.index_cast %get3A_1328 : i32 to index
    %get3A_1330 = arith.constant 64 : index
    %get3A_1331 = tpu.vector_load %arg18[%get3A_1329, %get3A_1330] {strides = array<i32>} : memref<32x128xf32, #tpu.memory_space<vmem>>, vector<16xf32>,
    %mul3A_1332 = vector.broadcast %reduce_sum3A_1287 : f32 to vector<16xf32>
    %mul3A_1333 = arith.mulf %get3A_1331, %mul3A_1332 : vector<16xf32>
    %swap3A_1334 = arith.constant 14 : i32
    %swap3A_1335 = arith.index_cast %swap3A_1334 : i32 to index
    %swap3A_1336 = arith.constant 64 : index
    %swap3A_1337 = tpu.vector_load %arg19[%swap3A_1335, %swap3A_1336] {strides = array<i32>} : memref<32x96xf32, #tpu.memory_space<vmem>>, vector<16xf32>,
    tpu.vector_store %arg19[%swap3A_1335, %swap3A_1336], %mul3A_1333 {strides = array<i32>} : memref<32x96xf32, #tpu.memory_space<vmem>>, vector<16xf32>,
    %get3A_1338 = arith.constant 14 : i32
    %get3A_1339 = arith.index_cast %get3A_1338 : i32 to index
    %get3A_1340 = arith.constant 80 : index
    %get3A_1341 = tpu.vector_load %arg18[%get3A_1339, %get3A_1340] {strides = array<i32>} : memref<32x128xf32, #tpu.memory_space<vmem>>, vector<16xf32>,
    %mul3A_1342 = vector.broadcast %reduce_sum3A_1287 : f32 to vector<16xf32>
    %mul3A_1343 = arith.mulf %get3A_1341, %mul3A_1342 : vector<16xf32>
    %swap3A_1344 = arith.constant 14 : i32
    %swap3A_1345 = arith.index_cast %swap3A_1344 : i32 to index
    %swap3A_1346 = arith.constant 80 : index
    %swap3A_1347 = tpu.vector_load %arg19[%swap3A_1345, %swap3A_1346] {strides = array<i32>} : memref<32x96xf32, #tpu.memory_space<vmem>>, vector<16xf32>,
    tpu.vector_store %arg19[%swap3A_1345, %swap3A_1346], %mul3A_1343 {strides = array<i32>} : memref<32x96xf32, #tpu.memory_space<vmem>>, vector<16xf32>,
    %eq3A_1348 = arith.constant 15 : i32
    %eq3A_1349 = vector.broadcast %eq3A_1348 : i32 to vector<16xi32>
    %eq3A_1350 = arith.cmpi eq, %iota3A, %eq3A_1349 : vector<16xi32>
    %jit3A_1351 = arith.constant 0.000000e+00 : f32
    %broadcast_in_dim3A_1352 = vector.broadcast %jit3A_1351 : f32 to vector<16xf32>
    %select_n3A_1353 = arith.select %eq3A_1350, %div3A_295, %broadcast_in_dim3A_1352 : vector<16xi1>, vector<16xf32>
    %reduce_sum3A_1354 = arith.constant true
    %reduce_sum3A_1355 = vector.broadcast %reduce_sum3A_1354 : i1 to vector<16xi1>
    %reduce_sum3A_1356 = tpu.scan <sum>, %select_n3A_1353 masked %reduce_sum3A_1355 : vector<16xf32>, vector<16xi1> -> vector<16xf32>
    %reduce_sum3A_1357 = vector.extract %reduce_sum3A_1356[15] : f32 from vector<16xf32>
    %get3A_1358 = arith.constant 15 : i32
    %get3A_1359 = arith.index_cast %get3A_1358 : i32 to index
    %get3A_1360 = arith.constant 0 : index
    %get3A_1361 = tpu.vector_load %arg18[%get3A_1359, %get3A_1360] {strides = array<i32>} : memref<32x128xf32, #tpu.memory_space<vmem>>, vector<16xf32>,
    %mul3A_1362 = vector.broadcast %reduce_sum3A_1357 : f32 to vector<16xf32>
    %mul3A_1363 = arith.mulf %get3A_1361, %mul3A_1362 : vector<16xf32>
    %swap3A_1364 = arith.constant 15 : i32
    %swap3A_1365 = arith.index_cast %swap3A_1364 : i32 to index
    %swap3A_1366 = arith.constant 0 : index
    %swap3A_1367 = tpu.vector_load %arg19[%swap3A_1365, %swap3A_1366] {strides = array<i32>} : memref<32x96xf32, #tpu.memory_space<vmem>>, vector<16xf32>,
    tpu.vector_store %arg19[%swap3A_1365, %swap3A_1366], %mul3A_1363 {strides = array<i32>} : memref<32x96xf32, #tpu.memory_space<vmem>>, vector<16xf32>,
    %get3A_1368 = arith.constant 15 : i32
    %get3A_1369 = arith.index_cast %get3A_1368 : i32 to index
    %get3A_1370 = arith.constant 16 : index
    %get3A_1371 = tpu.vector_load %arg18[%get3A_1369, %get3A_1370] {strides = array<i32>} : memref<32x128xf32, #tpu.memory_space<vmem>>, vector<16xf32>,
    %mul3A_1372 = vector.broadcast %reduce_sum3A_1357 : f32 to vector<16xf32>
    %mul3A_1373 = arith.mulf %get3A_1371, %mul3A_1372 : vector<16xf32>
    %swap3A_1374 = arith.constant 15 : i32
    %swap3A_1375 = arith.index_cast %swap3A_1374 : i32 to index
    %swap3A_1376 = arith.constant 16 : index
    %swap3A_1377 = tpu.vector_load %arg19[%swap3A_1375, %swap3A_1376] {strides = array<i32>} : memref<32x96xf32, #tpu.memory_space<vmem>>, vector<16xf32>,
    tpu.vector_store %arg19[%swap3A_1375, %swap3A_1376], %mul3A_1373 {strides = array<i32>} : memref<32x96xf32, #tpu.memory_space<vmem>>, vector<16xf32>,
    %get3A_1378 = arith.constant 15 : i32
    %get3A_1379 = arith.index_cast %get3A_1378 : i32 to index
    %get3A_1380 = arith.constant 32 : index
    %get3A_1381 = tpu.vector_load %arg18[%get3A_1379, %get3A_1380] {strides = array<i32>} : memref<32x128xf32, #tpu.memory_space<vmem>>, vector<16xf32>,
    %mul3A_1382 = vector.broadcast %reduce_sum3A_1357 : f32 to vector<16xf32>
    %mul3A_1383 = arith.mulf %get3A_1381, %mul3A_1382 : vector<16xf32>
    %swap3A_1384 = arith.constant 15 : i32
    %swap3A_1385 = arith.index_cast %swap3A_1384 : i32 to index
    %swap3A_1386 = arith.constant 32 : index
    %swap3A_1387 = tpu.vector_load %arg19[%swap3A_1385, %swap3A_1386] {strides = array<i32>} : memref<32x96xf32, #tpu.memory_space<vmem>>, vector<16xf32>,
    tpu.vector_store %arg19[%swap3A_1385, %swap3A_1386], %mul3A_1383 {strides = array<i32>} : memref<32x96xf32, #tpu.memory_space<vmem>>, vector<16xf32>,
    %get3A_1388 = arith.constant 15 : i32
    %get3A_1389 = arith.index_cast %get3A_1388 : i32 to index
    %get3A_1390 = arith.constant 48 : index
    %get3A_1391 = tpu.vector_load %arg18[%get3A_1389, %get3A_1390] {strides = array<i32>} : memref<32x128xf32, #tpu.memory_space<vmem>>, vector<16xf32>,
    %mul3A_1392 = vector.broadcast %reduce_sum3A_1357 : f32 to vector<16xf32>
    %mul3A_1393 = arith.mulf %get3A_1391, %mul3A_1392 : vector<16xf32>
    %swap3A_1394 = arith.constant 15 : i32
    %swap3A_1395 = arith.index_cast %swap3A_1394 : i32 to index
    %swap3A_1396 = arith.constant 48 : index
    %swap3A_1397 = tpu.vector_load %arg19[%swap3A_1395, %swap3A_1396] {strides = array<i32>} : memref<32x96xf32, #tpu.memory_space<vmem>>, vector<16xf32>,
    tpu.vector_store %arg19[%swap3A_1395, %swap3A_1396], %mul3A_1393 {strides = array<i32>} : memref<32x96xf32, #tpu.memory_space<vmem>>, vector<16xf32>,
    %get3A_1398 = arith.constant 15 : i32
    %get3A_1399 = arith.index_cast %get3A_1398 : i32 to index
    %get3A_1400 = arith.constant 64 : index
    %get3A_1401 = tpu.vector_load %arg18[%get3A_1399, %get3A_1400] {strides = array<i32>} : memref<32x128xf32, #tpu.memory_space<vmem>>, vector<16xf32>,
    %mul3A_1402 = vector.broadcast %reduce_sum3A_1357 : f32 to vector<16xf32>
    %mul3A_1403 = arith.mulf %get3A_1401, %mul3A_1402 : vector<16xf32>
    %swap3A_1404 = arith.constant 15 : i32
    %swap3A_1405 = arith.index_cast %swap3A_1404 : i32 to index
    %swap3A_1406 = arith.constant 64 : index
    %swap3A_1407 = tpu.vector_load %arg19[%swap3A_1405, %swap3A_1406] {strides = array<i32>} : memref<32x96xf32, #tpu.memory_space<vmem>>, vector<16xf32>,
    tpu.vector_store %arg19[%swap3A_1405, %swap3A_1406], %mul3A_1403 {strides = array<i32>} : memref<32x96xf32, #tpu.memory_space<vmem>>, vector<16xf32>,
    %get3A_1408 = arith.constant 15 : i32
    %get3A_1409 = arith.index_cast %get3A_1408 : i32 to index
    %get3A_1410 = arith.constant 80 : index
    %get3A_1411 = tpu.vector_load %arg18[%get3A_1409, %get3A_1410] {strides = array<i32>} : memref<32x128xf32, #tpu.memory_space<vmem>>, vector<16xf32>,
    %mul3A_1412 = vector.broadcast %reduce_sum3A_1357 : f32 to vector<16xf32>
    %mul3A_1413 = arith.mulf %get3A_1411, %mul3A_1412 : vector<16xf32>
    %swap3A_1414 = arith.constant 15 : i32
    %swap3A_1415 = arith.index_cast %swap3A_1414 : i32 to index
    %swap3A_1416 = arith.constant 80 : index
    %swap3A_1417 = tpu.vector_load %arg19[%swap3A_1415, %swap3A_1416] {strides = array<i32>} : memref<32x96xf32, #tpu.memory_space<vmem>>, vector<16xf32>,
    tpu.vector_store %arg19[%swap3A_1415, %swap3A_1416], %mul3A_1413 {strides = array<i32>} : memref<32x96xf32, #tpu.memory_space<vmem>>, vector<16xf32>,
    %eq3A_1418 = arith.constant 0 : i32
    %eq3A_1419 = vector.broadcast %eq3A_1418 : i32 to vector<16xi32>
    %eq3A_1420 = arith.cmpi eq, %iota3A, %eq3A_1419 : vector<16xi32>
    %jit3A_1421 = arith.constant 0.000000e+00 : f32
    %broadcast_in_dim3A_1422 = vector.broadcast %jit3A_1421 : f32 to vector<16xf32>
    %select_n3A_1423 = arith.select %eq3A_1420, %div3A_298, %broadcast_in_dim3A_1422 : vector<16xi1>, vector<16xf32>
    %reduce_sum3A_1424 = arith.constant true
    %reduce_sum3A_1425 = vector.broadcast %reduce_sum3A_1424 : i1 to vector<16xi1>
    %reduce_sum3A_1426 = tpu.scan <sum>, %select_n3A_1423 masked %reduce_sum3A_1425 : vector<16xf32>, vector<16xi1> -> vector<16xf32>
    %reduce_sum3A_1427 = vector.extract %reduce_sum3A_1426[15] : f32 from vector<16xf32>
    %get3A_1428 = arith.constant 16 : i32
    %get3A_1429 = arith.index_cast %get3A_1428 : i32 to index
    %get3A_1430 = arith.constant 0 : index
    %get3A_1431 = tpu.vector_load %arg18[%get3A_1429, %get3A_1430] {strides = array<i32>} : memref<32x128xf32, #tpu.memory_space<vmem>>, vector<16xf32>,
    %mul3A_1432 = vector.broadcast %reduce_sum3A_1427 : f32 to vector<16xf32>
    %mul3A_1433 = arith.mulf %get3A_1431, %mul3A_1432 : vector<16xf32>
    %swap3A_1434 = arith.constant 16 : i32
    %swap3A_1435 = arith.index_cast %swap3A_1434 : i32 to index
    %swap3A_1436 = arith.constant 0 : index
    %swap3A_1437 = tpu.vector_load %arg19[%swap3A_1435, %swap3A_1436] {strides = array<i32>} : memref<32x96xf32, #tpu.memory_space<vmem>>, vector<16xf32>,
    tpu.vector_store %arg19[%swap3A_1435, %swap3A_1436], %mul3A_1433 {strides = array<i32>} : memref<32x96xf32, #tpu.memory_space<vmem>>, vector<16xf32>,
    %get3A_1438 = arith.constant 16 : i32
    %get3A_1439 = arith.index_cast %get3A_1438 : i32 to index
    %get3A_1440 = arith.constant 16 : index
    %get3A_1441 = tpu.vector_load %arg18[%get3A_1439, %get3A_1440] {strides = array<i32>} : memref<32x128xf32, #tpu.memory_space<vmem>>, vector<16xf32>,
    %mul3A_1442 = vector.broadcast %reduce_sum3A_1427 : f32 to vector<16xf32>
    %mul3A_1443 = arith.mulf %get3A_1441, %mul3A_1442 : vector<16xf32>
    %swap3A_1444 = arith.constant 16 : i32
    %swap3A_1445 = arith.index_cast %swap3A_1444 : i32 to index
    %swap3A_1446 = arith.constant 16 : index
    %swap3A_1447 = tpu.vector_load %arg19[%swap3A_1445, %swap3A_1446] {strides = array<i32>} : memref<32x96xf32, #tpu.memory_space<vmem>>, vector<16xf32>,
    tpu.vector_store %arg19[%swap3A_1445, %swap3A_1446], %mul3A_1443 {strides = array<i32>} : memref<32x96xf32, #tpu.memory_space<vmem>>, vector<16xf32>,
    %get3A_1448 = arith.constant 16 : i32
    %get3A_1449 = arith.index_cast %get3A_1448 : i32 to index
    %get3A_1450 = arith.constant 32 : index
    %get3A_1451 = tpu.vector_load %arg18[%get3A_1449, %get3A_1450] {strides = array<i32>} : memref<32x128xf32, #tpu.memory_space<vmem>>, vector<16xf32>,
    %mul3A_1452 = vector.broadcast %reduce_sum3A_1427 : f32 to vector<16xf32>
    %mul3A_1453 = arith.mulf %get3A_1451, %mul3A_1452 : vector<16xf32>
    %swap3A_1454 = arith.constant 16 : i32
    %swap3A_1455 = arith.index_cast %swap3A_1454 : i32 to index
    %swap3A_1456 = arith.constant 32 : index
    %swap3A_1457 = tpu.vector_load %arg19[%swap3A_1455, %swap3A_1456] {strides = array<i32>} : memref<32x96xf32, #tpu.memory_space<vmem>>, vector<16xf32>,
    tpu.vector_store %arg19[%swap3A_1455, %swap3A_1456], %mul3A_1453 {strides = array<i32>} : memref<32x96xf32, #tpu.memory_space<vmem>>, vector<16xf32>,
    %get3A_1458 = arith.constant 16 : i32
    %get3A_1459 = arith.index_cast %get3A_1458 : i32 to index
    %get3A_1460 = arith.constant 48 : index
    %get3A_1461 = tpu.vector_load %arg18[%get3A_1459, %get3A_1460] {strides = array<i32>} : memref<32x128xf32, #tpu.memory_space<vmem>>, vector<16xf32>,
    %mul3A_1462 = vector.broadcast %reduce_sum3A_1427 : f32 to vector<16xf32>
    %mul3A_1463 = arith.mulf %get3A_1461, %mul3A_1462 : vector<16xf32>
    %swap3A_1464 = arith.constant 16 : i32
    %swap3A_1465 = arith.index_cast %swap3A_1464 : i32 to index
    %swap3A_1466 = arith.constant 48 : index
    %swap3A_1467 = tpu.vector_load %arg19[%swap3A_1465, %swap3A_1466] {strides = array<i32>} : memref<32x96xf32, #tpu.memory_space<vmem>>, vector<16xf32>,
    tpu.vector_store %arg19[%swap3A_1465, %swap3A_1466], %mul3A_1463 {strides = array<i32>} : memref<32x96xf32, #tpu.memory_space<vmem>>, vector<16xf32>,
    %get3A_1468 = arith.constant 16 : i32
    %get3A_1469 = arith.index_cast %get3A_1468 : i32 to index
    %get3A_1470 = arith.constant 64 : index
    %get3A_1471 = tpu.vector_load %arg18[%get3A_1469, %get3A_1470] {strides = array<i32>} : memref<32x128xf32, #tpu.memory_space<vmem>>, vector<16xf32>,
    %mul3A_1472 = vector.broadcast %reduce_sum3A_1427 : f32 to vector<16xf32>
    %mul3A_1473 = arith.mulf %get3A_1471, %mul3A_1472 : vector<16xf32>
    %swap3A_1474 = arith.constant 16 : i32
    %swap3A_1475 = arith.index_cast %swap3A_1474 : i32 to index
    %swap3A_1476 = arith.constant 64 : index
    %swap3A_1477 = tpu.vector_load %arg19[%swap3A_1475, %swap3A_1476] {strides = array<i32>} : memref<32x96xf32, #tpu.memory_space<vmem>>, vector<16xf32>,
    tpu.vector_store %arg19[%swap3A_1475, %swap3A_1476], %mul3A_1473 {strides = array<i32>} : memref<32x96xf32, #tpu.memory_space<vmem>>, vector<16xf32>,
    %get3A_1478 = arith.constant 16 : i32
    %get3A_1479 = arith.index_cast %get3A_1478 : i32 to index
    %get3A_1480 = arith.constant 80 : index
    %get3A_1481 = tpu.vector_load %arg18[%get3A_1479, %get3A_1480] {strides = array<i32>} : memref<32x128xf32, #tpu.memory_space<vmem>>, vector<16xf32>,
    %mul3A_1482 = vector.broadcast %reduce_sum3A_1427 : f32 to vector<16xf32>
    %mul3A_1483 = arith.mulf %get3A_1481, %mul3A_1482 : vector<16xf32>
    %swap3A_1484 = arith.constant 16 : i32
    %swap3A_1485 = arith.index_cast %swap3A_1484 : i32 to index
    %swap3A_1486 = arith.constant 80 : index
    %swap3A_1487 = tpu.vector_load %arg19[%swap3A_1485, %swap3A_1486] {strides = array<i32>} : memref<32x96xf32, #tpu.memory_space<vmem>>, vector<16xf32>,
    tpu.vector_store %arg19[%swap3A_1485, %swap3A_1486], %mul3A_1483 {strides = array<i32>} : memref<32x96xf32, #tpu.memory_space<vmem>>, vector<16xf32>,
    %eq3A_1488 = arith.constant 1 : i32
    %eq3A_1489 = vector.broadcast %eq3A_1488 : i32 to vector<16xi32>
    %eq3A_1490 = arith.cmpi eq, %iota3A, %eq3A_1489 : vector<16xi32>
    %jit3A_1491 = arith.constant 0.000000e+00 : f32
    %broadcast_in_dim3A_1492 = vector.broadcast %jit3A_1491 : f32 to vector<16xf32>
    %select_n3A_1493 = arith.select %eq3A_1490, %div3A_298, %broadcast_in_dim3A_1492 : vector<16xi1>, vector<16xf32>
    %reduce_sum3A_1494 = arith.constant true
    %reduce_sum3A_1495 = vector.broadcast %reduce_sum3A_1494 : i1 to vector<16xi1>
    %reduce_sum3A_1496 = tpu.scan <sum>, %select_n3A_1493 masked %reduce_sum3A_1495 : vector<16xf32>, vector<16xi1> -> vector<16xf32>
    %reduce_sum3A_1497 = vector.extract %reduce_sum3A_1496[15] : f32 from vector<16xf32>
    %get3A_1498 = arith.constant 17 : i32
    %get3A_1499 = arith.index_cast %get3A_1498 : i32 to index
    %get3A_1500 = arith.constant 0 : index
    %get3A_1501 = tpu.vector_load %arg18[%get3A_1499, %get3A_1500] {strides = array<i32>} : memref<32x128xf32, #tpu.memory_space<vmem>>, vector<16xf32>,
    %mul3A_1502 = vector.broadcast %reduce_sum3A_1497 : f32 to vector<16xf32>
    %mul3A_1503 = arith.mulf %get3A_1501, %mul3A_1502 : vector<16xf32>
    %swap3A_1504 = arith.constant 17 : i32
    %swap3A_1505 = arith.index_cast %swap3A_1504 : i32 to index
    %swap3A_1506 = arith.constant 0 : index
    %swap3A_1507 = tpu.vector_load %arg19[%swap3A_1505, %swap3A_1506] {strides = array<i32>} : memref<32x96xf32, #tpu.memory_space<vmem>>, vector<16xf32>,
    tpu.vector_store %arg19[%swap3A_1505, %swap3A_1506], %mul3A_1503 {strides = array<i32>} : memref<32x96xf32, #tpu.memory_space<vmem>>, vector<16xf32>,
    %get3A_1508 = arith.constant 17 : i32
    %get3A_1509 = arith.index_cast %get3A_1508 : i32 to index
    %get3A_1510 = arith.constant 16 : index
    %get3A_1511 = tpu.vector_load %arg18[%get3A_1509, %get3A_1510] {strides = array<i32>} : memref<32x128xf32, #tpu.memory_space<vmem>>, vector<16xf32>,
    %mul3A_1512 = vector.broadcast %reduce_sum3A_1497 : f32 to vector<16xf32>
    %mul3A_1513 = arith.mulf %get3A_1511, %mul3A_1512 : vector<16xf32>
    %swap3A_1514 = arith.constant 17 : i32
    %swap3A_1515 = arith.index_cast %swap3A_1514 : i32 to index
    %swap3A_1516 = arith.constant 16 : index
    %swap3A_1517 = tpu.vector_load %arg19[%swap3A_1515, %swap3A_1516] {strides = array<i32>} : memref<32x96xf32, #tpu.memory_space<vmem>>, vector<16xf32>,
    tpu.vector_store %arg19[%swap3A_1515, %swap3A_1516], %mul3A_1513 {strides = array<i32>} : memref<32x96xf32, #tpu.memory_space<vmem>>, vector<16xf32>,
    %get3A_1518 = arith.constant 17 : i32
    %get3A_1519 = arith.index_cast %get3A_1518 : i32 to index
    %get3A_1520 = arith.constant 32 : index
    %get3A_1521 = tpu.vector_load %arg18[%get3A_1519, %get3A_1520] {strides = array<i32>} : memref<32x128xf32, #tpu.memory_space<vmem>>, vector<16xf32>,
    %mul3A_1522 = vector.broadcast %reduce_sum3A_1497 : f32 to vector<16xf32>
    %mul3A_1523 = arith.mulf %get3A_1521, %mul3A_1522 : vector<16xf32>
    %swap3A_1524 = arith.constant 17 : i32
    %swap3A_1525 = arith.index_cast %swap3A_1524 : i32 to index
    %swap3A_1526 = arith.constant 32 : index
    %swap3A_1527 = tpu.vector_load %arg19[%swap3A_1525, %swap3A_1526] {strides = array<i32>} : memref<32x96xf32, #tpu.memory_space<vmem>>, vector<16xf32>,
    tpu.vector_store %arg19[%swap3A_1525, %swap3A_1526], %mul3A_1523 {strides = array<i32>} : memref<32x96xf32, #tpu.memory_space<vmem>>, vector<16xf32>,
    %get3A_1528 = arith.constant 17 : i32
    %get3A_1529 = arith.index_cast %get3A_1528 : i32 to index
    %get3A_1530 = arith.constant 48 : index
    %get3A_1531 = tpu.vector_load %arg18[%get3A_1529, %get3A_1530] {strides = array<i32>} : memref<32x128xf32, #tpu.memory_space<vmem>>, vector<16xf32>,
    %mul3A_1532 = vector.broadcast %reduce_sum3A_1497 : f32 to vector<16xf32>
    %mul3A_1533 = arith.mulf %get3A_1531, %mul3A_1532 : vector<16xf32>
    %swap3A_1534 = arith.constant 17 : i32
    %swap3A_1535 = arith.index_cast %swap3A_1534 : i32 to index
    %swap3A_1536 = arith.constant 48 : index
    %swap3A_1537 = tpu.vector_load %arg19[%swap3A_1535, %swap3A_1536] {strides = array<i32>} : memref<32x96xf32, #tpu.memory_space<vmem>>, vector<16xf32>,
    tpu.vector_store %arg19[%swap3A_1535, %swap3A_1536], %mul3A_1533 {strides = array<i32>} : memref<32x96xf32, #tpu.memory_space<vmem>>, vector<16xf32>,
    %get3A_1538 = arith.constant 17 : i32
    %get3A_1539 = arith.index_cast %get3A_1538 : i32 to index
    %get3A_1540 = arith.constant 64 : index
    %get3A_1541 = tpu.vector_load %arg18[%get3A_1539, %get3A_1540] {strides = array<i32>} : memref<32x128xf32, #tpu.memory_space<vmem>>, vector<16xf32>,
    %mul3A_1542 = vector.broadcast %reduce_sum3A_1497 : f32 to vector<16xf32>
    %mul3A_1543 = arith.mulf %get3A_1541, %mul3A_1542 : vector<16xf32>
    %swap3A_1544 = arith.constant 17 : i32
    %swap3A_1545 = arith.index_cast %swap3A_1544 : i32 to index
    %swap3A_1546 = arith.constant 64 : index
    %swap3A_1547 = tpu.vector_load %arg19[%swap3A_1545, %swap3A_1546] {strides = array<i32>} : memref<32x96xf32, #tpu.memory_space<vmem>>, vector<16xf32>,
    tpu.vector_store %arg19[%swap3A_1545, %swap3A_1546], %mul3A_1543 {strides = array<i32>} : memref<32x96xf32, #tpu.memory_space<vmem>>, vector<16xf32>,
    %get3A_1548 = arith.constant 17 : i32
    %get3A_1549 = arith.index_cast %get3A_1548 : i32 to index
    %get3A_1550 = arith.constant 80 : index
    %get3A_1551 = tpu.vector_load %arg18[%get3A_1549, %get3A_1550] {strides = array<i32>} : memref<32x128xf32, #tpu.memory_space<vmem>>, vector<16xf32>,
    %mul3A_1552 = vector.broadcast %reduce_sum3A_1497 : f32 to vector<16xf32>
    %mul3A_1553 = arith.mulf %get3A_1551, %mul3A_1552 : vector<16xf32>
    %swap3A_1554 = arith.constant 17 : i32
    %swap3A_1555 = arith.index_cast %swap3A_1554 : i32 to index
    %swap3A_1556 = arith.constant 80 : index
    %swap3A_1557 = tpu.vector_load %arg19[%swap3A_1555, %swap3A_1556] {strides = array<i32>} : memref<32x96xf32, #tpu.memory_space<vmem>>, vector<16xf32>,
    tpu.vector_store %arg19[%swap3A_1555, %swap3A_1556], %mul3A_1553 {strides = array<i32>} : memref<32x96xf32, #tpu.memory_space<vmem>>, vector<16xf32>,
    %eq3A_1558 = arith.constant 2 : i32
    %eq3A_1559 = vector.broadcast %eq3A_1558 : i32 to vector<16xi32>
    %eq3A_1560 = arith.cmpi eq, %iota3A, %eq3A_1559 : vector<16xi32>
    %jit3A_1561 = arith.constant 0.000000e+00 : f32
    %broadcast_in_dim3A_1562 = vector.broadcast %jit3A_1561 : f32 to vector<16xf32>
    %select_n3A_1563 = arith.select %eq3A_1560, %div3A_298, %broadcast_in_dim3A_1562 : vector<16xi1>, vector<16xf32>
    %reduce_sum3A_1564 = arith.constant true
    %reduce_sum3A_1565 = vector.broadcast %reduce_sum3A_1564 : i1 to vector<16xi1>
    %reduce_sum3A_1566 = tpu.scan <sum>, %select_n3A_1563 masked %reduce_sum3A_1565 : vector<16xf32>, vector<16xi1> -> vector<16xf32>
    %reduce_sum3A_1567 = vector.extract %reduce_sum3A_1566[15] : f32 from vector<16xf32>
    %get3A_1568 = arith.constant 18 : i32
    %get3A_1569 = arith.index_cast %get3A_1568 : i32 to index
    %get3A_1570 = arith.constant 0 : index
    %get3A_1571 = tpu.vector_load %arg18[%get3A_1569, %get3A_1570] {strides = array<i32>} : memref<32x128xf32, #tpu.memory_space<vmem>>, vector<16xf32>,
    %mul3A_1572 = vector.broadcast %reduce_sum3A_1567 : f32 to vector<16xf32>
    %mul3A_1573 = arith.mulf %get3A_1571, %mul3A_1572 : vector<16xf32>
    %swap3A_1574 = arith.constant 18 : i32
    %swap3A_1575 = arith.index_cast %swap3A_1574 : i32 to index
    %swap3A_1576 = arith.constant 0 : index
    %swap3A_1577 = tpu.vector_load %arg19[%swap3A_1575, %swap3A_1576] {strides = array<i32>} : memref<32x96xf32, #tpu.memory_space<vmem>>, vector<16xf32>,
    tpu.vector_store %arg19[%swap3A_1575, %swap3A_1576], %mul3A_1573 {strides = array<i32>} : memref<32x96xf32, #tpu.memory_space<vmem>>, vector<16xf32>,
    %get3A_1578 = arith.constant 18 : i32
    %get3A_1579 = arith.index_cast %get3A_1578 : i32 to index
    %get3A_1580 = arith.constant 16 : index
    %get3A_1581 = tpu.vector_load %arg18[%get3A_1579, %get3A_1580] {strides = array<i32>} : memref<32x128xf32, #tpu.memory_space<vmem>>, vector<16xf32>,
    %mul3A_1582 = vector.broadcast %reduce_sum3A_1567 : f32 to vector<16xf32>
    %mul3A_1583 = arith.mulf %get3A_1581, %mul3A_1582 : vector<16xf32>
    %swap3A_1584 = arith.constant 18 : i32
    %swap3A_1585 = arith.index_cast %swap3A_1584 : i32 to index
    %swap3A_1586 = arith.constant 16 : index
    %swap3A_1587 = tpu.vector_load %arg19[%swap3A_1585, %swap3A_1586] {strides = array<i32>} : memref<32x96xf32, #tpu.memory_space<vmem>>, vector<16xf32>,
    tpu.vector_store %arg19[%swap3A_1585, %swap3A_1586], %mul3A_1583 {strides = array<i32>} : memref<32x96xf32, #tpu.memory_space<vmem>>, vector<16xf32>,
    %get3A_1588 = arith.constant 18 : i32
    %get3A_1589 = arith.index_cast %get3A_1588 : i32 to index
    %get3A_1590 = arith.constant 32 : index
    %get3A_1591 = tpu.vector_load %arg18[%get3A_1589, %get3A_1590] {strides = array<i32>} : memref<32x128xf32, #tpu.memory_space<vmem>>, vector<16xf32>,
    %mul3A_1592 = vector.broadcast %reduce_sum3A_1567 : f32 to vector<16xf32>
    %mul3A_1593 = arith.mulf %get3A_1591, %mul3A_1592 : vector<16xf32>
    %swap3A_1594 = arith.constant 18 : i32
    %swap3A_1595 = arith.index_cast %swap3A_1594 : i32 to index
    %swap3A_1596 = arith.constant 32 : index
    %swap3A_1597 = tpu.vector_load %arg19[%swap3A_1595, %swap3A_1596] {strides = array<i32>} : memref<32x96xf32, #tpu.memory_space<vmem>>, vector<16xf32>,
    tpu.vector_store %arg19[%swap3A_1595, %swap3A_1596], %mul3A_1593 {strides = array<i32>} : memref<32x96xf32, #tpu.memory_space<vmem>>, vector<16xf32>,
    %get3A_1598 = arith.constant 18 : i32
    %get3A_1599 = arith.index_cast %get3A_1598 : i32 to index
    %get3A_1600 = arith.constant 48 : index
    %get3A_1601 = tpu.vector_load %arg18[%get3A_1599, %get3A_1600] {strides = array<i32>} : memref<32x128xf32, #tpu.memory_space<vmem>>, vector<16xf32>,
    %mul3A_1602 = vector.broadcast %reduce_sum3A_1567 : f32 to vector<16xf32>
    %mul3A_1603 = arith.mulf %get3A_1601, %mul3A_1602 : vector<16xf32>
    %swap3A_1604 = arith.constant 18 : i32
    %swap3A_1605 = arith.index_cast %swap3A_1604 : i32 to index
    %swap3A_1606 = arith.constant 48 : index
    %swap3A_1607 = tpu.vector_load %arg19[%swap3A_1605, %swap3A_1606] {strides = array<i32>} : memref<32x96xf32, #tpu.memory_space<vmem>>, vector<16xf32>,
    tpu.vector_store %arg19[%swap3A_1605, %swap3A_1606], %mul3A_1603 {strides = array<i32>} : memref<32x96xf32, #tpu.memory_space<vmem>>, vector<16xf32>,
    %get3A_1608 = arith.constant 18 : i32
    %get3A_1609 = arith.index_cast %get3A_1608 : i32 to index
    %get3A_1610 = arith.constant 64 : index
    %get3A_1611 = tpu.vector_load %arg18[%get3A_1609, %get3A_1610] {strides = array<i32>} : memref<32x128xf32, #tpu.memory_space<vmem>>, vector<16xf32>,
    %mul3A_1612 = vector.broadcast %reduce_sum3A_1567 : f32 to vector<16xf32>
    %mul3A_1613 = arith.mulf %get3A_1611, %mul3A_1612 : vector<16xf32>
    %swap3A_1614 = arith.constant 18 : i32
    %swap3A_1615 = arith.index_cast %swap3A_1614 : i32 to index
    %swap3A_1616 = arith.constant 64 : index
    %swap3A_1617 = tpu.vector_load %arg19[%swap3A_1615, %swap3A_1616] {strides = array<i32>} : memref<32x96xf32, #tpu.memory_space<vmem>>, vector<16xf32>,
    tpu.vector_store %arg19[%swap3A_1615, %swap3A_1616], %mul3A_1613 {strides = array<i32>} : memref<32x96xf32, #tpu.memory_space<vmem>>, vector<16xf32>,
    %get3A_1618 = arith.constant 18 : i32
    %get3A_1619 = arith.index_cast %get3A_1618 : i32 to index
    %get3A_1620 = arith.constant 80 : index
    %get3A_1621 = tpu.vector_load %arg18[%get3A_1619, %get3A_1620] {strides = array<i32>} : memref<32x128xf32, #tpu.memory_space<vmem>>, vector<16xf32>,
    %mul3A_1622 = vector.broadcast %reduce_sum3A_1567 : f32 to vector<16xf32>
    %mul3A_1623 = arith.mulf %get3A_1621, %mul3A_1622 : vector<16xf32>
    %swap3A_1624 = arith.constant 18 : i32
    %swap3A_1625 = arith.index_cast %swap3A_1624 : i32 to index
    %swap3A_1626 = arith.constant 80 : index
    %swap3A_1627 = tpu.vector_load %arg19[%swap3A_1625, %swap3A_1626] {strides = array<i32>} : memref<32x96xf32, #tpu.memory_space<vmem>>, vector<16xf32>,
    tpu.vector_store %arg19[%swap3A_1625, %swap3A_1626], %mul3A_1623 {strides = array<i32>} : memref<32x96xf32, #tpu.memory_space<vmem>>, vector<16xf32>,
    %eq3A_1628 = arith.constant 3 : i32
    %eq3A_1629 = vector.broadcast %eq3A_1628 : i32 to vector<16xi32>
    %eq3A_1630 = arith.cmpi eq, %iota3A, %eq3A_1629 : vector<16xi32>
    %jit3A_1631 = arith.constant 0.000000e+00 : f32
    %broadcast_in_dim3A_1632 = vector.broadcast %jit3A_1631 : f32 to vector<16xf32>
    %select_n3A_1633 = arith.select %eq3A_1630, %div3A_298, %broadcast_in_dim3A_1632 : vector<16xi1>, vector<16xf32>
    %reduce_sum3A_1634 = arith.constant true
    %reduce_sum3A_1635 = vector.broadcast %reduce_sum3A_1634 : i1 to vector<16xi1>
    %reduce_sum3A_1636 = tpu.scan <sum>, %select_n3A_1633 masked %reduce_sum3A_1635 : vector<16xf32>, vector<16xi1> -> vector<16xf32>
    %reduce_sum3A_1637 = vector.extract %reduce_sum3A_1636[15] : f32 from vector<16xf32>
    %get3A_1638 = arith.constant 19 : i32
    %get3A_1639 = arith.index_cast %get3A_1638 : i32 to index
    %get3A_1640 = arith.constant 0 : index
    %get3A_1641 = tpu.vector_load %arg18[%get3A_1639, %get3A_1640] {strides = array<i32>} : memref<32x128xf32, #tpu.memory_space<vmem>>, vector<16xf32>,
    %mul3A_1642 = vector.broadcast %reduce_sum3A_1637 : f32 to vector<16xf32>
    %mul3A_1643 = arith.mulf %get3A_1641, %mul3A_1642 : vector<16xf32>
    %swap3A_1644 = arith.constant 19 : i32
    %swap3A_1645 = arith.index_cast %swap3A_1644 : i32 to index
    %swap3A_1646 = arith.constant 0 : index
    %swap3A_1647 = tpu.vector_load %arg19[%swap3A_1645, %swap3A_1646] {strides = array<i32>} : memref<32x96xf32, #tpu.memory_space<vmem>>, vector<16xf32>,
    tpu.vector_store %arg19[%swap3A_1645, %swap3A_1646], %mul3A_1643 {strides = array<i32>} : memref<32x96xf32, #tpu.memory_space<vmem>>, vector<16xf32>,
    %get3A_1648 = arith.constant 19 : i32
    %get3A_1649 = arith.index_cast %get3A_1648 : i32 to index
    %get3A_1650 = arith.constant 16 : index
    %get3A_1651 = tpu.vector_load %arg18[%get3A_1649, %get3A_1650] {strides = array<i32>} : memref<32x128xf32, #tpu.memory_space<vmem>>, vector<16xf32>,
    %mul3A_1652 = vector.broadcast %reduce_sum3A_1637 : f32 to vector<16xf32>
    %mul3A_1653 = arith.mulf %get3A_1651, %mul3A_1652 : vector<16xf32>
    %swap3A_1654 = arith.constant 19 : i32
    %swap3A_1655 = arith.index_cast %swap3A_1654 : i32 to index
    %swap3A_1656 = arith.constant 16 : index
    %swap3A_1657 = tpu.vector_load %arg19[%swap3A_1655, %swap3A_1656] {strides = array<i32>} : memref<32x96xf32, #tpu.memory_space<vmem>>, vector<16xf32>,
    tpu.vector_store %arg19[%swap3A_1655, %swap3A_1656], %mul3A_1653 {strides = array<i32>} : memref<32x96xf32, #tpu.memory_space<vmem>>, vector<16xf32>,
    %get3A_1658 = arith.constant 19 : i32
    %get3A_1659 = arith.index_cast %get3A_1658 : i32 to index
    %get3A_1660 = arith.constant 32 : index
    %get3A_1661 = tpu.vector_load %arg18[%get3A_1659, %get3A_1660] {strides = array<i32>} : memref<32x128xf32, #tpu.memory_space<vmem>>, vector<16xf32>,
    %mul3A_1662 = vector.broadcast %reduce_sum3A_1637 : f32 to vector<16xf32>
    %mul3A_1663 = arith.mulf %get3A_1661, %mul3A_1662 : vector<16xf32>
    %swap3A_1664 = arith.constant 19 : i32
    %swap3A_1665 = arith.index_cast %swap3A_1664 : i32 to index
    %swap3A_1666 = arith.constant 32 : index
    %swap3A_1667 = tpu.vector_load %arg19[%swap3A_1665, %swap3A_1666] {strides = array<i32>} : memref<32x96xf32, #tpu.memory_space<vmem>>, vector<16xf32>,
    tpu.vector_store %arg19[%swap3A_1665, %swap3A_1666], %mul3A_1663 {strides = array<i32>} : memref<32x96xf32, #tpu.memory_space<vmem>>, vector<16xf32>,
    %get3A_1668 = arith.constant 19 : i32
    %get3A_1669 = arith.index_cast %get3A_1668 : i32 to index
    %get3A_1670 = arith.constant 48 : index
    %get3A_1671 = tpu.vector_load %arg18[%get3A_1669, %get3A_1670] {strides = array<i32>} : memref<32x128xf32, #tpu.memory_space<vmem>>, vector<16xf32>,
    %mul3A_1672 = vector.broadcast %reduce_sum3A_1637 : f32 to vector<16xf32>
    %mul3A_1673 = arith.mulf %get3A_1671, %mul3A_1672 : vector<16xf32>
    %swap3A_1674 = arith.constant 19 : i32
    %swap3A_1675 = arith.index_cast %swap3A_1674 : i32 to index
    %swap3A_1676 = arith.constant 48 : index
    %swap3A_1677 = tpu.vector_load %arg19[%swap3A_1675, %swap3A_1676] {strides = array<i32>} : memref<32x96xf32, #tpu.memory_space<vmem>>, vector<16xf32>,
    tpu.vector_store %arg19[%swap3A_1675, %swap3A_1676], %mul3A_1673 {strides = array<i32>} : memref<32x96xf32, #tpu.memory_space<vmem>>, vector<16xf32>,
    %get3A_1678 = arith.constant 19 : i32
    %get3A_1679 = arith.index_cast %get3A_1678 : i32 to index
    %get3A_1680 = arith.constant 64 : index
    %get3A_1681 = tpu.vector_load %arg18[%get3A_1679, %get3A_1680] {strides = array<i32>} : memref<32x128xf32, #tpu.memory_space<vmem>>, vector<16xf32>,
    %mul3A_1682 = vector.broadcast %reduce_sum3A_1637 : f32 to vector<16xf32>
    %mul3A_1683 = arith.mulf %get3A_1681, %mul3A_1682 : vector<16xf32>
    %swap3A_1684 = arith.constant 19 : i32
    %swap3A_1685 = arith.index_cast %swap3A_1684 : i32 to index
    %swap3A_1686 = arith.constant 64 : index
    %swap3A_1687 = tpu.vector_load %arg19[%swap3A_1685, %swap3A_1686] {strides = array<i32>} : memref<32x96xf32, #tpu.memory_space<vmem>>, vector<16xf32>,
    tpu.vector_store %arg19[%swap3A_1685, %swap3A_1686], %mul3A_1683 {strides = array<i32>} : memref<32x96xf32, #tpu.memory_space<vmem>>, vector<16xf32>,
    %get3A_1688 = arith.constant 19 : i32
    %get3A_1689 = arith.index_cast %get3A_1688 : i32 to index
    %get3A_1690 = arith.constant 80 : index
    %get3A_1691 = tpu.vector_load %arg18[%get3A_1689, %get3A_1690] {strides = array<i32>} : memref<32x128xf32, #tpu.memory_space<vmem>>, vector<16xf32>,
    %mul3A_1692 = vector.broadcast %reduce_sum3A_1637 : f32 to vector<16xf32>
    %mul3A_1693 = arith.mulf %get3A_1691, %mul3A_1692 : vector<16xf32>
    %swap3A_1694 = arith.constant 19 : i32
    %swap3A_1695 = arith.index_cast %swap3A_1694 : i32 to index
    %swap3A_1696 = arith.constant 80 : index
    %swap3A_1697 = tpu.vector_load %arg19[%swap3A_1695, %swap3A_1696] {strides = array<i32>} : memref<32x96xf32, #tpu.memory_space<vmem>>, vector<16xf32>,
    tpu.vector_store %arg19[%swap3A_1695, %swap3A_1696], %mul3A_1693 {strides = array<i32>} : memref<32x96xf32, #tpu.memory_space<vmem>>, vector<16xf32>,
    %eq3A_1698 = arith.constant 4 : i32
    %eq3A_1699 = vector.broadcast %eq3A_1698 : i32 to vector<16xi32>
    %eq3A_1700 = arith.cmpi eq, %iota3A, %eq3A_1699 : vector<16xi32>
    %jit3A_1701 = arith.constant 0.000000e+00 : f32
    %broadcast_in_dim3A_1702 = vector.broadcast %jit3A_1701 : f32 to vector<16xf32>
    %select_n3A_1703 = arith.select %eq3A_1700, %div3A_298, %broadcast_in_dim3A_1702 : vector<16xi1>, vector<16xf32>
    %reduce_sum3A_1704 = arith.constant true
    %reduce_sum3A_1705 = vector.broadcast %reduce_sum3A_1704 : i1 to vector<16xi1>
    %reduce_sum3A_1706 = tpu.scan <sum>, %select_n3A_1703 masked %reduce_sum3A_1705 : vector<16xf32>, vector<16xi1> -> vector<16xf32>
    %reduce_sum3A_1707 = vector.extract %reduce_sum3A_1706[15] : f32 from vector<16xf32>
    %get3A_1708 = arith.constant 20 : i32
    %get3A_1709 = arith.index_cast %get3A_1708 : i32 to index
    %get3A_1710 = arith.constant 0 : index
    %get3A_1711 = tpu.vector_load %arg18[%get3A_1709, %get3A_1710] {strides = array<i32>} : memref<32x128xf32, #tpu.memory_space<vmem>>, vector<16xf32>,
    %mul3A_1712 = vector.broadcast %reduce_sum3A_1707 : f32 to vector<16xf32>
    %mul3A_1713 = arith.mulf %get3A_1711, %mul3A_1712 : vector<16xf32>
    %swap3A_1714 = arith.constant 20 : i32
    %swap3A_1715 = arith.index_cast %swap3A_1714 : i32 to index
    %swap3A_1716 = arith.constant 0 : index
    %swap3A_1717 = tpu.vector_load %arg19[%swap3A_1715, %swap3A_1716] {strides = array<i32>} : memref<32x96xf32, #tpu.memory_space<vmem>>, vector<16xf32>,
    tpu.vector_store %arg19[%swap3A_1715, %swap3A_1716], %mul3A_1713 {strides = array<i32>} : memref<32x96xf32, #tpu.memory_space<vmem>>, vector<16xf32>,
    %get3A_1718 = arith.constant 20 : i32
    %get3A_1719 = arith.index_cast %get3A_1718 : i32 to index
    %get3A_1720 = arith.constant 16 : index
    %get3A_1721 = tpu.vector_load %arg18[%get3A_1719, %get3A_1720] {strides = array<i32>} : memref<32x128xf32, #tpu.memory_space<vmem>>, vector<16xf32>,
    %mul3A_1722 = vector.broadcast %reduce_sum3A_1707 : f32 to vector<16xf32>
    %mul3A_1723 = arith.mulf %get3A_1721, %mul3A_1722 : vector<16xf32>
    %swap3A_1724 = arith.constant 20 : i32
    %swap3A_1725 = arith.index_cast %swap3A_1724 : i32 to index
    %swap3A_1726 = arith.constant 16 : index
    %swap3A_1727 = tpu.vector_load %arg19[%swap3A_1725, %swap3A_1726] {strides = array<i32>} : memref<32x96xf32, #tpu.memory_space<vmem>>, vector<16xf32>,
    tpu.vector_store %arg19[%swap3A_1725, %swap3A_1726], %mul3A_1723 {strides = array<i32>} : memref<32x96xf32, #tpu.memory_space<vmem>>, vector<16xf32>,
    %get3A_1728 = arith.constant 20 : i32
    %get3A_1729 = arith.index_cast %get3A_1728 : i32 to index
    %get3A_1730 = arith.constant 32 : index
    %get3A_1731 = tpu.vector_load %arg18[%get3A_1729, %get3A_1730] {strides = array<i32>} : memref<32x128xf32, #tpu.memory_space<vmem>>, vector<16xf32>,
    %mul3A_1732 = vector.broadcast %reduce_sum3A_1707 : f32 to vector<16xf32>
    %mul3A_1733 = arith.mulf %get3A_1731, %mul3A_1732 : vector<16xf32>
    %swap3A_1734 = arith.constant 20 : i32
    %swap3A_1735 = arith.index_cast %swap3A_1734 : i32 to index
    %swap3A_1736 = arith.constant 32 : index
    %swap3A_1737 = tpu.vector_load %arg19[%swap3A_1735, %swap3A_1736] {strides = array<i32>} : memref<32x96xf32, #tpu.memory_space<vmem>>, vector<16xf32>,
    tpu.vector_store %arg19[%swap3A_1735, %swap3A_1736], %mul3A_1733 {strides = array<i32>} : memref<32x96xf32, #tpu.memory_space<vmem>>, vector<16xf32>,
    %get3A_1738 = arith.constant 20 : i32
    %get3A_1739 = arith.index_cast %get3A_1738 : i32 to index
    %get3A_1740 = arith.constant 48 : index
    %get3A_1741 = tpu.vector_load %arg18[%get3A_1739, %get3A_1740] {strides = array<i32>} : memref<32x128xf32, #tpu.memory_space<vmem>>, vector<16xf32>,
    %mul3A_1742 = vector.broadcast %reduce_sum3A_1707 : f32 to vector<16xf32>
    %mul3A_1743 = arith.mulf %get3A_1741, %mul3A_1742 : vector<16xf32>
    %swap3A_1744 = arith.constant 20 : i32
    %swap3A_1745 = arith.index_cast %swap3A_1744 : i32 to index
    %swap3A_1746 = arith.constant 48 : index
    %swap3A_1747 = tpu.vector_load %arg19[%swap3A_1745, %swap3A_1746] {strides = array<i32>} : memref<32x96xf32, #tpu.memory_space<vmem>>, vector<16xf32>,
    tpu.vector_store %arg19[%swap3A_1745, %swap3A_1746], %mul3A_1743 {strides = array<i32>} : memref<32x96xf32, #tpu.memory_space<vmem>>, vector<16xf32>,
    %get3A_1748 = arith.constant 20 : i32
    %get3A_1749 = arith.index_cast %get3A_1748 : i32 to index
    %get3A_1750 = arith.constant 64 : index
    %get3A_1751 = tpu.vector_load %arg18[%get3A_1749, %get3A_1750] {strides = array<i32>} : memref<32x128xf32, #tpu.memory_space<vmem>>, vector<16xf32>,
    %mul3A_1752 = vector.broadcast %reduce_sum3A_1707 : f32 to vector<16xf32>
    %mul3A_1753 = arith.mulf %get3A_1751, %mul3A_1752 : vector<16xf32>
    %swap3A_1754 = arith.constant 20 : i32
    %swap3A_1755 = arith.index_cast %swap3A_1754 : i32 to index
    %swap3A_1756 = arith.constant 64 : index
    %swap3A_1757 = tpu.vector_load %arg19[%swap3A_1755, %swap3A_1756] {strides = array<i32>} : memref<32x96xf32, #tpu.memory_space<vmem>>, vector<16xf32>,
    tpu.vector_store %arg19[%swap3A_1755, %swap3A_1756], %mul3A_1753 {strides = array<i32>} : memref<32x96xf32, #tpu.memory_space<vmem>>, vector<16xf32>,
    %get3A_1758 = arith.constant 20 : i32
    %get3A_1759 = arith.index_cast %get3A_1758 : i32 to index
    %get3A_1760 = arith.constant 80 : index
    %get3A_1761 = tpu.vector_load %arg18[%get3A_1759, %get3A_1760] {strides = array<i32>} : memref<32x128xf32, #tpu.memory_space<vmem>>, vector<16xf32>,
    %mul3A_1762 = vector.broadcast %reduce_sum3A_1707 : f32 to vector<16xf32>
    %mul3A_1763 = arith.mulf %get3A_1761, %mul3A_1762 : vector<16xf32>
    %swap3A_1764 = arith.constant 20 : i32
    %swap3A_1765 = arith.index_cast %swap3A_1764 : i32 to index
    %swap3A_1766 = arith.constant 80 : index
    %swap3A_1767 = tpu.vector_load %arg19[%swap3A_1765, %swap3A_1766] {strides = array<i32>} : memref<32x96xf32, #tpu.memory_space<vmem>>, vector<16xf32>,
    tpu.vector_store %arg19[%swap3A_1765, %swap3A_1766], %mul3A_1763 {strides = array<i32>} : memref<32x96xf32, #tpu.memory_space<vmem>>, vector<16xf32>,
    %eq3A_1768 = arith.constant 5 : i32
    %eq3A_1769 = vector.broadcast %eq3A_1768 : i32 to vector<16xi32>
    %eq3A_1770 = arith.cmpi eq, %iota3A, %eq3A_1769 : vector<16xi32>
    %jit3A_1771 = arith.constant 0.000000e+00 : f32
    %broadcast_in_dim3A_1772 = vector.broadcast %jit3A_1771 : f32 to vector<16xf32>
    %select_n3A_1773 = arith.select %eq3A_1770, %div3A_298, %broadcast_in_dim3A_1772 : vector<16xi1>, vector<16xf32>
    %reduce_sum3A_1774 = arith.constant true
    %reduce_sum3A_1775 = vector.broadcast %reduce_sum3A_1774 : i1 to vector<16xi1>
    %reduce_sum3A_1776 = tpu.scan <sum>, %select_n3A_1773 masked %reduce_sum3A_1775 : vector<16xf32>, vector<16xi1> -> vector<16xf32>
    %reduce_sum3A_1777 = vector.extract %reduce_sum3A_1776[15] : f32 from vector<16xf32>
    %get3A_1778 = arith.constant 21 : i32
    %get3A_1779 = arith.index_cast %get3A_1778 : i32 to index
    %get3A_1780 = arith.constant 0 : index
    %get3A_1781 = tpu.vector_load %arg18[%get3A_1779, %get3A_1780] {strides = array<i32>} : memref<32x128xf32, #tpu.memory_space<vmem>>, vector<16xf32>,
    %mul3A_1782 = vector.broadcast %reduce_sum3A_1777 : f32 to vector<16xf32>
    %mul3A_1783 = arith.mulf %get3A_1781, %mul3A_1782 : vector<16xf32>
    %swap3A_1784 = arith.constant 21 : i32
    %swap3A_1785 = arith.index_cast %swap3A_1784 : i32 to index
    %swap3A_1786 = arith.constant 0 : index
    %swap3A_1787 = tpu.vector_load %arg19[%swap3A_1785, %swap3A_1786] {strides = array<i32>} : memref<32x96xf32, #tpu.memory_space<vmem>>, vector<16xf32>,
    tpu.vector_store %arg19[%swap3A_1785, %swap3A_1786], %mul3A_1783 {strides = array<i32>} : memref<32x96xf32, #tpu.memory_space<vmem>>, vector<16xf32>,
    %get3A_1788 = arith.constant 21 : i32
    %get3A_1789 = arith.index_cast %get3A_1788 : i32 to index
    %get3A_1790 = arith.constant 16 : index
    %get3A_1791 = tpu.vector_load %arg18[%get3A_1789, %get3A_1790] {strides = array<i32>} : memref<32x128xf32, #tpu.memory_space<vmem>>, vector<16xf32>,
    %mul3A_1792 = vector.broadcast %reduce_sum3A_1777 : f32 to vector<16xf32>
    %mul3A_1793 = arith.mulf %get3A_1791, %mul3A_1792 : vector<16xf32>
    %swap3A_1794 = arith.constant 21 : i32
    %swap3A_1795 = arith.index_cast %swap3A_1794 : i32 to index
    %swap3A_1796 = arith.constant 16 : index
    %swap3A_1797 = tpu.vector_load %arg19[%swap3A_1795, %swap3A_1796] {strides = array<i32>} : memref<32x96xf32, #tpu.memory_space<vmem>>, vector<16xf32>,
    tpu.vector_store %arg19[%swap3A_1795, %swap3A_1796], %mul3A_1793 {strides = array<i32>} : memref<32x96xf32, #tpu.memory_space<vmem>>, vector<16xf32>,
    %get3A_1798 = arith.constant 21 : i32
    %get3A_1799 = arith.index_cast %get3A_1798 : i32 to index
    %get3A_1800 = arith.constant 32 : index
    %get3A_1801 = tpu.vector_load %arg18[%get3A_1799, %get3A_1800] {strides = array<i32>} : memref<32x128xf32, #tpu.memory_space<vmem>>, vector<16xf32>,
    %mul3A_1802 = vector.broadcast %reduce_sum3A_1777 : f32 to vector<16xf32>
    %mul3A_1803 = arith.mulf %get3A_1801, %mul3A_1802 : vector<16xf32>
    %swap3A_1804 = arith.constant 21 : i32
    %swap3A_1805 = arith.index_cast %swap3A_1804 : i32 to index
    %swap3A_1806 = arith.constant 32 : index
    %swap3A_1807 = tpu.vector_load %arg19[%swap3A_1805, %swap3A_1806] {strides = array<i32>} : memref<32x96xf32, #tpu.memory_space<vmem>>, vector<16xf32>,
    tpu.vector_store %arg19[%swap3A_1805, %swap3A_1806], %mul3A_1803 {strides = array<i32>} : memref<32x96xf32, #tpu.memory_space<vmem>>, vector<16xf32>,
    %get3A_1808 = arith.constant 21 : i32
    %get3A_1809 = arith.index_cast %get3A_1808 : i32 to index
    %get3A_1810 = arith.constant 48 : index
    %get3A_1811 = tpu.vector_load %arg18[%get3A_1809, %get3A_1810] {strides = array<i32>} : memref<32x128xf32, #tpu.memory_space<vmem>>, vector<16xf32>,
    %mul3A_1812 = vector.broadcast %reduce_sum3A_1777 : f32 to vector<16xf32>
    %mul3A_1813 = arith.mulf %get3A_1811, %mul3A_1812 : vector<16xf32>
    %swap3A_1814 = arith.constant 21 : i32
    %swap3A_1815 = arith.index_cast %swap3A_1814 : i32 to index
    %swap3A_1816 = arith.constant 48 : index
    %swap3A_1817 = tpu.vector_load %arg19[%swap3A_1815, %swap3A_1816] {strides = array<i32>} : memref<32x96xf32, #tpu.memory_space<vmem>>, vector<16xf32>,
    tpu.vector_store %arg19[%swap3A_1815, %swap3A_1816], %mul3A_1813 {strides = array<i32>} : memref<32x96xf32, #tpu.memory_space<vmem>>, vector<16xf32>,
    %get3A_1818 = arith.constant 21 : i32
    %get3A_1819 = arith.index_cast %get3A_1818 : i32 to index
    %get3A_1820 = arith.constant 64 : index
    %get3A_1821 = tpu.vector_load %arg18[%get3A_1819, %get3A_1820] {strides = array<i32>} : memref<32x128xf32, #tpu.memory_space<vmem>>, vector<16xf32>,
    %mul3A_1822 = vector.broadcast %reduce_sum3A_1777 : f32 to vector<16xf32>
    %mul3A_1823 = arith.mulf %get3A_1821, %mul3A_1822 : vector<16xf32>
    %swap3A_1824 = arith.constant 21 : i32
    %swap3A_1825 = arith.index_cast %swap3A_1824 : i32 to index
    %swap3A_1826 = arith.constant 64 : index
    %swap3A_1827 = tpu.vector_load %arg19[%swap3A_1825, %swap3A_1826] {strides = array<i32>} : memref<32x96xf32, #tpu.memory_space<vmem>>, vector<16xf32>,
    tpu.vector_store %arg19[%swap3A_1825, %swap3A_1826], %mul3A_1823 {strides = array<i32>} : memref<32x96xf32, #tpu.memory_space<vmem>>, vector<16xf32>,
    %get3A_1828 = arith.constant 21 : i32
    %get3A_1829 = arith.index_cast %get3A_1828 : i32 to index
    %get3A_1830 = arith.constant 80 : index
    %get3A_1831 = tpu.vector_load %arg18[%get3A_1829, %get3A_1830] {strides = array<i32>} : memref<32x128xf32, #tpu.memory_space<vmem>>, vector<16xf32>,
    %mul3A_1832 = vector.broadcast %reduce_sum3A_1777 : f32 to vector<16xf32>
    %mul3A_1833 = arith.mulf %get3A_1831, %mul3A_1832 : vector<16xf32>
    %swap3A_1834 = arith.constant 21 : i32
    %swap3A_1835 = arith.index_cast %swap3A_1834 : i32 to index
    %swap3A_1836 = arith.constant 80 : index
    %swap3A_1837 = tpu.vector_load %arg19[%swap3A_1835, %swap3A_1836] {strides = array<i32>} : memref<32x96xf32, #tpu.memory_space<vmem>>, vector<16xf32>,
    tpu.vector_store %arg19[%swap3A_1835, %swap3A_1836], %mul3A_1833 {strides = array<i32>} : memref<32x96xf32, #tpu.memory_space<vmem>>, vector<16xf32>,
    %eq3A_1838 = arith.constant 6 : i32
    %eq3A_1839 = vector.broadcast %eq3A_1838 : i32 to vector<16xi32>
    %eq3A_1840 = arith.cmpi eq, %iota3A, %eq3A_1839 : vector<16xi32>
    %jit3A_1841 = arith.constant 0.000000e+00 : f32
    %broadcast_in_dim3A_1842 = vector.broadcast %jit3A_1841 : f32 to vector<16xf32>
    %select_n3A_1843 = arith.select %eq3A_1840, %div3A_298, %broadcast_in_dim3A_1842 : vector<16xi1>, vector<16xf32>
    %reduce_sum3A_1844 = arith.constant true
    %reduce_sum3A_1845 = vector.broadcast %reduce_sum3A_1844 : i1 to vector<16xi1>
    %reduce_sum3A_1846 = tpu.scan <sum>, %select_n3A_1843 masked %reduce_sum3A_1845 : vector<16xf32>, vector<16xi1> -> vector<16xf32>
    %reduce_sum3A_1847 = vector.extract %reduce_sum3A_1846[15] : f32 from vector<16xf32>
    %get3A_1848 = arith.constant 22 : i32
    %get3A_1849 = arith.index_cast %get3A_1848 : i32 to index
    %get3A_1850 = arith.constant 0 : index
    %get3A_1851 = tpu.vector_load %arg18[%get3A_1849, %get3A_1850] {strides = array<i32>} : memref<32x128xf32, #tpu.memory_space<vmem>>, vector<16xf32>,
    %mul3A_1852 = vector.broadcast %reduce_sum3A_1847 : f32 to vector<16xf32>
    %mul3A_1853 = arith.mulf %get3A_1851, %mul3A_1852 : vector<16xf32>
    %swap3A_1854 = arith.constant 22 : i32
    %swap3A_1855 = arith.index_cast %swap3A_1854 : i32 to index
    %swap3A_1856 = arith.constant 0 : index
    %swap3A_1857 = tpu.vector_load %arg19[%swap3A_1855, %swap3A_1856] {strides = array<i32>} : memref<32x96xf32, #tpu.memory_space<vmem>>, vector<16xf32>,
    tpu.vector_store %arg19[%swap3A_1855, %swap3A_1856], %mul3A_1853 {strides = array<i32>} : memref<32x96xf32, #tpu.memory_space<vmem>>, vector<16xf32>,
    %get3A_1858 = arith.constant 22 : i32
    %get3A_1859 = arith.index_cast %get3A_1858 : i32 to index
    %get3A_1860 = arith.constant 16 : index
    %get3A_1861 = tpu.vector_load %arg18[%get3A_1859, %get3A_1860] {strides = array<i32>} : memref<32x128xf32, #tpu.memory_space<vmem>>, vector<16xf32>,
    %mul3A_1862 = vector.broadcast %reduce_sum3A_1847 : f32 to vector<16xf32>
    %mul3A_1863 = arith.mulf %get3A_1861, %mul3A_1862 : vector<16xf32>
    %swap3A_1864 = arith.constant 22 : i32
    %swap3A_1865 = arith.index_cast %swap3A_1864 : i32 to index
    %swap3A_1866 = arith.constant 16 : index
    %swap3A_1867 = tpu.vector_load %arg19[%swap3A_1865, %swap3A_1866] {strides = array<i32>} : memref<32x96xf32, #tpu.memory_space<vmem>>, vector<16xf32>,
    tpu.vector_store %arg19[%swap3A_1865, %swap3A_1866], %mul3A_1863 {strides = array<i32>} : memref<32x96xf32, #tpu.memory_space<vmem>>, vector<16xf32>,
    %get3A_1868 = arith.constant 22 : i32
    %get3A_1869 = arith.index_cast %get3A_1868 : i32 to index
    %get3A_1870 = arith.constant 32 : index
    %get3A_1871 = tpu.vector_load %arg18[%get3A_1869, %get3A_1870] {strides = array<i32>} : memref<32x128xf32, #tpu.memory_space<vmem>>, vector<16xf32>,
    %mul3A_1872 = vector.broadcast %reduce_sum3A_1847 : f32 to vector<16xf32>
    %mul3A_1873 = arith.mulf %get3A_1871, %mul3A_1872 : vector<16xf32>
    %swap3A_1874 = arith.constant 22 : i32
    %swap3A_1875 = arith.index_cast %swap3A_1874 : i32 to index
    %swap3A_1876 = arith.constant 32 : index
    %swap3A_1877 = tpu.vector_load %arg19[%swap3A_1875, %swap3A_1876] {strides = array<i32>} : memref<32x96xf32, #tpu.memory_space<vmem>>, vector<16xf32>,
    tpu.vector_store %arg19[%swap3A_1875, %swap3A_1876], %mul3A_1873 {strides = array<i32>} : memref<32x96xf32, #tpu.memory_space<vmem>>, vector<16xf32>,
    %get3A_1878 = arith.constant 22 : i32
    %get3A_1879 = arith.index_cast %get3A_1878 : i32 to index
    %get3A_1880 = arith.constant 48 : index
    %get3A_1881 = tpu.vector_load %arg18[%get3A_1879, %get3A_1880] {strides = array<i32>} : memref<32x128xf32, #tpu.memory_space<vmem>>, vector<16xf32>,
    %mul3A_1882 = vector.broadcast %reduce_sum3A_1847 : f32 to vector<16xf32>
    %mul3A_1883 = arith.mulf %get3A_1881, %mul3A_1882 : vector<16xf32>
    %swap3A_1884 = arith.constant 22 : i32
    %swap3A_1885 = arith.index_cast %swap3A_1884 : i32 to index
    %swap3A_1886 = arith.constant 48 : index
    %swap3A_1887 = tpu.vector_load %arg19[%swap3A_1885, %swap3A_1886] {strides = array<i32>} : memref<32x96xf32, #tpu.memory_space<vmem>>, vector<16xf32>,
    tpu.vector_store %arg19[%swap3A_1885, %swap3A_1886], %mul3A_1883 {strides = array<i32>} : memref<32x96xf32, #tpu.memory_space<vmem>>, vector<16xf32>,
    %get3A_1888 = arith.constant 22 : i32
    %get3A_1889 = arith.index_cast %get3A_1888 : i32 to index
    %get3A_1890 = arith.constant 64 : index
    %get3A_1891 = tpu.vector_load %arg18[%get3A_1889, %get3A_1890] {strides = array<i32>} : memref<32x128xf32, #tpu.memory_space<vmem>>, vector<16xf32>,
    %mul3A_1892 = vector.broadcast %reduce_sum3A_1847 : f32 to vector<16xf32>
    %mul3A_1893 = arith.mulf %get3A_1891, %mul3A_1892 : vector<16xf32>
    %swap3A_1894 = arith.constant 22 : i32
    %swap3A_1895 = arith.index_cast %swap3A_1894 : i32 to index
    %swap3A_1896 = arith.constant 64 : index
    %swap3A_1897 = tpu.vector_load %arg19[%swap3A_1895, %swap3A_1896] {strides = array<i32>} : memref<32x96xf32, #tpu.memory_space<vmem>>, vector<16xf32>,
    tpu.vector_store %arg19[%swap3A_1895, %swap3A_1896], %mul3A_1893 {strides = array<i32>} : memref<32x96xf32, #tpu.memory_space<vmem>>, vector<16xf32>,
    %get3A_1898 = arith.constant 22 : i32
    %get3A_1899 = arith.index_cast %get3A_1898 : i32 to index
    %get3A_1900 = arith.constant 80 : index
    %get3A_1901 = tpu.vector_load %arg18[%get3A_1899, %get3A_1900] {strides = array<i32>} : memref<32x128xf32, #tpu.memory_space<vmem>>, vector<16xf32>,
    %mul3A_1902 = vector.broadcast %reduce_sum3A_1847 : f32 to vector<16xf32>
    %mul3A_1903 = arith.mulf %get3A_1901, %mul3A_1902 : vector<16xf32>
    %swap3A_1904 = arith.constant 22 : i32
    %swap3A_1905 = arith.index_cast %swap3A_1904 : i32 to index
    %swap3A_1906 = arith.constant 80 : index
    %swap3A_1907 = tpu.vector_load %arg19[%swap3A_1905, %swap3A_1906] {strides = array<i32>} : memref<32x96xf32, #tpu.memory_space<vmem>>, vector<16xf32>,
    tpu.vector_store %arg19[%swap3A_1905, %swap3A_1906], %mul3A_1903 {strides = array<i32>} : memref<32x96xf32, #tpu.memory_space<vmem>>, vector<16xf32>,
    %eq3A_1908 = arith.constant 7 : i32
    %eq3A_1909 = vector.broadcast %eq3A_1908 : i32 to vector<16xi32>
    %eq3A_1910 = arith.cmpi eq, %iota3A, %eq3A_1909 : vector<16xi32>
    %jit3A_1911 = arith.constant 0.000000e+00 : f32
    %broadcast_in_dim3A_1912 = vector.broadcast %jit3A_1911 : f32 to vector<16xf32>
    %select_n3A_1913 = arith.select %eq3A_1910, %div3A_298, %broadcast_in_dim3A_1912 : vector<16xi1>, vector<16xf32>
    %reduce_sum3A_1914 = arith.constant true
    %reduce_sum3A_1915 = vector.broadcast %reduce_sum3A_1914 : i1 to vector<16xi1>
    %reduce_sum3A_1916 = tpu.scan <sum>, %select_n3A_1913 masked %reduce_sum3A_1915 : vector<16xf32>, vector<16xi1> -> vector<16xf32>
    %reduce_sum3A_1917 = vector.extract %reduce_sum3A_1916[15] : f32 from vector<16xf32>
    %get3A_1918 = arith.constant 23 : i32
    %get3A_1919 = arith.index_cast %get3A_1918 : i32 to index
    %get3A_1920 = arith.constant 0 : index
    %get3A_1921 = tpu.vector_load %arg18[%get3A_1919, %get3A_1920] {strides = array<i32>} : memref<32x128xf32, #tpu.memory_space<vmem>>, vector<16xf32>,
    %mul3A_1922 = vector.broadcast %reduce_sum3A_1917 : f32 to vector<16xf32>
    %mul3A_1923 = arith.mulf %get3A_1921, %mul3A_1922 : vector<16xf32>
    %swap3A_1924 = arith.constant 23 : i32
    %swap3A_1925 = arith.index_cast %swap3A_1924 : i32 to index
    %swap3A_1926 = arith.constant 0 : index
    %swap3A_1927 = tpu.vector_load %arg19[%swap3A_1925, %swap3A_1926] {strides = array<i32>} : memref<32x96xf32, #tpu.memory_space<vmem>>, vector<16xf32>,
    tpu.vector_store %arg19[%swap3A_1925, %swap3A_1926], %mul3A_1923 {strides = array<i32>} : memref<32x96xf32, #tpu.memory_space<vmem>>, vector<16xf32>,
    %get3A_1928 = arith.constant 23 : i32
    %get3A_1929 = arith.index_cast %get3A_1928 : i32 to index
    %get3A_1930 = arith.constant 16 : index
    %get3A_1931 = tpu.vector_load %arg18[%get3A_1929, %get3A_1930] {strides = array<i32>} : memref<32x128xf32, #tpu.memory_space<vmem>>, vector<16xf32>,
    %mul3A_1932 = vector.broadcast %reduce_sum3A_1917 : f32 to vector<16xf32>
    %mul3A_1933 = arith.mulf %get3A_1931, %mul3A_1932 : vector<16xf32>
    %swap3A_1934 = arith.constant 23 : i32
    %swap3A_1935 = arith.index_cast %swap3A_1934 : i32 to index
    %swap3A_1936 = arith.constant 16 : index
    %swap3A_1937 = tpu.vector_load %arg19[%swap3A_1935, %swap3A_1936] {strides = array<i32>} : memref<32x96xf32, #tpu.memory_space<vmem>>, vector<16xf32>,
    tpu.vector_store %arg19[%swap3A_1935, %swap3A_1936], %mul3A_1933 {strides = array<i32>} : memref<32x96xf32, #tpu.memory_space<vmem>>, vector<16xf32>,
    %get3A_1938 = arith.constant 23 : i32
    %get3A_1939 = arith.index_cast %get3A_1938 : i32 to index
    %get3A_1940 = arith.constant 32 : index
    %get3A_1941 = tpu.vector_load %arg18[%get3A_1939, %get3A_1940] {strides = array<i32>} : memref<32x128xf32, #tpu.memory_space<vmem>>, vector<16xf32>,
    %mul3A_1942 = vector.broadcast %reduce_sum3A_1917 : f32 to vector<16xf32>
    %mul3A_1943 = arith.mulf %get3A_1941, %mul3A_1942 : vector<16xf32>
    %swap3A_1944 = arith.constant 23 : i32
    %swap3A_1945 = arith.index_cast %swap3A_1944 : i32 to index
    %swap3A_1946 = arith.constant 32 : index
    %swap3A_1947 = tpu.vector_load %arg19[%swap3A_1945, %swap3A_1946] {strides = array<i32>} : memref<32x96xf32, #tpu.memory_space<vmem>>, vector<16xf32>,
    tpu.vector_store %arg19[%swap3A_1945, %swap3A_1946], %mul3A_1943 {strides = array<i32>} : memref<32x96xf32, #tpu.memory_space<vmem>>, vector<16xf32>,
    %get3A_1948 = arith.constant 23 : i32
    %get3A_1949 = arith.index_cast %get3A_1948 : i32 to index
    %get3A_1950 = arith.constant 48 : index
    %get3A_1951 = tpu.vector_load %arg18[%get3A_1949, %get3A_1950] {strides = array<i32>} : memref<32x128xf32, #tpu.memory_space<vmem>>, vector<16xf32>,
    %mul3A_1952 = vector.broadcast %reduce_sum3A_1917 : f32 to vector<16xf32>
    %mul3A_1953 = arith.mulf %get3A_1951, %mul3A_1952 : vector<16xf32>
    %swap3A_1954 = arith.constant 23 : i32
    %swap3A_1955 = arith.index_cast %swap3A_1954 : i32 to index
    %swap3A_1956 = arith.constant 48 : index
    %swap3A_1957 = tpu.vector_load %arg19[%swap3A_1955, %swap3A_1956] {strides = array<i32>} : memref<32x96xf32, #tpu.memory_space<vmem>>, vector<16xf32>,
    tpu.vector_store %arg19[%swap3A_1955, %swap3A_1956], %mul3A_1953 {strides = array<i32>} : memref<32x96xf32, #tpu.memory_space<vmem>>, vector<16xf32>,
    %get3A_1958 = arith.constant 23 : i32
    %get3A_1959 = arith.index_cast %get3A_1958 : i32 to index
    %get3A_1960 = arith.constant 64 : index
    %get3A_1961 = tpu.vector_load %arg18[%get3A_1959, %get3A_1960] {strides = array<i32>} : memref<32x128xf32, #tpu.memory_space<vmem>>, vector<16xf32>,
    %mul3A_1962 = vector.broadcast %reduce_sum3A_1917 : f32 to vector<16xf32>
    %mul3A_1963 = arith.mulf %get3A_1961, %mul3A_1962 : vector<16xf32>
    %swap3A_1964 = arith.constant 23 : i32
    %swap3A_1965 = arith.index_cast %swap3A_1964 : i32 to index
    %swap3A_1966 = arith.constant 64 : index
    %swap3A_1967 = tpu.vector_load %arg19[%swap3A_1965, %swap3A_1966] {strides = array<i32>} : memref<32x96xf32, #tpu.memory_space<vmem>>, vector<16xf32>,
    tpu.vector_store %arg19[%swap3A_1965, %swap3A_1966], %mul3A_1963 {strides = array<i32>} : memref<32x96xf32, #tpu.memory_space<vmem>>, vector<16xf32>,
    %get3A_1968 = arith.constant 23 : i32
    %get3A_1969 = arith.index_cast %get3A_1968 : i32 to index
    %get3A_1970 = arith.constant 80 : index
    %get3A_1971 = tpu.vector_load %arg18[%get3A_1969, %get3A_1970] {strides = array<i32>} : memref<32x128xf32, #tpu.memory_space<vmem>>, vector<16xf32>,
    %mul3A_1972 = vector.broadcast %reduce_sum3A_1917 : f32 to vector<16xf32>
    %mul3A_1973 = arith.mulf %get3A_1971, %mul3A_1972 : vector<16xf32>
    %swap3A_1974 = arith.constant 23 : i32
    %swap3A_1975 = arith.index_cast %swap3A_1974 : i32 to index
    %swap3A_1976 = arith.constant 80 : index
    %swap3A_1977 = tpu.vector_load %arg19[%swap3A_1975, %swap3A_1976] {strides = array<i32>} : memref<32x96xf32, #tpu.memory_space<vmem>>, vector<16xf32>,
    tpu.vector_store %arg19[%swap3A_1975, %swap3A_1976], %mul3A_1973 {strides = array<i32>} : memref<32x96xf32, #tpu.memory_space<vmem>>, vector<16xf32>,
    %eq3A_1978 = arith.constant 8 : i32
    %eq3A_1979 = vector.broadcast %eq3A_1978 : i32 to vector<16xi32>
    %eq3A_1980 = arith.cmpi eq, %iota3A, %eq3A_1979 : vector<16xi32>
    %jit3A_1981 = arith.constant 0.000000e+00 : f32
    %broadcast_in_dim3A_1982 = vector.broadcast %jit3A_1981 : f32 to vector<16xf32>
    %select_n3A_1983 = arith.select %eq3A_1980, %div3A_298, %broadcast_in_dim3A_1982 : vector<16xi1>, vector<16xf32>
    %reduce_sum3A_1984 = arith.constant true
    %reduce_sum3A_1985 = vector.broadcast %reduce_sum3A_1984 : i1 to vector<16xi1>
    %reduce_sum3A_1986 = tpu.scan <sum>, %select_n3A_1983 masked %reduce_sum3A_1985 : vector<16xf32>, vector<16xi1> -> vector<16xf32>
    %reduce_sum3A_1987 = vector.extract %reduce_sum3A_1986[15] : f32 from vector<16xf32>
    %get3A_1988 = arith.constant 24 : i32
    %get3A_1989 = arith.index_cast %get3A_1988 : i32 to index
    %get3A_1990 = arith.constant 0 : index
    %get3A_1991 = tpu.vector_load %arg18[%get3A_1989, %get3A_1990] {strides = array<i32>} : memref<32x128xf32, #tpu.memory_space<vmem>>, vector<16xf32>,
    %mul3A_1992 = vector.broadcast %reduce_sum3A_1987 : f32 to vector<16xf32>
    %mul3A_1993 = arith.mulf %get3A_1991, %mul3A_1992 : vector<16xf32>
    %swap3A_1994 = arith.constant 24 : i32
    %swap3A_1995 = arith.index_cast %swap3A_1994 : i32 to index
    %swap3A_1996 = arith.constant 0 : index
    %swap3A_1997 = tpu.vector_load %arg19[%swap3A_1995, %swap3A_1996] {strides = array<i32>} : memref<32x96xf32, #tpu.memory_space<vmem>>, vector<16xf32>,
    tpu.vector_store %arg19[%swap3A_1995, %swap3A_1996], %mul3A_1993 {strides = array<i32>} : memref<32x96xf32, #tpu.memory_space<vmem>>, vector<16xf32>,
    %get3A_1998 = arith.constant 24 : i32
    %get3A_1999 = arith.index_cast %get3A_1998 : i32 to index
    %get3A_2000 = arith.constant 16 : index
    %get3A_2001 = tpu.vector_load %arg18[%get3A_1999, %get3A_2000] {strides = array<i32>} : memref<32x128xf32, #tpu.memory_space<vmem>>, vector<16xf32>,
    %mul3A_2002 = vector.broadcast %reduce_sum3A_1987 : f32 to vector<16xf32>
    %mul3A_2003 = arith.mulf %get3A_2001, %mul3A_2002 : vector<16xf32>
    %swap3A_2004 = arith.constant 24 : i32
    %swap3A_2005 = arith.index_cast %swap3A_2004 : i32 to index
    %swap3A_2006 = arith.constant 16 : index
    %swap3A_2007 = tpu.vector_load %arg19[%swap3A_2005, %swap3A_2006] {strides = array<i32>} : memref<32x96xf32, #tpu.memory_space<vmem>>, vector<16xf32>,
    tpu.vector_store %arg19[%swap3A_2005, %swap3A_2006], %mul3A_2003 {strides = array<i32>} : memref<32x96xf32, #tpu.memory_space<vmem>>, vector<16xf32>,
    %get3A_2008 = arith.constant 24 : i32
    %get3A_2009 = arith.index_cast %get3A_2008 : i32 to index
    %get3A_2010 = arith.constant 32 : index
    %get3A_2011 = tpu.vector_load %arg18[%get3A_2009, %get3A_2010] {strides = array<i32>} : memref<32x128xf32, #tpu.memory_space<vmem>>, vector<16xf32>,
    %mul3A_2012 = vector.broadcast %reduce_sum3A_1987 : f32 to vector<16xf32>
    %mul3A_2013 = arith.mulf %get3A_2011, %mul3A_2012 : vector<16xf32>
    %swap3A_2014 = arith.constant 24 : i32
    %swap3A_2015 = arith.index_cast %swap3A_2014 : i32 to index
    %swap3A_2016 = arith.constant 32 : index
    %swap3A_2017 = tpu.vector_load %arg19[%swap3A_2015, %swap3A_2016] {strides = array<i32>} : memref<32x96xf32, #tpu.memory_space<vmem>>, vector<16xf32>,
    tpu.vector_store %arg19[%swap3A_2015, %swap3A_2016], %mul3A_2013 {strides = array<i32>} : memref<32x96xf32, #tpu.memory_space<vmem>>, vector<16xf32>,
    %get3A_2018 = arith.constant 24 : i32
    %get3A_2019 = arith.index_cast %get3A_2018 : i32 to index
    %get3A_2020 = arith.constant 48 : index
    %get3A_2021 = tpu.vector_load %arg18[%get3A_2019, %get3A_2020] {strides = array<i32>} : memref<32x128xf32, #tpu.memory_space<vmem>>, vector<16xf32>,
    %mul3A_2022 = vector.broadcast %reduce_sum3A_1987 : f32 to vector<16xf32>
    %mul3A_2023 = arith.mulf %get3A_2021, %mul3A_2022 : vector<16xf32>
    %swap3A_2024 = arith.constant 24 : i32
    %swap3A_2025 = arith.index_cast %swap3A_2024 : i32 to index
    %swap3A_2026 = arith.constant 48 : index
    %swap3A_2027 = tpu.vector_load %arg19[%swap3A_2025, %swap3A_2026] {strides = array<i32>} : memref<32x96xf32, #tpu.memory_space<vmem>>, vector<16xf32>,
    tpu.vector_store %arg19[%swap3A_2025, %swap3A_2026], %mul3A_2023 {strides = array<i32>} : memref<32x96xf32, #tpu.memory_space<vmem>>, vector<16xf32>,
    %get3A_2028 = arith.constant 24 : i32
    %get3A_2029 = arith.index_cast %get3A_2028 : i32 to index
    %get3A_2030 = arith.constant 64 : index
    %get3A_2031 = tpu.vector_load %arg18[%get3A_2029, %get3A_2030] {strides = array<i32>} : memref<32x128xf32, #tpu.memory_space<vmem>>, vector<16xf32>,
    %mul3A_2032 = vector.broadcast %reduce_sum3A_1987 : f32 to vector<16xf32>
    %mul3A_2033 = arith.mulf %get3A_2031, %mul3A_2032 : vector<16xf32>
    %swap3A_2034 = arith.constant 24 : i32
    %swap3A_2035 = arith.index_cast %swap3A_2034 : i32 to index
    %swap3A_2036 = arith.constant 64 : index
    %swap3A_2037 = tpu.vector_load %arg19[%swap3A_2035, %swap3A_2036] {strides = array<i32>} : memref<32x96xf32, #tpu.memory_space<vmem>>, vector<16xf32>,
    tpu.vector_store %arg19[%swap3A_2035, %swap3A_2036], %mul3A_2033 {strides = array<i32>} : memref<32x96xf32, #tpu.memory_space<vmem>>, vector<16xf32>,
    %get3A_2038 = arith.constant 24 : i32
    %get3A_2039 = arith.index_cast %get3A_2038 : i32 to index
    %get3A_2040 = arith.constant 80 : index
    %get3A_2041 = tpu.vector_load %arg18[%get3A_2039, %get3A_2040] {strides = array<i32>} : memref<32x128xf32, #tpu.memory_space<vmem>>, vector<16xf32>,
    %mul3A_2042 = vector.broadcast %reduce_sum3A_1987 : f32 to vector<16xf32>
    %mul3A_2043 = arith.mulf %get3A_2041, %mul3A_2042 : vector<16xf32>
    %swap3A_2044 = arith.constant 24 : i32
    %swap3A_2045 = arith.index_cast %swap3A_2044 : i32 to index
    %swap3A_2046 = arith.constant 80 : index
    %swap3A_2047 = tpu.vector_load %arg19[%swap3A_2045, %swap3A_2046] {strides = array<i32>} : memref<32x96xf32, #tpu.memory_space<vmem>>, vector<16xf32>,
    tpu.vector_store %arg19[%swap3A_2045, %swap3A_2046], %mul3A_2043 {strides = array<i32>} : memref<32x96xf32, #tpu.memory_space<vmem>>, vector<16xf32>,
    %eq3A_2048 = arith.constant 9 : i32
    %eq3A_2049 = vector.broadcast %eq3A_2048 : i32 to vector<16xi32>
    %eq3A_2050 = arith.cmpi eq, %iota3A, %eq3A_2049 : vector<16xi32>
    %jit3A_2051 = arith.constant 0.000000e+00 : f32
    %broadcast_in_dim3A_2052 = vector.broadcast %jit3A_2051 : f32 to vector<16xf32>
    %select_n3A_2053 = arith.select %eq3A_2050, %div3A_298, %broadcast_in_dim3A_2052 : vector<16xi1>, vector<16xf32>
    %reduce_sum3A_2054 = arith.constant true
    %reduce_sum3A_2055 = vector.broadcast %reduce_sum3A_2054 : i1 to vector<16xi1>
    %reduce_sum3A_2056 = tpu.scan <sum>, %select_n3A_2053 masked %reduce_sum3A_2055 : vector<16xf32>, vector<16xi1> -> vector<16xf32>
    %reduce_sum3A_2057 = vector.extract %reduce_sum3A_2056[15] : f32 from vector<16xf32>
    %get3A_2058 = arith.constant 25 : i32
    %get3A_2059 = arith.index_cast %get3A_2058 : i32 to index
    %get3A_2060 = arith.constant 0 : index
    %get3A_2061 = tpu.vector_load %arg18[%get3A_2059, %get3A_2060] {strides = array<i32>} : memref<32x128xf32, #tpu.memory_space<vmem>>, vector<16xf32>,
    %mul3A_2062 = vector.broadcast %reduce_sum3A_2057 : f32 to vector<16xf32>
    %mul3A_2063 = arith.mulf %get3A_2061, %mul3A_2062 : vector<16xf32>
    %swap3A_2064 = arith.constant 25 : i32
    %swap3A_2065 = arith.index_cast %swap3A_2064 : i32 to index
    %swap3A_2066 = arith.constant 0 : index
    %swap3A_2067 = tpu.vector_load %arg19[%swap3A_2065, %swap3A_2066] {strides = array<i32>} : memref<32x96xf32, #tpu.memory_space<vmem>>, vector<16xf32>,
    tpu.vector_store %arg19[%swap3A_2065, %swap3A_2066], %mul3A_2063 {strides = array<i32>} : memref<32x96xf32, #tpu.memory_space<vmem>>, vector<16xf32>,
    %get3A_2068 = arith.constant 25 : i32
    %get3A_2069 = arith.index_cast %get3A_2068 : i32 to index
    %get3A_2070 = arith.constant 16 : index
    %get3A_2071 = tpu.vector_load %arg18[%get3A_2069, %get3A_2070] {strides = array<i32>} : memref<32x128xf32, #tpu.memory_space<vmem>>, vector<16xf32>,
    %mul3A_2072 = vector.broadcast %reduce_sum3A_2057 : f32 to vector<16xf32>
    %mul3A_2073 = arith.mulf %get3A_2071, %mul3A_2072 : vector<16xf32>
    %swap3A_2074 = arith.constant 25 : i32
    %swap3A_2075 = arith.index_cast %swap3A_2074 : i32 to index
    %swap3A_2076 = arith.constant 16 : index
    %swap3A_2077 = tpu.vector_load %arg19[%swap3A_2075, %swap3A_2076] {strides = array<i32>} : memref<32x96xf32, #tpu.memory_space<vmem>>, vector<16xf32>,
    tpu.vector_store %arg19[%swap3A_2075, %swap3A_2076], %mul3A_2073 {strides = array<i32>} : memref<32x96xf32, #tpu.memory_space<vmem>>, vector<16xf32>,
    %get3A_2078 = arith.constant 25 : i32
    %get3A_2079 = arith.index_cast %get3A_2078 : i32 to index
    %get3A_2080 = arith.constant 32 : index
    %get3A_2081 = tpu.vector_load %arg18[%get3A_2079, %get3A_2080] {strides = array<i32>} : memref<32x128xf32, #tpu.memory_space<vmem>>, vector<16xf32>,
    %mul3A_2082 = vector.broadcast %reduce_sum3A_2057 : f32 to vector<16xf32>
    %mul3A_2083 = arith.mulf %get3A_2081, %mul3A_2082 : vector<16xf32>
    %swap3A_2084 = arith.constant 25 : i32
    %swap3A_2085 = arith.index_cast %swap3A_2084 : i32 to index
    %swap3A_2086 = arith.constant 32 : index
    %swap3A_2087 = tpu.vector_load %arg19[%swap3A_2085, %swap3A_2086] {strides = array<i32>} : memref<32x96xf32, #tpu.memory_space<vmem>>, vector<16xf32>,
    tpu.vector_store %arg19[%swap3A_2085, %swap3A_2086], %mul3A_2083 {strides = array<i32>} : memref<32x96xf32, #tpu.memory_space<vmem>>, vector<16xf32>,
    %get3A_2088 = arith.constant 25 : i32
    %get3A_2089 = arith.index_cast %get3A_2088 : i32 to index
    %get3A_2090 = arith.constant 48 : index
    %get3A_2091 = tpu.vector_load %arg18[%get3A_2089, %get3A_2090] {strides = array<i32>} : memref<32x128xf32, #tpu.memory_space<vmem>>, vector<16xf32>,
    %mul3A_2092 = vector.broadcast %reduce_sum3A_2057 : f32 to vector<16xf32>
    %mul3A_2093 = arith.mulf %get3A_2091, %mul3A_2092 : vector<16xf32>
    %swap3A_2094 = arith.constant 25 : i32
    %swap3A_2095 = arith.index_cast %swap3A_2094 : i32 to index
    %swap3A_2096 = arith.constant 48 : index
    %swap3A_2097 = tpu.vector_load %arg19[%swap3A_2095, %swap3A_2096] {strides = array<i32>} : memref<32x96xf32, #tpu.memory_space<vmem>>, vector<16xf32>,
    tpu.vector_store %arg19[%swap3A_2095, %swap3A_2096], %mul3A_2093 {strides = array<i32>} : memref<32x96xf32, #tpu.memory_space<vmem>>, vector<16xf32>,
    %get3A_2098 = arith.constant 25 : i32
    %get3A_2099 = arith.index_cast %get3A_2098 : i32 to index
    %get3A_2100 = arith.constant 64 : index
    %get3A_2101 = tpu.vector_load %arg18[%get3A_2099, %get3A_2100] {strides = array<i32>} : memref<32x128xf32, #tpu.memory_space<vmem>>, vector<16xf32>,
    %mul3A_2102 = vector.broadcast %reduce_sum3A_2057 : f32 to vector<16xf32>
    %mul3A_2103 = arith.mulf %get3A_2101, %mul3A_2102 : vector<16xf32>
    %swap3A_2104 = arith.constant 25 : i32
    %swap3A_2105 = arith.index_cast %swap3A_2104 : i32 to index
    %swap3A_2106 = arith.constant 64 : index
    %swap3A_2107 = tpu.vector_load %arg19[%swap3A_2105, %swap3A_2106] {strides = array<i32>} : memref<32x96xf32, #tpu.memory_space<vmem>>, vector<16xf32>,
    tpu.vector_store %arg19[%swap3A_2105, %swap3A_2106], %mul3A_2103 {strides = array<i32>} : memref<32x96xf32, #tpu.memory_space<vmem>>, vector<16xf32>,
    %get3A_2108 = arith.constant 25 : i32
    %get3A_2109 = arith.index_cast %get3A_2108 : i32 to index
    %get3A_2110 = arith.constant 80 : index
    %get3A_2111 = tpu.vector_load %arg18[%get3A_2109, %get3A_2110] {strides = array<i32>} : memref<32x128xf32, #tpu.memory_space<vmem>>, vector<16xf32>,
    %mul3A_2112 = vector.broadcast %reduce_sum3A_2057 : f32 to vector<16xf32>
    %mul3A_2113 = arith.mulf %get3A_2111, %mul3A_2112 : vector<16xf32>
    %swap3A_2114 = arith.constant 25 : i32
    %swap3A_2115 = arith.index_cast %swap3A_2114 : i32 to index
    %swap3A_2116 = arith.constant 80 : index
    %swap3A_2117 = tpu.vector_load %arg19[%swap3A_2115, %swap3A_2116] {strides = array<i32>} : memref<32x96xf32, #tpu.memory_space<vmem>>, vector<16xf32>,
    tpu.vector_store %arg19[%swap3A_2115, %swap3A_2116], %mul3A_2113 {strides = array<i32>} : memref<32x96xf32, #tpu.memory_space<vmem>>, vector<16xf32>,
    %eq3A_2118 = arith.constant 10 : i32
    %eq3A_2119 = vector.broadcast %eq3A_2118 : i32 to vector<16xi32>
    %eq3A_2120 = arith.cmpi eq, %iota3A, %eq3A_2119 : vector<16xi32>
    %jit3A_2121 = arith.constant 0.000000e+00 : f32
    %broadcast_in_dim3A_2122 = vector.broadcast %jit3A_2121 : f32 to vector<16xf32>
    %select_n3A_2123 = arith.select %eq3A_2120, %div3A_298, %broadcast_in_dim3A_2122 : vector<16xi1>, vector<16xf32>
    %reduce_sum3A_2124 = arith.constant true
    %reduce_sum3A_2125 = vector.broadcast %reduce_sum3A_2124 : i1 to vector<16xi1>
    %reduce_sum3A_2126 = tpu.scan <sum>, %select_n3A_2123 masked %reduce_sum3A_2125 : vector<16xf32>, vector<16xi1> -> vector<16xf32>
    %reduce_sum3A_2127 = vector.extract %reduce_sum3A_2126[15] : f32 from vector<16xf32>
    %get3A_2128 = arith.constant 26 : i32
    %get3A_2129 = arith.index_cast %get3A_2128 : i32 to index
    %get3A_2130 = arith.constant 0 : index
    %get3A_2131 = tpu.vector_load %arg18[%get3A_2129, %get3A_2130] {strides = array<i32>} : memref<32x128xf32, #tpu.memory_space<vmem>>, vector<16xf32>,
    %mul3A_2132 = vector.broadcast %reduce_sum3A_2127 : f32 to vector<16xf32>
    %mul3A_2133 = arith.mulf %get3A_2131, %mul3A_2132 : vector<16xf32>
    %swap3A_2134 = arith.constant 26 : i32
    %swap3A_2135 = arith.index_cast %swap3A_2134 : i32 to index
    %swap3A_2136 = arith.constant 0 : index
    %swap3A_2137 = tpu.vector_load %arg19[%swap3A_2135, %swap3A_2136] {strides = array<i32>} : memref<32x96xf32, #tpu.memory_space<vmem>>, vector<16xf32>,
    tpu.vector_store %arg19[%swap3A_2135, %swap3A_2136], %mul3A_2133 {strides = array<i32>} : memref<32x96xf32, #tpu.memory_space<vmem>>, vector<16xf32>,
    %get3A_2138 = arith.constant 26 : i32
    %get3A_2139 = arith.index_cast %get3A_2138 : i32 to index
    %get3A_2140 = arith.constant 16 : index
    %get3A_2141 = tpu.vector_load %arg18[%get3A_2139, %get3A_2140] {strides = array<i32>} : memref<32x128xf32, #tpu.memory_space<vmem>>, vector<16xf32>,
    %mul3A_2142 = vector.broadcast %reduce_sum3A_2127 : f32 to vector<16xf32>
    %mul3A_2143 = arith.mulf %get3A_2141, %mul3A_2142 : vector<16xf32>
    %swap3A_2144 = arith.constant 26 : i32
    %swap3A_2145 = arith.index_cast %swap3A_2144 : i32 to index
    %swap3A_2146 = arith.constant 16 : index
    %swap3A_2147 = tpu.vector_load %arg19[%swap3A_2145, %swap3A_2146] {strides = array<i32>} : memref<32x96xf32, #tpu.memory_space<vmem>>, vector<16xf32>,
    tpu.vector_store %arg19[%swap3A_2145, %swap3A_2146], %mul3A_2143 {strides = array<i32>} : memref<32x96xf32, #tpu.memory_space<vmem>>, vector<16xf32>,
    %get3A_2148 = arith.constant 26 : i32
    %get3A_2149 = arith.index_cast %get3A_2148 : i32 to index
    %get3A_2150 = arith.constant 32 : index
    %get3A_2151 = tpu.vector_load %arg18[%get3A_2149, %get3A_2150] {strides = array<i32>} : memref<32x128xf32, #tpu.memory_space<vmem>>, vector<16xf32>,
    %mul3A_2152 = vector.broadcast %reduce_sum3A_2127 : f32 to vector<16xf32>
    %mul3A_2153 = arith.mulf %get3A_2151, %mul3A_2152 : vector<16xf32>
    %swap3A_2154 = arith.constant 26 : i32
    %swap3A_2155 = arith.index_cast %swap3A_2154 : i32 to index
    %swap3A_2156 = arith.constant 32 : index
    %swap3A_2157 = tpu.vector_load %arg19[%swap3A_2155, %swap3A_2156] {strides = array<i32>} : memref<32x96xf32, #tpu.memory_space<vmem>>, vector<16xf32>,
    tpu.vector_store %arg19[%swap3A_2155, %swap3A_2156], %mul3A_2153 {strides = array<i32>} : memref<32x96xf32, #tpu.memory_space<vmem>>, vector<16xf32>,
    %get3A_2158 = arith.constant 26 : i32
    %get3A_2159 = arith.index_cast %get3A_2158 : i32 to index
    %get3A_2160 = arith.constant 48 : index
    %get3A_2161 = tpu.vector_load %arg18[%get3A_2159, %get3A_2160] {strides = array<i32>} : memref<32x128xf32, #tpu.memory_space<vmem>>, vector<16xf32>,
    %mul3A_2162 = vector.broadcast %reduce_sum3A_2127 : f32 to vector<16xf32>
    %mul3A_2163 = arith.mulf %get3A_2161, %mul3A_2162 : vector<16xf32>
    %swap3A_2164 = arith.constant 26 : i32
    %swap3A_2165 = arith.index_cast %swap3A_2164 : i32 to index
    %swap3A_2166 = arith.constant 48 : index
    %swap3A_2167 = tpu.vector_load %arg19[%swap3A_2165, %swap3A_2166] {strides = array<i32>} : memref<32x96xf32, #tpu.memory_space<vmem>>, vector<16xf32>,
    tpu.vector_store %arg19[%swap3A_2165, %swap3A_2166], %mul3A_2163 {strides = array<i32>} : memref<32x96xf32, #tpu.memory_space<vmem>>, vector<16xf32>,
    %get3A_2168 = arith.constant 26 : i32
    %get3A_2169 = arith.index_cast %get3A_2168 : i32 to index
    %get3A_2170 = arith.constant 64 : index
    %get3A_2171 = tpu.vector_load %arg18[%get3A_2169, %get3A_2170] {strides = array<i32>} : memref<32x128xf32, #tpu.memory_space<vmem>>, vector<16xf32>,
    %mul3A_2172 = vector.broadcast %reduce_sum3A_2127 : f32 to vector<16xf32>
    %mul3A_2173 = arith.mulf %get3A_2171, %mul3A_2172 : vector<16xf32>
    %swap3A_2174 = arith.constant 26 : i32
    %swap3A_2175 = arith.index_cast %swap3A_2174 : i32 to index
    %swap3A_2176 = arith.constant 64 : index
    %swap3A_2177 = tpu.vector_load %arg19[%swap3A_2175, %swap3A_2176] {strides = array<i32>} : memref<32x96xf32, #tpu.memory_space<vmem>>, vector<16xf32>,
    tpu.vector_store %arg19[%swap3A_2175, %swap3A_2176], %mul3A_2173 {strides = array<i32>} : memref<32x96xf32, #tpu.memory_space<vmem>>, vector<16xf32>,
    %get3A_2178 = arith.constant 26 : i32
    %get3A_2179 = arith.index_cast %get3A_2178 : i32 to index
    %get3A_2180 = arith.constant 80 : index
    %get3A_2181 = tpu.vector_load %arg18[%get3A_2179, %get3A_2180] {strides = array<i32>} : memref<32x128xf32, #tpu.memory_space<vmem>>, vector<16xf32>,
    %mul3A_2182 = vector.broadcast %reduce_sum3A_2127 : f32 to vector<16xf32>
    %mul3A_2183 = arith.mulf %get3A_2181, %mul3A_2182 : vector<16xf32>
    %swap3A_2184 = arith.constant 26 : i32
    %swap3A_2185 = arith.index_cast %swap3A_2184 : i32 to index
    %swap3A_2186 = arith.constant 80 : index
    %swap3A_2187 = tpu.vector_load %arg19[%swap3A_2185, %swap3A_2186] {strides = array<i32>} : memref<32x96xf32, #tpu.memory_space<vmem>>, vector<16xf32>,
    tpu.vector_store %arg19[%swap3A_2185, %swap3A_2186], %mul3A_2183 {strides = array<i32>} : memref<32x96xf32, #tpu.memory_space<vmem>>, vector<16xf32>,
    %eq3A_2188 = arith.constant 11 : i32
    %eq3A_2189 = vector.broadcast %eq3A_2188 : i32 to vector<16xi32>
    %eq3A_2190 = arith.cmpi eq, %iota3A, %eq3A_2189 : vector<16xi32>
    %jit3A_2191 = arith.constant 0.000000e+00 : f32
    %broadcast_in_dim3A_2192 = vector.broadcast %jit3A_2191 : f32 to vector<16xf32>
    %select_n3A_2193 = arith.select %eq3A_2190, %div3A_298, %broadcast_in_dim3A_2192 : vector<16xi1>, vector<16xf32>
    %reduce_sum3A_2194 = arith.constant true
    %reduce_sum3A_2195 = vector.broadcast %reduce_sum3A_2194 : i1 to vector<16xi1>
    %reduce_sum3A_2196 = tpu.scan <sum>, %select_n3A_2193 masked %reduce_sum3A_2195 : vector<16xf32>, vector<16xi1> -> vector<16xf32>
    %reduce_sum3A_2197 = vector.extract %reduce_sum3A_2196[15] : f32 from vector<16xf32>
    %get3A_2198 = arith.constant 27 : i32
    %get3A_2199 = arith.index_cast %get3A_2198 : i32 to index
    %get3A_2200 = arith.constant 0 : index
    %get3A_2201 = tpu.vector_load %arg18[%get3A_2199, %get3A_2200] {strides = array<i32>} : memref<32x128xf32, #tpu.memory_space<vmem>>, vector<16xf32>,
    %mul3A_2202 = vector.broadcast %reduce_sum3A_2197 : f32 to vector<16xf32>
    %mul3A_2203 = arith.mulf %get3A_2201, %mul3A_2202 : vector<16xf32>
    %swap3A_2204 = arith.constant 27 : i32
    %swap3A_2205 = arith.index_cast %swap3A_2204 : i32 to index
    %swap3A_2206 = arith.constant 0 : index
    %swap3A_2207 = tpu.vector_load %arg19[%swap3A_2205, %swap3A_2206] {strides = array<i32>} : memref<32x96xf32, #tpu.memory_space<vmem>>, vector<16xf32>,
    tpu.vector_store %arg19[%swap3A_2205, %swap3A_2206], %mul3A_2203 {strides = array<i32>} : memref<32x96xf32, #tpu.memory_space<vmem>>, vector<16xf32>,
    %get3A_2208 = arith.constant 27 : i32
    %get3A_2209 = arith.index_cast %get3A_2208 : i32 to index
    %get3A_2210 = arith.constant 16 : index
    %get3A_2211 = tpu.vector_load %arg18[%get3A_2209, %get3A_2210] {strides = array<i32>} : memref<32x128xf32, #tpu.memory_space<vmem>>, vector<16xf32>,
    %mul3A_2212 = vector.broadcast %reduce_sum3A_2197 : f32 to vector<16xf32>
    %mul3A_2213 = arith.mulf %get3A_2211, %mul3A_2212 : vector<16xf32>
    %swap3A_2214 = arith.constant 27 : i32
    %swap3A_2215 = arith.index_cast %swap3A_2214 : i32 to index
    %swap3A_2216 = arith.constant 16 : index
    %swap3A_2217 = tpu.vector_load %arg19[%swap3A_2215, %swap3A_2216] {strides = array<i32>} : memref<32x96xf32, #tpu.memory_space<vmem>>, vector<16xf32>,
    tpu.vector_store %arg19[%swap3A_2215, %swap3A_2216], %mul3A_2213 {strides = array<i32>} : memref<32x96xf32, #tpu.memory_space<vmem>>, vector<16xf32>,
    %get3A_2218 = arith.constant 27 : i32
    %get3A_2219 = arith.index_cast %get3A_2218 : i32 to index
    %get3A_2220 = arith.constant 32 : index
    %get3A_2221 = tpu.vector_load %arg18[%get3A_2219, %get3A_2220] {strides = array<i32>} : memref<32x128xf32, #tpu.memory_space<vmem>>, vector<16xf32>,
    %mul3A_2222 = vector.broadcast %reduce_sum3A_2197 : f32 to vector<16xf32>
    %mul3A_2223 = arith.mulf %get3A_2221, %mul3A_2222 : vector<16xf32>
    %swap3A_2224 = arith.constant 27 : i32
    %swap3A_2225 = arith.index_cast %swap3A_2224 : i32 to index
    %swap3A_2226 = arith.constant 32 : index
    %swap3A_2227 = tpu.vector_load %arg19[%swap3A_2225, %swap3A_2226] {strides = array<i32>} : memref<32x96xf32, #tpu.memory_space<vmem>>, vector<16xf32>,
    tpu.vector_store %arg19[%swap3A_2225, %swap3A_2226], %mul3A_2223 {strides = array<i32>} : memref<32x96xf32, #tpu.memory_space<vmem>>, vector<16xf32>,
    %get3A_2228 = arith.constant 27 : i32
    %get3A_2229 = arith.index_cast %get3A_2228 : i32 to index
    %get3A_2230 = arith.constant 48 : index
    %get3A_2231 = tpu.vector_load %arg18[%get3A_2229, %get3A_2230] {strides = array<i32>} : memref<32x128xf32, #tpu.memory_space<vmem>>, vector<16xf32>,
    %mul3A_2232 = vector.broadcast %reduce_sum3A_2197 : f32 to vector<16xf32>
    %mul3A_2233 = arith.mulf %get3A_2231, %mul3A_2232 : vector<16xf32>
    %swap3A_2234 = arith.constant 27 : i32
    %swap3A_2235 = arith.index_cast %swap3A_2234 : i32 to index
    %swap3A_2236 = arith.constant 48 : index
    %swap3A_2237 = tpu.vector_load %arg19[%swap3A_2235, %swap3A_2236] {strides = array<i32>} : memref<32x96xf32, #tpu.memory_space<vmem>>, vector<16xf32>,
    tpu.vector_store %arg19[%swap3A_2235, %swap3A_2236], %mul3A_2233 {strides = array<i32>} : memref<32x96xf32, #tpu.memory_space<vmem>>, vector<16xf32>,
    %get3A_2238 = arith.constant 27 : i32
    %get3A_2239 = arith.index_cast %get3A_2238 : i32 to index
    %get3A_2240 = arith.constant 64 : index
    %get3A_2241 = tpu.vector_load %arg18[%get3A_2239, %get3A_2240] {strides = array<i32>} : memref<32x128xf32, #tpu.memory_space<vmem>>, vector<16xf32>,
    %mul3A_2242 = vector.broadcast %reduce_sum3A_2197 : f32 to vector<16xf32>
    %mul3A_2243 = arith.mulf %get3A_2241, %mul3A_2242 : vector<16xf32>
    %swap3A_2244 = arith.constant 27 : i32
    %swap3A_2245 = arith.index_cast %swap3A_2244 : i32 to index
    %swap3A_2246 = arith.constant 64 : index
    %swap3A_2247 = tpu.vector_load %arg19[%swap3A_2245, %swap3A_2246] {strides = array<i32>} : memref<32x96xf32, #tpu.memory_space<vmem>>, vector<16xf32>,
    tpu.vector_store %arg19[%swap3A_2245, %swap3A_2246], %mul3A_2243 {strides = array<i32>} : memref<32x96xf32, #tpu.memory_space<vmem>>, vector<16xf32>,
    %get3A_2248 = arith.constant 27 : i32
    %get3A_2249 = arith.index_cast %get3A_2248 : i32 to index
    %get3A_2250 = arith.constant 80 : index
    %get3A_2251 = tpu.vector_load %arg18[%get3A_2249, %get3A_2250] {strides = array<i32>} : memref<32x128xf32, #tpu.memory_space<vmem>>, vector<16xf32>,
    %mul3A_2252 = vector.broadcast %reduce_sum3A_2197 : f32 to vector<16xf32>
    %mul3A_2253 = arith.mulf %get3A_2251, %mul3A_2252 : vector<16xf32>
    %swap3A_2254 = arith.constant 27 : i32
    %swap3A_2255 = arith.index_cast %swap3A_2254 : i32 to index
    %swap3A_2256 = arith.constant 80 : index
    %swap3A_2257 = tpu.vector_load %arg19[%swap3A_2255, %swap3A_2256] {strides = array<i32>} : memref<32x96xf32, #tpu.memory_space<vmem>>, vector<16xf32>,
    tpu.vector_store %arg19[%swap3A_2255, %swap3A_2256], %mul3A_2253 {strides = array<i32>} : memref<32x96xf32, #tpu.memory_space<vmem>>, vector<16xf32>,
    %eq3A_2258 = arith.constant 12 : i32
    %eq3A_2259 = vector.broadcast %eq3A_2258 : i32 to vector<16xi32>
    %eq3A_2260 = arith.cmpi eq, %iota3A, %eq3A_2259 : vector<16xi32>
    %jit3A_2261 = arith.constant 0.000000e+00 : f32
    %broadcast_in_dim3A_2262 = vector.broadcast %jit3A_2261 : f32 to vector<16xf32>
    %select_n3A_2263 = arith.select %eq3A_2260, %div3A_298, %broadcast_in_dim3A_2262 : vector<16xi1>, vector<16xf32>
    %reduce_sum3A_2264 = arith.constant true
    %reduce_sum3A_2265 = vector.broadcast %reduce_sum3A_2264 : i1 to vector<16xi1>
    %reduce_sum3A_2266 = tpu.scan <sum>, %select_n3A_2263 masked %reduce_sum3A_2265 : vector<16xf32>, vector<16xi1> -> vector<16xf32>
    %reduce_sum3A_2267 = vector.extract %reduce_sum3A_2266[15] : f32 from vector<16xf32>
    %get3A_2268 = arith.constant 28 : i32
    %get3A_2269 = arith.index_cast %get3A_2268 : i32 to index
    %get3A_2270 = arith.constant 0 : index
    %get3A_2271 = tpu.vector_load %arg18[%get3A_2269, %get3A_2270] {strides = array<i32>} : memref<32x128xf32, #tpu.memory_space<vmem>>, vector<16xf32>,
    %mul3A_2272 = vector.broadcast %reduce_sum3A_2267 : f32 to vector<16xf32>
    %mul3A_2273 = arith.mulf %get3A_2271, %mul3A_2272 : vector<16xf32>
    %swap3A_2274 = arith.constant 28 : i32
    %swap3A_2275 = arith.index_cast %swap3A_2274 : i32 to index
    %swap3A_2276 = arith.constant 0 : index
    %swap3A_2277 = tpu.vector_load %arg19[%swap3A_2275, %swap3A_2276] {strides = array<i32>} : memref<32x96xf32, #tpu.memory_space<vmem>>, vector<16xf32>,
    tpu.vector_store %arg19[%swap3A_2275, %swap3A_2276], %mul3A_2273 {strides = array<i32>} : memref<32x96xf32, #tpu.memory_space<vmem>>, vector<16xf32>,
    %get3A_2278 = arith.constant 28 : i32
    %get3A_2279 = arith.index_cast %get3A_2278 : i32 to index
    %get3A_2280 = arith.constant 16 : index
    %get3A_2281 = tpu.vector_load %arg18[%get3A_2279, %get3A_2280] {strides = array<i32>} : memref<32x128xf32, #tpu.memory_space<vmem>>, vector<16xf32>,
    %mul3A_2282 = vector.broadcast %reduce_sum3A_2267 : f32 to vector<16xf32>
    %mul3A_2283 = arith.mulf %get3A_2281, %mul3A_2282 : vector<16xf32>
    %swap3A_2284 = arith.constant 28 : i32
    %swap3A_2285 = arith.index_cast %swap3A_2284 : i32 to index
    %swap3A_2286 = arith.constant 16 : index
    %swap3A_2287 = tpu.vector_load %arg19[%swap3A_2285, %swap3A_2286] {strides = array<i32>} : memref<32x96xf32, #tpu.memory_space<vmem>>, vector<16xf32>,
    tpu.vector_store %arg19[%swap3A_2285, %swap3A_2286], %mul3A_2283 {strides = array<i32>} : memref<32x96xf32, #tpu.memory_space<vmem>>, vector<16xf32>,
    %get3A_2288 = arith.constant 28 : i32
    %get3A_2289 = arith.index_cast %get3A_2288 : i32 to index
    %get3A_2290 = arith.constant 32 : index
    %get3A_2291 = tpu.vector_load %arg18[%get3A_2289, %get3A_2290] {strides = array<i32>} : memref<32x128xf32, #tpu.memory_space<vmem>>, vector<16xf32>,
    %mul3A_2292 = vector.broadcast %reduce_sum3A_2267 : f32 to vector<16xf32>
    %mul3A_2293 = arith.mulf %get3A_2291, %mul3A_2292 : vector<16xf32>
    %swap3A_2294 = arith.constant 28 : i32
    %swap3A_2295 = arith.index_cast %swap3A_2294 : i32 to index
    %swap3A_2296 = arith.constant 32 : index
    %swap3A_2297 = tpu.vector_load %arg19[%swap3A_2295, %swap3A_2296] {strides = array<i32>} : memref<32x96xf32, #tpu.memory_space<vmem>>, vector<16xf32>,
    tpu.vector_store %arg19[%swap3A_2295, %swap3A_2296], %mul3A_2293 {strides = array<i32>} : memref<32x96xf32, #tpu.memory_space<vmem>>, vector<16xf32>,
    %get3A_2298 = arith.constant 28 : i32
    %get3A_2299 = arith.index_cast %get3A_2298 : i32 to index
    %get3A_2300 = arith.constant 48 : index
    %get3A_2301 = tpu.vector_load %arg18[%get3A_2299, %get3A_2300] {strides = array<i32>} : memref<32x128xf32, #tpu.memory_space<vmem>>, vector<16xf32>,
    %mul3A_2302 = vector.broadcast %reduce_sum3A_2267 : f32 to vector<16xf32>
    %mul3A_2303 = arith.mulf %get3A_2301, %mul3A_2302 : vector<16xf32>
    %swap3A_2304 = arith.constant 28 : i32
    %swap3A_2305 = arith.index_cast %swap3A_2304 : i32 to index
    %swap3A_2306 = arith.constant 48 : index
    %swap3A_2307 = tpu.vector_load %arg19[%swap3A_2305, %swap3A_2306] {strides = array<i32>} : memref<32x96xf32, #tpu.memory_space<vmem>>, vector<16xf32>,
    tpu.vector_store %arg19[%swap3A_2305, %swap3A_2306], %mul3A_2303 {strides = array<i32>} : memref<32x96xf32, #tpu.memory_space<vmem>>, vector<16xf32>,
    %get3A_2308 = arith.constant 28 : i32
    %get3A_2309 = arith.index_cast %get3A_2308 : i32 to index
    %get3A_2310 = arith.constant 64 : index
    %get3A_2311 = tpu.vector_load %arg18[%get3A_2309, %get3A_2310] {strides = array<i32>} : memref<32x128xf32, #tpu.memory_space<vmem>>, vector<16xf32>,
    %mul3A_2312 = vector.broadcast %reduce_sum3A_2267 : f32 to vector<16xf32>
    %mul3A_2313 = arith.mulf %get3A_2311, %mul3A_2312 : vector<16xf32>
    %swap3A_2314 = arith.constant 28 : i32
    %swap3A_2315 = arith.index_cast %swap3A_2314 : i32 to index
    %swap3A_2316 = arith.constant 64 : index
    %swap3A_2317 = tpu.vector_load %arg19[%swap3A_2315, %swap3A_2316] {strides = array<i32>} : memref<32x96xf32, #tpu.memory_space<vmem>>, vector<16xf32>,
    tpu.vector_store %arg19[%swap3A_2315, %swap3A_2316], %mul3A_2313 {strides = array<i32>} : memref<32x96xf32, #tpu.memory_space<vmem>>, vector<16xf32>,
    %get3A_2318 = arith.constant 28 : i32
    %get3A_2319 = arith.index_cast %get3A_2318 : i32 to index
    %get3A_2320 = arith.constant 80 : index
    %get3A_2321 = tpu.vector_load %arg18[%get3A_2319, %get3A_2320] {strides = array<i32>} : memref<32x128xf32, #tpu.memory_space<vmem>>, vector<16xf32>,
    %mul3A_2322 = vector.broadcast %reduce_sum3A_2267 : f32 to vector<16xf32>
    %mul3A_2323 = arith.mulf %get3A_2321, %mul3A_2322 : vector<16xf32>
    %swap3A_2324 = arith.constant 28 : i32
    %swap3A_2325 = arith.index_cast %swap3A_2324 : i32 to index
    %swap3A_2326 = arith.constant 80 : index
    %swap3A_2327 = tpu.vector_load %arg19[%swap3A_2325, %swap3A_2326] {strides = array<i32>} : memref<32x96xf32, #tpu.memory_space<vmem>>, vector<16xf32>,
    tpu.vector_store %arg19[%swap3A_2325, %swap3A_2326], %mul3A_2323 {strides = array<i32>} : memref<32x96xf32, #tpu.memory_space<vmem>>, vector<16xf32>,
    %eq3A_2328 = arith.constant 13 : i32
    %eq3A_2329 = vector.broadcast %eq3A_2328 : i32 to vector<16xi32>
    %eq3A_2330 = arith.cmpi eq, %iota3A, %eq3A_2329 : vector<16xi32>
    %jit3A_2331 = arith.constant 0.000000e+00 : f32
    %broadcast_in_dim3A_2332 = vector.broadcast %jit3A_2331 : f32 to vector<16xf32>
    %select_n3A_2333 = arith.select %eq3A_2330, %div3A_298, %broadcast_in_dim3A_2332 : vector<16xi1>, vector<16xf32>
    %reduce_sum3A_2334 = arith.constant true
    %reduce_sum3A_2335 = vector.broadcast %reduce_sum3A_2334 : i1 to vector<16xi1>
    %reduce_sum3A_2336 = tpu.scan <sum>, %select_n3A_2333 masked %reduce_sum3A_2335 : vector<16xf32>, vector<16xi1> -> vector<16xf32>
    %reduce_sum3A_2337 = vector.extract %reduce_sum3A_2336[15] : f32 from vector<16xf32>
    %get3A_2338 = arith.constant 29 : i32
    %get3A_2339 = arith.index_cast %get3A_2338 : i32 to index
    %get3A_2340 = arith.constant 0 : index
    %get3A_2341 = tpu.vector_load %arg18[%get3A_2339, %get3A_2340] {strides = array<i32>} : memref<32x128xf32, #tpu.memory_space<vmem>>, vector<16xf32>,
    %mul3A_2342 = vector.broadcast %reduce_sum3A_2337 : f32 to vector<16xf32>
    %mul3A_2343 = arith.mulf %get3A_2341, %mul3A_2342 : vector<16xf32>
    %swap3A_2344 = arith.constant 29 : i32
    %swap3A_2345 = arith.index_cast %swap3A_2344 : i32 to index
    %swap3A_2346 = arith.constant 0 : index
    %swap3A_2347 = tpu.vector_load %arg19[%swap3A_2345, %swap3A_2346] {strides = array<i32>} : memref<32x96xf32, #tpu.memory_space<vmem>>, vector<16xf32>,
    tpu.vector_store %arg19[%swap3A_2345, %swap3A_2346], %mul3A_2343 {strides = array<i32>} : memref<32x96xf32, #tpu.memory_space<vmem>>, vector<16xf32>,
    %get3A_2348 = arith.constant 29 : i32
    %get3A_2349 = arith.index_cast %get3A_2348 : i32 to index
    %get3A_2350 = arith.constant 16 : index
    %get3A_2351 = tpu.vector_load %arg18[%get3A_2349, %get3A_2350] {strides = array<i32>} : memref<32x128xf32, #tpu.memory_space<vmem>>, vector<16xf32>,
    %mul3A_2352 = vector.broadcast %reduce_sum3A_2337 : f32 to vector<16xf32>
    %mul3A_2353 = arith.mulf %get3A_2351, %mul3A_2352 : vector<16xf32>
    %swap3A_2354 = arith.constant 29 : i32
    %swap3A_2355 = arith.index_cast %swap3A_2354 : i32 to index
    %swap3A_2356 = arith.constant 16 : index
    %swap3A_2357 = tpu.vector_load %arg19[%swap3A_2355, %swap3A_2356] {strides = array<i32>} : memref<32x96xf32, #tpu.memory_space<vmem>>, vector<16xf32>,
    tpu.vector_store %arg19[%swap3A_2355, %swap3A_2356], %mul3A_2353 {strides = array<i32>} : memref<32x96xf32, #tpu.memory_space<vmem>>, vector<16xf32>,
    %get3A_2358 = arith.constant 29 : i32
    %get3A_2359 = arith.index_cast %get3A_2358 : i32 to index
    %get3A_2360 = arith.constant 32 : index
    %get3A_2361 = tpu.vector_load %arg18[%get3A_2359, %get3A_2360] {strides = array<i32>} : memref<32x128xf32, #tpu.memory_space<vmem>>, vector<16xf32>,
    %mul3A_2362 = vector.broadcast %reduce_sum3A_2337 : f32 to vector<16xf32>
    %mul3A_2363 = arith.mulf %get3A_2361, %mul3A_2362 : vector<16xf32>
    %swap3A_2364 = arith.constant 29 : i32
    %swap3A_2365 = arith.index_cast %swap3A_2364 : i32 to index
    %swap3A_2366 = arith.constant 32 : index
    %swap3A_2367 = tpu.vector_load %arg19[%swap3A_2365, %swap3A_2366] {strides = array<i32>} : memref<32x96xf32, #tpu.memory_space<vmem>>, vector<16xf32>,
    tpu.vector_store %arg19[%swap3A_2365, %swap3A_2366], %mul3A_2363 {strides = array<i32>} : memref<32x96xf32, #tpu.memory_space<vmem>>, vector<16xf32>,
    %get3A_2368 = arith.constant 29 : i32
    %get3A_2369 = arith.index_cast %get3A_2368 : i32 to index
    %get3A_2370 = arith.constant 48 : index
    %get3A_2371 = tpu.vector_load %arg18[%get3A_2369, %get3A_2370] {strides = array<i32>} : memref<32x128xf32, #tpu.memory_space<vmem>>, vector<16xf32>,
    %mul3A_2372 = vector.broadcast %reduce_sum3A_2337 : f32 to vector<16xf32>
    %mul3A_2373 = arith.mulf %get3A_2371, %mul3A_2372 : vector<16xf32>
    %swap3A_2374 = arith.constant 29 : i32
    %swap3A_2375 = arith.index_cast %swap3A_2374 : i32 to index
    %swap3A_2376 = arith.constant 48 : index
    %swap3A_2377 = tpu.vector_load %arg19[%swap3A_2375, %swap3A_2376] {strides = array<i32>} : memref<32x96xf32, #tpu.memory_space<vmem>>, vector<16xf32>,
    tpu.vector_store %arg19[%swap3A_2375, %swap3A_2376], %mul3A_2373 {strides = array<i32>} : memref<32x96xf32, #tpu.memory_space<vmem>>, vector<16xf32>,
    %get3A_2378 = arith.constant 29 : i32
    %get3A_2379 = arith.index_cast %get3A_2378 : i32 to index
    %get3A_2380 = arith.constant 64 : index
    %get3A_2381 = tpu.vector_load %arg18[%get3A_2379, %get3A_2380] {strides = array<i32>} : memref<32x128xf32, #tpu.memory_space<vmem>>, vector<16xf32>,
    %mul3A_2382 = vector.broadcast %reduce_sum3A_2337 : f32 to vector<16xf32>
    %mul3A_2383 = arith.mulf %get3A_2381, %mul3A_2382 : vector<16xf32>
    %swap3A_2384 = arith.constant 29 : i32
    %swap3A_2385 = arith.index_cast %swap3A_2384 : i32 to index
    %swap3A_2386 = arith.constant 64 : index
    %swap3A_2387 = tpu.vector_load %arg19[%swap3A_2385, %swap3A_2386] {strides = array<i32>} : memref<32x96xf32, #tpu.memory_space<vmem>>, vector<16xf32>,
    tpu.vector_store %arg19[%swap3A_2385, %swap3A_2386], %mul3A_2383 {strides = array<i32>} : memref<32x96xf32, #tpu.memory_space<vmem>>, vector<16xf32>,
    %get3A_2388 = arith.constant 29 : i32
    %get3A_2389 = arith.index_cast %get3A_2388 : i32 to index
    %get3A_2390 = arith.constant 80 : index
    %get3A_2391 = tpu.vector_load %arg18[%get3A_2389, %get3A_2390] {strides = array<i32>} : memref<32x128xf32, #tpu.memory_space<vmem>>, vector<16xf32>,
    %mul3A_2392 = vector.broadcast %reduce_sum3A_2337 : f32 to vector<16xf32>
    %mul3A_2393 = arith.mulf %get3A_2391, %mul3A_2392 : vector<16xf32>
    %swap3A_2394 = arith.constant 29 : i32
    %swap3A_2395 = arith.index_cast %swap3A_2394 : i32 to index
    %swap3A_2396 = arith.constant 80 : index
    %swap3A_2397 = tpu.vector_load %arg19[%swap3A_2395, %swap3A_2396] {strides = array<i32>} : memref<32x96xf32, #tpu.memory_space<vmem>>, vector<16xf32>,
    tpu.vector_store %arg19[%swap3A_2395, %swap3A_2396], %mul3A_2393 {strides = array<i32>} : memref<32x96xf32, #tpu.memory_space<vmem>>, vector<16xf32>,
    %eq3A_2398 = arith.constant 14 : i32
    %eq3A_2399 = vector.broadcast %eq3A_2398 : i32 to vector<16xi32>
    %eq3A_2400 = arith.cmpi eq, %iota3A, %eq3A_2399 : vector<16xi32>
    %jit3A_2401 = arith.constant 0.000000e+00 : f32
    %broadcast_in_dim3A_2402 = vector.broadcast %jit3A_2401 : f32 to vector<16xf32>
    %select_n3A_2403 = arith.select %eq3A_2400, %div3A_298, %broadcast_in_dim3A_2402 : vector<16xi1>, vector<16xf32>
    %reduce_sum3A_2404 = arith.constant true
    %reduce_sum3A_2405 = vector.broadcast %reduce_sum3A_2404 : i1 to vector<16xi1>
    %reduce_sum3A_2406 = tpu.scan <sum>, %select_n3A_2403 masked %reduce_sum3A_2405 : vector<16xf32>, vector<16xi1> -> vector<16xf32>
    %reduce_sum3A_2407 = vector.extract %reduce_sum3A_2406[15] : f32 from vector<16xf32>
    %get3A_2408 = arith.constant 30 : i32
    %get3A_2409 = arith.index_cast %get3A_2408 : i32 to index
    %get3A_2410 = arith.constant 0 : index
    %get3A_2411 = tpu.vector_load %arg18[%get3A_2409, %get3A_2410] {strides = array<i32>} : memref<32x128xf32, #tpu.memory_space<vmem>>, vector<16xf32>,
    %mul3A_2412 = vector.broadcast %reduce_sum3A_2407 : f32 to vector<16xf32>
    %mul3A_2413 = arith.mulf %get3A_2411, %mul3A_2412 : vector<16xf32>
    %swap3A_2414 = arith.constant 30 : i32
    %swap3A_2415 = arith.index_cast %swap3A_2414 : i32 to index
    %swap3A_2416 = arith.constant 0 : index
    %swap3A_2417 = tpu.vector_load %arg19[%swap3A_2415, %swap3A_2416] {strides = array<i32>} : memref<32x96xf32, #tpu.memory_space<vmem>>, vector<16xf32>,
    tpu.vector_store %arg19[%swap3A_2415, %swap3A_2416], %mul3A_2413 {strides = array<i32>} : memref<32x96xf32, #tpu.memory_space<vmem>>, vector<16xf32>,
    %get3A_2418 = arith.constant 30 : i32
    %get3A_2419 = arith.index_cast %get3A_2418 : i32 to index
    %get3A_2420 = arith.constant 16 : index
    %get3A_2421 = tpu.vector_load %arg18[%get3A_2419, %get3A_2420] {strides = array<i32>} : memref<32x128xf32, #tpu.memory_space<vmem>>, vector<16xf32>,
    %mul3A_2422 = vector.broadcast %reduce_sum3A_2407 : f32 to vector<16xf32>
    %mul3A_2423 = arith.mulf %get3A_2421, %mul3A_2422 : vector<16xf32>
    %swap3A_2424 = arith.constant 30 : i32
    %swap3A_2425 = arith.index_cast %swap3A_2424 : i32 to index
    %swap3A_2426 = arith.constant 16 : index
    %swap3A_2427 = tpu.vector_load %arg19[%swap3A_2425, %swap3A_2426] {strides = array<i32>} : memref<32x96xf32, #tpu.memory_space<vmem>>, vector<16xf32>,
    tpu.vector_store %arg19[%swap3A_2425, %swap3A_2426], %mul3A_2423 {strides = array<i32>} : memref<32x96xf32, #tpu.memory_space<vmem>>, vector<16xf32>,
    %get3A_2428 = arith.constant 30 : i32
    %get3A_2429 = arith.index_cast %get3A_2428 : i32 to index
    %get3A_2430 = arith.constant 32 : index
    %get3A_2431 = tpu.vector_load %arg18[%get3A_2429, %get3A_2430] {strides = array<i32>} : memref<32x128xf32, #tpu.memory_space<vmem>>, vector<16xf32>,
    %mul3A_2432 = vector.broadcast %reduce_sum3A_2407 : f32 to vector<16xf32>
    %mul3A_2433 = arith.mulf %get3A_2431, %mul3A_2432 : vector<16xf32>
    %swap3A_2434 = arith.constant 30 : i32
    %swap3A_2435 = arith.index_cast %swap3A_2434 : i32 to index
    %swap3A_2436 = arith.constant 32 : index
    %swap3A_2437 = tpu.vector_load %arg19[%swap3A_2435, %swap3A_2436] {strides = array<i32>} : memref<32x96xf32, #tpu.memory_space<vmem>>, vector<16xf32>,
    tpu.vector_store %arg19[%swap3A_2435, %swap3A_2436], %mul3A_2433 {strides = array<i32>} : memref<32x96xf32, #tpu.memory_space<vmem>>, vector<16xf32>,
    %get3A_2438 = arith.constant 30 : i32
    %get3A_2439 = arith.index_cast %get3A_2438 : i32 to index
    %get3A_2440 = arith.constant 48 : index
    %get3A_2441 = tpu.vector_load %arg18[%get3A_2439, %get3A_2440] {strides = array<i32>} : memref<32x128xf32, #tpu.memory_space<vmem>>, vector<16xf32>,
    %mul3A_2442 = vector.broadcast %reduce_sum3A_2407 : f32 to vector<16xf32>
    %mul3A_2443 = arith.mulf %get3A_2441, %mul3A_2442 : vector<16xf32>
    %swap3A_2444 = arith.constant 30 : i32
    %swap3A_2445 = arith.index_cast %swap3A_2444 : i32 to index
    %swap3A_2446 = arith.constant 48 : index
    %swap3A_2447 = tpu.vector_load %arg19[%swap3A_2445, %swap3A_2446] {strides = array<i32>} : memref<32x96xf32, #tpu.memory_space<vmem>>, vector<16xf32>,
    tpu.vector_store %arg19[%swap3A_2445, %swap3A_2446], %mul3A_2443 {strides = array<i32>} : memref<32x96xf32, #tpu.memory_space<vmem>>, vector<16xf32>,
    %get3A_2448 = arith.constant 30 : i32
    %get3A_2449 = arith.index_cast %get3A_2448 : i32 to index
    %get3A_2450 = arith.constant 64 : index
    %get3A_2451 = tpu.vector_load %arg18[%get3A_2449, %get3A_2450] {strides = array<i32>} : memref<32x128xf32, #tpu.memory_space<vmem>>, vector<16xf32>,
    %mul3A_2452 = vector.broadcast %reduce_sum3A_2407 : f32 to vector<16xf32>
    %mul3A_2453 = arith.mulf %get3A_2451, %mul3A_2452 : vector<16xf32>
    %swap3A_2454 = arith.constant 30 : i32
    %swap3A_2455 = arith.index_cast %swap3A_2454 : i32 to index
    %swap3A_2456 = arith.constant 64 : index
    %swap3A_2457 = tpu.vector_load %arg19[%swap3A_2455, %swap3A_2456] {strides = array<i32>} : memref<32x96xf32, #tpu.memory_space<vmem>>, vector<16xf32>,
    tpu.vector_store %arg19[%swap3A_2455, %swap3A_2456], %mul3A_2453 {strides = array<i32>} : memref<32x96xf32, #tpu.memory_space<vmem>>, vector<16xf32>,
    %get3A_2458 = arith.constant 30 : i32
    %get3A_2459 = arith.index_cast %get3A_2458 : i32 to index
    %get3A_2460 = arith.constant 80 : index
    %get3A_2461 = tpu.vector_load %arg18[%get3A_2459, %get3A_2460] {strides = array<i32>} : memref<32x128xf32, #tpu.memory_space<vmem>>, vector<16xf32>,
    %mul3A_2462 = vector.broadcast %reduce_sum3A_2407 : f32 to vector<16xf32>
    %mul3A_2463 = arith.mulf %get3A_2461, %mul3A_2462 : vector<16xf32>
    %swap3A_2464 = arith.constant 30 : i32
    %swap3A_2465 = arith.index_cast %swap3A_2464 : i32 to index
    %swap3A_2466 = arith.constant 80 : index
    %swap3A_2467 = tpu.vector_load %arg19[%swap3A_2465, %swap3A_2466] {strides = array<i32>} : memref<32x96xf32, #tpu.memory_space<vmem>>, vector<16xf32>,
    tpu.vector_store %arg19[%swap3A_2465, %swap3A_2466], %mul3A_2463 {strides = array<i32>} : memref<32x96xf32, #tpu.memory_space<vmem>>, vector<16xf32>,
    %eq3A_2468 = arith.constant 15 : i32
    %eq3A_2469 = vector.broadcast %eq3A_2468 : i32 to vector<16xi32>
    %eq3A_2470 = arith.cmpi eq, %iota3A, %eq3A_2469 : vector<16xi32>
    %jit3A_2471 = arith.constant 0.000000e+00 : f32
    %broadcast_in_dim3A_2472 = vector.broadcast %jit3A_2471 : f32 to vector<16xf32>
    %select_n3A_2473 = arith.select %eq3A_2470, %div3A_298, %broadcast_in_dim3A_2472 : vector<16xi1>, vector<16xf32>
    %reduce_sum3A_2474 = arith.constant true
    %reduce_sum3A_2475 = vector.broadcast %reduce_sum3A_2474 : i1 to vector<16xi1>
    %reduce_sum3A_2476 = tpu.scan <sum>, %select_n3A_2473 masked %reduce_sum3A_2475 : vector<16xf32>, vector<16xi1> -> vector<16xf32>
    %reduce_sum3A_2477 = vector.extract %reduce_sum3A_2476[15] : f32 from vector<16xf32>
    %get3A_2478 = arith.constant 31 : i32
    %get3A_2479 = arith.index_cast %get3A_2478 : i32 to index
    %get3A_2480 = arith.constant 0 : index
    %get3A_2481 = tpu.vector_load %arg18[%get3A_2479, %get3A_2480] {strides = array<i32>} : memref<32x128xf32, #tpu.memory_space<vmem>>, vector<16xf32>,
    %mul3A_2482 = vector.broadcast %reduce_sum3A_2477 : f32 to vector<16xf32>
    %mul3A_2483 = arith.mulf %get3A_2481, %mul3A_2482 : vector<16xf32>
    %swap3A_2484 = arith.constant 31 : i32
    %swap3A_2485 = arith.index_cast %swap3A_2484 : i32 to index
    %swap3A_2486 = arith.constant 0 : index
    %swap3A_2487 = tpu.vector_load %arg19[%swap3A_2485, %swap3A_2486] {strides = array<i32>} : memref<32x96xf32, #tpu.memory_space<vmem>>, vector<16xf32>,
    tpu.vector_store %arg19[%swap3A_2485, %swap3A_2486], %mul3A_2483 {strides = array<i32>} : memref<32x96xf32, #tpu.memory_space<vmem>>, vector<16xf32>,
    %get3A_2488 = arith.constant 31 : i32
    %get3A_2489 = arith.index_cast %get3A_2488 : i32 to index
    %get3A_2490 = arith.constant 16 : index
    %get3A_2491 = tpu.vector_load %arg18[%get3A_2489, %get3A_2490] {strides = array<i32>} : memref<32x128xf32, #tpu.memory_space<vmem>>, vector<16xf32>,
    %mul3A_2492 = vector.broadcast %reduce_sum3A_2477 : f32 to vector<16xf32>
    %mul3A_2493 = arith.mulf %get3A_2491, %mul3A_2492 : vector<16xf32>
    %swap3A_2494 = arith.constant 31 : i32
    %swap3A_2495 = arith.index_cast %swap3A_2494 : i32 to index
    %swap3A_2496 = arith.constant 16 : index
    %swap3A_2497 = tpu.vector_load %arg19[%swap3A_2495, %swap3A_2496] {strides = array<i32>} : memref<32x96xf32, #tpu.memory_space<vmem>>, vector<16xf32>,
    tpu.vector_store %arg19[%swap3A_2495, %swap3A_2496], %mul3A_2493 {strides = array<i32>} : memref<32x96xf32, #tpu.memory_space<vmem>>, vector<16xf32>,
    %get3A_2498 = arith.constant 31 : i32
    %get3A_2499 = arith.index_cast %get3A_2498 : i32 to index
    %get3A_2500 = arith.constant 32 : index
    %get3A_2501 = tpu.vector_load %arg18[%get3A_2499, %get3A_2500] {strides = array<i32>} : memref<32x128xf32, #tpu.memory_space<vmem>>, vector<16xf32>,
    %mul3A_2502 = vector.broadcast %reduce_sum3A_2477 : f32 to vector<16xf32>
    %mul3A_2503 = arith.mulf %get3A_2501, %mul3A_2502 : vector<16xf32>
    %swap3A_2504 = arith.constant 31 : i32
    %swap3A_2505 = arith.index_cast %swap3A_2504 : i32 to index
    %swap3A_2506 = arith.constant 32 : index
    %swap3A_2507 = tpu.vector_load %arg19[%swap3A_2505, %swap3A_2506] {strides = array<i32>} : memref<32x96xf32, #tpu.memory_space<vmem>>, vector<16xf32>,
    tpu.vector_store %arg19[%swap3A_2505, %swap3A_2506], %mul3A_2503 {strides = array<i32>} : memref<32x96xf32, #tpu.memory_space<vmem>>, vector<16xf32>,
    %get3A_2508 = arith.constant 31 : i32
    %get3A_2509 = arith.index_cast %get3A_2508 : i32 to index
    %get3A_2510 = arith.constant 48 : index
    %get3A_2511 = tpu.vector_load %arg18[%get3A_2509, %get3A_2510] {strides = array<i32>} : memref<32x128xf32, #tpu.memory_space<vmem>>, vector<16xf32>,
    %mul3A_2512 = vector.broadcast %reduce_sum3A_2477 : f32 to vector<16xf32>
    %mul3A_2513 = arith.mulf %get3A_2511, %mul3A_2512 : vector<16xf32>
    %swap3A_2514 = arith.constant 31 : i32
    %swap3A_2515 = arith.index_cast %swap3A_2514 : i32 to index
    %swap3A_2516 = arith.constant 48 : index
    %swap3A_2517 = tpu.vector_load %arg19[%swap3A_2515, %swap3A_2516] {strides = array<i32>} : memref<32x96xf32, #tpu.memory_space<vmem>>, vector<16xf32>,
    tpu.vector_store %arg19[%swap3A_2515, %swap3A_2516], %mul3A_2513 {strides = array<i32>} : memref<32x96xf32, #tpu.memory_space<vmem>>, vector<16xf32>,
    %get3A_2518 = arith.constant 31 : i32
    %get3A_2519 = arith.index_cast %get3A_2518 : i32 to index
    %get3A_2520 = arith.constant 64 : index
    %get3A_2521 = tpu.vector_load %arg18[%get3A_2519, %get3A_2520] {strides = array<i32>} : memref<32x128xf32, #tpu.memory_space<vmem>>, vector<16xf32>,
    %mul3A_2522 = vector.broadcast %reduce_sum3A_2477 : f32 to vector<16xf32>
    %mul3A_2523 = arith.mulf %get3A_2521, %mul3A_2522 : vector<16xf32>
    %swap3A_2524 = arith.constant 31 : i32
    %swap3A_2525 = arith.index_cast %swap3A_2524 : i32 to index
    %swap3A_2526 = arith.constant 64 : index
    %swap3A_2527 = tpu.vector_load %arg19[%swap3A_2525, %swap3A_2526] {strides = array<i32>} : memref<32x96xf32, #tpu.memory_space<vmem>>, vector<16xf32>,
    tpu.vector_store %arg19[%swap3A_2525, %swap3A_2526], %mul3A_2523 {strides = array<i32>} : memref<32x96xf32, #tpu.memory_space<vmem>>, vector<16xf32>,
    %get3A_2528 = arith.constant 31 : i32
    %get3A_2529 = arith.index_cast %get3A_2528 : i32 to index
    %get3A_2530 = arith.constant 80 : index
    %get3A_2531 = tpu.vector_load %arg18[%get3A_2529, %get3A_2530] {strides = array<i32>} : memref<32x128xf32, #tpu.memory_space<vmem>>, vector<16xf32>,
    %mul3A_2532 = vector.broadcast %reduce_sum3A_2477 : f32 to vector<16xf32>
    %mul3A_2533 = arith.mulf %get3A_2531, %mul3A_2532 : vector<16xf32>
    %swap3A_2534 = arith.constant 31 : i32
    %swap3A_2535 = arith.index_cast %swap3A_2534 : i32 to index
    %swap3A_2536 = arith.constant 80 : index
    %swap3A_2537 = tpu.vector_load %arg19[%swap3A_2535, %swap3A_2536] {strides = array<i32>} : memref<32x96xf32, #tpu.memory_space<vmem>>, vector<16xf32>,
    tpu.vector_store %arg19[%swap3A_2535, %swap3A_2536], %mul3A_2533 {strides = array<i32>} : memref<32x96xf32, #tpu.memory_space<vmem>>, vector<16xf32>,
    %mul3A_2538 = arith.constant 32 : i32
    %mul3A_2539 = arith.muli %arg1, %mul3A_2538 : i32
    %mul3A_2540 = arith.constant 96 : i32
    %mul3A_2541 = arith.muli %arg0, %mul3A_2540 : i32
    "tpu.region"() ({
      %run_scoped3A = tpu.sem_alloc : memref<!tpu.dma_semaphore, #tpu.memory_space<semaphore_mem>>
      %dma_start3A_2542 = tpu.memref_slice %arg5[%mul3A_2539, %mul3A_2541] : memref<512x192xf32, #tpu.memory_space<hbm>> -> memref<32x96xf32, #tpu.memory_space<hbm>>
      %dma_start3A_2543 = tpu.memref_slice %arg5[%mul3A_2539, %mul3A_2541] : memref<512x192xf32, #tpu.memory_space<hbm>> -> memref<32x96xf32, #tpu.memory_space<hbm>>
      tpu.enqueue_dma source(%arg19 : memref<32x96xf32, #tpu.memory_space<vmem>>) target(%dma_start3A_2543 : memref<32x96xf32, #tpu.memory_space<hbm>>) target_semaphore(%run_scoped3A : memref<!tpu.dma_semaphore, #tpu.memory_space<semaphore_mem>>)
      %dma_wait3A_2544 = tpu.memref_slice %arg5[%mul3A_2539, %mul3A_2541] : memref<512x192xf32, #tpu.memory_space<hbm>> -> memref<32x96xf32, #tpu.memory_space<hbm>>
      %dma_wait3A_2545 = tpu.memref_slice %arg5[%mul3A_2539, %mul3A_2541] : memref<512x192xf32, #tpu.memory_space<hbm>> -> memref<32x96xf32, #tpu.memory_space<hbm>>
      tpu.wait_dma2 semaphore(%run_scoped3A : memref<!tpu.dma_semaphore, #tpu.memory_space<semaphore_mem>>) src(%arg19 : memref<32x96xf32, #tpu.memory_space<vmem>>) dst(%dma_wait3A_2545 : memref<32x96xf32, #tpu.memory_space<hbm>>)
      tpu.yield
    }) : () -> ()
    return
  }
}

module attributes {stable_mosaic.version = 14 : i64} {
  func.func @_expand_body(%arg0: i32, %arg1: memref<64x8192xf32, #tpu.memory_space<vmem>>, %arg2: memref<64x8192xf32, #tpu.memory_space<vmem>>, %arg3: memref<64x8192xf32, #tpu.memory_space<vmem>>, %arg4: memref<16x129xf32, #tpu.memory_space<vmem>>, %arg5: memref<64x16xf32, #tpu.memory_space<vmem>>, %arg6: memref<1xf32, #tpu.memory_space<smem>>, %arg7: memref<8192x128xf32, #tpu.memory_space<vmem>>, %arg8: memref<8192x128xf32, #tpu.memory_space<vmem>>) attributes {dimension_semantics = [#tpu.dimension_semantics<arbitrary>], iteration_bounds = array<i64: 2>, scalar_prefetch = 0 : i64, scratch_operands = 0 : i64, tpu.core_type = #tpu.core_type<tc>, window_params = [{transform_indices = @transform_0, window_bounds = array<i64: 64, 8192>}, {transform_indices = @transform_1, window_bounds = array<i64: 64, 8192>}, {transform_indices = @transform_2, window_bounds = array<i64: 64, 8192>}, {pipeline_mode = #tpu.pipeline_mode<synchronous>, transform_indices = @transform_3, window_bounds = array<i64: 16, 129>}, {pipeline_mode = #tpu.pipeline_mode<synchronous>, transform_indices = @transform_4, window_bounds = array<i64: 64, 16>}, {transform_indices = @transform_5, window_bounds = array<i64: 1>}, {transform_indices = @transform_6, window_bounds = array<i64: 8192, 128>}, {transform_indices = @transform_7, window_bounds = array<i64: 8192, 128>}]} {
    %get3A = arith.constant 0 : index
    %get3A_0 = arith.constant 0 : index
    %get3A_1 = vector.load %arg1[%get3A, %get3A_0] : memref<64x8192xf32, #tpu.memory_space<vmem>>, vector<64x8192xf32>
    %get3A_2 = arith.constant 0 : index
    %get3A_3 = arith.constant 0 : index
    %get3A_4 = vector.load %arg2[%get3A_2, %get3A_3] : memref<64x8192xf32, #tpu.memory_space<vmem>>, vector<64x8192xf32>
    %get3A_5 = arith.constant 0 : index
    %get3A_6 = arith.constant 0 : index
    %get3A_7 = vector.load %arg3[%get3A_5, %get3A_6] : memref<64x8192xf32, #tpu.memory_space<vmem>>, vector<64x8192xf32>
    %broadcast_in_dim3A = arith.constant 1.000000e+00 : f32
    %broadcast_in_dim3A_8 = vector.broadcast %broadcast_in_dim3A : f32 to vector<1x8192xf32>
    %concatenate3A = tpu.concatenate %get3A_1, %get3A_4, %broadcast_in_dim3A_8 in 0 : vector<64x8192xf32>, vector<64x8192xf32>, vector<1x8192xf32> -> vector<129x8192xf32>
    %get3A_9 = arith.constant 0 : index
    %get3A_10 = arith.constant 0 : index
    %get3A_11 = vector.load %arg4[%get3A_9, %get3A_10] : memref<16x129xf32, #tpu.memory_space<vmem>>, vector<16x129xf32>
    %dot_general3A = arith.constant dense<0.000000e+00> : vector<16x8192xf32>
    %dot_general3A_12 = tpu.matmul %get3A_11, %concatenate3A, %dot_general3A {dimension_numbers = #tpu.dot_dimension_numbers<[1], [0], [0], [1], [0, 0, 1, 1], [], []>, transpose_lhs_hint = false} : vector<16x129xf32>, vector<129x8192xf32>, vector<16x8192xf32> -> vector<16x8192xf32>
    %max3A = arith.constant 0.000000e+00 : f32
    %max3A_13 = vector.broadcast %max3A : f32 to vector<16x8192xf32>
    %max3A_14 = arith.maximumf %dot_general3A_12, %max3A_13 : vector<16x8192xf32>
    %get3A_15 = arith.constant 0 : index
    %get3A_16 = arith.constant 0 : index
    %get3A_17 = vector.load %arg5[%get3A_15, %get3A_16] : memref<64x16xf32, #tpu.memory_space<vmem>>, vector<64x16xf32>
    %dot_general3A_18 = arith.constant dense<0.000000e+00> : vector<64x8192xf32>
    %dot_general3A_19 = tpu.matmul %get3A_17, %max3A_14, %dot_general3A_18 {dimension_numbers = #tpu.dot_dimension_numbers<[1], [0], [0], [1], [0, 0, 1, 1], [], []>, transpose_lhs_hint = false} : vector<64x16xf32>, vector<16x8192xf32>, vector<64x8192xf32> -> vector<64x8192xf32>
    %get3A_20 = arith.constant 0 : index
    %get3A_21 = memref.load %arg6[%get3A_20] : memref<1xf32, #tpu.memory_space<smem>>
    %add3A = vector.broadcast %get3A_21 : f32 to vector<64x8192xf32>
    %add3A_22 = arith.addf %dot_general3A_19, %add3A : vector<64x8192xf32>
    %exp3A = math.exp %add3A_22 : vector<64x8192xf32>
    %iota3A = tpu.iota {dimensions = array<i32: 0>} : vector<16x8192xi32>
    %eq3A = arith.constant 0 : i32
    %eq3A_23 = vector.broadcast %eq3A : i32 to vector<16x8192xi32>
    %eq3A_24 = arith.cmpi eq, %iota3A, %eq3A_23 : vector<16x8192xi32>
    %slice3A = vector.extract_strided_slice %exp3A {offsets = [0, 0], sizes = [16, 8192], strides = [1, 1]} : vector<64x8192xf32> to vector<16x8192xf32>
    %jit3A = arith.constant 0.000000e+00 : f32
    %broadcast_in_dim3A_25 = vector.broadcast %jit3A : f32 to vector<16x8192xf32>
    %select_n3A = arith.select %eq3A_24, %slice3A, %broadcast_in_dim3A_25 : vector<16x8192xi1>, vector<16x8192xf32>
    %broadcast_in_dim3A_26 = arith.constant 0.000000e+00 : f32
    %broadcast_in_dim3A_27 = vector.broadcast %broadcast_in_dim3A_26 : f32 to vector<16x8192xf32>
    %mul3A = arith.mulf %get3A_1, %exp3A : vector<64x8192xf32>
    %slice3A_28 = vector.extract_strided_slice %get3A_4 {offsets = [0, 0], sizes = [32, 8192], strides = [1, 1]} : vector<64x8192xf32> to vector<32x8192xf32>
    %slice3A_29 = vector.extract_strided_slice %exp3A {offsets = [0, 0], sizes = [32, 8192], strides = [1, 1]} : vector<64x8192xf32> to vector<32x8192xf32>
    %mul3A_30 = arith.mulf %slice3A_28, %slice3A_29 : vector<32x8192xf32>
    %concatenate3A_31 = tpu.concatenate %mul3A, %mul3A_30, %select_n3A, %broadcast_in_dim3A_27 in 0 : vector<64x8192xf32>, vector<32x8192xf32>, vector<16x8192xf32>, vector<16x8192xf32> -> vector<128x8192xf32>
    %slice3A_32 = vector.extract_strided_slice %get3A_4 {offsets = [32, 0], sizes = [32, 8192], strides = [1, 1]} : vector<64x8192xf32> to vector<32x8192xf32>
    %slice3A_33 = vector.extract_strided_slice %exp3A {offsets = [0, 0], sizes = [32, 8192], strides = [1, 1]} : vector<64x8192xf32> to vector<32x8192xf32>
    %mul3A_34 = arith.mulf %slice3A_32, %slice3A_33 : vector<32x8192xf32>
    %mul3A_35 = arith.mulf %get3A_7, %exp3A : vector<64x8192xf32>
    %concatenate3A_36 = tpu.concatenate %mul3A_34, %mul3A_35, %select_n3A, %broadcast_in_dim3A_27 in 0 : vector<32x8192xf32>, vector<64x8192xf32>, vector<16x8192xf32>, vector<16x8192xf32> -> vector<128x8192xf32>
    %transpose3A = tpu.transpose %concatenate3A_31, [1, 0] : vector<128x8192xf32> -> vector<8192x128xf32>
    %swap3A = arith.constant 0 : index
    %swap3A_37 = arith.constant 0 : index
    %swap3A_38 = vector.load %arg7[%swap3A, %swap3A_37] : memref<8192x128xf32, #tpu.memory_space<vmem>>, vector<8192x128xf32>
    tpu.vector_store %arg7[%swap3A, %swap3A_37], %transpose3A {strides = array<i32>} : memref<8192x128xf32, #tpu.memory_space<vmem>>, vector<8192x128xf32>,
    %transpose3A_39 = tpu.transpose %concatenate3A_36, [1, 0] : vector<128x8192xf32> -> vector<8192x128xf32>
    %swap3A_40 = arith.constant 0 : index
    %swap3A_41 = arith.constant 0 : index
    %swap3A_42 = vector.load %arg8[%swap3A_40, %swap3A_41] : memref<8192x128xf32, #tpu.memory_space<vmem>>, vector<8192x128xf32>
    tpu.vector_store %arg8[%swap3A_40, %swap3A_41], %transpose3A_39 {strides = array<i32>} : memref<8192x128xf32, #tpu.memory_space<vmem>>, vector<8192x128xf32>,
    return
  }
  func.func @transform_0(%arg0: i32) -> (i32, i32) {
    %c0_i32 = arith.constant 0 : i32
    %c0_i32_0 = arith.constant 0 : i32
    return %c0_i32, %arg0 : i32, i32
  }
  func.func @transform_1(%arg0: i32) -> (i32, i32) {
    %c0_i32 = arith.constant 0 : i32
    %c0_i32_0 = arith.constant 0 : i32
    return %c0_i32, %arg0 : i32, i32
  }
  func.func @transform_2(%arg0: i32) -> (i32, i32) {
    %c0_i32 = arith.constant 0 : i32
    %c0_i32_0 = arith.constant 0 : i32
    return %c0_i32, %arg0 : i32, i32
  }
  func.func @transform_3(%arg0: i32) -> (i32, i32) {
    %c0_i32 = arith.constant 0 : i32
    %c0_i32_0 = arith.constant 0 : i32
    %c0_i32_1 = arith.constant 0 : i32
    return %c0_i32, %c0_i32_0 : i32, i32
  }
  func.func @transform_4(%arg0: i32) -> (i32, i32) {
    %c0_i32 = arith.constant 0 : i32
    %c0_i32_0 = arith.constant 0 : i32
    %c0_i32_1 = arith.constant 0 : i32
    return %c0_i32, %c0_i32_0 : i32, i32
  }
  func.func @transform_5(%arg0: i32) -> i32 {
    %c0_i32 = arith.constant 0 : i32
    %c0_i32_0 = arith.constant 0 : i32
    return %c0_i32 : i32
  }
  func.func @transform_6(%arg0: i32) -> (i32, i32) {
    %c0_i32 = arith.constant 0 : i32
    %c0_i32_0 = arith.constant 0 : i32
    return %arg0, %c0_i32 : i32, i32
  }
  func.func @transform_7(%arg0: i32) -> (i32, i32) {
    %c0_i32 = arith.constant 0 : i32
    %c0_i32_0 = arith.constant 0 : i32
    return %arg0, %c0_i32 : i32, i32
  }
}

</mosaic_0001>

<sc_bundles>
// kernel: kernel.4.cloned.1.call-start
scs
__scs_entry_jumppad:
0x0: {  	(pc) =	sbr.rel $0x88, $3  }
0x1: {  	(tag) =	ssettag $0x0;
	lr =	simm.s32 $0x1  }
0x2: {  	[smem:$0x3F99] =	sst lr;
	_ =	strace $0xD0000000  }
0x3: {  	_ = 	snop  }
0x4: {  	_ = 	snop  }
0x5: {  	_ = 	snop  }
0x6: {  	_ = 	snop  }
0x7: {  	_ = 	snop  }
__scs_overlays_trampoline_lowered:
0x8: {  	[smem:$0x3FA8] =	sst s0  }
0x9: {  	[smem:$0x3FA9] =	sst s1  }
0xa: {  	[smem:$0x3FAA] =	sst s2  }
0xb: {  	[smem:$0x3FAB] =	sst s3  }
0xc: {  	[smem:$0x3FAC] =	sst s4  }
0xd: {  	[smem:$0x3FAD] =	sst s5  }
0xe: {  	[smem:$0x3FAE] =	sst s6  }
0xf: {  	[smem:$0x3FAF] =	sst s7  }
0x10: {  	[smem:$0x3FB0] =	sst s8  }
0x11: {  	[smem:$0x3FB1] =	sst s9;
	s0 =	simm.s32 @!p0 $0x0  }
0x12: {  	s1 =	sld [smem:$0x3F97];
	s0 =	simm.s32 @p0 $0x1  }
0x13: {  	[smem:$0x3FB2] =	sst s0;
	s0 =	simm.s32 @!p1 $0x0  }
0x14: {  	s2 =	sld [smem:$0x3F96];
	s0 =	simm.s32 @p1 $0x1  }
0x15: {  	[smem:$0x3FB3] =	sst s0;
	s0 =	simm.s32 @!p2 $0x0  }
0x16: {  	s3 =	sld [smem:$0x3FDB];
	s0 =	simm.s32 @p2 $0x1  }
0x17: {  	s4 =	simm.s32 $0x1BF5;
	[smem:$0x3FB5] =	sst s0  }
0x18: {  	s0 =	sld [smem:$0x3F98];
	_ =	swait.ge [sflag:s4], $0x0  }
0x19: {  	s7 =	sld [smem:$0x3F99]  }
0x1a: {  	s8 =	sadd.s32 $0xFFFFE003, lr  }
0x1b: {  	s9 =	sadd.s32 $0xFFFFFEF7, lr;
	s5 =	simm.s32 $0xFFFFFFFF;
	p2 =	slt.u32 s8, $0xFFFFF086  }
0x1c: {  	p1 =	slt.u32 s9, $0xF7A;
	s5 =	simm.s32 @!p2 $0x0  }
0x1d: {  	s5 =	simm.s32 @p1 $0x1;
	p0 =	seq.s32 s7, s2  }
0x1e: {  	s7 =	smul.u32 @!p0 $0xF7A, s2;
	p2 =	seq.s32 @!p0 s5, $0x0  }
0x1f: {  	s9 =	smul.u32 $0xF7A, s1;
	s8 =	simm.s32 @!p0 $0x1BF5;
	p2 =	por !p2, p0  }
0x20: {  	[sflag:s8] =	ssyncset.s32 @!p0 $0xFFFFF086;
	s6 =	sadd.s32 @!p0 s3, s7;
	s7 =	simm.s32 @!p0 $0x108  }
0x21: {  	s3 =	sadd.s32 s3, s9;
	s6 =	sadd.s32 @!p0 $0x88, s6;
	s7 =	simm.s32 @p2 $0x1082  }
0x22: {  	[simem:s7], [sflag:s8] =	dma.local @!p0 [hbm:s6], $0xF7A  }
0x23: {  	s9 =	sor.u32 $0xD0000000, s2;
	s6 =	simm.s32 $0x108;
	_ =	swait.ge @!p0 [sflag:s8], $0x0  }
0x24: {  	s3 =	sadd.s32 $0x88, s3;
	s6 =	simm.s32 @!p1 $0x1082;
	[sflag:s4] =	ssyncset.s32 $0xFFFFF086  }
0x25: {  	[simem:s6], [sflag:s4] =	dma.local [hbm:s3], $0xF7A  }
0x26: {  	[smem:$0x3F99] =	sst s1;
	(tag) =	ssettag s2;
	_ =	strace s9  }
0x27: {  	s1 =	sld [smem:$0x3FA9]  }
0x28: {  	s2 =	sld [smem:$0x3FAA]  }
0x29: {  	s4 =	sld [smem:$0x3FAC]  }
0x2a: {  	p0 =	seq.s32 s5, $0x0;
	s5 =	sld [smem:$0x3FAD]  }
0x2b: {  	s6 =	sld [smem:$0x3FAE]  }
0x2c: {  	s7 =	sld [smem:$0x3FAF]  }
0x2d: {  	s3 =	simm.s32 $0x108;
	s8 =	sld [smem:$0x3FB0]  }
0x2e: {  	s3 =	simm.s32 @!p0 $0x1082;
	s9 =	sld [smem:$0x3FB1]  }
0x2f: {  	lr =	sadd.s32 s0, s3;
	s0 =	sld [smem:$0x3FA8]  }
0x30: {  	s3 =	sld [smem:$0x3FAB]  }
0x31: {  	[smem:$0x3FB4] =	sst s10  }
0x32: {  	s10 =	sld [smem:$0x3FB2];
	_ =	sdelay $0x3  }
0x33: {  	p0 =	seq.s32 s10, $0x1;
	s10 =	sld [smem:$0x3FB4];
	_ =	sdelay $0x3  }
0x34: {  	[smem:$0x3FB4] =	sst s10  }
0x35: {  	s10 =	sld [smem:$0x3FB3];
	_ =	sdelay $0x3  }
0x36: {  	p1 =	seq.s32 s10, $0x1;
	s10 =	sld [smem:$0x3FB4];
	_ =	sdelay $0x3  }
0x37: {  	[smem:$0x3FB4] =	sst s10  }
0x38: {  	s10 =	sld [smem:$0x3FB5]  }
0x39: {  	_ = 	snop;
	(pc) =	sbr.ind lr, $3  }
0x3a: {  	_ = 	snop  }
0x3b: {  	_ = 	snop  }
0x3c: {  	p2 =	seq.s32 s10, $0x1;
	s10 =	sld [smem:$0x3FB4]  }
0x3d: {  	_ =	shalt  }
0x3e: {  	_ =	shalt  }
0x3f: {  	_ =	shalt  }
0x40: {  	_ =	shalt  }
0x41: {  	_ =	shalt  }
0x42: {  	_ =	shalt  }
0x43: {  	_ =	shalt  }
0x44: {  	_ =	shalt  }
0x45: {  	_ =	shalt  }
0x46: {  	_ =	shalt  }
0x47: {  	_ =	shalt  }
0x48: {  	_ =	shalt  }
0x49: {  	_ =	shalt  }
0x4a: {  	_ =	shalt  }
0x4b: {  	_ =	shalt  }
0x4c: {  	_ =	shalt  }
0x4d: {  	_ =	shalt  }
0x4e: {  	_ =	shalt  }
0x4f: {  	_ =	shalt  }
0x50: {  	_ =	shalt  }
0x51: {  	_ =	shalt  }
0x52: {  	_ =	shalt  }
0x53: {  	_ =	shalt  }
0x54: {  	_ =	shalt  }
0x55: {  	_ =	shalt  }
0x56: {  	_ =	shalt  }
0x57: {  	_ =	shalt  }
0x58: {  	_ =	shalt  }
0x59: {  	_ =	shalt  }
0x5a: {  	_ =	shalt  }
0x5b: {  	_ =	shalt  }
0x5c: {  	_ =	shalt  }
0x5d: {  	_ =	shalt  }
0x5e: {  	_ =	shalt  }
0x5f: {  	_ =	shalt  }
0x60: {  	_ =	shalt  }
0x61: {  	_ =	shalt  }
0x62: {  	_ =	shalt  }
0x63: {  	_ =	shalt  }
0x64: {  	_ =	shalt  }
0x65: {  	_ =	shalt  }
0x66: {  	_ =	shalt  }
0x67: {  	_ =	shalt  }
0x68: {  	_ =	shalt  }
0x69: {  	_ =	shalt  }
0x6a: {  	_ =	shalt  }
0x6b: {  	_ =	shalt  }
0x6c: {  	_ =	shalt  }
0x6d: {  	_ =	shalt  }
0x6e: {  	_ =	shalt  }
0x6f: {  	_ =	shalt  }
0x70: {  	_ =	shalt  }
0x71: {  	_ =	shalt  }
0x72: {  	_ =	shalt  }
0x73: {  	_ =	shalt  }
0x74: {  	_ =	shalt  }
0x75: {  	_ =	shalt  }
0x76: {  	_ =	shalt  }
0x77: {  	_ =	shalt  }
0x78: {  	_ =	shalt  }
0x79: {  	_ =	shalt  }
0x7a: {  	_ =	shalt  }
0x7b: {  	_ =	shalt  }
0x7c: {  	_ =	shalt  }
0x7d: {  	_ =	shalt  }
0x7e: {  	_ =	shalt  }
0x7f: {  	_ =	shalt  }
0x80: {  	_ =	shalt  }
0x81: {  	_ =	shalt  }
0x82: {  	_ =	shalt  }
0x83: {  	_ =	shalt  }
0x84: {  	_ =	shalt  }
0x85: {  	_ =	shalt  }
0x86: {  	_ =	shalt  }
0x87: {  	_ =	shalt  }
.Lfunc_end0:
.L_simem_size_0:
called_computation_lowered:
.L_overlay_start_0:
0x88: {  	s2 =	sld [smem:$0x3FD9]  }
0x89: {  	s3 =	sld [smem:$0x3FFE];
	_ =	sdelay $0x1  }
0x8a: {  	s1 =	srdreg.scid  }
0x8b: {  	s0 =	sand.u32 $0x1, s1  }
0x8c: {  	s17 =	sshll.u32 s0, $0xA;
	s2 =	sadd.s32 s3, s2  }
0x8d: {  	s2 =	sadd.s32 s2, s17  }
0x8e: {  	[smem:$0x3FC0] =	sst s2  }
0x8f: {  	_ = 	snop  }
0x90: {  	s2 =	sld [smem:$0x3FC6]  }
0x91: {  	s18 =	sld [smem:$0x3FD0];
	(tm) =	ssettm $0x1  }
0x92: {  	s4 =	sld [smem:$0x3FFB];
	_ =	sdelay $0x3  }
0x93: {  	_ =	strace s4  }
0x94: {  	s4 =	sld [smem:$0x3FFC];
	_ =	sdelay $0x3  }
0x95: {  	_ =	strace s4  }
0x96: {  	s4 =	sld [smem:$0x3FFD];
	_ =	sdelay $0x3  }
0x97: {  	_ =	strace s4  }
0x98: {  	_ =	strace $0x8FFFFFFF  }
0x99: {  	s19 =	sld [smem:$0x3FDB];
	_ =	sdelay $0x1  }
0x9a: {  	s5 =	simm.s32 $_scs_section_size  }
0x9b: {  	s6 =	simm.s32 $_size__tile_overlayer_lowered;
	s7 =	simm.s32 $_tile_overlayer_lowered  }
0x9c: {  	s22 =	simm.s32 $0x1BFF;
	s21 =	sshll.u32 s7, $0x1;
	s4 =	sadd.s32 s5, s19  }
0x9d: {  	s8 =	simm.s32 $0x0;
	s20 =	sshll.u32 s6, $0x1;
	s6 =	sadd.s32 s21, s4  }
0x9e: {  	[timem:s8], [sflag:s22] =	dma.local [hbm:s6], s20  }
0x9f: {  	_ =	swait.ge [sflag:s22], s20  }
0xa0: {  	s5 =	ssub.s32 $0x0, s20;
	[sflag:s22] =	ssyncset.done $0x0  }
0xa1: {  	[sflag:s22] =	ssyncadd.s32 s5;
	_ =	sdelay $0x1  }
0xa2: {  	s23 =	simm.s32 $0x1B8B  }
0xa3: {  	_ =	swait.ge [sflag:s23], $0x1  }
0xa4: {  	[sflag:s23] =	ssyncset.done $0x0  }
0xa5: {  	s25 =	simm.s32 $0x1B8E;
	s24 =	sld [smem:$0x3FFE];
	[sflag:s23] =	ssyncadd.s32 $0xFFFFFFFF  }
0xa6: {  	s26 =	simm.s32 $execute0_lowered;
	[smem:$0x3FD2] =	sst s25  }
0xa7: {  	s6 =	sshll.u32 s26, $0x1;
	_ =	strace $0x80000046;
	[dreg:$0x1] =	wrdreg $0xFFFFFFFF  }
0xa8: {  	s28 =	simm.s32 $_size_execute0_lowered;
	s4 =	sadd.s32 s4, s6;
	[dreg:$0x0] =	wrdreg $0x0  }
0xa9: {  	s6 =	sshll.u32 s28, $0x1;
	[dreg:$0x2] =	wrdreg s4  }
0xaa: {  	[dreg:$0x3] =	wrdreg s6  }
0xab: {  	[dreg:$0x4] =	wrdreg $0xC0  }
0xac: {  	_ =	task [dreg:s8], $0x5FFFF  }
0xad: {  	[dreg:$0x1] =	wrdreg $0xFFFFFFFF  }
0xae: {  	[dreg:$0x0] =	wrdreg $0x60  }
0xaf: {  	[dreg:$0x2] =	wrdreg s24  }
0xb0: {  	[dreg:$0x3] =	wrdreg s2  }
0xb1: {  	[dreg:$0x4] =	wrdreg s18  }
0xb2: {  	[dreg:$0x5] =	wrdreg $0x123500  }
0xb3: {  	[dreg:$0x6] =	wrdreg $0x134500  }
0xb4: {  	[dreg:$0x7] =	wrdreg $0x133500  }
0xb5: {  	[dreg:$0x8] =	wrdreg $0x9  }
0xb6: {  	_ =	task.clear_ibuf [dreg:s8], $0x9FFFF;
	_ =	strace $0x90000046  }
0xb7: {  	s29 =	simm.s32 $0x9;
	_ =	strace $0x80000048  }
0xb8: {  	_ =	swait.ge [sflag:s29], $0x1  }
0xb9: {  	[sflag:s29] =	ssyncadd.s32 $0xFFFFFFFF  }
0xba: {  	_ =	strace $0x90000048  }
0xbb: {  	_ =	sfence  }
0xbc: {  	s30 =	sld [smem:$0x0];
	_ =	sdelay $0x2  }
0xbd: {  	s31 =	sshll.u32 s1, $0xD;
	s1 =	sshrl.u32 s1, $0x2  }
0xbe: {  	s3 =	sand.u32 $0x4000, s31;
	s1 =	sadd.s32 s1, s30  }
0xbf: {  	s0 =	sor.u32 s3, s0;
	s1 =	sshll.u32 s1, $0x11  }
0xc0: {  	s0 =	sor.u32 s1, s0  }
0xc1: {  	s0 =	sadd.s32 $0x8F2B, s0  }
0xc2: {  	[sflag:s0] =	ssyncadd.remote.s32 $0x1  }
0xc3: {  	_ =	sfence.sel $0xFFFF  }
0xc4: {  	[dreg:$0x0] =	wrdreg $0xFFFFFFFF;
	(pc) =	sbr.abs _section_cstart, $3  }
0xc5: {  	[dreg:$0x1] =	wrdreg $0xFFFFFFFF  }
0xc6: {  	_ =	task.clear_ibuf [dreg:s8], $0x2FFFF;
	_ =	strace $0x9FFFFFFF  }
0xc7: {  	(tm) =	ssettm $0x7FFFFFFF  }
tec
execute0_lowered:
.L_overlay_start_1:
0x0: {  	(tag) =	ssettag $0x1  }
0x1: {  	s3 =	rddreg [dreg:$0x0]  }
0x2: {  	s4 =	rddreg [dreg:$0x1]  }
0x3: {  	s5 =	rddreg [dreg:$0x2]  }
0x4: {  	s0 =	srdreg.scid;
	s1 =	rddreg [dreg:$0x3]  }
0x5: {  	s18 =	stileid.u32;
	s19 =	rddreg [dreg:$0x4]  }
0x6: {  	s29 =	simm.s32 $0x80;
	s30 =	simm.s32 $0x180;
	s31 =	simm.s32 $0x11400  }
0x7: {  	s6 =	sand.u32 $0x1, s0;
	s2 =	sshll.u32 s18, $0xA;
	s13 =	sshll.u32 s18, $0x7  }
0x8: {  	s24 =	smul.u32 $0x1800, s18;
	s0 =	ssub.s32 $0x2, s6;
	s8 =	sor.u32 $0x100, s2  }
0x9: {  	s9 =	sor.u32 $0x180, s2;
	s10 =	sor.u32 $0x200, s2;
	s11 =	sor.u32 $0x280, s2  }
0xa: {  	s12 =	sor.u32 $0x300, s2;
	s14 =	sor.u32 $0x380, s2;
	s13 =	sadd.s32 s4, s13  }
0xb: {  	p0 =	seq.s32 s6, $0x1;
	s7 =	sshrl.u32 s0, $0x1;
	[dreg:$0x7] =	wrdreg s13  }
0xc: {  	s15 =	sshrl.u32 s8, $0x3;
	s20 =	sshrl.u32 s9, $0x3;
	s21 =	sshrl.u32 s10, $0x3  }
0xd: {  	s22 =	sshrl.u32 s11, $0x3;
	s25 =	sshrl.u32 s12, $0x3;
	s0 =	ssub.s32 s0, s7  }
0xe: {  	s7 =	sor.u32 $0x80, s2;
	s17 =	sadd.s32 s4, s15;
	s23 =	sadd.s32 s4, s22  }
0xf: {  	s15 =	sadd.s32 s4, s25;
	s22 =	sshll.u32 s18, $0xE;
	[dreg:$0x9] =	wrdreg s17  }
0x10: {  	s2 =	sshrl.u32 s2, $0x2;
	s16 =	sshrl.u32 s7, $0x3;
	[dreg:$0xc] =	wrdreg s23  }
0x11: {  	s17 =	smul.u32 $0x60, s6;
	[dreg:$0xd] =	wrdreg s15;
	s6 =	simm.s32 $0xE00  }
0x12: {  	s15 =	sshll.u32 s18, $0x5;
	s25 =	sshrl.u32 s22, $0x2;
	s28 =	smax.u32 s0, $0x1  }
0x13: {  	s0 =	simm.s32 $0x280;
	s13 =	sadd.s32 s4, s16;
	s16 =	sshrl.u32 s14, $0x3  }
0x14: {  	s6 =	simm.s32 @!p0 $0x40E00;
	s23 =	sor.u32 $0x10, s15;
	[dreg:$0x8] =	wrdreg s13  }
0x15: {  	v9 =	vlaneseq.u32;
	s13 =	sadd.s32 s4, s20;
	s26 =	sor.u32 s17, s24;
	s3 =	sadd.s32 s6, s3  }
0x16: {  	v3 =	vor.u32 $0x80000000, v9;
	s6 =	sshll.u32 s8, $0x4;
	s8 =	sshll.u32 s10, $0x4;
	s10 =	sshll.u32 s12, $0x4  }
0x17: {  	v0 =	vor.u32 s23, v9;
	v1 =	vor.u32 s23, v3;
	s23 =	simm.s32 $0x100;
	[dreg:$0xa] =	wrdreg s13;
	s13 =	sadd.s32 s4, s21  }
0x18: {  	s4 =	sadd.s32 s4, s16;
	s16 =	rddreg [dreg:$0x5];
	s12 =	sadd.s32 s3, s6  }
0x19: {  	s17 =	sadd.s32 s3, s8;
	s21 =	sadd.s32 s3, s10;
	[dreg:$0xb] =	wrdreg s13  }
0x1a: {  	[dreg:$0xe] =	wrdreg s4;
	s13 =	simm.s32 $0x0;
	s4 =	sshrl.u32 s26, $0x3  }
0x1b: {  	s4 =	sadd.s32 s5, s4;
	[smem:$0x7FF] =	sst s13;
	s5 =	sshll.u32 s7, $0x4  }
0x1c: {  	s7 =	sshll.u32 s9, $0x4;
	[dreg:$0xf] =	wrdreg s4;
	s4 =	sadd.s32 s3, s5  }
0x1d: {  	s9 =	sshll.u32 s11, $0x4;
	_ =	strace $0x80000047;
	[dreg:$0x10] =	wrdreg s4  }
0x1e: {  	s11 =	sshll.u32 s14, $0x4;
	s14 =	sadd.s32 s3, s7;
	[dreg:$0x11] =	wrdreg s12  }
0x1f: {  	v5 =	vimm.f32 $0.0e+00;
	v10 =	vimm.s32 $0x0;
	s6 =	simm.s32 $0x4400;
	s8 =	simm.s32 $0x8400;
	[dreg:$0x12] =	wrdreg s14  }
0x20: {  	vm3 =	vmmov $0x1;
	vm8 =	vcmask $0x1318;
	vm9 =	vcmask $0x171C;
	s10 =	simm.s32 $0xC400;
	s20 =	sadd.s32 s3, s9;
	[dreg:$0x13] =	wrdreg s17  }
0x21: {  	vm10 =	vcmask $0x1B20;
	vm11 =	vcmask $0x1F24;
	v6 =	vmov s18;
	s26 =	sshll.u32 s18, $0x4;
	s18 =	simm.s32 $0x20;
	[dreg:$0x14] =	wrdreg s20  }
0x22: {  	vm12 =	vcmask $0x2328;
	vm13 =	vcmask $0x272C;
	vm14 =	vcmask $0x2B30;
	s24 =	sadd.s32 s3, s11;
	s3 =	sadd.s32 s3, s22;
	[dreg:$0x15] =	wrdreg s21  }
0x23: {  	vm15 =	vcmask $0x2F34;
	vm1 =	vcmask $0x3338;
	vm2 =	vcmask $0x373C;
	s9 =	simm.s32 $0x200;
	s5 =	simm.s32 $0x1;
	[dreg:$0x16] =	wrdreg s24  }
0x24: {  	v8 =	vmul.u32 $0x10, v9;
	vm0 =	vgt.u32 v6, v9;
	v6 =	vimm.s32 $0x0;
	s7 =	simm.s32 $0x2;
	s11 =	simm.s32 $0x3;
	[dreg:$0x17] =	wrdreg s3  }
0x25: {  	v4 =	vor.u32 $0x10, v9;
	v7 =	vmul.u32 $0x80, v9;
	v6 =	vsel vm0, $0xFFFFFFFF, v6;
	s24 =	sadd.s32 s25, s1;
	s25 =	sadd.s32 s26, s19;
	s26 =	sadd.s32 s2, s16  }
0x26: {  	v11 =	vor.u32 $0x1, v8;
	v2 =	vor.u32 s15, v9;
	v9 =	vmul.u32 $0x8, v9;
	s2 =	simm.s32 $0x300;
	s12 =	simm.s32 $0x380;
	s3 =	simm.s32 $0x400  }
0x27: {  	vm0 =	vmmov $0x7fff;
	v4 =	vor.u32 s15, v4;
	v3 =	vor.u32 s15, v3;
	s4 =	simm.s32 $0x4;
	s14 =	simm.s32 $0x10400;
	s16 =	simm.s32 $0x12200  }
0x28: {  	v12 =	vor.u32 $0x80, v9;
	[tilespmem:$0x1FFF0] =	vst v6;
	v6 =	vor.u32 $0x60, v7;
	v7 =	vor.u32 $0x860, v7;
	s17 =	simm.s32 $0x12100;
	s19 =	simm.s32 $0x12000;
	s20 =	simm.s32 $0x0  }
.LBB2_1:
0x29: {  	s21 =	rddreg [dreg:$0x7]  }
0x2a: {  	[tilespmem:s13], [sflag:$0x1] =	stream.linear.gather [hbm4b:s21+s13], $0x80, $0x38;
	[tilespmem:$0x13460] =	vst v63  }
0x2b: {  	s22 =	rddreg [dreg:$0x8]  }
0x2c: {  	[tilespmem:s29], [sflag:$0x1] =	stream.linear.gather [hbm4b:s22+s13], $0x80, $0x38;
	[tilespmem:$0x13460] =	vst v63  }
0x2d: {  	s22 =	rddreg [dreg:$0x9]  }
0x2e: {  	[tilespmem:s23], [sflag:$0x1] =	stream.linear.gather [hbm4b:s22+s13], $0x80, $0x38;
	[tilespmem:$0x13460] =	vst v63  }
0x2f: {  	s22 =	rddreg [dreg:$0xa]  }
0x30: {  	[tilespmem:s30], [sflag:$0x1] =	stream.linear.gather [hbm4b:s22+s13], $0x80, $0x38;
	[tilespmem:$0x13460] =	vst v63  }
0x31: {  	s22 =	rddreg [dreg:$0xb]  }
0x32: {  	[tilespmem:s9], [sflag:$0x1] =	stream.linear.gather [hbm4b:s22+s13], $0x80, $0x38;
	[tilespmem:$0x13460] =	vst v63  }
0x33: {  	s22 =	rddreg [dreg:$0xc]  }
0x34: {  	[tilespmem:s0], [sflag:$0x1] =	stream.linear.gather [hbm4b:s22+s13], $0x80, $0x38;
	[tilespmem:$0x13460] =	vst v63  }
0x35: {  	s22 =	rddreg [dreg:$0xd]  }
0x36: {  	[tilespmem:s2], [sflag:$0x1] =	stream.linear.gather [hbm4b:s22+s13], $0x80, $0x38;
	[tilespmem:$0x13460] =	vst v63  }
0x37: {  	s22 =	rddreg [dreg:$0xe]  }
0x38: {  	[tilespmem:s12], [sflag:$0x1] =	stream.linear.gather [hbm4b:s22+s13], $0x80, $0x38;
	[tilespmem:$0x13460] =	vst v63  }
0x39: {  	s21 =	simm.s32 $0x0;
	s22 =	simm.s32 $0x200  }
.LBB2_2:
0x3a: {  	p0 =	sne.s32 s22, $0x3E00;
	[tilespmem:s21+$0x470] =	vst v5  }
0x3b: {  	[tilespmem:s21+$0x400] =	vst v5  }
0x3c: {  	[tilespmem:s21+$0x410] =	vst v5  }
.Ltmp0:
0x3d: {  	[tilespmem:s21+$0x420] =	vst v5;
	(pc) =	sbr.rel @p0 .LBB2_2-.Ltmp0, $4  }
0x3e: {  	[tilespmem:s21+$0x430] =	vst v5  }
0x3f: {  	[tilespmem:s21+$0x440] =	vst v5  }
0x40: {  	[tilespmem:s21+$0x450] =	vst v5  }
0x41: {  	[tilespmem:s21+$0x460] =	vst v5;
	s21 =	sshra.s32 s22, $0x2;
	s22 =	sadd.s32 $0x200, s22  }
0x42: {  	[tilespmem:s21+$0x470] =	vst v5  }
0x43: {  	[tilespmem:s21+$0x400] =	vst v5  }
0x44: {  	[tilespmem:s21+$0x410] =	vst v5  }
0x45: {  	[tilespmem:s21+$0x420] =	vst v5  }
0x46: {  	[tilespmem:s21+$0x430] =	vst v5  }
0x47: {  	[tilespmem:s21+$0x440] =	vst v5  }
0x48: {  	[tilespmem:s21+$0x450] =	vst v5  }
0x49: {  	[tilespmem:s21+$0x460] =	vst v5  }
0x4a: {  	[spmem:s24] =	stream.linear.scatter [tilespmem:s3], [sflag:$0x4], $0x1000, $0x38;
	[tilespmem:$0x13460] =	vst v63  }
0x4b: {  	_ =	swait.ge [sflag:s4], $0x1000  }
0x4c: {  	[sflag:s4] =	ssyncset.done $0x0  }
0x4d: {  	[sflag:s4] =	ssyncadd.s32 $0xFFFFF000  }
0x4e: {  	_ =	swait.ge [sflag:s5], $0x80  }
0x4f: {  	[sflag:s5] =	ssyncset.done $0x0  }
0x50: {  	[sflag:s5] =	ssyncadd.s32 $0xFFFFFF80  }
0x51: {  	_ =	swait.ge [sflag:s5], $0x80  }
0x52: {  	[sflag:s5] =	ssyncset.done $0x0  }
0x53: {  	[sflag:s5] =	ssyncadd.s32 $0xFFFFFF80  }
0x54: {  	_ =	swait.ge [sflag:s5], $0x80  }
0x55: {  	[sflag:s5] =	ssyncset.done $0x0  }
0x56: {  	[sflag:s5] =	ssyncadd.s32 $0xFFFFFF80  }
0x57: {  	_ =	swait.ge [sflag:s5], $0x80  }
0x58: {  	[sflag:s5] =	ssyncset.done $0x0  }
0x59: {  	[sflag:s5] =	ssyncadd.s32 $0xFFFFFF80  }
0x5a: {  	_ =	swait.ge [sflag:s5], $0x80  }
0x5b: {  	[sflag:s5] =	ssyncset.done $0x0  }
0x5c: {  	[sflag:s5] =	ssyncadd.s32 $0xFFFFFF80  }
0x5d: {  	_ =	swait.ge [sflag:s5], $0x80  }
0x5e: {  	[sflag:s5] =	ssyncset.done $0x0  }
0x5f: {  	[sflag:s5] =	ssyncadd.s32 $0xFFFFFF80  }
0x60: {  	_ =	swait.ge [sflag:s5], $0x80  }
0x61: {  	[sflag:s5] =	ssyncset.done $0x0  }
0x62: {  	[sflag:s5] =	ssyncadd.s32 $0xFFFFFF80  }
0x63: {  	_ =	swait.ge [sflag:s5], $0x80  }
0x64: {  	[sflag:s5] =	ssyncset.done $0x0  }
0x65: {  	[sflag:s5] =	ssyncadd.s32 $0xFFFFFF80  }
0x66: {  	[bflag:$0x0] =	sbarrier.arrive $0xFFFF  }
0x67: {  	s22 =	rddreg [dreg:$0x17]  }
0x68: {  	[tilespmem:s3], [sflag:$0x2] =	stream.linear.gather [hbm4b:s22+s13], $0x4000, $0x38;
	[tilespmem:$0x13460] =	vst v63  }
0x69: {  	s22 =	rddreg [dreg:$0x10]  }
0x6a: {  	[tilespmem:s6], [sflag:$0x2] =	stream.linear.gather [hbm4b:s22+s13], $0x4000, $0x38;
	[tilespmem:$0x13460] =	vst v63  }
0x6b: {  	_ =	swait.ge [sflag:s7], $0x4000  }
0x6c: {  	[sflag:s7] =	ssyncset.done $0x0  }
0x6d: {  	s22 =	rddreg [dreg:$0x11];
	[sflag:s7] =	ssyncadd.s32 $0xFFFFC000  }
0x6e: {  	[tilespmem:s8], [sflag:$0x2] =	stream.linear.gather [hbm4b:s22+s13], $0x4000, $0x38;
	[tilespmem:$0x13460] =	vst v63  }
0x6f: {  	_ = 	snop  }
0x70: {  	[spmem:s1] =	stream.indirect.scatter.add.f32 [tilespmem:s3], [sflag:$0x3], $0x80, s13, s29, $0xb8;
	[tilespmem:$0x13460] =	vst v63  }
0x71: {  	_ =	swait.ge [sflag:s7], $0x4000  }
0x72: {  	[sflag:s7] =	ssyncset.done $0x0  }
0x73: {  	s22 =	rddreg [dreg:$0x12];
	[sflag:s7] =	ssyncadd.s32 $0xFFFFC000  }
0x74: {  	[tilespmem:s10], [sflag:$0x2] =	stream.linear.gather [hbm4b:s22+s13], $0x4000, $0x38;
	[tilespmem:$0x13460] =	vst v63  }
0x75: {  	_ = 	snop  }
0x76: {  	[spmem:s1] =	stream.indirect.scatter.add.f32 [tilespmem:s6], [sflag:$0x3], $0x80, s29, s29, $0xb8;
	[tilespmem:$0x13460] =	vst v63  }
0x77: {  	_ =	swait.ge [sflag:s7], $0x4000  }
0x78: {  	[sflag:s7] =	ssyncset.done $0x0  }
0x79: {  	[sflag:s7] =	ssyncadd.s32 $0xFFFFC000  }
0x7a: {  	_ =	swait.ge [sflag:s11], $0x4000  }
0x7b: {  	[sflag:s11] =	ssyncset.done $0x0  }
0x7c: {  	s22 =	rddreg [dreg:$0x13];
	[sflag:s11] =	ssyncadd.s32 $0xFFFFC000  }
0x7d: {  	[tilespmem:s3], [sflag:$0x2] =	stream.linear.gather [hbm4b:s22+s13], $0x4000, $0x38;
	[tilespmem:$0x13460] =	vst v63  }
0x7e: {  	_ = 	snop  }
0x7f: {  	[spmem:s1] =	stream.indirect.scatter.add.f32 [tilespmem:s8], [sflag:$0x3], $0x80, s23, s29, $0xb8;
	[tilespmem:$0x13460] =	vst v63  }
0x80: {  	_ =	swait.ge [sflag:s7], $0x4000  }
0x81: {  	[sflag:s7] =	ssyncset.done $0x0  }
0x82: {  	[sflag:s7] =	ssyncadd.s32 $0xFFFFC000  }
0x83: {  	_ =	swait.ge [sflag:s11], $0x4000  }
0x84: {  	[sflag:s11] =	ssyncset.done $0x0  }
0x85: {  	s22 =	rddreg [dreg:$0x14];
	[sflag:s11] =	ssyncadd.s32 $0xFFFFC000  }
0x86: {  	[tilespmem:s6], [sflag:$0x2] =	stream.linear.gather [hbm4b:s22+s13], $0x4000, $0x38;
	[tilespmem:$0x13460] =	vst v63  }
0x87: {  	_ = 	snop  }
0x88: {  	[spmem:s1] =	stream.indirect.scatter.add.f32 [tilespmem:s10], [sflag:$0x3], $0x80, s30, s29, $0xb8;
	[tilespmem:$0x13460] =	vst v63  }
0x89: {  	_ =	swait.ge [sflag:s7], $0x4000  }
0x8a: {  	[sflag:s7] =	ssyncset.done $0x0  }
0x8b: {  	[sflag:s7] =	ssyncadd.s32 $0xFFFFC000  }
0x8c: {  	_ =	swait.ge [sflag:s11], $0x4000  }
0x8d: {  	[sflag:s11] =	ssyncset.done $0x0  }
0x8e: {  	s23 =	rddreg [dreg:$0x15];
	[sflag:s11] =	ssyncadd.s32 $0xFFFFC000  }
0x8f: {  	[tilespmem:s8], [sflag:$0x2] =	stream.linear.gather [hbm4b:s23+s13], $0x4000, $0x38;
	[tilespmem:$0x13460] =	vst v63  }
0x90: {  	_ = 	snop  }
0x91: {  	[spmem:s1] =	stream.indirect.scatter.add.f32 [tilespmem:s3], [sflag:$0x3], $0x80, s9, s29, $0xb8;
	[tilespmem:$0x13460] =	vst v63  }
0x92: {  	_ =	swait.ge [sflag:s7], $0x4000  }
0x93: {  	[sflag:s7] =	ssyncset.done $0x0  }
0x94: {  	[sflag:s7] =	ssyncadd.s32 $0xFFFFC000  }
0x95: {  	_ =	swait.ge [sflag:s11], $0x4000  }
0x96: {  	[sflag:s11] =	ssyncset.done $0x0  }
0x97: {  	s22 =	rddreg [dreg:$0x16];
	[sflag:s11] =	ssyncadd.s32 $0xFFFFC000  }
0x98: {  	[tilespmem:s10], [sflag:$0x2] =	stream.linear.gather [hbm4b:s22+s13], $0x4000, $0x38;
	[tilespmem:$0x13460] =	vst v63  }
0x99: {  	_ = 	snop  }
0x9a: {  	[spmem:s1] =	stream.indirect.scatter.add.f32 [tilespmem:s6], [sflag:$0x3], $0x80, s0, s29, $0xb8;
	[tilespmem:$0x13460] =	vst v63  }
0x9b: {  	_ =	swait.ge [sflag:s7], $0x4000  }
0x9c: {  	[sflag:s7] =	ssyncset.done $0x0  }
0x9d: {  	[sflag:s7] =	ssyncadd.s32 $0xFFFFC000  }
0x9e: {  	_ =	swait.ge [sflag:s11], $0x4000  }
0x9f: {  	[sflag:s11] =	ssyncset.done $0x0  }
0xa0: {  	[sflag:s11] =	ssyncadd.s32 $0xFFFFC000  }
0xa1: {  	[spmem:s1] =	stream.indirect.scatter.add.f32 [tilespmem:s8], [sflag:$0x3], $0x80, s2, s29, $0xb8;
	[tilespmem:$0x13460] =	vst v63  }
0xa2: {  	_ =	swait.ge [sflag:s7], $0x4000  }
0xa3: {  	[sflag:s7] =	ssyncset.done $0x0  }
0xa4: {  	[sflag:s7] =	ssyncadd.s32 $0xFFFFC000  }
0xa5: {  	_ =	swait.ge [sflag:s11], $0x4000  }
0xa6: {  	[sflag:s11] =	ssyncset.done $0x0  }
0xa7: {  	[sflag:s11] =	ssyncadd.s32 $0xFFFFC000  }
0xa8: {  	[spmem:s1] =	stream.indirect.scatter.add.f32 [tilespmem:s10], [sflag:$0x3], $0x80, s12, s29, $0xb8;
	[tilespmem:$0x13460] =	vst v63  }
0xa9: {  	_ =	swait.ge [sflag:s11], $0x4000  }
0xaa: {  	[sflag:s11] =	ssyncset.done $0x0  }
0xab: {  	[sflag:s11] =	ssyncadd.s32 $0xFFFFC000  }
0xac: {  	_ =	swait.ge [sflag:s11], $0x4000  }
0xad: {  	[sflag:s11] =	ssyncset.done $0x0  }
0xae: {  	[sflag:s11] =	ssyncadd.s32 $0xFFFFC000  }
0xaf: {  	[bflag:$0x0] =	sbarrier.arrive $0xFFFF  }
0xb0: {  	[tilespmem:s14], [sflag:$0x4] =	stream.linear.gather [spmem:s24], $0x1000, $0x38;
	[tilespmem:$0x13460] =	vst v63  }
0xb1: {  	_ =	swait.ge [sflag:s4], $0x1000  }
0xb2: {  	[sflag:s4] =	ssyncset.done $0x0  }
0xb3: {  	[sflag:s4] =	ssyncadd.s32 $0xFFFFF000  }
0xb4: {  	v13 =	vld.idx.msk [tilespmem:v6+s14+$0x0], $0xffff  }
0xb5: {  	v14 =	vld.idx.msk [tilespmem:v7+s14+$0x0], $0xffff;
	_ =	sdelay $0x3  }
0xb6: {  	vm4 =	vgt.f32 v13, $0.0e+00  }
0xb7: {  	vm5 =	vgt.f32 v14, $0.0e+00;
	v13 =	vsel vm4, $0x1, v10  }
0xb8: {  	v14 =	vsel vm5, $0x1, v10;
	(xrf0) =	vadd.scan.msk.s32 $0xffff, v13  }
0xb9: {  	(xrf0) =	vadd.scan.msk.s32 $0xffff, v14;
	_ =	sdelay $0x1  }
0xba: {  	v13 =	vnsel vm4, $0x80004000, v3;
	_ =	sdelay $0x2  }
0xbb: {  	(xrf0) =	vmin.scan.msk.u32 $0xffff, v13;
	v13, _, _ =	vpop (xrf0)  }
0xbc: {  	(v2sf) =	vpush v13, $0xF;
	v14, _, _ =	vpop (xrf0)  }
0xbd: {  	(v2sf) =	vpush v14, $0xF;
	_ =	sdelay $0x5  }
0xbe: {  	v15, _, _ =	vpop (xrf0)  }
0xbf: {  	(v2sf) =	vpush v15, $0xF;
	v15 =	vnsel vm5, $0x80004000, v1  }
0xc0: {  	(xrf0) =	vmin.scan.msk.u32 $0xffff, v15;
	_ =	sdelay $0x5  }
0xc1: {  	v15, _, _ =	vpop (xrf0);
	s21 =	spop (v2sf)  }
0xc2: {  	s22 =	spop (v2sf);
	(v2sf) =	vpush v15, $0xF;
	_ =	sdelay $0xd  }
0xc3: {  	s23 =	spop (v2sf)  }
0xc4: {  	s30 =	spop (v2sf)  }
0xc5: {  	s22 =	sadd.s32 s21, s22;
	s23 =	sxor.u32 $0x80000000, s23;
	s30 =	sxor.u32 $0x80000000, s30  }
0xc6: {  	vm6 =	vcmask $0x300;
	v15 =	vmov s22;
	p0 =	slt.s32 s23, s30  }
0xc7: {  	v15 =	vnsel vm6, $0x0, v15;
	vm6 =	vcmask $0x704;
	s30 =	smov.u32 @p0 s23  }
0xc8: {  	v15 =	vsel vm6, s30, v15  }
0xc9: {  	[tilespmem:$0x12300] =	vst v15  }
0xca: {  	s23 =	simm.s32 $0x12300;
	[bflag:$0x0] =	sbarrier.arrive $0xFFFF  }
0xcb: {  	[spmem:s25] =	stream.linear.scatter [tilespmem:s23], [sflag:$0x4], $0x10, $0x38;
	[tilespmem:$0x13460] =	vst v63  }
0xcc: {  	_ =	swait.ge [sflag:s4], $0x10  }
0xcd: {  	[sflag:s4] =	ssyncset.done $0x0  }
0xce: {  	[sflag:s4] =	ssyncadd.s32 $0xFFFFFFF0  }
0xcf: {  	[bflag:$0x0] =	sbarrier.arrive $0xFFFF  }
0xd0: {  	s23 =	rddreg [dreg:$0x4]  }
0xd1: {  	[tilespmem:s16], [sflag:$0x4] =	stream.linear.gather [spmem:s23], $0x100, $0x38;
	[tilespmem:$0x13460] =	vst v63  }
0xd2: {  	_ =	swait.ge [sflag:s4], $0x100  }
0xd3: {  	[sflag:s4] =	ssyncset.done $0x0  }
0xd4: {  	v16 =	vld [tilespmem:$0x1FFF0];
	[sflag:s4] =	ssyncadd.s32 $0xFFFFFF00  }
0xd5: {  	v15 =	vld.idx.msk [tilespmem:v8+s16+$0x0], $0xffff;
	_ =	sdelay $0x3  }
0xd6: {  	vm6 =	vnez.u8 v16  }
0xd7: {  	v16 =	vnsel vm6, $0x0, v15  }
0xd8: {  	(xrf0) =	vadd.scan.msk.s32 $0xffff, v16;
	_ =	sdelay $0x1  }
0xd9: {  	v56 =	vld.idx.msk [tilespmem:v11+s16+$0x0], $0xffff;
	_ =	sdelay $0x3  }
0xda: {  	v17, _, _ =	vpop (xrf0)  }
0xdb: {  	(xrf0) =	vadd.scan.msk.s32 $0xffff, v15;
	v15 =	vxor.u32 $0x80000000, v56;
	(v2sf) =	vpush v17, $0xF  }
0xdc: {  	(xrf0) =	vmin.scan.msk.u32 $0xffff, v15;
	_ =	sdelay $0x4  }
0xdd: {  	vm6 =	vmneg vm4;
	v15, _, _ =	vpop (xrf0)  }
0xde: {  	v18 =	vsel vm6, $0x1, v10;
	v57, _, _ =	vpop (xrf0)  }
0xdf: {  	vm7 =	vmneg vm5;
	(xrf0) =	vadd.scan.msk.s32 $0xffff, v18;
	(v2sf) =	vpush v57, $0xF  }
0xe0: {  	v58 =	vsel vm7, $0x1, v10  }
0xe1: {  	(xrf0) =	vadd.scan.msk.s32 $0xffff, v58;
	_ =	sdelay $0x3  }
0xe2: {  	v59 =	vsel vm6, $0xFFFFFFFF, v10;
	v15 =	vbroadcast v15, $0xF;
	v18, _, _ =	vpop (xrf0)  }
0xe3: {  	v20 =	vsel vm4, $0xFFFFFFFF, v10;
	v60 =	vsel vm5, $0xFFFFFFFF, v10;
	v16 =	vadd.s32 v59, v18;
	s22 =	spop (v2sf)  }
0xe4: {  	v19 =	vsel vm7, $0xFFFFFFFF, v10;
	v17 =	vbroadcast v17, $0xF;
	v16 =	vadd.s32 v15, v16;
	v21, _, _ =	vpop (xrf0);
	s23 =	ssub.s32 s15, s22  }
0xe5: {  	v13 =	vadd.s32 v20, v13;
	v19 =	vadd.s32 v19, v21;
	v16 =	vadd.s32 s23, v16;
	s23 =	ssub.s32 s23, s21  }
0xe6: {  	v14 =	vadd.s32 v60, v14;
	v13 =	vadd.s32 v17, v13;
	v61 =	vadd.s32 v15, v19;
	s21 =	sadd.s32 s21, s22;
	s22 =	sadd.s32 $0x10, s23  }
0xe7: {  	v14 =	vadd.s32 s21, v14;
	v13 =	vsel vm4, v13, v16;
	v62 =	vadd.s32 s22, v61  }
0xe8: {  	[tilespmem:$0x12310] =	vst v13;
	v14 =	vsel vm5, v14, v62  }
0xe9: {  	[tilespmem:$0x12320] =	vst v14  }
0xea: {  	[tilespmem:v9+s17+$0x0] =	vst.idx.msk $0xffff, v2  }
0xeb: {  	s21 =	spop (v2sf);
	[tilespmem:v12+s17+$0x0] =	vst.idx.msk $0xffff, v0  }
0xec: {  	[bflag:$0x0] =	sbarrier.arrive $0xFFFF  }
0xed: {  	s30 =	simm.s32 $0x12310;
	s22 =	rddreg [dreg:$0x5]  }
0xee: {  	[spmem:s22] =	stream.indirect.scatter [tilespmem:s17], [sflag:$0x4], $0x8, s30, s18, $0xb8;
	[tilespmem:$0x13460] =	vst v63  }
0xef: {  	_ =	swait.ge [sflag:s4], $0x100  }
0xf0: {  	[sflag:s4] =	ssyncset.done $0x0  }
0xf1: {  	[sflag:s4] =	ssyncadd.s32 $0xFFFFFF00  }
0xf2: {  	[bflag:$0x0] =	sbarrier.arrive $0xFFFF  }
0xf3: {  	[tilespmem:s19], [sflag:$0x4] =	stream.linear.gather [spmem:s26], $0x100, $0x38;
	[tilespmem:$0x13460] =	vst v63  }
0xf4: {  	_ =	swait.ge [sflag:s4], $0x100  }
0xf5: {  	[sflag:s4] =	ssyncset.done $0x0  }
0xf6: {  	[sflag:s4] =	ssyncadd.s32 $0xFFFFFF00  }
0xf7: {  	v13 =	vld.idx.msk [tilespmem:v9+s19+$0x0], $0xffff  }
0xf8: {  	v14 =	vld.idx.msk [tilespmem:v12+s19+$0x0], $0xffff;
	_ =	sdelay $0x2  }
0xf9: {  	vm4 =	vlt.s32 v2, v15;
	s21 =	sxor.u32 $0x80000000, s21  }
0xfa: {  	v13 =	vnsel vm4, s21, v13;
	vm4 =	vlt.s32 v4, v15  }
0xfb: {  	v14 =	vnsel vm4, s21, v14;
	[tilespmem:$0x12330] =	vst v13  }
0xfc: {  	[tilespmem:$0x12340] =	vst v14  }
0xfd: {  	s22 =	simm.s32 $0x12330;
	[bflag:$0x0] =	sbarrier.arrive $0xFFFF  }
0xfe: {  	[tilespmem:s14], [sflag:$0x4] =	stream.indirect.gather [spmem:s1], $0x80, s22, s18, $0xb8;
	[tilespmem:$0x13460] =	vst v63  }
0xff: {  	_ =	swait.ge [sflag:s4], $0x1000  }
0x100: {  	[sflag:s4] =	ssyncset.done $0x0  }
0x101: {  	[sflag:s4] =	ssyncadd.s32 $0xFFFFF000  }
0x102: {  	v13 =	vld.idx.msk [tilespmem:v6+s14+$0x0], $0xffff;
	_ =	sdelay $0x4  }
0x103: {  	(erf) = vrcp.f32 v13;
	_ =	sdelay $0x8  }
0x104: {  	v13 =	vpop (erf)  }
0x105: {  	v14 =	vnsel vm3, $0x0, v13  }
0x106: {  	(xrf2) =	vadd.scan.msk.f32 $0xffff, v14;
	_ =	sdelay $0x3  }
0x107: {  	vm4 =	vcmask $0x308  }
0x108: {  	v14 =	vsel vm4, $0x0, v13  }
0x109: {  	(xrf2) =	vadd.scan.msk.f32 $0xffff, v14  }
0x10a: {  	v15 =	vld [tilespmem:$0x10400]  }
0x10b: {  	v63 =	vld [tilespmem:$0x10410]  }
0x10c: {  	v25 =	vld [tilespmem:$0x10420]  }
0x10d: {  	vm5 =	vcmask $0x70C;
	v26 =	vld [tilespmem:$0x10430];
	v24, _, _ =	vpop (xrf2)  }
0x10e: {  	v28 =	vld [tilespmem:$0x10440];
	v27 =	vsel vm5, $0x0, v13;
	v17 =	vbroadcast v24, $0xF  }
0x10f: {  	v29 =	vld [tilespmem:$0x10450];
	(xrf2) =	vadd.scan.msk.f32 $0xffff, v27  }
0x110: {  	v22 =	vld [tilespmem:$0x10480];
	v15 =	vmul.f32 v17, v15  }
0x111: {  	v30 =	vld [tilespmem:$0x10490];
	v16 =	vmul.f32 v17, v63  }
0x112: {  	v14 =	vld.idx.msk [tilespmem:v7+s14+$0x0], $0xffff;
	[tilespmem:$0x11400] =	vst v15;
	v15 =	vmul.f32 v25, v17  }
0x113: {  	vm6 =	vcmask $0xB10;
	v23 =	vld [tilespmem:$0x104A0];
	v32, _, _ =	vpop (xrf2);
	v31 =	vmul.f32 v26, v17;
	[tilespmem:$0x11410] =	vst v16  }
0x114: {  	v33 =	vld [tilespmem:$0x104B0];
	v24 =	vsel vm6, $0x0, v13;
	v19 =	vbroadcast v32, $0xF;
	[tilespmem:$0x11420] =	vst v15;
	v15 =	vmul.f32 v28, v17  }
0x115: {  	v35 =	vld [tilespmem:$0x104C0];
	(xrf2) =	vadd.scan.msk.f32 $0xffff, v24;
	v34 =	vmul.f32 v29, v17;
	[tilespmem:$0x11430] =	vst v31  }
0x116: {  	v36 =	vld [tilespmem:$0x104D0];
	[tilespmem:$0x11440] =	vst v15;
	v15 =	vmul.f32 v22, v19  }
0x117: {  	v38 =	vld [tilespmem:$0x10500];
	v37 =	vmul.f32 v30, v19;
	[tilespmem:$0x11450] =	vst v34  }
0x118: {  	v39 =	vld [tilespmem:$0x10510];
	[tilespmem:$0x11460] =	vst v15;
	v15 =	vmul.f32 v23, v19  }
0x119: {  	vm7 =	vcmask $0xF14;
	v42 =	vld [tilespmem:$0x10520];
	v40 =	vmul.f32 v33, v19;
	[tilespmem:$0x11470] =	vst v37;
	v41, _, _ =	vpop (xrf2)  }
0x11a: {  	v44 =	vld [tilespmem:$0x10530];
	v45 =	vsel vm7, $0x0, v13;
	v43 =	vbroadcast v41, $0xF;
	[tilespmem:$0x11480] =	vst v15;
	v15 =	vmul.f32 v35, v19  }
0x11b: {  	v47 =	vld [tilespmem:$0x10540];
	v46 =	vmul.f32 v36, v19;
	[tilespmem:$0x11490] =	vst v40;
	(xrf2) =	vadd.scan.msk.f32 $0xffff, v45  }
0x11c: {  	v48 =	vld [tilespmem:$0x10550];
	[tilespmem:$0x114A0] =	vst v15;
	v15 =	vmul.f32 v38, v43  }
0x11d: {  	v50 =	vld [tilespmem:$0x10580];
	[tilespmem:$0x114B0] =	vst v46;
	v49 =	vmul.f32 v39, v43  }
0x11e: {  	v51 =	vld [tilespmem:$0x10590];
	[tilespmem:$0x114C0] =	vst v15;
	v15 =	vmul.f32 v42, v43  }
0x11f: {  	v54 =	vld [tilespmem:$0x105A0];
	v53, _, _ =	vpop (xrf2);
	v52 =	vmul.f32 v44, v43;
	[tilespmem:$0x114D0] =	vst v49  }
0x120: {  	v56 =	vld [tilespmem:$0x105B0];
	v57 =	vsel vm8, $0x0, v13;
	v55 =	vbroadcast v53, $0xF;
	[tilespmem:$0x114E0] =	vst v15;
	v15 =	vmul.f32 v47, v43  }
0x121: {  	v59 =	vld [tilespmem:$0x105C0];
	(xrf2) =	vadd.scan.msk.f32 $0xffff, v57;
	v58 =	vmul.f32 v48, v43;
	[tilespmem:$0x114F0] =	vst v52  }
0x122: {  	v60 =	vld [tilespmem:$0x105D0];
	[tilespmem:$0x11500] =	vst v15;
	v15 =	vmul.f32 v50, v55  }
0x123: {  	v62 =	vld [tilespmem:$0x10600];
	[tilespmem:$0x11510] =	vst v58;
	v61 =	vmul.f32 v51, v55  }
0x124: {  	v63 =	vld [tilespmem:$0x10610];
	[tilespmem:$0x11520] =	vst v15;
	v15 =	vmul.f32 v54, v55  }
0x125: {  	v30 =	vld [tilespmem:$0x10620];
	v28 =	vmul.f32 v56, v55;
	[tilespmem:$0x11530] =	vst v61;
	v29, _, _ =	vpop (xrf2)  }
0x126: {  	v32 =	vld [tilespmem:$0x10630];
	v33 =	vsel vm9, $0x0, v13;
	v31 =	vbroadcast v29, $0xF;
	[tilespmem:$0x11540] =	vst v15;
	v15 =	vmul.f32 v59, v55  }
0x127: {  	v35 =	vld [tilespmem:$0x10640];
	v34 =	vmul.f32 v60, v55;
	[tilespmem:$0x11550] =	vst v28;
	(xrf2) =	vadd.scan.msk.f32 $0xffff, v33  }
0x128: {  	v36 =	vld [tilespmem:$0x10650];
	[tilespmem:$0x11560] =	vst v15;
	v15 =	vmul.f32 v62, v31  }
0x129: {  	v38 =	vld [tilespmem:$0x10680];
	[tilespmem:$0x11570] =	vst v34;
	v37 =	vmul.f32 v63, v31  }
0x12a: {  	v39 =	vld [tilespmem:$0x10690];
	[tilespmem:$0x11580] =	vst v15;
	v15 =	vmul.f32 v30, v31  }
0x12b: {  	v42 =	vld [tilespmem:$0x106A0];
	v41, _, _ =	vpop (xrf2);
	v40 =	vmul.f32 v32, v31;
	[tilespmem:$0x11590] =	vst v37  }
0x12c: {  	v45 =	vsel vm10, $0x0, v13;
	v44 =	vld [tilespmem:$0x106B0];
	v43 =	vbroadcast v41, $0xF;
	[tilespmem:$0x115A0] =	vst v15;
	v15 =	vmul.f32 v35, v31  }
0x12d: {  	v47 =	vld [tilespmem:$0x106C0];
	(xrf2) =	vadd.scan.msk.f32 $0xffff, v45;
	v46 =	vmul.f32 v36, v31;
	[tilespmem:$0x115B0] =	vst v40  }
0x12e: {  	v48 =	vld [tilespmem:$0x106D0];
	[tilespmem:$0x115C0] =	vst v15;
	v15 =	vmul.f32 v38, v43  }
0x12f: {  	v50 =	vld [tilespmem:$0x10700];
	[tilespmem:$0x115D0] =	vst v46;
	v49 =	vmul.f32 v39, v43  }
0x130: {  	v51 =	vld [tilespmem:$0x10710];
	[tilespmem:$0x115E0] =	vst v15;
	v15 =	vmul.f32 v42, v43  }
0x131: {  	v54 =	vld [tilespmem:$0x10720];
	v52 =	vmul.f32 v44, v43;
	[tilespmem:$0x115F0] =	vst v49;
	v53, _, _ =	vpop (xrf2)  }
0x132: {  	v57 =	vsel vm11, $0x0, v13;
	v56 =	vld [tilespmem:$0x10730];
	v55 =	vbroadcast v53, $0xF;
	[tilespmem:$0x11600] =	vst v15;
	v15 =	vmul.f32 v47, v43  }
0x133: {  	v58 =	vmul.f32 v48, v43;
	v59 =	vld [tilespmem:$0x10740];
	[tilespmem:$0x11610] =	vst v52;
	(xrf2) =	vadd.scan.msk.f32 $0xffff, v57  }
0x134: {  	v60 =	vld [tilespmem:$0x10750];
	[tilespmem:$0x11620] =	vst v15;
	v15 =	vmul.f32 v50, v55  }
0x135: {  	[tilespmem:$0x11630] =	vst v58;
	v62 =	vld [tilespmem:$0x10780];
	v61 =	vmul.f32 v51, v55  }
0x136: {  	v63 =	vld [tilespmem:$0x10790];
	[tilespmem:$0x11640] =	vst v15;
	v15 =	vmul.f32 v54, v55  }
0x137: {  	v30 =	vld [tilespmem:$0x107A0];
	v29, _, _ =	vpop (xrf2);
	v28 =	vmul.f32 v56, v55;
	[tilespmem:$0x11650] =	vst v61  }
0x138: {  	v33 =	vsel vm12, $0x0, v13;
	v32 =	vld [tilespmem:$0x107B0];
	v31 =	vbroadcast v29, $0xF;
	[tilespmem:$0x11660] =	vst v15;
	v15 =	vmul.f32 v59, v55  }
0x139: {  	v35 =	vld [tilespmem:$0x107C0];
	(xrf2) =	vadd.scan.msk.f32 $0xffff, v33;
	v34 =	vmul.f32 v60, v55;
	[tilespmem:$0x11670] =	vst v28  }
0x13a: {  	v36 =	vld [tilespmem:$0x107D0];
	[tilespmem:$0x11680] =	vst v15;
	v15 =	vmul.f32 v62, v31  }
0x13b: {  	v38 =	vld [tilespmem:$0x10800];
	[tilespmem:$0x11690] =	vst v34;
	v37 =	vmul.f32 v63, v31  }
0x13c: {  	v39 =	vld [tilespmem:$0x10810];
	[tilespmem:$0x116A0] =	vst v15;
	v15 =	vmul.f32 v30, v31  }
0x13d: {  	v40 =	vmul.f32 v32, v31;
	v42 =	vld [tilespmem:$0x10820];
	[tilespmem:$0x116B0] =	vst v37;
	v41, _, _ =	vpop (xrf2)  }
0x13e: {  	v45 =	vsel vm13, $0x0, v13;
	v44 =	vld [tilespmem:$0x10830];
	v43 =	vbroadcast v41, $0xF;
	[tilespmem:$0x116C0] =	vst v15;
	v15 =	vmul.f32 v35, v31  }
0x13f: {  	v46 =	vmul.f32 v36, v31;
	[tilespmem:$0x116D0] =	vst v40;
	v47 =	vld [tilespmem:$0x10840];
	(xrf2) =	vadd.scan.msk.f32 $0xffff, v45  }
0x140: {  	v48 =	vld [tilespmem:$0x10850];
	[tilespmem:$0x116E0] =	vst v15;
	v15 =	vmul.f32 v38, v43  }
0x141: {  	[tilespmem:$0x116F0] =	vst v46;
	v50 =	vld [tilespmem:$0x10880];
	v49 =	vmul.f32 v39, v43  }
0x142: {  	v51 =	vld [tilespmem:$0x10890];
	[tilespmem:$0x11700] =	vst v15;
	v15 =	vmul.f32 v42, v43  }
0x143: {  	v54 =	vld [tilespmem:$0x108A0];
	v53, _, _ =	vpop (xrf2);
	v52 =	vmul.f32 v44, v43;
	[tilespmem:$0x11710] =	vst v49  }
0x144: {  	v57 =	vsel vm14, $0x0, v13;
	v56 =	vld [tilespmem:$0x108B0];
	v55 =	vbroadcast v53, $0xF;
	[tilespmem:$0x11720] =	vst v15;
	v15 =	vmul.f32 v47, v43  }
0x145: {  	(xrf2) =	vadd.scan.msk.f32 $0xffff, v57;
	v58 =	vmul.f32 v48, v43;
	v59 =	vld [tilespmem:$0x108C0];
	[tilespmem:$0x11730] =	vst v52  }
0x146: {  	v60 =	vld [tilespmem:$0x108D0];
	[tilespmem:$0x11740] =	vst v15;
	v15 =	vmul.f32 v50, v55  }
0x147: {  	[tilespmem:$0x11750] =	vst v58;
	v61 =	vmul.f32 v51, v55;
	v62 =	vld [tilespmem:$0x10900]  }
0x148: {  	v63 =	vld [tilespmem:$0x10910];
	[tilespmem:$0x11760] =	vst v15;
	v15 =	vmul.f32 v54, v55  }
0x149: {  	v28 =	vmul.f32 v56, v55;
	[tilespmem:$0x11770] =	vst v61;
	v30 =	vld [tilespmem:$0x10920];
	v29, _, _ =	vpop (xrf2)  }
0x14a: {  	v33 =	vsel vm15, $0x0, v13;
	v32 =	vld [tilespmem:$0x10930];
	v31 =	vbroadcast v29, $0xF;
	[tilespmem:$0x11780] =	vst v15;
	v15 =	vmul.f32 v59, v55  }
0x14b: {  	v34 =	vmul.f32 v60, v55;
	[tilespmem:$0x11790] =	vst v28;
	v35 =	vld [tilespmem:$0x10940];
	(xrf2) =	vadd.scan.msk.f32 $0xffff, v33  }
0x14c: {  	v36 =	vld [tilespmem:$0x10950];
	[tilespmem:$0x117A0] =	vst v15;
	v15 =	vmul.f32 v62, v31  }
0x14d: {  	[tilespmem:$0x117B0] =	vst v34;
	v38 =	vld [tilespmem:$0x10980];
	v37 =	vmul.f32 v63, v31  }
0x14e: {  	v39 =	vld [tilespmem:$0x10990];
	[tilespmem:$0x117C0] =	vst v15;
	v15 =	vmul.f32 v30, v31  }
0x14f: {  	v41, _, _ =	vpop (xrf2);
	v40 =	vmul.f32 v32, v31;
	v42 =	vld [tilespmem:$0x109A0];
	[tilespmem:$0x117D0] =	vst v37  }
0x150: {  	v45 =	vsel vm1, $0x0, v13;
	v44 =	vld [tilespmem:$0x109B0];
	v43 =	vbroadcast v41, $0xF;
	[tilespmem:$0x117E0] =	vst v15;
	v15 =	vmul.f32 v35, v31  }
0x151: {  	(xrf2) =	vadd.scan.msk.f32 $0xffff, v45;
	v46 =	vmul.f32 v36, v31;
	[tilespmem:$0x117F0] =	vst v40;
	v47 =	vld [tilespmem:$0x109C0]  }
0x152: {  	v48 =	vld [tilespmem:$0x109D0];
	[tilespmem:$0x11800] =	vst v15;
	v15 =	vmul.f32 v38, v43  }
0x153: {  	[tilespmem:$0x11810] =	vst v46;
	v49 =	vmul.f32 v39, v43;
	v50 =	vld [tilespmem:$0x10A00]  }
0x154: {  	v51 =	vld [tilespmem:$0x10A10];
	[tilespmem:$0x11820] =	vst v15;
	v15 =	vmul.f32 v42, v43  }
0x155: {  	v52 =	vmul.f32 v44, v43;
	[tilespmem:$0x11830] =	vst v49;
	v54 =	vld [tilespmem:$0x10A20];
	v53, _, _ =	vpop (xrf2)  }
0x156: {  	v57 =	vsel vm2, $0x0, v13;
	v56 =	vld [tilespmem:$0x10A30];
	v55 =	vbroadcast v53, $0xF;
	[tilespmem:$0x11840] =	vst v15;
	v15 =	vmul.f32 v47, v43  }
0x157: {  	(erf) = vrcp.f32 v14;
	v58 =	vld [tilespmem:$0x10A40];
	v14 =	vmul.f32 v48, v43;
	[tilespmem:$0x11850] =	vst v52;
	(xrf2) =	vadd.scan.msk.f32 $0xffff, v57  }
0x158: {  	v59 =	vld [tilespmem:$0x10A50];
	[tilespmem:$0x11860] =	vst v15;
	v15 =	vmul.f32 v50, v55  }
0x159: {  	v60 =	vld [tilespmem:$0x10A80];
	[tilespmem:$0x11870] =	vst v14;
	v14 =	vmul.f32 v51, v55  }
0x15a: {  	v61 =	vld [tilespmem:$0x10A90];
	[tilespmem:$0x11880] =	vst v15;
	v15 =	vmul.f32 v54, v55  }
0x15b: {  	v63 =	vld [tilespmem:$0x10AA0];
	v62, _, _ =	vpop (xrf2);
	[tilespmem:$0x11890] =	vst v14;
	v14 =	vmul.f32 v56, v55  }
0x15c: {  	v25 =	vld [tilespmem:$0x10AB0];
	v13 =	vsel vm0, $0x0, v13;
	v24 =	vbroadcast v62, $0xF;
	[tilespmem:$0x118A0] =	vst v15;
	v15 =	vmul.f32 v58, v55  }
0x15d: {  	v26 =	vld [tilespmem:$0x10AC0];
	(xrf2) =	vadd.scan.msk.f32 $0xffff, v13;
	[tilespmem:$0x118B0] =	vst v14;
	v14 =	vmul.f32 v59, v55  }
0x15e: {  	v27 =	vld [tilespmem:$0x10AD0];
	[tilespmem:$0x118C0] =	vst v15;
	v15 =	vmul.f32 v60, v24  }
0x15f: {  	v28 =	vld [tilespmem:$0x10B00];
	[tilespmem:$0x118D0] =	vst v14;
	v14 =	vmul.f32 v61, v24  }
0x160: {  	v29 =	vld [tilespmem:$0x10B10];
	v13 =	vpop (erf);
	[tilespmem:$0x118E0] =	vst v15;
	v15 =	vmul.f32 v63, v24  }
0x161: {  	v31 =	vld [tilespmem:$0x10B20];
	v30, _, _ =	vpop (xrf2);
	[tilespmem:$0x118F0] =	vst v14;
	v14 =	vmul.f32 v25, v24  }
0x162: {  	v33 =	vld [tilespmem:$0x10B30];
	v34 =	vnsel vm3, $0x0, v13;
	v32 =	vbroadcast v30, $0xF;
	[tilespmem:$0x11900] =	vst v15;
	v15 =	vmul.f32 v26, v24  }
0x163: {  	v35 =	vld [tilespmem:$0x10B40];
	(xrf2) =	vadd.scan.msk.f32 $0xffff, v34;
	[tilespmem:$0x11910] =	vst v14;
	v14 =	vmul.f32 v27, v24  }
0x164: {  	v36 =	vld [tilespmem:$0x10B50];
	[tilespmem:$0x11920] =	vst v15;
	v15 =	vmul.f32 v28, v32  }
0x165: {  	v37 =	vld [tilespmem:$0x10B80];
	[tilespmem:$0x11930] =	vst v14;
	v14 =	vmul.f32 v29, v32  }
0x166: {  	v38 =	vld [tilespmem:$0x10B90];
	[tilespmem:$0x11940] =	vst v15;
	v15 =	vmul.f32 v31, v32  }
0x167: {  	v40 =	vld [tilespmem:$0x10BA0];
	v39, _, _ =	vpop (xrf2);
	[tilespmem:$0x11950] =	vst v14;
	v14 =	vmul.f32 v33, v32  }
0x168: {  	v42 =	vld [tilespmem:$0x10BB0];
	v43 =	vsel vm4, $0x0, v13;
	v41 =	vbroadcast v39, $0xF;
	[tilespmem:$0x11960] =	vst v15;
	v15 =	vmul.f32 v35, v32  }
0x169: {  	v44 =	vld [tilespmem:$0x10BC0];
	(xrf2) =	vadd.scan.msk.f32 $0xffff, v43;
	[tilespmem:$0x11970] =	vst v14;
	v14 =	vmul.f32 v36, v32  }
0x16a: {  	v45 =	vld [tilespmem:$0x10BD0];
	[tilespmem:$0x11980] =	vst v15;
	v15 =	vmul.f32 v37, v41  }
0x16b: {  	v46 =	vld [tilespmem:$0x10C00];
	[tilespmem:$0x11990] =	vst v14;
	v14 =	vmul.f32 v38, v41  }
0x16c: {  	v47 =	vld [tilespmem:$0x10C10];
	[tilespmem:$0x119A0] =	vst v15;
	v15 =	vmul.f32 v40, v41  }
0x16d: {  	v49 =	vld [tilespmem:$0x10C20];
	v48, _, _ =	vpop (xrf2);
	[tilespmem:$0x119B0] =	vst v14;
	v14 =	vmul.f32 v42, v41  }
0x16e: {  	v51 =	vld [tilespmem:$0x10C30];
	v52 =	vsel vm5, $0x0, v13;
	v50 =	vbroadcast v48, $0xF;
	[tilespmem:$0x119C0] =	vst v15;
	v15 =	vmul.f32 v44, v41  }
0x16f: {  	v53 =	vld [tilespmem:$0x10C40];
	(xrf2) =	vadd.scan.msk.f32 $0xffff, v52;
	[tilespmem:$0x119D0] =	vst v14;
	v14 =	vmul.f32 v45, v41  }
0x170: {  	v54 =	vld [tilespmem:$0x10C50];
	[tilespmem:$0x119E0] =	vst v15;
	v15 =	vmul.f32 v46, v50  }
0x171: {  	v55 =	vld [tilespmem:$0x10C80];
	[tilespmem:$0x119F0] =	vst v14;
	v14 =	vmul.f32 v47, v50  }
0x172: {  	v56 =	vld [tilespmem:$0x10C90];
	[tilespmem:$0x11A00] =	vst v15;
	v15 =	vmul.f32 v49, v50  }
0x173: {  	v58 =	vld [tilespmem:$0x10CA0];
	v57, _, _ =	vpop (xrf2);
	[tilespmem:$0x11A10] =	vst v14;
	v14 =	vmul.f32 v51, v50  }
0x174: {  	v61 =	vsel vm6, $0x0, v13;
	v60 =	vld [tilespmem:$0x10CB0];
	v59 =	vbroadcast v57, $0xF;
	[tilespmem:$0x11A20] =	vst v15;
	v15 =	vmul.f32 v53, v50  }
0x175: {  	v62 =	vld [tilespmem:$0x10CC0];
	(xrf2) =	vadd.scan.msk.f32 $0xffff, v61;
	[tilespmem:$0x11A30] =	vst v14;
	v14 =	vmul.f32 v54, v50  }
0x176: {  	v63 =	vld [tilespmem:$0x10CD0];
	[tilespmem:$0x11A40] =	vst v15;
	v15 =	vmul.f32 v55, v59  }
0x177: {  	v24 =	vld [tilespmem:$0x10D00];
	[tilespmem:$0x11A50] =	vst v14;
	v14 =	vmul.f32 v56, v59  }
0x178: {  	v25 =	vld [tilespmem:$0x10D10];
	[tilespmem:$0x11A60] =	vst v15;
	v15 =	vmul.f32 v58, v59  }
0x179: {  	v27 =	vld [tilespmem:$0x10D20];
	v26, _, _ =	vpop (xrf2);
	[tilespmem:$0x11A70] =	vst v14;
	v14 =	vmul.f32 v60, v59  }
0x17a: {  	v30 =	vsel vm7, $0x0, v13;
	v29 =	vld [tilespmem:$0x10D30];
	v28 =	vbroadcast v26, $0xF;
	[tilespmem:$0x11A80] =	vst v15;
	v15 =	vmul.f32 v62, v59  }
0x17b: {  	v31 =	vld [tilespmem:$0x10D40];
	(xrf2) =	vadd.scan.msk.f32 $0xffff, v30;
	[tilespmem:$0x11A90] =	vst v14;
	v14 =	vmul.f32 v63, v59  }
0x17c: {  	v32 =	vld [tilespmem:$0x10D50];
	[tilespmem:$0x11AA0] =	vst v15;
	v15 =	vmul.f32 v24, v28  }
0x17d: {  	v33 =	vld [tilespmem:$0x10D80];
	[tilespmem:$0x11AB0] =	vst v14;
	v14 =	vmul.f32 v25, v28  }
0x17e: {  	v34 =	vld [tilespmem:$0x10D90];
	[tilespmem:$0x11AC0] =	vst v15;
	v15 =	vmul.f32 v27, v28  }
0x17f: {  	v36 =	vld [tilespmem:$0x10DA0];
	v35, _, _ =	vpop (xrf2);
	[tilespmem:$0x11AD0] =	vst v14;
	v14 =	vmul.f32 v29, v28  }
0x180: {  	v39 =	vsel vm8, $0x0, v13;
	v38 =	vld [tilespmem:$0x10DB0];
	v37 =	vbroadcast v35, $0xF;
	[tilespmem:$0x11AE0] =	vst v15;
	v15 =	vmul.f32 v31, v28  }
0x181: {  	(xrf2) =	vadd.scan.msk.f32 $0xffff, v39;
	v40 =	vld [tilespmem:$0x10DC0];
	[tilespmem:$0x11AF0] =	vst v14;
	v14 =	vmul.f32 v32, v28  }
0x182: {  	v41 =	vld [tilespmem:$0x10DD0];
	[tilespmem:$0x11B00] =	vst v15;
	v15 =	vmul.f32 v33, v37  }
0x183: {  	v42 =	vld [tilespmem:$0x10E00];
	[tilespmem:$0x11B10] =	vst v14;
	v14 =	vmul.f32 v34, v37  }
0x184: {  	v43 =	vld [tilespmem:$0x10E10];
	[tilespmem:$0x11B20] =	vst v15;
	v15 =	vmul.f32 v36, v37  }
0x185: {  	v45 =	vld [tilespmem:$0x10E20];
	v44, _, _ =	vpop (xrf2);
	[tilespmem:$0x11B30] =	vst v14;
	v14 =	vmul.f32 v38, v37  }
0x186: {  	v48 =	vsel vm9, $0x0, v13;
	v47 =	vld [tilespmem:$0x10E30];
	v46 =	vbroadcast v44, $0xF;
	[tilespmem:$0x11B40] =	vst v15;
	v15 =	vmul.f32 v40, v37  }
0x187: {  	(xrf2) =	vadd.scan.msk.f32 $0xffff, v48;
	v49 =	vld [tilespmem:$0x10E40];
	[tilespmem:$0x11B50] =	vst v14;
	v14 =	vmul.f32 v41, v37  }
0x188: {  	v50 =	vld [tilespmem:$0x10E50];
	[tilespmem:$0x11B60] =	vst v15;
	v15 =	vmul.f32 v42, v46  }
0x189: {  	v51 =	vld [tilespmem:$0x10E80];
	[tilespmem:$0x11B70] =	vst v14;
	v14 =	vmul.f32 v43, v46  }
0x18a: {  	v52 =	vld [tilespmem:$0x10E90];
	[tilespmem:$0x11B80] =	vst v15;
	v15 =	vmul.f32 v45, v46  }
0x18b: {  	v54 =	vld [tilespmem:$0x10EA0];
	v53, _, _ =	vpop (xrf2);
	[tilespmem:$0x11B90] =	vst v14;
	v14 =	vmul.f32 v47, v46  }
0x18c: {  	v57 =	vsel vm10, $0x0, v13;
	v56 =	vld [tilespmem:$0x10EB0];
	v55 =	vbroadcast v53, $0xF;
	[tilespmem:$0x11BA0] =	vst v15;
	v15 =	vmul.f32 v49, v46  }
0x18d: {  	(xrf2) =	vadd.scan.msk.f32 $0xffff, v57;
	v58 =	vld [tilespmem:$0x10EC0];
	[tilespmem:$0x11BB0] =	vst v14;
	v14 =	vmul.f32 v50, v46  }
0x18e: {  	v59 =	vld [tilespmem:$0x10ED0];
	[tilespmem:$0x11BC0] =	vst v15;
	v15 =	vmul.f32 v51, v55  }
0x18f: {  	v60 =	vld [tilespmem:$0x10F00];
	[tilespmem:$0x11BD0] =	vst v14;
	v14 =	vmul.f32 v52, v55  }
0x190: {  	v61 =	vld [tilespmem:$0x10F10];
	[tilespmem:$0x11BE0] =	vst v15;
	v15 =	vmul.f32 v54, v55  }
0x191: {  	v63 =	vld [tilespmem:$0x10F20];
	v62, _, _ =	vpop (xrf2);
	[tilespmem:$0x11BF0] =	vst v14;
	v14 =	vmul.f32 v56, v55  }
0x192: {  	v26 =	vsel vm11, $0x0, v13;
	v25 =	vld [tilespmem:$0x10F30];
	v24 =	vbroadcast v62, $0xF;
	[tilespmem:$0x11C00] =	vst v15;
	v15 =	vmul.f32 v58, v55  }
0x193: {  	(xrf2) =	vadd.scan.msk.f32 $0xffff, v26;
	v27 =	vld [tilespmem:$0x10F40];
	[tilespmem:$0x11C10] =	vst v14;
	v14 =	vmul.f32 v59, v55  }
0x194: {  	v28 =	vld [tilespmem:$0x10F50];
	[tilespmem:$0x11C20] =	vst v15;
	v15 =	vmul.f32 v60, v24  }
0x195: {  	v29 =	vld [tilespmem:$0x10F80];
	[tilespmem:$0x11C30] =	vst v14;
	v14 =	vmul.f32 v61, v24  }
0x196: {  	v30 =	vld [tilespmem:$0x10F90];
	[tilespmem:$0x11C40] =	vst v15;
	v15 =	vmul.f32 v63, v24  }
0x197: {  	v32 =	vld [tilespmem:$0x10FA0];
	v31, _, _ =	vpop (xrf2);
	[tilespmem:$0x11C50] =	vst v14;
	v14 =	vmul.f32 v25, v24  }
0x198: {  	v35 =	vsel vm12, $0x0, v13;
	v34 =	vld [tilespmem:$0x10FB0];
	v33 =	vbroadcast v31, $0xF;
	[tilespmem:$0x11C60] =	vst v15;
	v15 =	vmul.f32 v27, v24  }
0x199: {  	(xrf2) =	vadd.scan.msk.f32 $0xffff, v35;
	v36 =	vld [tilespmem:$0x10FC0];
	[tilespmem:$0x11C70] =	vst v14;
	v14 =	vmul.f32 v28, v24  }
0x19a: {  	v37 =	vld [tilespmem:$0x10FD0];
	[tilespmem:$0x11C80] =	vst v15;
	v15 =	vmul.f32 v29, v33  }
0x19b: {  	v38 =	vld [tilespmem:$0x11000];
	[tilespmem:$0x11C90] =	vst v14;
	v14 =	vmul.f32 v30, v33  }
0x19c: {  	v39 =	vld [tilespmem:$0x11010];
	[tilespmem:$0x11CA0] =	vst v15;
	v15 =	vmul.f32 v32, v33  }
0x19d: {  	v41 =	vld [tilespmem:$0x11020];
	v40, _, _ =	vpop (xrf2);
	[tilespmem:$0x11CB0] =	vst v14;
	v14 =	vmul.f32 v34, v33  }
0x19e: {  	v44 =	vsel vm13, $0x0, v13;
	v43 =	vld [tilespmem:$0x11030];
	v42 =	vbroadcast v40, $0xF;
	[tilespmem:$0x11CC0] =	vst v15;
	v15 =	vmul.f32 v36, v33  }
0x19f: {  	(xrf2) =	vadd.scan.msk.f32 $0xffff, v44;
	v45 =	vld [tilespmem:$0x11040];
	[tilespmem:$0x11CD0] =	vst v14;
	v14 =	vmul.f32 v37, v33  }
0x1a0: {  	v46 =	vld [tilespmem:$0x11050];
	[tilespmem:$0x11CE0] =	vst v15;
	v15 =	vmul.f32 v38, v42  }
0x1a1: {  	v47 =	vld [tilespmem:$0x11080];
	[tilespmem:$0x11CF0] =	vst v14;
	v14 =	vmul.f32 v39, v42  }
0x1a2: {  	v48 =	vld [tilespmem:$0x11090];
	[tilespmem:$0x11D00] =	vst v15;
	v15 =	vmul.f32 v41, v42  }
0x1a3: {  	v50 =	vld [tilespmem:$0x110A0];
	v49, _, _ =	vpop (xrf2);
	[tilespmem:$0x11D10] =	vst v14;
	v14 =	vmul.f32 v43, v42  }
0x1a4: {  	v53 =	vsel vm14, $0x0, v13;
	v52 =	vld [tilespmem:$0x110B0];
	v51 =	vbroadcast v49, $0xF;
	[tilespmem:$0x11D20] =	vst v15;
	v15 =	vmul.f32 v45, v42  }
0x1a5: {  	(xrf2) =	vadd.scan.msk.f32 $0xffff, v53;
	v54 =	vld [tilespmem:$0x110C0];
	[tilespmem:$0x11D30] =	vst v14;
	v14 =	vmul.f32 v46, v42  }
0x1a6: {  	v55 =	vld [tilespmem:$0x110D0];
	[tilespmem:$0x11D40] =	vst v15;
	v15 =	vmul.f32 v47, v51  }
0x1a7: {  	v56 =	vld [tilespmem:$0x11100];
	[tilespmem:$0x11D50] =	vst v14;
	v14 =	vmul.f32 v48, v51  }
0x1a8: {  	v57 =	vld [tilespmem:$0x11110];
	[tilespmem:$0x11D60] =	vst v15;
	v15 =	vmul.f32 v50, v51  }
0x1a9: {  	v59 =	vld [tilespmem:$0x11120];
	v58, _, _ =	vpop (xrf2);
	[tilespmem:$0x11D70] =	vst v14;
	v14 =	vmul.f32 v52, v51  }
0x1aa: {  	v62 =	vsel vm15, $0x0, v13;
	v61 =	vld [tilespmem:$0x11130];
	v60 =	vbroadcast v58, $0xF;
	[tilespmem:$0x11D80] =	vst v15;
	v15 =	vmul.f32 v54, v51  }
0x1ab: {  	(xrf2) =	vadd.scan.msk.f32 $0xffff, v62;
	v63 =	vld [tilespmem:$0x11140];
	[tilespmem:$0x11D90] =	vst v14;
	v14 =	vmul.f32 v55, v51  }
0x1ac: {  	v24 =	vld [tilespmem:$0x11150];
	[tilespmem:$0x11DA0] =	vst v15;
	v15 =	vmul.f32 v56, v60  }
0x1ad: {  	v25 =	vld [tilespmem:$0x11180];
	[tilespmem:$0x11DB0] =	vst v14;
	v14 =	vmul.f32 v57, v60  }
0x1ae: {  	v26 =	vld [tilespmem:$0x11190];
	[tilespmem:$0x11DC0] =	vst v15;
	v15 =	vmul.f32 v59, v60  }
0x1af: {  	v28 =	vld [tilespmem:$0x111A0];
	v27, _, _ =	vpop (xrf2);
	[tilespmem:$0x11DD0] =	vst v14;
	v14 =	vmul.f32 v61, v60  }
0x1b0: {  	v31 =	vsel vm1, $0x0, v13;
	v30 =	vld [tilespmem:$0x111B0];
	v29 =	vbroadcast v27, $0xF;
	[tilespmem:$0x11DE0] =	vst v15;
	v15 =	vmul.f32 v63, v60  }
0x1b1: {  	(xrf2) =	vadd.scan.msk.f32 $0xffff, v31;
	v32 =	vld [tilespmem:$0x111C0];
	[tilespmem:$0x11DF0] =	vst v14;
	v14 =	vmul.f32 v24, v60  }
0x1b2: {  	v33 =	vld [tilespmem:$0x111D0];
	[tilespmem:$0x11E00] =	vst v15;
	v15 =	vmul.f32 v25, v29  }
0x1b3: {  	v34 =	vld [tilespmem:$0x11200];
	[tilespmem:$0x11E10] =	vst v14;
	v14 =	vmul.f32 v26, v29  }
0x1b4: {  	v35 =	vld [tilespmem:$0x11210];
	[tilespmem:$0x11E20] =	vst v15;
	v15 =	vmul.f32 v28, v29  }
0x1b5: {  	v37 =	vld [tilespmem:$0x11220];
	v36, _, _ =	vpop (xrf2);
	[tilespmem:$0x11E30] =	vst v14;
	v14 =	vmul.f32 v30, v29  }
0x1b6: {  	v40 =	vsel vm2, $0x0, v13;
	v39 =	vld [tilespmem:$0x11230];
	v38 =	vbroadcast v36, $0xF;
	[tilespmem:$0x11E40] =	vst v15;
	v15 =	vmul.f32 v32, v29  }
0x1b7: {  	(xrf2) =	vadd.scan.msk.f32 $0xffff, v40;
	v41 =	vld [tilespmem:$0x11240];
	[tilespmem:$0x11E50] =	vst v14;
	v14 =	vmul.f32 v33, v29  }
0x1b8: {  	v42 =	vld [tilespmem:$0x11250];
	[tilespmem:$0x11E60] =	vst v15;
	v15 =	vmul.f32 v34, v38  }
0x1b9: {  	v43 =	vld [tilespmem:$0x11280];
	[tilespmem:$0x11E70] =	vst v14;
	v14 =	vmul.f32 v35, v38  }
0x1ba: {  	v44 =	vld [tilespmem:$0x11290];
	[tilespmem:$0x11E80] =	vst v15;
	v15 =	vmul.f32 v37, v38  }
0x1bb: {  	v46 =	vld [tilespmem:$0x112A0];
	v45, _, _ =	vpop (xrf2);
	[tilespmem:$0x11E90] =	vst v14;
	v14 =	vmul.f32 v39, v38  }
0x1bc: {  	v13 =	vsel vm0, $0x0, v13;
	v48 =	vld [tilespmem:$0x112B0];
	v47 =	vbroadcast v45, $0xF;
	[tilespmem:$0x11EA0] =	vst v15;
	v15 =	vmul.f32 v41, v38  }
0x1bd: {  	v49 =	vld [tilespmem:$0x112C0];
	(xrf2) =	vadd.scan.msk.f32 $0xffff, v13;
	[tilespmem:$0x11EB0] =	vst v14;
	v14 =	vmul.f32 v42, v38  }
0x1be: {  	v13 =	vmul.f32 v43, v47;
	[tilespmem:$0x11EC0] =	vst v15;
	v15 =	vld [tilespmem:$0x112D0]  }
0x1bf: {  	v50 =	vld [tilespmem:$0x11300];
	[tilespmem:$0x11ED0] =	vst v14;
	v14 =	vmul.f32 v44, v47  }
0x1c0: {  	[tilespmem:$0x11EE0] =	vst v13;
	v13 =	vmul.f32 v46, v47;
	v51 =	vld [tilespmem:$0x11310]  }
0x1c1: {  	v53 =	vld [tilespmem:$0x11320];
	v52, _, _ =	vpop (xrf2);
	[tilespmem:$0x11EF0] =	vst v14;
	v14 =	vmul.f32 v48, v47  }
0x1c2: {  	v55 =	vld [tilespmem:$0x11330];
	v54 =	vbroadcast v52, $0xF;
	[tilespmem:$0x11F00] =	vst v13;
	v13 =	vmul.f32 v49, v47  }
0x1c3: {  	[tilespmem:$0x11F10] =	vst v14;
	v14 =	vmul.f32 v15, v47;
	v15 =	vld [tilespmem:$0x11340]  }
0x1c4: {  	v56 =	vld [tilespmem:$0x11350];
	[tilespmem:$0x11F20] =	vst v13;
	v13 =	vmul.f32 v50, v54  }
0x1c5: {  	v57 =	vld [tilespmem:$0x11380];
	[tilespmem:$0x11F30] =	vst v14;
	v14 =	vmul.f32 v51, v54  }
0x1c6: {  	v58 =	vld [tilespmem:$0x11390];
	[tilespmem:$0x11F40] =	vst v13;
	v13 =	vmul.f32 v53, v54  }
0x1c7: {  	v59, _, _ =	vpop (xrf2);
	v60 =	vld [tilespmem:$0x113A0];
	[tilespmem:$0x11F50] =	vst v14;
	v14 =	vmul.f32 v55, v54  }
0x1c8: {  	v61 =	vld [tilespmem:$0x113B0];
	[tilespmem:$0x11F60] =	vst v13;
	v13 =	vmul.f32 v15, v54;
	v15 =	vbroadcast v59, $0xF  }
0x1c9: {  	v62 =	vld [tilespmem:$0x113C0];
	[tilespmem:$0x11F70] =	vst v14;
	v14 =	vmul.f32 v56, v54  }
0x1ca: {  	v63 =	vld [tilespmem:$0x113D0];
	[tilespmem:$0x11F80] =	vst v13;
	v13 =	vmul.f32 v57, v15  }
0x1cb: {  	[tilespmem:$0x11F90] =	vst v14;
	v14 =	vmul.f32 v58, v15  }
0x1cc: {  	[tilespmem:$0x11FA0] =	vst v13;
	v13 =	vmul.f32 v60, v15  }
0x1cd: {  	[tilespmem:$0x11FB0] =	vst v14;
	v14 =	vmul.f32 v61, v15  }
0x1ce: {  	[tilespmem:$0x11FC0] =	vst v13;
	v13 =	vmul.f32 v62, v15  }
0x1cf: {  	s20 =	sadd.s32 $0x1, s20;
	[tilespmem:$0x11FD0] =	vst v14;
	v14 =	vmul.f32 v63, v15  }
0x1d0: {  	p0 =	sne.s32 s20, s28;
	s30 =	simm.s32 $0xC0;
	[tilespmem:$0x11FE0] =	vst v13  }
.Ltmp1:
0x1d1: {  	s22 =	simm.s32 $0x60;
	s21 =	rddreg [dreg:$0xf];
	[tilespmem:$0x11FF0] =	vst v14;
	(pc) =	sbr.rel @p0 .LBB2_1-.Ltmp1, $4  }
0x1d2: {  	[hbm4b:s21+s22] =	stream.strided.scatter [tilespmem:s31], [sflag:$0x4], $0xC00, s30, s22, $0x38;
	[tilespmem:$0x13460] =	vst v63  }
0x1d3: {  	_ =	swait.ge [sflag:s4], $0xC00  }
0x1d4: {  	[sflag:s4] =	ssyncset.done $0x0  }
0x1d5: {  	s23 =	simm.s32 $0x100;
	s30 =	simm.s32 $0x180;
	[sflag:s4] =	ssyncadd.s32 $0xFFFFF400  }
0x1d6: {  	_ =	sfence.sel $0x180000  }
0x1d7: {  	[bflag:$0x0] =	sbarrier.arrive $0xFFFF  }
0x1d8: {  	_ =	strace $0x90000047  }
0x1d9: {  	s0 =	stileid.u32;
	[bflag:$0x2] =	sbarrier.arrive $0xFFFF  }
0x1da: {  	p0 =	sne.s32 s0, $0x0;
	s0 =	rddreg [dreg:$0x6]  }
0x1db: {  	s0 =	sadd.s32 @!p0 $0x100000, s0  }
0x1dc: {  	[sflag:s0] =	ssyncadd.tile.s32 @!p0 $0x1;
	_ =	shalt  }
.Lfunc_end2:
_tile_overlayer_lowered:
.L_overlay_start_2:
0x1dd: {  	(tag) =	ssettag $0x2  }
0x1de: {  	s0 =	rddreg [dreg:$0x0];
	s2 =	stileid.u32  }
0x1df: {  	s1 =	rddreg [dreg:$0x1];
	p0 =	sne.s32 s2, $0x0  }
0x1e0: {  	s3 =	rddreg [dreg:$0x2];
	[bflag:$0x3] =	sbarrier.arrive $0xFFFF;
	s2 =	simm.s32 @!p0 $0x1C04  }
0x1e1: {  	[timem:s3], [sflag:s2] =	dma.local @!p0 [hbm:s0], s1  }
0x1e2: {  	s0 =	simm.s32 @!p0 $0x4  }
0x1e3: {  	_ =	swait.ge @!p0 [sflag:s0], s1  }
0x1e4: {  	s1 =	ssub.s32 @!p0 $0x0, s1;
	[sflag:s0] =	ssyncset.done @!p0 $0x0  }
0x1e5: {  	[sflag:s0] =	ssyncadd.s32 @!p0 s1  }
0x1e6: {  	[bflag:$0x3] =	sbarrier.arrive $0xFFFF  }
0x1e7: {  	_ =	shalt  }

</sc_bundles>
